<compile_context>
chip_gen: v7x
topology: tpu7x:2x2x1
jax: 0.10.2.dev20260603
libtpu: 0.0.44.dev20260713+nightly
codegen_flags: <defaults>
</compile_context>

<pallas_src>
import jax
import jax.numpy as jnp
from jax import lax
from jax.experimental import pallas as pl
from jax.experimental.pallas import tpu as pltpu
from jax.experimental.pallas import tpu_sc as plsc

B = 16384
EMBED = 64
HID = 256
NC, NS = 2, 16
NW = NC * NS
ROWS_PER_W = B // NW
BLK = 128
NBLK = ROWS_PER_W // BLK
LANES = 16
NCHUNK = HID // LANES
NCHUNK2 = HID // (2 * LANES)


def _tc_project(g_ref, a_ref, m_ref, r_ref, w1_ref, b1_ref, w2_ref, b2_ref,
                pgr_o, pa_o, pm_o, sgn_o, b2v_o):
    w1 = w1_ref[...]
    dn = (((1,), (1,)), ((), ()))
    pg = lax.dot_general(g_ref[...], w1[:, 0:64], dn,
                         preferred_element_type=jnp.float32)
    pa = lax.dot_general(a_ref[...], w1[:, 64:128], dn,
                         preferred_element_type=jnp.float32)
    pm = lax.dot_general(m_ref[...], w1[:, 128:192], dn,
                         preferred_element_type=jnp.float32)
    pr = lax.dot_general(r_ref[...], w1[:, 192:256], dn,
                         preferred_element_type=jnp.float32)
    b1 = b1_ref[...]
    pgr = (pg[:, None, :] + pr[None, :, :]).reshape(16, HID) + b1
    w2 = w2_ref[...]
    aw = jnp.abs(w2)
    pgr_o[...] = (pgr * aw).astype(jnp.bfloat16)
    pa_o[...] = (pa * aw).astype(jnp.bfloat16)
    pm_o[...] = (pm * aw).astype(jnp.bfloat16)
    sgn_o[...] = jnp.sign(w2).astype(jnp.bfloat16)
    lane = lax.broadcasted_iota(jnp.int32, (1, LANES), 1)
    b2v_o[...] = jnp.where(lane == 0, 1.0, 0.0) * b2_ref[...]


def _sc_forward(pgr_hbm, pa_hbm, pm_hbm, sgn_hbm, b2v_hbm,
                g_hbm, a_hbm, r_hbm, m_hbm, out_hbm,
                pgr_v, pa_v, pm_buf, sgn_v, b2_v,
                g_v, a_v, r_v, maj_v, out_v, part_v, offgr_v,
                sem0, sem1):
    wid = lax.axis_index("s") * NC + lax.axis_index("c")
    base = wid * ROWS_PER_W
    bsl = pl.ds(base, ROWS_PER_W)

    pltpu.sync_copy(pgr_hbm, pgr_v)
    pltpu.sync_copy(pa_hbm, pa_v)
    pltpu.sync_copy(sgn_hbm, sgn_v)
    pltpu.sync_copy(b2v_hbm, b2_v)
    pltpu.sync_copy(g_hbm.at[bsl], g_v.at[pl.ds(0, ROWS_PER_W)])
    pltpu.sync_copy(a_hbm.at[bsl], a_v.at[pl.ds(0, ROWS_PER_W)])
    pltpu.sync_copy(r_hbm.at[bsl], r_v.at[pl.ds(0, ROWS_PER_W)])
    pltpu.sync_copy(m_hbm.at[bsl], maj_v)

    sems = [sem0, sem1]
    descs = [None, None]
    descs[0] = pltpu.async_copy(pm_hbm.at[maj_v.at[pl.ds(0, BLK)]],
                                pm_buf.at[0], sems[0])

    @pl.loop(0, ROWS_PER_W // LANES)
    def _pre(i):
        s = pl.ds(i * LANES, LANES)
        offgr_v[s] = g_v[s] * 8 + r_v[s]

    sgnc = [plsc.bitcast(sgn_v[0, pl.ds(LANES * j, LANES)], jnp.bfloat16)
            for j in range(NCHUNK2)]
    b2acc = b2_v[0, pl.ds(0, LANES)]
    zero16 = b2acc * 0.0
    zbf = jnp.zeros((2 * LANES,), jnp.bfloat16)

    for blk in range(NBLK):
        cur = blk % 2
        if blk + 1 < NBLK:
            nxt = (blk + 1) % 2
            descs[nxt] = pltpu.async_copy(
                pm_hbm.at[maj_v.at[pl.ds((blk + 1) * BLK, BLK)]],
                pm_buf.at[nxt], sems[nxt])
        descs[cur].wait()
        rows = pm_buf.at[cur]

        @pl.loop(0, BLK, unroll=2)
        def _row(r):
            rb = blk * BLK + r
            row_gr = offgr_v[pl.ds(rb, LANES)][0]
            row_a = a_v[pl.ds(rb, LANES)][0]
            acc_a = [b2acc, zero16]
            acc_b = [zero16, zero16]
            for j in range(NCHUNK2):
                s = pl.ds(LANES * j, LANES)
                vm = plsc.bitcast(rows[r, s], jnp.bfloat16)
                va = plsc.bitcast(pa_v[row_a, s], jnp.bfloat16)
                vg = plsc.bitcast(pgr_v[row_gr, s], jnp.bfloat16)
                v = (vm + va) + vg
                t = jnp.maximum(v, zbf) * sgnc[j]
                ta, tb = plsc.unpack(t, format=plsc.PackFormat.INTERLEAVED,
                                     preferred_element_type=jnp.float32)
                acc_a[j % 2] = acc_a[j % 2] + ta
                acc_b[j % 2] = acc_b[j % 2] + tb
            part_v[pl.ds(r * LANES, LANES)] = ((acc_a[0] + acc_a[1])
                                               + (acc_b[0] + acc_b[1]))

        iota16 = lax.iota(jnp.int32, LANES) * LANES

        @pl.loop(0, BLK // LANES)
        def _red(g16):
            gbase = g16 * (LANES * LANES)
            tot = plsc.load_gather(part_v, [iota16 + gbase])
            for l in range(1, LANES):
                tot = tot + plsc.load_gather(part_v, [iota16 + (gbase + l)])
            out_v[pl.ds(blk * BLK + g16 * LANES, LANES)] = tot

    pltpu.sync_copy(out_v, out_hbm.at[bsl])


def kernel(gender, age, major, grade, gender_tab, age_tab, major_tab,
           grade_tab, W1, b1, W2, b2):
    pgr, pa, pm, sgn, b2v = pl.pallas_call(
        _tc_project,
        out_shape=[
            jax.ShapeDtypeStruct((16, HID), jnp.bfloat16),
            jax.ShapeDtypeStruct((100, HID), jnp.bfloat16),
            jax.ShapeDtypeStruct((1000, HID), jnp.bfloat16),
            jax.ShapeDtypeStruct((1, HID), jnp.bfloat16),
            jax.ShapeDtypeStruct((1, LANES), jnp.float32),
        ],
    )(gender_tab, age_tab, major_tab, grade_tab, W1,
      b1.reshape(1, HID), W2, b2.reshape(1, 1))

    mesh = plsc.VectorSubcoreMesh(core_axis_name="c", subcore_axis_name="s",
                                  num_cores=NC, num_subcores=NS)
    sc = pl.kernel(
        _sc_forward,
        out_type=jax.ShapeDtypeStruct((B,), jnp.float32),
        mesh=mesh,
        compiler_params=pltpu.CompilerParams(needs_layout_passes=False),
        scratch_types=[
            pltpu.VMEM((16, HID // 2), jnp.int32),
            pltpu.VMEM((100, HID // 2), jnp.int32),
            pltpu.VMEM((2, BLK, HID // 2), jnp.int32),
            pltpu.VMEM((1, HID // 2), jnp.int32),
            pltpu.VMEM((1, LANES), jnp.float32),
            pltpu.VMEM((ROWS_PER_W + LANES,), jnp.int32),
            pltpu.VMEM((ROWS_PER_W + LANES,), jnp.int32),
            pltpu.VMEM((ROWS_PER_W + LANES,), jnp.int32),
            pltpu.VMEM((ROWS_PER_W,), jnp.int32),
            pltpu.VMEM((ROWS_PER_W,), jnp.float32),
            pltpu.VMEM((BLK * LANES,), jnp.float32),
            pltpu.VMEM((ROWS_PER_W + LANES,), jnp.int32),
            pltpu.SemaphoreType.DMA,
            pltpu.SemaphoreType.DMA,
        ],
    )
    i32 = jnp.int32
    h2 = HID // 2
    pm = lax.bitcast_convert_type(pm.reshape(1000, h2, 2), i32)
    pgr = lax.bitcast_convert_type(pgr.reshape(16, h2, 2), i32)
    pa = lax.bitcast_convert_type(pa.reshape(100, h2, 2), i32)
    sgn = lax.bitcast_convert_type(sgn.reshape(1, h2, 2), i32)
    return sc(pgr, pa, pm, sgn, b2v,
              gender.astype(i32), age.astype(i32), grade.astype(i32),
              major.astype(i32))

# --- scband reference (transcript-rebuilt; emitter-appended) ---
"""Pipeline reference for scband-demographic-net-25168508354561 (READ-ONLY COPY).

The authoritative reference and input builder live on the scoring server;
editing this copy changes nothing except your own understanding.
"""

import jax, jax.numpy as jnp
import numpy as np

B = 16384
EMBED = 64
HID = 256
GENDER_V, AGE_V, MAJOR_V, GRADE_V = 2, 100, 1000, 8


def setup_inputs(seed: int = 0) -> dict:
    key = jax.random.key(seed)
    ks = jax.random.split(key, 12)
    gender = jax.random.randint(ks[0], (B,), 0, GENDER_V)
    age = jax.random.randint(ks[1], (B,), 0, AGE_V)
    major = jax.random.randint(ks[2], (B,), 0, MAJOR_V)
    grade = jax.random.randint(ks[3], (B,), 0, GRADE_V)
    gender_tab = jax.random.normal(ks[4], (GENDER_V, EMBED), dtype=jnp.float32)
    age_tab = jax.random.normal(ks[5], (AGE_V, EMBED), dtype=jnp.float32)
    major_tab = jax.random.normal(ks[6], (MAJOR_V, EMBED), dtype=jnp.float32)
    grade_tab = jax.random.normal(ks[7], (GRADE_V, EMBED), dtype=jnp.float32)
    in_dim = EMBED * 4
    W1 = jax.random.normal(ks[8], (HID, in_dim), dtype=jnp.float32) * (1.0 / np.sqrt(in_dim))
    b1 = jnp.zeros((HID,), dtype=jnp.float32)
    W2 = jax.random.normal(ks[9], (1, HID), dtype=jnp.float32) * (1.0 / np.sqrt(HID))
    b2 = jnp.zeros((1,), dtype=jnp.float32)
    return {
        "gender": gender, "age": age, "major": major, "grade": grade,
        "gender_tab": gender_tab, "age_tab": age_tab,
        "major_tab": major_tab, "grade_tab": grade_tab,
        "W1": W1, "b1": b1, "W2": W2, "b2": b2,
    }


def reference(gender, age, major, grade, gender_tab, age_tab, major_tab, grade_tab, W1, b1, W2, b2):
    g = jnp.take(gender_tab, gender, axis=0)
    a = jnp.take(age_tab, age, axis=0)
    m = jnp.take(major_tab, major, axis=0)
    r = jnp.take(grade_tab, grade, axis=0)
    x = jnp.concatenate([g, a, m, r], axis=-1)
    h = jnp.maximum(x @ W1.T + b1, 0.0)
    out = h @ W2.T + b2
    return jnp.squeeze(out, axis=-1)

if __name__ == "__main__":
    import jax
    _d = setup_inputs()
    print(jax.jit(kernel)(*tuple(_d.values())))

</pallas_src>

<mosaic_0001>
#map = affine_map<(d0, d1) -> (0, 0)>
#map1 = affine_map<(d0, d1) -> (0)>
module attributes {stable_mosaic.version = 14 : i64} {
  func.func @_sc_forward(%arg0: i32, %arg1: i32, %arg2: memref<16x128xi32, #tpu.memory_space<hbm>>, %arg3: memref<100x128xi32, #tpu.memory_space<hbm>>, %arg4: memref<1000x128xi32, #tpu.memory_space<hbm>>, %arg5: memref<1x128xi32, #tpu.memory_space<hbm>>, %arg6: memref<1x16xf32, #tpu.memory_space<hbm>>, %arg7: memref<16384xi32, #tpu.memory_space<hbm>>, %arg8: memref<16384xi32, #tpu.memory_space<hbm>>, %arg9: memref<16384xi32, #tpu.memory_space<hbm>>, %arg10: memref<16384xi32, #tpu.memory_space<hbm>>, %arg11: memref<16384xf32, #tpu.memory_space<hbm>>, %arg12: memref<16x128xi32, #tpu.memory_space<vmem>>, %arg13: memref<100x128xi32, #tpu.memory_space<vmem>>, %arg14: memref<2x128x128xi32, #tpu.memory_space<vmem>>, %arg15: memref<1x128xi32, #tpu.memory_space<vmem>>, %arg16: memref<1x16xf32, #tpu.memory_space<vmem>>, %arg17: memref<528xi32, #tpu.memory_space<vmem>>, %arg18: memref<528xi32, #tpu.memory_space<vmem>>, %arg19: memref<528xi32, #tpu.memory_space<vmem>>, %arg20: memref<512xi32, #tpu.memory_space<vmem>>, %arg21: memref<512xf32, #tpu.memory_space<vmem>>, %arg22: memref<2048xf32, #tpu.memory_space<vmem>>, %arg23: memref<528xi32, #tpu.memory_space<vmem>>, %arg24: memref<!tpu.dma_semaphore, #tpu.memory_space<semaphore_mem>>, %arg25: memref<!tpu.dma_semaphore, #tpu.memory_space<semaphore_mem>>) attributes {dimension_semantics = [#tpu.dimension_semantics<core_parallel>, #tpu.dimension_semantics<subcore_parallel>], iteration_bounds = array<i64: 2, 16>, scalar_prefetch = 0 : i64, scratch_operands = 14 : i64, tpu.core_type = #tpu.core_type<sc_vector_subcore>, window_params = [{transform_indices = #map}, {transform_indices = #map}, {transform_indices = #map}, {transform_indices = #map}, {transform_indices = #map}, {transform_indices = #map1}, {transform_indices = #map1}, {transform_indices = #map1}, {transform_indices = #map1}, {transform_indices = #map1}]} {
    %mul3A = arith.constant 2 : i32
    %mul3A_0 = arith.muli %arg1, %mul3A : i32
    %add3A = arith.addi %mul3A_0, %arg0 : i32
    %mul3A_1 = arith.constant 512 : i32
    %mul3A_2 = arith.muli %add3A, %mul3A_1 : i32
    "tpu.region"() ({
      %run_scoped3A = tpu.sem_alloc : memref<!tpu.dma_semaphore, #tpu.memory_space<semaphore_mem>>
      tpu.enqueue_dma source(%arg2 : memref<16x128xi32, #tpu.memory_space<hbm>>) target(%arg12 : memref<16x128xi32, #tpu.memory_space<vmem>>) target_semaphore(%run_scoped3A : memref<!tpu.dma_semaphore, #tpu.memory_space<semaphore_mem>>)
      tpu.wait_dma2 semaphore(%run_scoped3A : memref<!tpu.dma_semaphore, #tpu.memory_space<semaphore_mem>>) src(%arg2 : memref<16x128xi32, #tpu.memory_space<hbm>>) dst(%arg12 : memref<16x128xi32, #tpu.memory_space<vmem>>)
      tpu.yield
    }) : () -> ()
    "tpu.region"() ({
      %run_scoped3A = tpu.sem_alloc : memref<!tpu.dma_semaphore, #tpu.memory_space<semaphore_mem>>
      tpu.enqueue_dma source(%arg3 : memref<100x128xi32, #tpu.memory_space<hbm>>) target(%arg13 : memref<100x128xi32, #tpu.memory_space<vmem>>) target_semaphore(%run_scoped3A : memref<!tpu.dma_semaphore, #tpu.memory_space<semaphore_mem>>)
      tpu.wait_dma2 semaphore(%run_scoped3A : memref<!tpu.dma_semaphore, #tpu.memory_space<semaphore_mem>>) src(%arg3 : memref<100x128xi32, #tpu.memory_space<hbm>>) dst(%arg13 : memref<100x128xi32, #tpu.memory_space<vmem>>)
      tpu.yield
    }) : () -> ()
    "tpu.region"() ({
      %run_scoped3A = tpu.sem_alloc : memref<!tpu.dma_semaphore, #tpu.memory_space<semaphore_mem>>
      tpu.enqueue_dma source(%arg5 : memref<1x128xi32, #tpu.memory_space<hbm>>) target(%arg15 : memref<1x128xi32, #tpu.memory_space<vmem>>) target_semaphore(%run_scoped3A : memref<!tpu.dma_semaphore, #tpu.memory_space<semaphore_mem>>)
      tpu.wait_dma2 semaphore(%run_scoped3A : memref<!tpu.dma_semaphore, #tpu.memory_space<semaphore_mem>>) src(%arg5 : memref<1x128xi32, #tpu.memory_space<hbm>>) dst(%arg15 : memref<1x128xi32, #tpu.memory_space<vmem>>)
      tpu.yield
    }) : () -> ()
    "tpu.region"() ({
      %run_scoped3A = tpu.sem_alloc : memref<!tpu.dma_semaphore, #tpu.memory_space<semaphore_mem>>
      tpu.enqueue_dma source(%arg6 : memref<1x16xf32, #tpu.memory_space<hbm>>) target(%arg16 : memref<1x16xf32, #tpu.memory_space<vmem>>) target_semaphore(%run_scoped3A : memref<!tpu.dma_semaphore, #tpu.memory_space<semaphore_mem>>)
      tpu.wait_dma2 semaphore(%run_scoped3A : memref<!tpu.dma_semaphore, #tpu.memory_space<semaphore_mem>>) src(%arg6 : memref<1x16xf32, #tpu.memory_space<hbm>>) dst(%arg16 : memref<1x16xf32, #tpu.memory_space<vmem>>)
      tpu.yield
    }) : () -> ()
    "tpu.region"() ({
      %run_scoped3A = tpu.sem_alloc : memref<!tpu.dma_semaphore, #tpu.memory_space<semaphore_mem>>
      %dma_start3A_190 = arith.constant 0 : i32
      %dma_start3A_191 = tpu.memref_slice %arg17[%dma_start3A_190] : memref<528xi32, #tpu.memory_space<vmem>> -> memref<512xi32, #tpu.memory_space<vmem>>
      %dma_start3A_192 = tpu.memref_slice %arg7[%mul3A_2] : memref<16384xi32, #tpu.memory_space<hbm>> -> memref<512xi32, #tpu.memory_space<hbm>>
      %dma_start3A_193 = arith.constant 0 : i32
      %dma_start3A_194 = tpu.memref_slice %arg17[%dma_start3A_193] : memref<528xi32, #tpu.memory_space<vmem>> -> memref<512xi32, #tpu.memory_space<vmem>>
      %dma_start3A_195 = tpu.memref_slice %arg7[%mul3A_2] : memref<16384xi32, #tpu.memory_space<hbm>> -> memref<512xi32, #tpu.memory_space<hbm>>
      tpu.enqueue_dma source(%dma_start3A_195 : memref<512xi32, #tpu.memory_space<hbm>>) target(%dma_start3A_194 : memref<512xi32, #tpu.memory_space<vmem>>) target_semaphore(%run_scoped3A : memref<!tpu.dma_semaphore, #tpu.memory_space<semaphore_mem>>)
      %dma_wait3A_196 = arith.constant 0 : i32
      %dma_wait3A_197 = tpu.memref_slice %arg17[%dma_wait3A_196] : memref<528xi32, #tpu.memory_space<vmem>> -> memref<512xi32, #tpu.memory_space<vmem>>
      %dma_wait3A_198 = tpu.memref_slice %arg7[%mul3A_2] : memref<16384xi32, #tpu.memory_space<hbm>> -> memref<512xi32, #tpu.memory_space<hbm>>
      %dma_wait3A_199 = arith.constant 0 : i32
      %dma_wait3A_200 = tpu.memref_slice %arg17[%dma_wait3A_199] : memref<528xi32, #tpu.memory_space<vmem>> -> memref<512xi32, #tpu.memory_space<vmem>>
      %dma_wait3A_201 = tpu.memref_slice %arg7[%mul3A_2] : memref<16384xi32, #tpu.memory_space<hbm>> -> memref<512xi32, #tpu.memory_space<hbm>>
      tpu.wait_dma2 semaphore(%run_scoped3A : memref<!tpu.dma_semaphore, #tpu.memory_space<semaphore_mem>>) src(%dma_wait3A_201 : memref<512xi32, #tpu.memory_space<hbm>>) dst(%dma_wait3A_200 : memref<512xi32, #tpu.memory_space<vmem>>)
      tpu.yield
    }) : () -> ()
    "tpu.region"() ({
      %run_scoped3A = tpu.sem_alloc : memref<!tpu.dma_semaphore, #tpu.memory_space<semaphore_mem>>
      %dma_start3A_190 = arith.constant 0 : i32
      %dma_start3A_191 = tpu.memref_slice %arg18[%dma_start3A_190] : memref<528xi32, #tpu.memory_space<vmem>> -> memref<512xi32, #tpu.memory_space<vmem>>
      %dma_start3A_192 = tpu.memref_slice %arg8[%mul3A_2] : memref<16384xi32, #tpu.memory_space<hbm>> -> memref<512xi32, #tpu.memory_space<hbm>>
      %dma_start3A_193 = arith.constant 0 : i32
      %dma_start3A_194 = tpu.memref_slice %arg18[%dma_start3A_193] : memref<528xi32, #tpu.memory_space<vmem>> -> memref<512xi32, #tpu.memory_space<vmem>>
      %dma_start3A_195 = tpu.memref_slice %arg8[%mul3A_2] : memref<16384xi32, #tpu.memory_space<hbm>> -> memref<512xi32, #tpu.memory_space<hbm>>
      tpu.enqueue_dma source(%dma_start3A_195 : memref<512xi32, #tpu.memory_space<hbm>>) target(%dma_start3A_194 : memref<512xi32, #tpu.memory_space<vmem>>) target_semaphore(%run_scoped3A : memref<!tpu.dma_semaphore, #tpu.memory_space<semaphore_mem>>)
      %dma_wait3A_196 = arith.constant 0 : i32
      %dma_wait3A_197 = tpu.memref_slice %arg18[%dma_wait3A_196] : memref<528xi32, #tpu.memory_space<vmem>> -> memref<512xi32, #tpu.memory_space<vmem>>
      %dma_wait3A_198 = tpu.memref_slice %arg8[%mul3A_2] : memref<16384xi32, #tpu.memory_space<hbm>> -> memref<512xi32, #tpu.memory_space<hbm>>
      %dma_wait3A_199 = arith.constant 0 : i32
      %dma_wait3A_200 = tpu.memref_slice %arg18[%dma_wait3A_199] : memref<528xi32, #tpu.memory_space<vmem>> -> memref<512xi32, #tpu.memory_space<vmem>>
      %dma_wait3A_201 = tpu.memref_slice %arg8[%mul3A_2] : memref<16384xi32, #tpu.memory_space<hbm>> -> memref<512xi32, #tpu.memory_space<hbm>>
      tpu.wait_dma2 semaphore(%run_scoped3A : memref<!tpu.dma_semaphore, #tpu.memory_space<semaphore_mem>>) src(%dma_wait3A_201 : memref<512xi32, #tpu.memory_space<hbm>>) dst(%dma_wait3A_200 : memref<512xi32, #tpu.memory_space<vmem>>)
      tpu.yield
    }) : () -> ()
    "tpu.region"() ({
      %run_scoped3A = tpu.sem_alloc : memref<!tpu.dma_semaphore, #tpu.memory_space<semaphore_mem>>
      %dma_start3A_190 = arith.constant 0 : i32
      %dma_start3A_191 = tpu.memref_slice %arg19[%dma_start3A_190] : memref<528xi32, #tpu.memory_space<vmem>> -> memref<512xi32, #tpu.memory_space<vmem>>
      %dma_start3A_192 = tpu.memref_slice %arg9[%mul3A_2] : memref<16384xi32, #tpu.memory_space<hbm>> -> memref<512xi32, #tpu.memory_space<hbm>>
      %dma_start3A_193 = arith.constant 0 : i32
      %dma_start3A_194 = tpu.memref_slice %arg19[%dma_start3A_193] : memref<528xi32, #tpu.memory_space<vmem>> -> memref<512xi32, #tpu.memory_space<vmem>>
      %dma_start3A_195 = tpu.memref_slice %arg9[%mul3A_2] : memref<16384xi32, #tpu.memory_space<hbm>> -> memref<512xi32, #tpu.memory_space<hbm>>
      tpu.enqueue_dma source(%dma_start3A_195 : memref<512xi32, #tpu.memory_space<hbm>>) target(%dma_start3A_194 : memref<512xi32, #tpu.memory_space<vmem>>) target_semaphore(%run_scoped3A : memref<!tpu.dma_semaphore, #tpu.memory_space<semaphore_mem>>)
      %dma_wait3A_196 = arith.constant 0 : i32
      %dma_wait3A_197 = tpu.memref_slice %arg19[%dma_wait3A_196] : memref<528xi32, #tpu.memory_space<vmem>> -> memref<512xi32, #tpu.memory_space<vmem>>
      %dma_wait3A_198 = tpu.memref_slice %arg9[%mul3A_2] : memref<16384xi32, #tpu.memory_space<hbm>> -> memref<512xi32, #tpu.memory_space<hbm>>
      %dma_wait3A_199 = arith.constant 0 : i32
      %dma_wait3A_200 = tpu.memref_slice %arg19[%dma_wait3A_199] : memref<528xi32, #tpu.memory_space<vmem>> -> memref<512xi32, #tpu.memory_space<vmem>>
      %dma_wait3A_201 = tpu.memref_slice %arg9[%mul3A_2] : memref<16384xi32, #tpu.memory_space<hbm>> -> memref<512xi32, #tpu.memory_space<hbm>>
      tpu.wait_dma2 semaphore(%run_scoped3A : memref<!tpu.dma_semaphore, #tpu.memory_space<semaphore_mem>>) src(%dma_wait3A_201 : memref<512xi32, #tpu.memory_space<hbm>>) dst(%dma_wait3A_200 : memref<512xi32, #tpu.memory_space<vmem>>)
      tpu.yield
    }) : () -> ()
    "tpu.region"() ({
      %run_scoped3A = tpu.sem_alloc : memref<!tpu.dma_semaphore, #tpu.memory_space<semaphore_mem>>
      %dma_start3A_190 = tpu.memref_slice %arg10[%mul3A_2] : memref<16384xi32, #tpu.memory_space<hbm>> -> memref<512xi32, #tpu.memory_space<hbm>>
      %dma_start3A_191 = tpu.memref_slice %arg10[%mul3A_2] : memref<16384xi32, #tpu.memory_space<hbm>> -> memref<512xi32, #tpu.memory_space<hbm>>
      tpu.enqueue_dma source(%dma_start3A_191 : memref<512xi32, #tpu.memory_space<hbm>>) target(%arg20 : memref<512xi32, #tpu.memory_space<vmem>>) target_semaphore(%run_scoped3A : memref<!tpu.dma_semaphore, #tpu.memory_space<semaphore_mem>>)
      %dma_wait3A_192 = tpu.memref_slice %arg10[%mul3A_2] : memref<16384xi32, #tpu.memory_space<hbm>> -> memref<512xi32, #tpu.memory_space<hbm>>
      %dma_wait3A_193 = tpu.memref_slice %arg10[%mul3A_2] : memref<16384xi32, #tpu.memory_space<hbm>> -> memref<512xi32, #tpu.memory_space<hbm>>
      tpu.wait_dma2 semaphore(%run_scoped3A : memref<!tpu.dma_semaphore, #tpu.memory_space<semaphore_mem>>) src(%dma_wait3A_193 : memref<512xi32, #tpu.memory_space<hbm>>) dst(%arg20 : memref<512xi32, #tpu.memory_space<vmem>>)
      tpu.yield
    }) : () -> ()
    %dma_start3A = arith.constant 0 : i32
    %dma_start3A_3 = arith.constant 0 : i32
    %dma_start3A_4 = arith.constant 0 : i32
    %dma_start3A_5 = tpu.memref_slice %arg14[%dma_start3A, %dma_start3A_3, %dma_start3A_4] : memref<2x128x128xi32, #tpu.memory_space<vmem>> -> memref<1x128x128xi32, #tpu.memory_space<vmem>>
    %dma_start3A_6 = tpu.memref_squeeze %dma_start3A_5 : memref<1x128x128xi32, #tpu.memory_space<vmem>> -> memref<128x128xi32, #tpu.memory_space<vmem>>
    %dma_start3A_7 = arith.constant 0 : i32
    %dma_start3A_8 = tpu.memref_slice %arg20[%dma_start3A_7] : memref<512xi32, #tpu.memory_space<vmem>> -> memref<128xi32, #tpu.memory_space<vmem>>
    %dma_start3A_9 = arith.constant 0 : i32
    %dma_start3A_10 = arith.constant 0 : i32
    %dma_start3A_11 = tpu.memref_slice %arg4[%dma_start3A_9, %dma_start3A_10] : memref<1000x128xi32, #tpu.memory_space<hbm>> -> memref<1000x128xi32, #tpu.memory_space<hbm>>
    tpu.enqueue_indirect_dma source(%dma_start3A_11 : memref<1000x128xi32, #tpu.memory_space<hbm>>) target(%dma_start3A_6 : memref<128x128xi32, #tpu.memory_space<vmem>>) offsets(%dma_start3A_8 : memref<128xi32, #tpu.memory_space<vmem>>) semaphore(%arg24 : memref<!tpu.dma_semaphore, #tpu.memory_space<semaphore_mem>>)
    %scan3A = arith.constant 0 : i32
    %scan3A_12 = arith.constant 32 : i32
    %scan3A_13 = arith.addi %scan3A, %scan3A_12 : i32
    %scan3A_14 = arith.constant 1 : i32
    scf.for %scan3A_190 = %scan3A to %scan3A_13 step %scan3A_14  : i32 {
      %mul3A_191 = arith.constant 1 : i32
      %mul3A_192 = arith.muli %scan3A_190, %mul3A_191 : i32
      %add3A_193 = arith.constant 0 : i32
      %add3A_194 = arith.addi %add3A_193, %mul3A_192 : i32
      %mul3A_195 = arith.constant 16 : i32
      %mul3A_196 = arith.muli %add3A_194, %mul3A_195 : i32
      %get3A_197 = arith.index_cast %mul3A_196 : i32 to index
      %get3A_198 = tpu.vector_load %arg17[%get3A_197] {strides = array<i32>} : memref<528xi32, #tpu.memory_space<vmem>>, vector<16xi32>,
      %mul3A_199 = arith.constant 8 : i32
      %mul3A_200 = vector.broadcast %mul3A_199 : i32 to vector<16xi32>
      %mul3A_201 = arith.muli %get3A_198, %mul3A_200 : vector<16xi32>
      %get3A_202 = arith.index_cast %mul3A_196 : i32 to index
      %get3A_203 = tpu.vector_load %arg19[%get3A_202] {strides = array<i32>} : memref<528xi32, #tpu.memory_space<vmem>>, vector<16xi32>,
      %add3A_204 = arith.addi %mul3A_201, %get3A_203 : vector<16xi32>
      %swap3A = arith.index_cast %mul3A_196 : i32 to index
      %swap3A_205 = tpu.vector_load %arg23[%swap3A] {strides = array<i32>} : memref<528xi32, #tpu.memory_space<vmem>>, vector<16xi32>,
      tpu.vector_store %arg23[%swap3A], %add3A_204 {strides = array<i32>} : memref<528xi32, #tpu.memory_space<vmem>>, vector<16xi32>,
    }
    %scan3A_15 = arith.constant 32 : i32
    %get3A = arith.constant 0 : i32
    %get3A_16 = arith.index_cast %get3A : i32 to index
    %get3A_17 = arith.constant 0 : index
    %get3A_18 = tpu.vector_load %arg15[%get3A_16, %get3A_17] {strides = array<i32>} : memref<1x128xi32, #tpu.memory_space<vmem>>, vector<16xi32>,
    %bitcast3A = vector.bitcast %get3A_18 : vector<16xi32> to vector<32xbf16>
    %get3A_19 = arith.constant 0 : i32
    %get3A_20 = arith.index_cast %get3A_19 : i32 to index
    %get3A_21 = arith.constant 16 : index
    %get3A_22 = tpu.vector_load %arg15[%get3A_20, %get3A_21] {strides = array<i32>} : memref<1x128xi32, #tpu.memory_space<vmem>>, vector<16xi32>,
    %bitcast3A_23 = vector.bitcast %get3A_22 : vector<16xi32> to vector<32xbf16>
    %get3A_24 = arith.constant 0 : i32
    %get3A_25 = arith.index_cast %get3A_24 : i32 to index
    %get3A_26 = arith.constant 32 : index
    %get3A_27 = tpu.vector_load %arg15[%get3A_25, %get3A_26] {strides = array<i32>} : memref<1x128xi32, #tpu.memory_space<vmem>>, vector<16xi32>,
    %bitcast3A_28 = vector.bitcast %get3A_27 : vector<16xi32> to vector<32xbf16>
    %get3A_29 = arith.constant 0 : i32
    %get3A_30 = arith.index_cast %get3A_29 : i32 to index
    %get3A_31 = arith.constant 48 : index
    %get3A_32 = tpu.vector_load %arg15[%get3A_30, %get3A_31] {strides = array<i32>} : memref<1x128xi32, #tpu.memory_space<vmem>>, vector<16xi32>,
    %bitcast3A_33 = vector.bitcast %get3A_32 : vector<16xi32> to vector<32xbf16>
    %get3A_34 = arith.constant 0 : i32
    %get3A_35 = arith.index_cast %get3A_34 : i32 to index
    %get3A_36 = arith.constant 64 : index
    %get3A_37 = tpu.vector_load %arg15[%get3A_35, %get3A_36] {strides = array<i32>} : memref<1x128xi32, #tpu.memory_space<vmem>>, vector<16xi32>,
    %bitcast3A_38 = vector.bitcast %get3A_37 : vector<16xi32> to vector<32xbf16>
    %get3A_39 = arith.constant 0 : i32
    %get3A_40 = arith.index_cast %get3A_39 : i32 to index
    %get3A_41 = arith.constant 80 : index
    %get3A_42 = tpu.vector_load %arg15[%get3A_40, %get3A_41] {strides = array<i32>} : memref<1x128xi32, #tpu.memory_space<vmem>>, vector<16xi32>,
    %bitcast3A_43 = vector.bitcast %get3A_42 : vector<16xi32> to vector<32xbf16>
    %get3A_44 = arith.constant 0 : i32
    %get3A_45 = arith.index_cast %get3A_44 : i32 to index
    %get3A_46 = arith.constant 96 : index
    %get3A_47 = tpu.vector_load %arg15[%get3A_45, %get3A_46] {strides = array<i32>} : memref<1x128xi32, #tpu.memory_space<vmem>>, vector<16xi32>,
    %bitcast3A_48 = vector.bitcast %get3A_47 : vector<16xi32> to vector<32xbf16>
    %get3A_49 = arith.constant 0 : i32
    %get3A_50 = arith.index_cast %get3A_49 : i32 to index
    %get3A_51 = arith.constant 112 : index
    %get3A_52 = tpu.vector_load %arg15[%get3A_50, %get3A_51] {strides = array<i32>} : memref<1x128xi32, #tpu.memory_space<vmem>>, vector<16xi32>,
    %bitcast3A_53 = vector.bitcast %get3A_52 : vector<16xi32> to vector<32xbf16>
    %get3A_54 = arith.constant 0 : i32
    %get3A_55 = arith.index_cast %get3A_54 : i32 to index
    %get3A_56 = arith.constant 0 : index
    %get3A_57 = tpu.vector_load %arg16[%get3A_55, %get3A_56] {strides = array<i32>} : memref<1x16xf32, #tpu.memory_space<vmem>>, vector<16xf32>,
    %mul3A_58 = arith.constant 0.000000e+00 : f32
    %mul3A_59 = vector.broadcast %mul3A_58 : f32 to vector<16xf32>
    %mul3A_60 = arith.mulf %get3A_57, %mul3A_59 : vector<16xf32>
    %broadcast_in_dim3A = arith.constant 0.000000e+00 : bf16
    %broadcast_in_dim3A_61 = vector.broadcast %broadcast_in_dim3A : bf16 to vector<32xbf16>
    %dma_start3A_62 = arith.constant 1 : i32
    %dma_start3A_63 = arith.constant 0 : i32
    %dma_start3A_64 = arith.constant 0 : i32
    %dma_start3A_65 = tpu.memref_slice %arg14[%dma_start3A_62, %dma_start3A_63, %dma_start3A_64] : memref<2x128x128xi32, #tpu.memory_space<vmem>> -> memref<1x128x128xi32, #tpu.memory_space<vmem>>
    %dma_start3A_66 = tpu.memref_squeeze %dma_start3A_65 : memref<1x128x128xi32, #tpu.memory_space<vmem>> -> memref<128x128xi32, #tpu.memory_space<vmem>>
    %dma_start3A_67 = arith.constant 128 : i32
    %dma_start3A_68 = tpu.memref_slice %arg20[%dma_start3A_67] : memref<512xi32, #tpu.memory_space<vmem>> -> memref<128xi32, #tpu.memory_space<vmem>>
    %dma_start3A_69 = arith.constant 0 : i32
    %dma_start3A_70 = arith.constant 0 : i32
    %dma_start3A_71 = tpu.memref_slice %arg4[%dma_start3A_69, %dma_start3A_70] : memref<1000x128xi32, #tpu.memory_space<hbm>> -> memref<1000x128xi32, #tpu.memory_space<hbm>>
    tpu.enqueue_indirect_dma source(%dma_start3A_71 : memref<1000x128xi32, #tpu.memory_space<hbm>>) target(%dma_start3A_66 : memref<128x128xi32, #tpu.memory_space<vmem>>) offsets(%dma_start3A_68 : memref<128xi32, #tpu.memory_space<vmem>>) semaphore(%arg25 : memref<!tpu.dma_semaphore, #tpu.memory_space<semaphore_mem>>)
    %dma_wait3A = arith.constant 0 : i32
    %dma_wait3A_72 = arith.constant 0 : i32
    %dma_wait3A_73 = arith.constant 0 : i32
    %dma_wait3A_74 = tpu.memref_slice %arg14[%dma_wait3A, %dma_wait3A_72, %dma_wait3A_73] : memref<2x128x128xi32, #tpu.memory_space<vmem>> -> memref<1x128x128xi32, #tpu.memory_space<vmem>>
    %dma_wait3A_75 = tpu.memref_squeeze %dma_wait3A_74 : memref<1x128x128xi32, #tpu.memory_space<vmem>> -> memref<128x128xi32, #tpu.memory_space<vmem>>
    %dma_wait3A_76 = arith.constant 0 : i32
    %dma_wait3A_77 = tpu.memref_slice %arg20[%dma_wait3A_76] : memref<512xi32, #tpu.memory_space<vmem>> -> memref<128xi32, #tpu.memory_space<vmem>>
    %dma_wait3A_78 = arith.constant 0 : i32
    %dma_wait3A_79 = arith.constant 0 : i32
    %dma_wait3A_80 = tpu.memref_slice %arg4[%dma_wait3A_78, %dma_wait3A_79] : memref<1000x128xi32, #tpu.memory_space<hbm>> -> memref<1000x128xi32, #tpu.memory_space<hbm>>
    tpu.wait_indirect_dma semaphore(%arg24 : memref<!tpu.dma_semaphore, #tpu.memory_space<semaphore_mem>>) src(%dma_wait3A_80 : memref<1000x128xi32, #tpu.memory_space<hbm>>) dst(%dma_wait3A_75 : memref<128x128xi32, #tpu.memory_space<vmem>>)
    %scan3A_81 = arith.constant 0 : i32
    %scan3A_82 = arith.constant 0 : i32
    %scan3A_83 = arith.constant 128 : i32
    %scan3A_84 = arith.addi %scan3A_82, %scan3A_83 : i32
    %scan3A_85 = arith.constant 2 : i32
    scf.for %scan3A_190 = %scan3A_82 to %scan3A_84 step %scan3A_85  : i32 {
      %mul3A_191 = arith.constant 1 : i32
      %mul3A_192 = arith.muli %scan3A_190, %mul3A_191 : i32
      %add3A_193 = arith.constant 0 : i32
      %add3A_194 = arith.addi %add3A_193, %mul3A_192 : i32
      %add3A_195 = arith.constant 0 : i32
      %add3A_196 = arith.addi %add3A_195, %add3A_194 : i32
      %get3A_197 = arith.index_cast %add3A_196 : i32 to index
      %get3A_198 = tpu.vector_load %arg23[%get3A_197] {strides = array<i32>} : memref<528xi32, #tpu.memory_space<vmem>>, vector<16xi32>,
      %slice3A = vector.extract_strided_slice %get3A_198 {offsets = [0], sizes = [1], strides = [1]} : vector<16xi32> to vector<1xi32>
      %squeeze3A = vector.extract %slice3A[0] : i32 from vector<1xi32>
      %get3A_199 = arith.index_cast %add3A_196 : i32 to index
      %get3A_200 = tpu.vector_load %arg18[%get3A_199] {strides = array<i32>} : memref<528xi32, #tpu.memory_space<vmem>>, vector<16xi32>,
      %slice3A_201 = vector.extract_strided_slice %get3A_200 {offsets = [0], sizes = [1], strides = [1]} : vector<16xi32> to vector<1xi32>
      %squeeze3A_202 = vector.extract %slice3A_201[0] : i32 from vector<1xi32>
      %get3A_203 = arith.constant 0 : i32
      %get3A_204 = arith.constant 0 : i32
      %get3A_205 = tpu.memref_slice %arg14[%scan3A_81, %get3A_203, %get3A_204] : memref<2x128x128xi32, #tpu.memory_space<vmem>> -> memref<1x128x128xi32, #tpu.memory_space<vmem>>
      %get3A_206 = tpu.memref_squeeze %get3A_205 : memref<1x128x128xi32, #tpu.memory_space<vmem>> -> memref<128x128xi32, #tpu.memory_space<vmem>>
      %get3A_207 = arith.index_cast %add3A_194 : i32 to index
      %get3A_208 = arith.constant 0 : index
      %get3A_209 = tpu.vector_load %get3A_206[%get3A_207, %get3A_208] {strides = array<i32>} : memref<128x128xi32, #tpu.memory_space<vmem>>, vector<16xi32>,
      %bitcast3A_210 = vector.bitcast %get3A_209 : vector<16xi32> to vector<32xbf16>
      %get3A_211 = arith.index_cast %squeeze3A_202 : i32 to index
      %get3A_212 = arith.constant 0 : index
      %get3A_213 = tpu.vector_load %arg13[%get3A_211, %get3A_212] {strides = array<i32>} : memref<100x128xi32, #tpu.memory_space<vmem>>, vector<16xi32>,
      %bitcast3A_214 = vector.bitcast %get3A_213 : vector<16xi32> to vector<32xbf16>
      %get3A_215 = arith.index_cast %squeeze3A : i32 to index
      %get3A_216 = arith.constant 0 : index
      %get3A_217 = tpu.vector_load %arg12[%get3A_215, %get3A_216] {strides = array<i32>} : memref<16x128xi32, #tpu.memory_space<vmem>>, vector<16xi32>,
      %bitcast3A_218 = vector.bitcast %get3A_217 : vector<16xi32> to vector<32xbf16>
      %add3A_219 = arith.addf %bitcast3A_210, %bitcast3A_214 : vector<32xbf16>
      %add3A_220 = arith.addf %add3A_219, %bitcast3A_218 : vector<32xbf16>
      %max3A = arith.maximumf %add3A_220, %broadcast_in_dim3A_61 : vector<32xbf16>
      %mul3A_221 = arith.mulf %max3A, %bitcast3A : vector<32xbf16>
      %unpack3A = tpu.unpack_subelements %mul3A_221, 0 {pack_format = #tpu.pack_format<interleaved>} : vector<32xbf16> -> vector<16xf32>
      %unpack3A_222 = tpu.unpack_subelements %mul3A_221, 1 {pack_format = #tpu.pack_format<interleaved>} : vector<32xbf16> -> vector<16xf32>
      %add3A_223 = arith.addf %get3A_57, %unpack3A : vector<16xf32>
      %add3A_224 = arith.addf %mul3A_60, %unpack3A_222 : vector<16xf32>
      %get3A_225 = arith.constant 0 : i32
      %get3A_226 = arith.constant 0 : i32
      %get3A_227 = tpu.memref_slice %arg14[%scan3A_81, %get3A_225, %get3A_226] : memref<2x128x128xi32, #tpu.memory_space<vmem>> -> memref<1x128x128xi32, #tpu.memory_space<vmem>>
      %get3A_228 = tpu.memref_squeeze %get3A_227 : memref<1x128x128xi32, #tpu.memory_space<vmem>> -> memref<128x128xi32, #tpu.memory_space<vmem>>
      %get3A_229 = arith.index_cast %add3A_194 : i32 to index
      %get3A_230 = arith.constant 16 : index
      %get3A_231 = tpu.vector_load %get3A_228[%get3A_229, %get3A_230] {strides = array<i32>} : memref<128x128xi32, #tpu.memory_space<vmem>>, vector<16xi32>,
      %bitcast3A_232 = vector.bitcast %get3A_231 : vector<16xi32> to vector<32xbf16>
      %get3A_233 = arith.index_cast %squeeze3A_202 : i32 to index
      %get3A_234 = arith.constant 16 : index
      %get3A_235 = tpu.vector_load %arg13[%get3A_233, %get3A_234] {strides = array<i32>} : memref<100x128xi32, #tpu.memory_space<vmem>>, vector<16xi32>,
      %bitcast3A_236 = vector.bitcast %get3A_235 : vector<16xi32> to vector<32xbf16>
      %get3A_237 = arith.index_cast %squeeze3A : i32 to index
      %get3A_238 = arith.constant 16 : index
      %get3A_239 = tpu.vector_load %arg12[%get3A_237, %get3A_238] {strides = array<i32>} : memref<16x128xi32, #tpu.memory_space<vmem>>, vector<16xi32>,
      %bitcast3A_240 = vector.bitcast %get3A_239 : vector<16xi32> to vector<32xbf16>
      %add3A_241 = arith.addf %bitcast3A_232, %bitcast3A_236 : vector<32xbf16>
      %add3A_242 = arith.addf %add3A_241, %bitcast3A_240 : vector<32xbf16>
      %max3A_243 = arith.maximumf %add3A_242, %broadcast_in_dim3A_61 : vector<32xbf16>
      %mul3A_244 = arith.mulf %max3A_243, %bitcast3A_23 : vector<32xbf16>
      %unpack3A_245 = tpu.unpack_subelements %mul3A_244, 0 {pack_format = #tpu.pack_format<interleaved>} : vector<32xbf16> -> vector<16xf32>
      %unpack3A_246 = tpu.unpack_subelements %mul3A_244, 1 {pack_format = #tpu.pack_format<interleaved>} : vector<32xbf16> -> vector<16xf32>
      %add3A_247 = arith.addf %mul3A_60, %unpack3A_245 : vector<16xf32>
      %add3A_248 = arith.addf %mul3A_60, %unpack3A_246 : vector<16xf32>
      %get3A_249 = arith.constant 0 : i32
      %get3A_250 = arith.constant 0 : i32
      %get3A_251 = tpu.memref_slice %arg14[%scan3A_81, %get3A_249, %get3A_250] : memref<2x128x128xi32, #tpu.memory_space<vmem>> -> memref<1x128x128xi32, #tpu.memory_space<vmem>>
      %get3A_252 = tpu.memref_squeeze %get3A_251 : memref<1x128x128xi32, #tpu.memory_space<vmem>> -> memref<128x128xi32, #tpu.memory_space<vmem>>
      %get3A_253 = arith.index_cast %add3A_194 : i32 to index
      %get3A_254 = arith.constant 32 : index
      %get3A_255 = tpu.vector_load %get3A_252[%get3A_253, %get3A_254] {strides = array<i32>} : memref<128x128xi32, #tpu.memory_space<vmem>>, vector<16xi32>,
      %bitcast3A_256 = vector.bitcast %get3A_255 : vector<16xi32> to vector<32xbf16>
      %get3A_257 = arith.index_cast %squeeze3A_202 : i32 to index
      %get3A_258 = arith.constant 32 : index
      %get3A_259 = tpu.vector_load %arg13[%get3A_257, %get3A_258] {strides = array<i32>} : memref<100x128xi32, #tpu.memory_space<vmem>>, vector<16xi32>,
      %bitcast3A_260 = vector.bitcast %get3A_259 : vector<16xi32> to vector<32xbf16>
      %get3A_261 = arith.index_cast %squeeze3A : i32 to index
      %get3A_262 = arith.constant 32 : index
      %get3A_263 = tpu.vector_load %arg12[%get3A_261, %get3A_262] {strides = array<i32>} : memref<16x128xi32, #tpu.memory_space<vmem>>, vector<16xi32>,
      %bitcast3A_264 = vector.bitcast %get3A_263 : vector<16xi32> to vector<32xbf16>
      %add3A_265 = arith.addf %bitcast3A_256, %bitcast3A_260 : vector<32xbf16>
      %add3A_266 = arith.addf %add3A_265, %bitcast3A_264 : vector<32xbf16>
      %max3A_267 = arith.maximumf %add3A_266, %broadcast_in_dim3A_61 : vector<32xbf16>
      %mul3A_268 = arith.mulf %max3A_267, %bitcast3A_28 : vector<32xbf16>
      %unpack3A_269 = tpu.unpack_subelements %mul3A_268, 0 {pack_format = #tpu.pack_format<interleaved>} : vector<32xbf16> -> vector<16xf32>
      %unpack3A_270 = tpu.unpack_subelements %mul3A_268, 1 {pack_format = #tpu.pack_format<interleaved>} : vector<32xbf16> -> vector<16xf32>
      %add3A_271 = arith.addf %add3A_223, %unpack3A_269 : vector<16xf32>
      %add3A_272 = arith.addf %add3A_224, %unpack3A_270 : vector<16xf32>
      %get3A_273 = arith.constant 0 : i32
      %get3A_274 = arith.constant 0 : i32
      %get3A_275 = tpu.memref_slice %arg14[%scan3A_81, %get3A_273, %get3A_274] : memref<2x128x128xi32, #tpu.memory_space<vmem>> -> memref<1x128x128xi32, #tpu.memory_space<vmem>>
      %get3A_276 = tpu.memref_squeeze %get3A_275 : memref<1x128x128xi32, #tpu.memory_space<vmem>> -> memref<128x128xi32, #tpu.memory_space<vmem>>
      %get3A_277 = arith.index_cast %add3A_194 : i32 to index
      %get3A_278 = arith.constant 48 : index
      %get3A_279 = tpu.vector_load %get3A_276[%get3A_277, %get3A_278] {strides = array<i32>} : memref<128x128xi32, #tpu.memory_space<vmem>>, vector<16xi32>,
      %bitcast3A_280 = vector.bitcast %get3A_279 : vector<16xi32> to vector<32xbf16>
      %get3A_281 = arith.index_cast %squeeze3A_202 : i32 to index
      %get3A_282 = arith.constant 48 : index
      %get3A_283 = tpu.vector_load %arg13[%get3A_281, %get3A_282] {strides = array<i32>} : memref<100x128xi32, #tpu.memory_space<vmem>>, vector<16xi32>,
      %bitcast3A_284 = vector.bitcast %get3A_283 : vector<16xi32> to vector<32xbf16>
      %get3A_285 = arith.index_cast %squeeze3A : i32 to index
      %get3A_286 = arith.constant 48 : index
      %get3A_287 = tpu.vector_load %arg12[%get3A_285, %get3A_286] {strides = array<i32>} : memref<16x128xi32, #tpu.memory_space<vmem>>, vector<16xi32>,
      %bitcast3A_288 = vector.bitcast %get3A_287 : vector<16xi32> to vector<32xbf16>
      %add3A_289 = arith.addf %bitcast3A_280, %bitcast3A_284 : vector<32xbf16>
      %add3A_290 = arith.addf %add3A_289, %bitcast3A_288 : vector<32xbf16>
      %max3A_291 = arith.maximumf %add3A_290, %broadcast_in_dim3A_61 : vector<32xbf16>
      %mul3A_292 = arith.mulf %max3A_291, %bitcast3A_33 : vector<32xbf16>
      %unpack3A_293 = tpu.unpack_subelements %mul3A_292, 0 {pack_format = #tpu.pack_format<interleaved>} : vector<32xbf16> -> vector<16xf32>
      %unpack3A_294 = tpu.unpack_subelements %mul3A_292, 1 {pack_format = #tpu.pack_format<interleaved>} : vector<32xbf16> -> vector<16xf32>
      %add3A_295 = arith.addf %add3A_247, %unpack3A_293 : vector<16xf32>
      %add3A_296 = arith.addf %add3A_248, %unpack3A_294 : vector<16xf32>
      %get3A_297 = arith.constant 0 : i32
      %get3A_298 = arith.constant 0 : i32
      %get3A_299 = tpu.memref_slice %arg14[%scan3A_81, %get3A_297, %get3A_298] : memref<2x128x128xi32, #tpu.memory_space<vmem>> -> memref<1x128x128xi32, #tpu.memory_space<vmem>>
      %get3A_300 = tpu.memref_squeeze %get3A_299 : memref<1x128x128xi32, #tpu.memory_space<vmem>> -> memref<128x128xi32, #tpu.memory_space<vmem>>
      %get3A_301 = arith.index_cast %add3A_194 : i32 to index
      %get3A_302 = arith.constant 64 : index
      %get3A_303 = tpu.vector_load %get3A_300[%get3A_301, %get3A_302] {strides = array<i32>} : memref<128x128xi32, #tpu.memory_space<vmem>>, vector<16xi32>,
      %bitcast3A_304 = vector.bitcast %get3A_303 : vector<16xi32> to vector<32xbf16>
      %get3A_305 = arith.index_cast %squeeze3A_202 : i32 to index
      %get3A_306 = arith.constant 64 : index
      %get3A_307 = tpu.vector_load %arg13[%get3A_305, %get3A_306] {strides = array<i32>} : memref<100x128xi32, #tpu.memory_space<vmem>>, vector<16xi32>,
      %bitcast3A_308 = vector.bitcast %get3A_307 : vector<16xi32> to vector<32xbf16>
      %get3A_309 = arith.index_cast %squeeze3A : i32 to index
      %get3A_310 = arith.constant 64 : index
      %get3A_311 = tpu.vector_load %arg12[%get3A_309, %get3A_310] {strides = array<i32>} : memref<16x128xi32, #tpu.memory_space<vmem>>, vector<16xi32>,
      %bitcast3A_312 = vector.bitcast %get3A_311 : vector<16xi32> to vector<32xbf16>
      %add3A_313 = arith.addf %bitcast3A_304, %bitcast3A_308 : vector<32xbf16>
      %add3A_314 = arith.addf %add3A_313, %bitcast3A_312 : vector<32xbf16>
      %max3A_315 = arith.maximumf %add3A_314, %broadcast_in_dim3A_61 : vector<32xbf16>
      %mul3A_316 = arith.mulf %max3A_315, %bitcast3A_38 : vector<32xbf16>
      %unpack3A_317 = tpu.unpack_subelements %mul3A_316, 0 {pack_format = #tpu.pack_format<interleaved>} : vector<32xbf16> -> vector<16xf32>
      %unpack3A_318 = tpu.unpack_subelements %mul3A_316, 1 {pack_format = #tpu.pack_format<interleaved>} : vector<32xbf16> -> vector<16xf32>
      %add3A_319 = arith.addf %add3A_271, %unpack3A_317 : vector<16xf32>
      %add3A_320 = arith.addf %add3A_272, %unpack3A_318 : vector<16xf32>
      %get3A_321 = arith.constant 0 : i32
      %get3A_322 = arith.constant 0 : i32
      %get3A_323 = tpu.memref_slice %arg14[%scan3A_81, %get3A_321, %get3A_322] : memref<2x128x128xi32, #tpu.memory_space<vmem>> -> memref<1x128x128xi32, #tpu.memory_space<vmem>>
      %get3A_324 = tpu.memref_squeeze %get3A_323 : memref<1x128x128xi32, #tpu.memory_space<vmem>> -> memref<128x128xi32, #tpu.memory_space<vmem>>
      %get3A_325 = arith.index_cast %add3A_194 : i32 to index
      %get3A_326 = arith.constant 80 : index
      %get3A_327 = tpu.vector_load %get3A_324[%get3A_325, %get3A_326] {strides = array<i32>} : memref<128x128xi32, #tpu.memory_space<vmem>>, vector<16xi32>,
      %bitcast3A_328 = vector.bitcast %get3A_327 : vector<16xi32> to vector<32xbf16>
      %get3A_329 = arith.index_cast %squeeze3A_202 : i32 to index
      %get3A_330 = arith.constant 80 : index
      %get3A_331 = tpu.vector_load %arg13[%get3A_329, %get3A_330] {strides = array<i32>} : memref<100x128xi32, #tpu.memory_space<vmem>>, vector<16xi32>,
      %bitcast3A_332 = vector.bitcast %get3A_331 : vector<16xi32> to vector<32xbf16>
      %get3A_333 = arith.index_cast %squeeze3A : i32 to index
      %get3A_334 = arith.constant 80 : index
      %get3A_335 = tpu.vector_load %arg12[%get3A_333, %get3A_334] {strides = array<i32>} : memref<16x128xi32, #tpu.memory_space<vmem>>, vector<16xi32>,
      %bitcast3A_336 = vector.bitcast %get3A_335 : vector<16xi32> to vector<32xbf16>
      %add3A_337 = arith.addf %bitcast3A_328, %bitcast3A_332 : vector<32xbf16>
      %add3A_338 = arith.addf %add3A_337, %bitcast3A_336 : vector<32xbf16>
      %max3A_339 = arith.maximumf %add3A_338, %broadcast_in_dim3A_61 : vector<32xbf16>
      %mul3A_340 = arith.mulf %max3A_339, %bitcast3A_43 : vector<32xbf16>
      %unpack3A_341 = tpu.unpack_subelements %mul3A_340, 0 {pack_format = #tpu.pack_format<interleaved>} : vector<32xbf16> -> vector<16xf32>
      %unpack3A_342 = tpu.unpack_subelements %mul3A_340, 1 {pack_format = #tpu.pack_format<interleaved>} : vector<32xbf16> -> vector<16xf32>
      %add3A_343 = arith.addf %add3A_295, %unpack3A_341 : vector<16xf32>
      %add3A_344 = arith.addf %add3A_296, %unpack3A_342 : vector<16xf32>
      %get3A_345 = arith.constant 0 : i32
      %get3A_346 = arith.constant 0 : i32
      %get3A_347 = tpu.memref_slice %arg14[%scan3A_81, %get3A_345, %get3A_346] : memref<2x128x128xi32, #tpu.memory_space<vmem>> -> memref<1x128x128xi32, #tpu.memory_space<vmem>>
      %get3A_348 = tpu.memref_squeeze %get3A_347 : memref<1x128x128xi32, #tpu.memory_space<vmem>> -> memref<128x128xi32, #tpu.memory_space<vmem>>
      %get3A_349 = arith.index_cast %add3A_194 : i32 to index
      %get3A_350 = arith.constant 96 : index
      %get3A_351 = tpu.vector_load %get3A_348[%get3A_349, %get3A_350] {strides = array<i32>} : memref<128x128xi32, #tpu.memory_space<vmem>>, vector<16xi32>,
      %bitcast3A_352 = vector.bitcast %get3A_351 : vector<16xi32> to vector<32xbf16>
      %get3A_353 = arith.index_cast %squeeze3A_202 : i32 to index
      %get3A_354 = arith.constant 96 : index
      %get3A_355 = tpu.vector_load %arg13[%get3A_353, %get3A_354] {strides = array<i32>} : memref<100x128xi32, #tpu.memory_space<vmem>>, vector<16xi32>,
      %bitcast3A_356 = vector.bitcast %get3A_355 : vector<16xi32> to vector<32xbf16>
      %get3A_357 = arith.index_cast %squeeze3A : i32 to index
      %get3A_358 = arith.constant 96 : index
      %get3A_359 = tpu.vector_load %arg12[%get3A_357, %get3A_358] {strides = array<i32>} : memref<16x128xi32, #tpu.memory_space<vmem>>, vector<16xi32>,
      %bitcast3A_360 = vector.bitcast %get3A_359 : vector<16xi32> to vector<32xbf16>
      %add3A_361 = arith.addf %bitcast3A_352, %bitcast3A_356 : vector<32xbf16>
      %add3A_362 = arith.addf %add3A_361, %bitcast3A_360 : vector<32xbf16>
      %max3A_363 = arith.maximumf %add3A_362, %broadcast_in_dim3A_61 : vector<32xbf16>
      %mul3A_364 = arith.mulf %max3A_363, %bitcast3A_48 : vector<32xbf16>
      %unpack3A_365 = tpu.unpack_subelements %mul3A_364, 0 {pack_format = #tpu.pack_format<interleaved>} : vector<32xbf16> -> vector<16xf32>
      %unpack3A_366 = tpu.unpack_subelements %mul3A_364, 1 {pack_format = #tpu.pack_format<interleaved>} : vector<32xbf16> -> vector<16xf32>
      %add3A_367 = arith.addf %add3A_319, %unpack3A_365 : vector<16xf32>
      %add3A_368 = arith.addf %add3A_320, %unpack3A_366 : vector<16xf32>
      %get3A_369 = arith.constant 0 : i32
      %get3A_370 = arith.constant 0 : i32
      %get3A_371 = tpu.memref_slice %arg14[%scan3A_81, %get3A_369, %get3A_370] : memref<2x128x128xi32, #tpu.memory_space<vmem>> -> memref<1x128x128xi32, #tpu.memory_space<vmem>>
      %get3A_372 = tpu.memref_squeeze %get3A_371 : memref<1x128x128xi32, #tpu.memory_space<vmem>> -> memref<128x128xi32, #tpu.memory_space<vmem>>
      %get3A_373 = arith.index_cast %add3A_194 : i32 to index
      %get3A_374 = arith.constant 112 : index
      %get3A_375 = tpu.vector_load %get3A_372[%get3A_373, %get3A_374] {strides = array<i32>} : memref<128x128xi32, #tpu.memory_space<vmem>>, vector<16xi32>,
      %bitcast3A_376 = vector.bitcast %get3A_375 : vector<16xi32> to vector<32xbf16>
      %get3A_377 = arith.index_cast %squeeze3A_202 : i32 to index
      %get3A_378 = arith.constant 112 : index
      %get3A_379 = tpu.vector_load %arg13[%get3A_377, %get3A_378] {strides = array<i32>} : memref<100x128xi32, #tpu.memory_space<vmem>>, vector<16xi32>,
      %bitcast3A_380 = vector.bitcast %get3A_379 : vector<16xi32> to vector<32xbf16>
      %get3A_381 = arith.index_cast %squeeze3A : i32 to index
      %get3A_382 = arith.constant 112 : index
      %get3A_383 = tpu.vector_load %arg12[%get3A_381, %get3A_382] {strides = array<i32>} : memref<16x128xi32, #tpu.memory_space<vmem>>, vector<16xi32>,
      %bitcast3A_384 = vector.bitcast %get3A_383 : vector<16xi32> to vector<32xbf16>
      %add3A_385 = arith.addf %bitcast3A_376, %bitcast3A_380 : vector<32xbf16>
      %add3A_386 = arith.addf %add3A_385, %bitcast3A_384 : vector<32xbf16>
      %max3A_387 = arith.maximumf %add3A_386, %broadcast_in_dim3A_61 : vector<32xbf16>
      %mul3A_388 = arith.mulf %max3A_387, %bitcast3A_53 : vector<32xbf16>
      %unpack3A_389 = tpu.unpack_subelements %mul3A_388, 0 {pack_format = #tpu.pack_format<interleaved>} : vector<32xbf16> -> vector<16xf32>
      %unpack3A_390 = tpu.unpack_subelements %mul3A_388, 1 {pack_format = #tpu.pack_format<interleaved>} : vector<32xbf16> -> vector<16xf32>
      %add3A_391 = arith.addf %add3A_343, %unpack3A_389 : vector<16xf32>
      %add3A_392 = arith.addf %add3A_344, %unpack3A_390 : vector<16xf32>
      %add3A_393 = arith.addf %add3A_367, %add3A_391 : vector<16xf32>
      %add3A_394 = arith.addf %add3A_368, %add3A_392 : vector<16xf32>
      %add3A_395 = arith.addf %add3A_393, %add3A_394 : vector<16xf32>
      %mul3A_396 = arith.constant 16 : i32
      %mul3A_397 = arith.muli %add3A_194, %mul3A_396 : i32
      %swap3A = arith.index_cast %mul3A_397 : i32 to index
      %swap3A_398 = tpu.vector_load %arg22[%swap3A] {strides = array<i32>} : memref<2048xf32, #tpu.memory_space<vmem>>, vector<16xf32>,
      tpu.vector_store %arg22[%swap3A], %add3A_395 {strides = array<i32>} : memref<2048xf32, #tpu.memory_space<vmem>>, vector<16xf32>,
      %scan3A_399 = arith.constant 1 : i32
      %scan3A_400 = arith.addi %scan3A_190, %scan3A_399 : i32
      %mul3A_401 = arith.constant 1 : i32
      %mul3A_402 = arith.muli %scan3A_400, %mul3A_401 : i32
      %add3A_403 = arith.constant 0 : i32
      %add3A_404 = arith.addi %add3A_403, %mul3A_402 : i32
      %add3A_405 = arith.constant 0 : i32
      %add3A_406 = arith.addi %add3A_405, %add3A_404 : i32
      %get3A_407 = arith.index_cast %add3A_406 : i32 to index
      %get3A_408 = tpu.vector_load %arg23[%get3A_407] {strides = array<i32>} : memref<528xi32, #tpu.memory_space<vmem>>, vector<16xi32>,
      %slice3A_409 = vector.extract_strided_slice %get3A_408 {offsets = [0], sizes = [1], strides = [1]} : vector<16xi32> to vector<1xi32>
      %squeeze3A_410 = vector.extract %slice3A_409[0] : i32 from vector<1xi32>
      %get3A_411 = arith.index_cast %add3A_406 : i32 to index
      %get3A_412 = tpu.vector_load %arg18[%get3A_411] {strides = array<i32>} : memref<528xi32, #tpu.memory_space<vmem>>, vector<16xi32>,
      %slice3A_413 = vector.extract_strided_slice %get3A_412 {offsets = [0], sizes = [1], strides = [1]} : vector<16xi32> to vector<1xi32>
      %squeeze3A_414 = vector.extract %slice3A_413[0] : i32 from vector<1xi32>
      %get3A_415 = arith.constant 0 : i32
      %get3A_416 = arith.constant 0 : i32
      %get3A_417 = tpu.memref_slice %arg14[%scan3A_81, %get3A_415, %get3A_416] : memref<2x128x128xi32, #tpu.memory_space<vmem>> -> memref<1x128x128xi32, #tpu.memory_space<vmem>>
      %get3A_418 = tpu.memref_squeeze %get3A_417 : memref<1x128x128xi32, #tpu.memory_space<vmem>> -> memref<128x128xi32, #tpu.memory_space<vmem>>
      %get3A_419 = arith.index_cast %add3A_404 : i32 to index
      %get3A_420 = arith.constant 0 : index
      %get3A_421 = tpu.vector_load %get3A_418[%get3A_419, %get3A_420] {strides = array<i32>} : memref<128x128xi32, #tpu.memory_space<vmem>>, vector<16xi32>,
      %bitcast3A_422 = vector.bitcast %get3A_421 : vector<16xi32> to vector<32xbf16>
      %get3A_423 = arith.index_cast %squeeze3A_414 : i32 to index
      %get3A_424 = arith.constant 0 : index
      %get3A_425 = tpu.vector_load %arg13[%get3A_423, %get3A_424] {strides = array<i32>} : memref<100x128xi32, #tpu.memory_space<vmem>>, vector<16xi32>,
      %bitcast3A_426 = vector.bitcast %get3A_425 : vector<16xi32> to vector<32xbf16>
      %get3A_427 = arith.index_cast %squeeze3A_410 : i32 to index
      %get3A_428 = arith.constant 0 : index
      %get3A_429 = tpu.vector_load %arg12[%get3A_427, %get3A_428] {strides = array<i32>} : memref<16x128xi32, #tpu.memory_space<vmem>>, vector<16xi32>,
      %bitcast3A_430 = vector.bitcast %get3A_429 : vector<16xi32> to vector<32xbf16>
      %add3A_431 = arith.addf %bitcast3A_422, %bitcast3A_426 : vector<32xbf16>
      %add3A_432 = arith.addf %add3A_431, %bitcast3A_430 : vector<32xbf16>
      %max3A_433 = arith.maximumf %add3A_432, %broadcast_in_dim3A_61 : vector<32xbf16>
      %mul3A_434 = arith.mulf %max3A_433, %bitcast3A : vector<32xbf16>
      %unpack3A_435 = tpu.unpack_subelements %mul3A_434, 0 {pack_format = #tpu.pack_format<interleaved>} : vector<32xbf16> -> vector<16xf32>
      %unpack3A_436 = tpu.unpack_subelements %mul3A_434, 1 {pack_format = #tpu.pack_format<interleaved>} : vector<32xbf16> -> vector<16xf32>
      %add3A_437 = arith.addf %get3A_57, %unpack3A_435 : vector<16xf32>
      %add3A_438 = arith.addf %mul3A_60, %unpack3A_436 : vector<16xf32>
      %get3A_439 = arith.constant 0 : i32
      %get3A_440 = arith.constant 0 : i32
      %get3A_441 = tpu.memref_slice %arg14[%scan3A_81, %get3A_439, %get3A_440] : memref<2x128x128xi32, #tpu.memory_space<vmem>> -> memref<1x128x128xi32, #tpu.memory_space<vmem>>
      %get3A_442 = tpu.memref_squeeze %get3A_441 : memref<1x128x128xi32, #tpu.memory_space<vmem>> -> memref<128x128xi32, #tpu.memory_space<vmem>>
      %get3A_443 = arith.index_cast %add3A_404 : i32 to index
      %get3A_444 = arith.constant 16 : index
      %get3A_445 = tpu.vector_load %get3A_442[%get3A_443, %get3A_444] {strides = array<i32>} : memref<128x128xi32, #tpu.memory_space<vmem>>, vector<16xi32>,
      %bitcast3A_446 = vector.bitcast %get3A_445 : vector<16xi32> to vector<32xbf16>
      %get3A_447 = arith.index_cast %squeeze3A_414 : i32 to index
      %get3A_448 = arith.constant 16 : index
      %get3A_449 = tpu.vector_load %arg13[%get3A_447, %get3A_448] {strides = array<i32>} : memref<100x128xi32, #tpu.memory_space<vmem>>, vector<16xi32>,
      %bitcast3A_450 = vector.bitcast %get3A_449 : vector<16xi32> to vector<32xbf16>
      %get3A_451 = arith.index_cast %squeeze3A_410 : i32 to index
      %get3A_452 = arith.constant 16 : index
      %get3A_453 = tpu.vector_load %arg12[%get3A_451, %get3A_452] {strides = array<i32>} : memref<16x128xi32, #tpu.memory_space<vmem>>, vector<16xi32>,
      %bitcast3A_454 = vector.bitcast %get3A_453 : vector<16xi32> to vector<32xbf16>
      %add3A_455 = arith.addf %bitcast3A_446, %bitcast3A_450 : vector<32xbf16>
      %add3A_456 = arith.addf %add3A_455, %bitcast3A_454 : vector<32xbf16>
      %max3A_457 = arith.maximumf %add3A_456, %broadcast_in_dim3A_61 : vector<32xbf16>
      %mul3A_458 = arith.mulf %max3A_457, %bitcast3A_23 : vector<32xbf16>
      %unpack3A_459 = tpu.unpack_subelements %mul3A_458, 0 {pack_format = #tpu.pack_format<interleaved>} : vector<32xbf16> -> vector<16xf32>
      %unpack3A_460 = tpu.unpack_subelements %mul3A_458, 1 {pack_format = #tpu.pack_format<interleaved>} : vector<32xbf16> -> vector<16xf32>
      %add3A_461 = arith.addf %mul3A_60, %unpack3A_459 : vector<16xf32>
      %add3A_462 = arith.addf %mul3A_60, %unpack3A_460 : vector<16xf32>
      %get3A_463 = arith.constant 0 : i32
      %get3A_464 = arith.constant 0 : i32
      %get3A_465 = tpu.memref_slice %arg14[%scan3A_81, %get3A_463, %get3A_464] : memref<2x128x128xi32, #tpu.memory_space<vmem>> -> memref<1x128x128xi32, #tpu.memory_space<vmem>>
      %get3A_466 = tpu.memref_squeeze %get3A_465 : memref<1x128x128xi32, #tpu.memory_space<vmem>> -> memref<128x128xi32, #tpu.memory_space<vmem>>
      %get3A_467 = arith.index_cast %add3A_404 : i32 to index
      %get3A_468 = arith.constant 32 : index
      %get3A_469 = tpu.vector_load %get3A_466[%get3A_467, %get3A_468] {strides = array<i32>} : memref<128x128xi32, #tpu.memory_space<vmem>>, vector<16xi32>,
      %bitcast3A_470 = vector.bitcast %get3A_469 : vector<16xi32> to vector<32xbf16>
      %get3A_471 = arith.index_cast %squeeze3A_414 : i32 to index
      %get3A_472 = arith.constant 32 : index
      %get3A_473 = tpu.vector_load %arg13[%get3A_471, %get3A_472] {strides = array<i32>} : memref<100x128xi32, #tpu.memory_space<vmem>>, vector<16xi32>,
      %bitcast3A_474 = vector.bitcast %get3A_473 : vector<16xi32> to vector<32xbf16>
      %get3A_475 = arith.index_cast %squeeze3A_410 : i32 to index
      %get3A_476 = arith.constant 32 : index
      %get3A_477 = tpu.vector_load %arg12[%get3A_475, %get3A_476] {strides = array<i32>} : memref<16x128xi32, #tpu.memory_space<vmem>>, vector<16xi32>,
      %bitcast3A_478 = vector.bitcast %get3A_477 : vector<16xi32> to vector<32xbf16>
      %add3A_479 = arith.addf %bitcast3A_470, %bitcast3A_474 : vector<32xbf16>
      %add3A_480 = arith.addf %add3A_479, %bitcast3A_478 : vector<32xbf16>
      %max3A_481 = arith.maximumf %add3A_480, %broadcast_in_dim3A_61 : vector<32xbf16>
      %mul3A_482 = arith.mulf %max3A_481, %bitcast3A_28 : vector<32xbf16>
      %unpack3A_483 = tpu.unpack_subelements %mul3A_482, 0 {pack_format = #tpu.pack_format<interleaved>} : vector<32xbf16> -> vector<16xf32>
      %unpack3A_484 = tpu.unpack_subelements %mul3A_482, 1 {pack_format = #tpu.pack_format<interleaved>} : vector<32xbf16> -> vector<16xf32>
      %add3A_485 = arith.addf %add3A_437, %unpack3A_483 : vector<16xf32>
      %add3A_486 = arith.addf %add3A_438, %unpack3A_484 : vector<16xf32>
      %get3A_487 = arith.constant 0 : i32
      %get3A_488 = arith.constant 0 : i32
      %get3A_489 = tpu.memref_slice %arg14[%scan3A_81, %get3A_487, %get3A_488] : memref<2x128x128xi32, #tpu.memory_space<vmem>> -> memref<1x128x128xi32, #tpu.memory_space<vmem>>
      %get3A_490 = tpu.memref_squeeze %get3A_489 : memref<1x128x128xi32, #tpu.memory_space<vmem>> -> memref<128x128xi32, #tpu.memory_space<vmem>>
      %get3A_491 = arith.index_cast %add3A_404 : i32 to index
      %get3A_492 = arith.constant 48 : index
      %get3A_493 = tpu.vector_load %get3A_490[%get3A_491, %get3A_492] {strides = array<i32>} : memref<128x128xi32, #tpu.memory_space<vmem>>, vector<16xi32>,
      %bitcast3A_494 = vector.bitcast %get3A_493 : vector<16xi32> to vector<32xbf16>
      %get3A_495 = arith.index_cast %squeeze3A_414 : i32 to index
      %get3A_496 = arith.constant 48 : index
      %get3A_497 = tpu.vector_load %arg13[%get3A_495, %get3A_496] {strides = array<i32>} : memref<100x128xi32, #tpu.memory_space<vmem>>, vector<16xi32>,
      %bitcast3A_498 = vector.bitcast %get3A_497 : vector<16xi32> to vector<32xbf16>
      %get3A_499 = arith.index_cast %squeeze3A_410 : i32 to index
      %get3A_500 = arith.constant 48 : index
      %get3A_501 = tpu.vector_load %arg12[%get3A_499, %get3A_500] {strides = array<i32>} : memref<16x128xi32, #tpu.memory_space<vmem>>, vector<16xi32>,
      %bitcast3A_502 = vector.bitcast %get3A_501 : vector<16xi32> to vector<32xbf16>
      %add3A_503 = arith.addf %bitcast3A_494, %bitcast3A_498 : vector<32xbf16>
      %add3A_504 = arith.addf %add3A_503, %bitcast3A_502 : vector<32xbf16>
      %max3A_505 = arith.maximumf %add3A_504, %broadcast_in_dim3A_61 : vector<32xbf16>
      %mul3A_506 = arith.mulf %max3A_505, %bitcast3A_33 : vector<32xbf16>
      %unpack3A_507 = tpu.unpack_subelements %mul3A_506, 0 {pack_format = #tpu.pack_format<interleaved>} : vector<32xbf16> -> vector<16xf32>
      %unpack3A_508 = tpu.unpack_subelements %mul3A_506, 1 {pack_format = #tpu.pack_format<interleaved>} : vector<32xbf16> -> vector<16xf32>
      %add3A_509 = arith.addf %add3A_461, %unpack3A_507 : vector<16xf32>
      %add3A_510 = arith.addf %add3A_462, %unpack3A_508 : vector<16xf32>
      %get3A_511 = arith.constant 0 : i32
      %get3A_512 = arith.constant 0 : i32
      %get3A_513 = tpu.memref_slice %arg14[%scan3A_81, %get3A_511, %get3A_512] : memref<2x128x128xi32, #tpu.memory_space<vmem>> -> memref<1x128x128xi32, #tpu.memory_space<vmem>>
      %get3A_514 = tpu.memref_squeeze %get3A_513 : memref<1x128x128xi32, #tpu.memory_space<vmem>> -> memref<128x128xi32, #tpu.memory_space<vmem>>
      %get3A_515 = arith.index_cast %add3A_404 : i32 to index
      %get3A_516 = arith.constant 64 : index
      %get3A_517 = tpu.vector_load %get3A_514[%get3A_515, %get3A_516] {strides = array<i32>} : memref<128x128xi32, #tpu.memory_space<vmem>>, vector<16xi32>,
      %bitcast3A_518 = vector.bitcast %get3A_517 : vector<16xi32> to vector<32xbf16>
      %get3A_519 = arith.index_cast %squeeze3A_414 : i32 to index
      %get3A_520 = arith.constant 64 : index
      %get3A_521 = tpu.vector_load %arg13[%get3A_519, %get3A_520] {strides = array<i32>} : memref<100x128xi32, #tpu.memory_space<vmem>>, vector<16xi32>,
      %bitcast3A_522 = vector.bitcast %get3A_521 : vector<16xi32> to vector<32xbf16>
      %get3A_523 = arith.index_cast %squeeze3A_410 : i32 to index
      %get3A_524 = arith.constant 64 : index
      %get3A_525 = tpu.vector_load %arg12[%get3A_523, %get3A_524] {strides = array<i32>} : memref<16x128xi32, #tpu.memory_space<vmem>>, vector<16xi32>,
      %bitcast3A_526 = vector.bitcast %get3A_525 : vector<16xi32> to vector<32xbf16>
      %add3A_527 = arith.addf %bitcast3A_518, %bitcast3A_522 : vector<32xbf16>
      %add3A_528 = arith.addf %add3A_527, %bitcast3A_526 : vector<32xbf16>
      %max3A_529 = arith.maximumf %add3A_528, %broadcast_in_dim3A_61 : vector<32xbf16>
      %mul3A_530 = arith.mulf %max3A_529, %bitcast3A_38 : vector<32xbf16>
      %unpack3A_531 = tpu.unpack_subelements %mul3A_530, 0 {pack_format = #tpu.pack_format<interleaved>} : vector<32xbf16> -> vector<16xf32>
      %unpack3A_532 = tpu.unpack_subelements %mul3A_530, 1 {pack_format = #tpu.pack_format<interleaved>} : vector<32xbf16> -> vector<16xf32>
      %add3A_533 = arith.addf %add3A_485, %unpack3A_531 : vector<16xf32>
      %add3A_534 = arith.addf %add3A_486, %unpack3A_532 : vector<16xf32>
      %get3A_535 = arith.constant 0 : i32
      %get3A_536 = arith.constant 0 : i32
      %get3A_537 = tpu.memref_slice %arg14[%scan3A_81, %get3A_535, %get3A_536] : memref<2x128x128xi32, #tpu.memory_space<vmem>> -> memref<1x128x128xi32, #tpu.memory_space<vmem>>
      %get3A_538 = tpu.memref_squeeze %get3A_537 : memref<1x128x128xi32, #tpu.memory_space<vmem>> -> memref<128x128xi32, #tpu.memory_space<vmem>>
      %get3A_539 = arith.index_cast %add3A_404 : i32 to index
      %get3A_540 = arith.constant 80 : index
      %get3A_541 = tpu.vector_load %get3A_538[%get3A_539, %get3A_540] {strides = array<i32>} : memref<128x128xi32, #tpu.memory_space<vmem>>, vector<16xi32>,
      %bitcast3A_542 = vector.bitcast %get3A_541 : vector<16xi32> to vector<32xbf16>
      %get3A_543 = arith.index_cast %squeeze3A_414 : i32 to index
      %get3A_544 = arith.constant 80 : index
      %get3A_545 = tpu.vector_load %arg13[%get3A_543, %get3A_544] {strides = array<i32>} : memref<100x128xi32, #tpu.memory_space<vmem>>, vector<16xi32>,
      %bitcast3A_546 = vector.bitcast %get3A_545 : vector<16xi32> to vector<32xbf16>
      %get3A_547 = arith.index_cast %squeeze3A_410 : i32 to index
      %get3A_548 = arith.constant 80 : index
      %get3A_549 = tpu.vector_load %arg12[%get3A_547, %get3A_548] {strides = array<i32>} : memref<16x128xi32, #tpu.memory_space<vmem>>, vector<16xi32>,
      %bitcast3A_550 = vector.bitcast %get3A_549 : vector<16xi32> to vector<32xbf16>
      %add3A_551 = arith.addf %bitcast3A_542, %bitcast3A_546 : vector<32xbf16>
      %add3A_552 = arith.addf %add3A_551, %bitcast3A_550 : vector<32xbf16>
      %max3A_553 = arith.maximumf %add3A_552, %broadcast_in_dim3A_61 : vector<32xbf16>
      %mul3A_554 = arith.mulf %max3A_553, %bitcast3A_43 : vector<32xbf16>
      %unpack3A_555 = tpu.unpack_subelements %mul3A_554, 0 {pack_format = #tpu.pack_format<interleaved>} : vector<32xbf16> -> vector<16xf32>
      %unpack3A_556 = tpu.unpack_subelements %mul3A_554, 1 {pack_format = #tpu.pack_format<interleaved>} : vector<32xbf16> -> vector<16xf32>
      %add3A_557 = arith.addf %add3A_509, %unpack3A_555 : vector<16xf32>
      %add3A_558 = arith.addf %add3A_510, %unpack3A_556 : vector<16xf32>
      %get3A_559 = arith.constant 0 : i32
      %get3A_560 = arith.constant 0 : i32
      %get3A_561 = tpu.memref_slice %arg14[%scan3A_81, %get3A_559, %get3A_560] : memref<2x128x128xi32, #tpu.memory_space<vmem>> -> memref<1x128x128xi32, #tpu.memory_space<vmem>>
      %get3A_562 = tpu.memref_squeeze %get3A_561 : memref<1x128x128xi32, #tpu.memory_space<vmem>> -> memref<128x128xi32, #tpu.memory_space<vmem>>
      %get3A_563 = arith.index_cast %add3A_404 : i32 to index
      %get3A_564 = arith.constant 96 : index
      %get3A_565 = tpu.vector_load %get3A_562[%get3A_563, %get3A_564] {strides = array<i32>} : memref<128x128xi32, #tpu.memory_space<vmem>>, vector<16xi32>,
      %bitcast3A_566 = vector.bitcast %get3A_565 : vector<16xi32> to vector<32xbf16>
      %get3A_567 = arith.index_cast %squeeze3A_414 : i32 to index
      %get3A_568 = arith.constant 96 : index
      %get3A_569 = tpu.vector_load %arg13[%get3A_567, %get3A_568] {strides = array<i32>} : memref<100x128xi32, #tpu.memory_space<vmem>>, vector<16xi32>,
      %bitcast3A_570 = vector.bitcast %get3A_569 : vector<16xi32> to vector<32xbf16>
      %get3A_571 = arith.index_cast %squeeze3A_410 : i32 to index
      %get3A_572 = arith.constant 96 : index
      %get3A_573 = tpu.vector_load %arg12[%get3A_571, %get3A_572] {strides = array<i32>} : memref<16x128xi32, #tpu.memory_space<vmem>>, vector<16xi32>,
      %bitcast3A_574 = vector.bitcast %get3A_573 : vector<16xi32> to vector<32xbf16>
      %add3A_575 = arith.addf %bitcast3A_566, %bitcast3A_570 : vector<32xbf16>
      %add3A_576 = arith.addf %add3A_575, %bitcast3A_574 : vector<32xbf16>
      %max3A_577 = arith.maximumf %add3A_576, %broadcast_in_dim3A_61 : vector<32xbf16>
      %mul3A_578 = arith.mulf %max3A_577, %bitcast3A_48 : vector<32xbf16>
      %unpack3A_579 = tpu.unpack_subelements %mul3A_578, 0 {pack_format = #tpu.pack_format<interleaved>} : vector<32xbf16> -> vector<16xf32>
      %unpack3A_580 = tpu.unpack_subelements %mul3A_578, 1 {pack_format = #tpu.pack_format<interleaved>} : vector<32xbf16> -> vector<16xf32>
      %add3A_581 = arith.addf %add3A_533, %unpack3A_579 : vector<16xf32>
      %add3A_582 = arith.addf %add3A_534, %unpack3A_580 : vector<16xf32>
      %get3A_583 = arith.constant 0 : i32
      %get3A_584 = arith.constant 0 : i32
      %get3A_585 = tpu.memref_slice %arg14[%scan3A_81, %get3A_583, %get3A_584] : memref<2x128x128xi32, #tpu.memory_space<vmem>> -> memref<1x128x128xi32, #tpu.memory_space<vmem>>
      %get3A_586 = tpu.memref_squeeze %get3A_585 : memref<1x128x128xi32, #tpu.memory_space<vmem>> -> memref<128x128xi32, #tpu.memory_space<vmem>>
      %get3A_587 = arith.index_cast %add3A_404 : i32 to index
      %get3A_588 = arith.constant 112 : index
      %get3A_589 = tpu.vector_load %get3A_586[%get3A_587, %get3A_588] {strides = array<i32>} : memref<128x128xi32, #tpu.memory_space<vmem>>, vector<16xi32>,
      %bitcast3A_590 = vector.bitcast %get3A_589 : vector<16xi32> to vector<32xbf16>
      %get3A_591 = arith.index_cast %squeeze3A_414 : i32 to index
      %get3A_592 = arith.constant 112 : index
      %get3A_593 = tpu.vector_load %arg13[%get3A_591, %get3A_592] {strides = array<i32>} : memref<100x128xi32, #tpu.memory_space<vmem>>, vector<16xi32>,
      %bitcast3A_594 = vector.bitcast %get3A_593 : vector<16xi32> to vector<32xbf16>
      %get3A_595 = arith.index_cast %squeeze3A_410 : i32 to index
      %get3A_596 = arith.constant 112 : index
      %get3A_597 = tpu.vector_load %arg12[%get3A_595, %get3A_596] {strides = array<i32>} : memref<16x128xi32, #tpu.memory_space<vmem>>, vector<16xi32>,
      %bitcast3A_598 = vector.bitcast %get3A_597 : vector<16xi32> to vector<32xbf16>
      %add3A_599 = arith.addf %bitcast3A_590, %bitcast3A_594 : vector<32xbf16>
      %add3A_600 = arith.addf %add3A_599, %bitcast3A_598 : vector<32xbf16>
      %max3A_601 = arith.maximumf %add3A_600, %broadcast_in_dim3A_61 : vector<32xbf16>
      %mul3A_602 = arith.mulf %max3A_601, %bitcast3A_53 : vector<32xbf16>
      %unpack3A_603 = tpu.unpack_subelements %mul3A_602, 0 {pack_format = #tpu.pack_format<interleaved>} : vector<32xbf16> -> vector<16xf32>
      %unpack3A_604 = tpu.unpack_subelements %mul3A_602, 1 {pack_format = #tpu.pack_format<interleaved>} : vector<32xbf16> -> vector<16xf32>
      %add3A_605 = arith.addf %add3A_557, %unpack3A_603 : vector<16xf32>
      %add3A_606 = arith.addf %add3A_558, %unpack3A_604 : vector<16xf32>
      %add3A_607 = arith.addf %add3A_581, %add3A_605 : vector<16xf32>
      %add3A_608 = arith.addf %add3A_582, %add3A_606 : vector<16xf32>
      %add3A_609 = arith.addf %add3A_607, %add3A_608 : vector<16xf32>
      %mul3A_610 = arith.constant 16 : i32
      %mul3A_611 = arith.muli %add3A_404, %mul3A_610 : i32
      %swap3A_612 = arith.index_cast %mul3A_611 : i32 to index
      %swap3A_613 = tpu.vector_load %arg22[%swap3A_612] {strides = array<i32>} : memref<2048xf32, #tpu.memory_space<vmem>>, vector<16xf32>,
      tpu.vector_store %arg22[%swap3A_612], %add3A_609 {strides = array<i32>} : memref<2048xf32, #tpu.memory_space<vmem>>, vector<16xf32>,
    }
    %scan3A_86 = arith.constant 128 : i32
    %iota3A = tpu.iota {dimensions = array<i32: 0>} : vector<16xi32>
    %mul3A_87 = arith.constant 16 : i32
    %mul3A_88 = vector.broadcast %mul3A_87 : i32 to vector<16xi32>
    %mul3A_89 = arith.muli %iota3A, %mul3A_88 : vector<16xi32>
    %scan3A_90 = arith.constant 0 : i32
    %scan3A_91 = arith.constant 8 : i32
    %scan3A_92 = arith.addi %scan3A_90, %scan3A_91 : i32
    %scan3A_93 = arith.constant 1 : i32
    scf.for %scan3A_190 = %scan3A_90 to %scan3A_92 step %scan3A_93  : i32 {
      %mul3A_191 = arith.constant 1 : i32
      %mul3A_192 = arith.muli %scan3A_190, %mul3A_191 : i32
      %add3A_193 = arith.constant 0 : i32
      %add3A_194 = arith.addi %add3A_193, %mul3A_192 : i32
      %mul3A_195 = arith.constant 256 : i32
      %mul3A_196 = arith.muli %add3A_194, %mul3A_195 : i32
      %add3A_197 = vector.broadcast %mul3A_196 : i32 to vector<16xi32>
      %add3A_198 = arith.addi %mul3A_89, %add3A_197 : vector<16xi32>
      %gather3A = tpu.vector_load_idx %arg22[%add3A_198] : memref<2048xf32, #tpu.memory_space<vmem>>[vector<16xi32>], vector<16xf32>,
      %add3A_199 = arith.constant 1 : i32
      %add3A_200 = arith.addi %mul3A_196, %add3A_199 : i32
      %add3A_201 = vector.broadcast %add3A_200 : i32 to vector<16xi32>
      %add3A_202 = arith.addi %mul3A_89, %add3A_201 : vector<16xi32>
      %gather3A_203 = tpu.vector_load_idx %arg22[%add3A_202] : memref<2048xf32, #tpu.memory_space<vmem>>[vector<16xi32>], vector<16xf32>,
      %add3A_204 = arith.addf %gather3A, %gather3A_203 : vector<16xf32>
      %add3A_205 = arith.constant 2 : i32
      %add3A_206 = arith.addi %mul3A_196, %add3A_205 : i32
      %add3A_207 = vector.broadcast %add3A_206 : i32 to vector<16xi32>
      %add3A_208 = arith.addi %mul3A_89, %add3A_207 : vector<16xi32>
      %gather3A_209 = tpu.vector_load_idx %arg22[%add3A_208] : memref<2048xf32, #tpu.memory_space<vmem>>[vector<16xi32>], vector<16xf32>,
      %add3A_210 = arith.addf %add3A_204, %gather3A_209 : vector<16xf32>
      %add3A_211 = arith.constant 3 : i32
      %add3A_212 = arith.addi %mul3A_196, %add3A_211 : i32
      %add3A_213 = vector.broadcast %add3A_212 : i32 to vector<16xi32>
      %add3A_214 = arith.addi %mul3A_89, %add3A_213 : vector<16xi32>
      %gather3A_215 = tpu.vector_load_idx %arg22[%add3A_214] : memref<2048xf32, #tpu.memory_space<vmem>>[vector<16xi32>], vector<16xf32>,
      %add3A_216 = arith.addf %add3A_210, %gather3A_215 : vector<16xf32>
      %add3A_217 = arith.constant 4 : i32
      %add3A_218 = arith.addi %mul3A_196, %add3A_217 : i32
      %add3A_219 = vector.broadcast %add3A_218 : i32 to vector<16xi32>
      %add3A_220 = arith.addi %mul3A_89, %add3A_219 : vector<16xi32>
      %gather3A_221 = tpu.vector_load_idx %arg22[%add3A_220] : memref<2048xf32, #tpu.memory_space<vmem>>[vector<16xi32>], vector<16xf32>,
      %add3A_222 = arith.addf %add3A_216, %gather3A_221 : vector<16xf32>
      %add3A_223 = arith.constant 5 : i32
      %add3A_224 = arith.addi %mul3A_196, %add3A_223 : i32
      %add3A_225 = vector.broadcast %add3A_224 : i32 to vector<16xi32>
      %add3A_226 = arith.addi %mul3A_89, %add3A_225 : vector<16xi32>
      %gather3A_227 = tpu.vector_load_idx %arg22[%add3A_226] : memref<2048xf32, #tpu.memory_space<vmem>>[vector<16xi32>], vector<16xf32>,
      %add3A_228 = arith.addf %add3A_222, %gather3A_227 : vector<16xf32>
      %add3A_229 = arith.constant 6 : i32
      %add3A_230 = arith.addi %mul3A_196, %add3A_229 : i32
      %add3A_231 = vector.broadcast %add3A_230 : i32 to vector<16xi32>
      %add3A_232 = arith.addi %mul3A_89, %add3A_231 : vector<16xi32>
      %gather3A_233 = tpu.vector_load_idx %arg22[%add3A_232] : memref<2048xf32, #tpu.memory_space<vmem>>[vector<16xi32>], vector<16xf32>,
      %add3A_234 = arith.addf %add3A_228, %gather3A_233 : vector<16xf32>
      %add3A_235 = arith.constant 7 : i32
      %add3A_236 = arith.addi %mul3A_196, %add3A_235 : i32
      %add3A_237 = vector.broadcast %add3A_236 : i32 to vector<16xi32>
      %add3A_238 = arith.addi %mul3A_89, %add3A_237 : vector<16xi32>
      %gather3A_239 = tpu.vector_load_idx %arg22[%add3A_238] : memref<2048xf32, #tpu.memory_space<vmem>>[vector<16xi32>], vector<16xf32>,
      %add3A_240 = arith.addf %add3A_234, %gather3A_239 : vector<16xf32>
      %add3A_241 = arith.constant 8 : i32
      %add3A_242 = arith.addi %mul3A_196, %add3A_241 : i32
      %add3A_243 = vector.broadcast %add3A_242 : i32 to vector<16xi32>
      %add3A_244 = arith.addi %mul3A_89, %add3A_243 : vector<16xi32>
      %gather3A_245 = tpu.vector_load_idx %arg22[%add3A_244] : memref<2048xf32, #tpu.memory_space<vmem>>[vector<16xi32>], vector<16xf32>,
      %add3A_246 = arith.addf %add3A_240, %gather3A_245 : vector<16xf32>
      %add3A_247 = arith.constant 9 : i32
      %add3A_248 = arith.addi %mul3A_196, %add3A_247 : i32
      %add3A_249 = vector.broadcast %add3A_248 : i32 to vector<16xi32>
      %add3A_250 = arith.addi %mul3A_89, %add3A_249 : vector<16xi32>
      %gather3A_251 = tpu.vector_load_idx %arg22[%add3A_250] : memref<2048xf32, #tpu.memory_space<vmem>>[vector<16xi32>], vector<16xf32>,
      %add3A_252 = arith.addf %add3A_246, %gather3A_251 : vector<16xf32>
      %add3A_253 = arith.constant 10 : i32
      %add3A_254 = arith.addi %mul3A_196, %add3A_253 : i32
      %add3A_255 = vector.broadcast %add3A_254 : i32 to vector<16xi32>
      %add3A_256 = arith.addi %mul3A_89, %add3A_255 : vector<16xi32>
      %gather3A_257 = tpu.vector_load_idx %arg22[%add3A_256] : memref<2048xf32, #tpu.memory_space<vmem>>[vector<16xi32>], vector<16xf32>,
      %add3A_258 = arith.addf %add3A_252, %gather3A_257 : vector<16xf32>
      %add3A_259 = arith.constant 11 : i32
      %add3A_260 = arith.addi %mul3A_196, %add3A_259 : i32
      %add3A_261 = vector.broadcast %add3A_260 : i32 to vector<16xi32>
      %add3A_262 = arith.addi %mul3A_89, %add3A_261 : vector<16xi32>
      %gather3A_263 = tpu.vector_load_idx %arg22[%add3A_262] : memref<2048xf32, #tpu.memory_space<vmem>>[vector<16xi32>], vector<16xf32>,
      %add3A_264 = arith.addf %add3A_258, %gather3A_263 : vector<16xf32>
      %add3A_265 = arith.constant 12 : i32
      %add3A_266 = arith.addi %mul3A_196, %add3A_265 : i32
      %add3A_267 = vector.broadcast %add3A_266 : i32 to vector<16xi32>
      %add3A_268 = arith.addi %mul3A_89, %add3A_267 : vector<16xi32>
      %gather3A_269 = tpu.vector_load_idx %arg22[%add3A_268] : memref<2048xf32, #tpu.memory_space<vmem>>[vector<16xi32>], vector<16xf32>,
      %add3A_270 = arith.addf %add3A_264, %gather3A_269 : vector<16xf32>
      %add3A_271 = arith.constant 13 : i32
      %add3A_272 = arith.addi %mul3A_196, %add3A_271 : i32
      %add3A_273 = vector.broadcast %add3A_272 : i32 to vector<16xi32>
      %add3A_274 = arith.addi %mul3A_89, %add3A_273 : vector<16xi32>
      %gather3A_275 = tpu.vector_load_idx %arg22[%add3A_274] : memref<2048xf32, #tpu.memory_space<vmem>>[vector<16xi32>], vector<16xf32>,
      %add3A_276 = arith.addf %add3A_270, %gather3A_275 : vector<16xf32>
      %add3A_277 = arith.constant 14 : i32
      %add3A_278 = arith.addi %mul3A_196, %add3A_277 : i32
      %add3A_279 = vector.broadcast %add3A_278 : i32 to vector<16xi32>
      %add3A_280 = arith.addi %mul3A_89, %add3A_279 : vector<16xi32>
      %gather3A_281 = tpu.vector_load_idx %arg22[%add3A_280] : memref<2048xf32, #tpu.memory_space<vmem>>[vector<16xi32>], vector<16xf32>,
      %add3A_282 = arith.addf %add3A_276, %gather3A_281 : vector<16xf32>
      %add3A_283 = arith.constant 15 : i32
      %add3A_284 = arith.addi %mul3A_196, %add3A_283 : i32
      %add3A_285 = vector.broadcast %add3A_284 : i32 to vector<16xi32>
      %add3A_286 = arith.addi %mul3A_89, %add3A_285 : vector<16xi32>
      %gather3A_287 = tpu.vector_load_idx %arg22[%add3A_286] : memref<2048xf32, #tpu.memory_space<vmem>>[vector<16xi32>], vector<16xf32>,
      %add3A_288 = arith.addf %add3A_282, %gather3A_287 : vector<16xf32>
      %mul3A_289 = arith.constant 16 : i32
      %mul3A_290 = arith.muli %add3A_194, %mul3A_289 : i32
      %add3A_291 = arith.constant 0 : i32
      %add3A_292 = arith.addi %add3A_291, %mul3A_290 : i32
      %swap3A = arith.index_cast %add3A_292 : i32 to index
      %swap3A_293 = tpu.vector_load %arg21[%swap3A] {strides = array<i32>} : memref<512xf32, #tpu.memory_space<vmem>>, vector<16xf32>,
      tpu.vector_store %arg21[%swap3A], %add3A_288 {strides = array<i32>} : memref<512xf32, #tpu.memory_space<vmem>>, vector<16xf32>,
    }
    %scan3A_94 = arith.constant 8 : i32
    %dma_start3A_95 = arith.constant 0 : i32
    %dma_start3A_96 = arith.constant 0 : i32
    %dma_start3A_97 = arith.constant 0 : i32
    %dma_start3A_98 = tpu.memref_slice %arg14[%dma_start3A_95, %dma_start3A_96, %dma_start3A_97] : memref<2x128x128xi32, #tpu.memory_space<vmem>> -> memref<1x128x128xi32, #tpu.memory_space<vmem>>
    %dma_start3A_99 = tpu.memref_squeeze %dma_start3A_98 : memref<1x128x128xi32, #tpu.memory_space<vmem>> -> memref<128x128xi32, #tpu.memory_space<vmem>>
    %dma_start3A_100 = arith.constant 256 : i32
    %dma_start3A_101 = tpu.memref_slice %arg20[%dma_start3A_100] : memref<512xi32, #tpu.memory_space<vmem>> -> memref<128xi32, #tpu.memory_space<vmem>>
    %dma_start3A_102 = arith.constant 0 : i32
    %dma_start3A_103 = arith.constant 0 : i32
    %dma_start3A_104 = tpu.memref_slice %arg4[%dma_start3A_102, %dma_start3A_103] : memref<1000x128xi32, #tpu.memory_space<hbm>> -> memref<1000x128xi32, #tpu.memory_space<hbm>>
    tpu.enqueue_indirect_dma source(%dma_start3A_104 : memref<1000x128xi32, #tpu.memory_space<hbm>>) target(%dma_start3A_99 : memref<128x128xi32, #tpu.memory_space<vmem>>) offsets(%dma_start3A_101 : memref<128xi32, #tpu.memory_space<vmem>>) semaphore(%arg24 : memref<!tpu.dma_semaphore, #tpu.memory_space<semaphore_mem>>)
    %dma_wait3A_105 = arith.constant 1 : i32
    %dma_wait3A_106 = arith.constant 0 : i32
    %dma_wait3A_107 = arith.constant 0 : i32
    %dma_wait3A_108 = tpu.memref_slice %arg14[%dma_wait3A_105, %dma_wait3A_106, %dma_wait3A_107] : memref<2x128x128xi32, #tpu.memory_space<vmem>> -> memref<1x128x128xi32, #tpu.memory_space<vmem>>
    %dma_wait3A_109 = tpu.memref_squeeze %dma_wait3A_108 : memref<1x128x128xi32, #tpu.memory_space<vmem>> -> memref<128x128xi32, #tpu.memory_space<vmem>>
    %dma_wait3A_110 = arith.constant 128 : i32
    %dma_wait3A_111 = tpu.memref_slice %arg20[%dma_wait3A_110] : memref<512xi32, #tpu.memory_space<vmem>> -> memref<128xi32, #tpu.memory_space<vmem>>
    %dma_wait3A_112 = arith.constant 0 : i32
    %dma_wait3A_113 = arith.constant 0 : i32
    %dma_wait3A_114 = tpu.memref_slice %arg4[%dma_wait3A_112, %dma_wait3A_113] : memref<1000x128xi32, #tpu.memory_space<hbm>> -> memref<1000x128xi32, #tpu.memory_space<hbm>>
    tpu.wait_indirect_dma semaphore(%arg25 : memref<!tpu.dma_semaphore, #tpu.memory_space<semaphore_mem>>) src(%dma_wait3A_114 : memref<1000x128xi32, #tpu.memory_space<hbm>>) dst(%dma_wait3A_109 : memref<128x128xi32, #tpu.memory_space<vmem>>)
    %scan3A_115 = arith.constant 1 : i32
    %scan3A_116 = arith.constant 0 : i32
    %scan3A_117 = arith.constant 128 : i32
    %scan3A_118 = arith.addi %scan3A_116, %scan3A_117 : i32
    %scan3A_119 = arith.constant 2 : i32
    scf.for %scan3A_190 = %scan3A_116 to %scan3A_118 step %scan3A_119  : i32 {
      %mul3A_191 = arith.constant 1 : i32
      %mul3A_192 = arith.muli %scan3A_190, %mul3A_191 : i32
      %add3A_193 = arith.constant 0 : i32
      %add3A_194 = arith.addi %add3A_193, %mul3A_192 : i32
      %add3A_195 = arith.constant 128 : i32
      %add3A_196 = arith.addi %add3A_195, %add3A_194 : i32
      %get3A_197 = arith.index_cast %add3A_196 : i32 to index
      %get3A_198 = tpu.vector_load %arg23[%get3A_197] {strides = array<i32>} : memref<528xi32, #tpu.memory_space<vmem>>, vector<16xi32>,
      %slice3A = vector.extract_strided_slice %get3A_198 {offsets = [0], sizes = [1], strides = [1]} : vector<16xi32> to vector<1xi32>
      %squeeze3A = vector.extract %slice3A[0] : i32 from vector<1xi32>
      %get3A_199 = arith.index_cast %add3A_196 : i32 to index
      %get3A_200 = tpu.vector_load %arg18[%get3A_199] {strides = array<i32>} : memref<528xi32, #tpu.memory_space<vmem>>, vector<16xi32>,
      %slice3A_201 = vector.extract_strided_slice %get3A_200 {offsets = [0], sizes = [1], strides = [1]} : vector<16xi32> to vector<1xi32>
      %squeeze3A_202 = vector.extract %slice3A_201[0] : i32 from vector<1xi32>
      %get3A_203 = arith.constant 0 : i32
      %get3A_204 = arith.constant 0 : i32
      %get3A_205 = tpu.memref_slice %arg14[%scan3A_115, %get3A_203, %get3A_204] : memref<2x128x128xi32, #tpu.memory_space<vmem>> -> memref<1x128x128xi32, #tpu.memory_space<vmem>>
      %get3A_206 = tpu.memref_squeeze %get3A_205 : memref<1x128x128xi32, #tpu.memory_space<vmem>> -> memref<128x128xi32, #tpu.memory_space<vmem>>
      %get3A_207 = arith.index_cast %add3A_194 : i32 to index
      %get3A_208 = arith.constant 0 : index
      %get3A_209 = tpu.vector_load %get3A_206[%get3A_207, %get3A_208] {strides = array<i32>} : memref<128x128xi32, #tpu.memory_space<vmem>>, vector<16xi32>,
      %bitcast3A_210 = vector.bitcast %get3A_209 : vector<16xi32> to vector<32xbf16>
      %get3A_211 = arith.index_cast %squeeze3A_202 : i32 to index
      %get3A_212 = arith.constant 0 : index
      %get3A_213 = tpu.vector_load %arg13[%get3A_211, %get3A_212] {strides = array<i32>} : memref<100x128xi32, #tpu.memory_space<vmem>>, vector<16xi32>,
      %bitcast3A_214 = vector.bitcast %get3A_213 : vector<16xi32> to vector<32xbf16>
      %get3A_215 = arith.index_cast %squeeze3A : i32 to index
      %get3A_216 = arith.constant 0 : index
      %get3A_217 = tpu.vector_load %arg12[%get3A_215, %get3A_216] {strides = array<i32>} : memref<16x128xi32, #tpu.memory_space<vmem>>, vector<16xi32>,
      %bitcast3A_218 = vector.bitcast %get3A_217 : vector<16xi32> to vector<32xbf16>
      %add3A_219 = arith.addf %bitcast3A_210, %bitcast3A_214 : vector<32xbf16>
      %add3A_220 = arith.addf %add3A_219, %bitcast3A_218 : vector<32xbf16>
      %max3A = arith.maximumf %add3A_220, %broadcast_in_dim3A_61 : vector<32xbf16>
      %mul3A_221 = arith.mulf %max3A, %bitcast3A : vector<32xbf16>
      %unpack3A = tpu.unpack_subelements %mul3A_221, 0 {pack_format = #tpu.pack_format<interleaved>} : vector<32xbf16> -> vector<16xf32>
      %unpack3A_222 = tpu.unpack_subelements %mul3A_221, 1 {pack_format = #tpu.pack_format<interleaved>} : vector<32xbf16> -> vector<16xf32>
      %add3A_223 = arith.addf %get3A_57, %unpack3A : vector<16xf32>
      %add3A_224 = arith.addf %mul3A_60, %unpack3A_222 : vector<16xf32>
      %get3A_225 = arith.constant 0 : i32
      %get3A_226 = arith.constant 0 : i32
      %get3A_227 = tpu.memref_slice %arg14[%scan3A_115, %get3A_225, %get3A_226] : memref<2x128x128xi32, #tpu.memory_space<vmem>> -> memref<1x128x128xi32, #tpu.memory_space<vmem>>
      %get3A_228 = tpu.memref_squeeze %get3A_227 : memref<1x128x128xi32, #tpu.memory_space<vmem>> -> memref<128x128xi32, #tpu.memory_space<vmem>>
      %get3A_229 = arith.index_cast %add3A_194 : i32 to index
      %get3A_230 = arith.constant 16 : index
      %get3A_231 = tpu.vector_load %get3A_228[%get3A_229, %get3A_230] {strides = array<i32>} : memref<128x128xi32, #tpu.memory_space<vmem>>, vector<16xi32>,
      %bitcast3A_232 = vector.bitcast %get3A_231 : vector<16xi32> to vector<32xbf16>
      %get3A_233 = arith.index_cast %squeeze3A_202 : i32 to index
      %get3A_234 = arith.constant 16 : index
      %get3A_235 = tpu.vector_load %arg13[%get3A_233, %get3A_234] {strides = array<i32>} : memref<100x128xi32, #tpu.memory_space<vmem>>, vector<16xi32>,
      %bitcast3A_236 = vector.bitcast %get3A_235 : vector<16xi32> to vector<32xbf16>
      %get3A_237 = arith.index_cast %squeeze3A : i32 to index
      %get3A_238 = arith.constant 16 : index
      %get3A_239 = tpu.vector_load %arg12[%get3A_237, %get3A_238] {strides = array<i32>} : memref<16x128xi32, #tpu.memory_space<vmem>>, vector<16xi32>,
      %bitcast3A_240 = vector.bitcast %get3A_239 : vector<16xi32> to vector<32xbf16>
      %add3A_241 = arith.addf %bitcast3A_232, %bitcast3A_236 : vector<32xbf16>
      %add3A_242 = arith.addf %add3A_241, %bitcast3A_240 : vector<32xbf16>
      %max3A_243 = arith.maximumf %add3A_242, %broadcast_in_dim3A_61 : vector<32xbf16>
      %mul3A_244 = arith.mulf %max3A_243, %bitcast3A_23 : vector<32xbf16>
      %unpack3A_245 = tpu.unpack_subelements %mul3A_244, 0 {pack_format = #tpu.pack_format<interleaved>} : vector<32xbf16> -> vector<16xf32>
      %unpack3A_246 = tpu.unpack_subelements %mul3A_244, 1 {pack_format = #tpu.pack_format<interleaved>} : vector<32xbf16> -> vector<16xf32>
      %add3A_247 = arith.addf %mul3A_60, %unpack3A_245 : vector<16xf32>
      %add3A_248 = arith.addf %mul3A_60, %unpack3A_246 : vector<16xf32>
      %get3A_249 = arith.constant 0 : i32
      %get3A_250 = arith.constant 0 : i32
      %get3A_251 = tpu.memref_slice %arg14[%scan3A_115, %get3A_249, %get3A_250] : memref<2x128x128xi32, #tpu.memory_space<vmem>> -> memref<1x128x128xi32, #tpu.memory_space<vmem>>
      %get3A_252 = tpu.memref_squeeze %get3A_251 : memref<1x128x128xi32, #tpu.memory_space<vmem>> -> memref<128x128xi32, #tpu.memory_space<vmem>>
      %get3A_253 = arith.index_cast %add3A_194 : i32 to index
      %get3A_254 = arith.constant 32 : index
      %get3A_255 = tpu.vector_load %get3A_252[%get3A_253, %get3A_254] {strides = array<i32>} : memref<128x128xi32, #tpu.memory_space<vmem>>, vector<16xi32>,
      %bitcast3A_256 = vector.bitcast %get3A_255 : vector<16xi32> to vector<32xbf16>
      %get3A_257 = arith.index_cast %squeeze3A_202 : i32 to index
      %get3A_258 = arith.constant 32 : index
      %get3A_259 = tpu.vector_load %arg13[%get3A_257, %get3A_258] {strides = array<i32>} : memref<100x128xi32, #tpu.memory_space<vmem>>, vector<16xi32>,
      %bitcast3A_260 = vector.bitcast %get3A_259 : vector<16xi32> to vector<32xbf16>
      %get3A_261 = arith.index_cast %squeeze3A : i32 to index
      %get3A_262 = arith.constant 32 : index
      %get3A_263 = tpu.vector_load %arg12[%get3A_261, %get3A_262] {strides = array<i32>} : memref<16x128xi32, #tpu.memory_space<vmem>>, vector<16xi32>,
      %bitcast3A_264 = vector.bitcast %get3A_263 : vector<16xi32> to vector<32xbf16>
      %add3A_265 = arith.addf %bitcast3A_256, %bitcast3A_260 : vector<32xbf16>
      %add3A_266 = arith.addf %add3A_265, %bitcast3A_264 : vector<32xbf16>
      %max3A_267 = arith.maximumf %add3A_266, %broadcast_in_dim3A_61 : vector<32xbf16>
      %mul3A_268 = arith.mulf %max3A_267, %bitcast3A_28 : vector<32xbf16>
      %unpack3A_269 = tpu.unpack_subelements %mul3A_268, 0 {pack_format = #tpu.pack_format<interleaved>} : vector<32xbf16> -> vector<16xf32>
      %unpack3A_270 = tpu.unpack_subelements %mul3A_268, 1 {pack_format = #tpu.pack_format<interleaved>} : vector<32xbf16> -> vector<16xf32>
      %add3A_271 = arith.addf %add3A_223, %unpack3A_269 : vector<16xf32>
      %add3A_272 = arith.addf %add3A_224, %unpack3A_270 : vector<16xf32>
      %get3A_273 = arith.constant 0 : i32
      %get3A_274 = arith.constant 0 : i32
      %get3A_275 = tpu.memref_slice %arg14[%scan3A_115, %get3A_273, %get3A_274] : memref<2x128x128xi32, #tpu.memory_space<vmem>> -> memref<1x128x128xi32, #tpu.memory_space<vmem>>
      %get3A_276 = tpu.memref_squeeze %get3A_275 : memref<1x128x128xi32, #tpu.memory_space<vmem>> -> memref<128x128xi32, #tpu.memory_space<vmem>>
      %get3A_277 = arith.index_cast %add3A_194 : i32 to index
      %get3A_278 = arith.constant 48 : index
      %get3A_279 = tpu.vector_load %get3A_276[%get3A_277, %get3A_278] {strides = array<i32>} : memref<128x128xi32, #tpu.memory_space<vmem>>, vector<16xi32>,
      %bitcast3A_280 = vector.bitcast %get3A_279 : vector<16xi32> to vector<32xbf16>
      %get3A_281 = arith.index_cast %squeeze3A_202 : i32 to index
      %get3A_282 = arith.constant 48 : index
      %get3A_283 = tpu.vector_load %arg13[%get3A_281, %get3A_282] {strides = array<i32>} : memref<100x128xi32, #tpu.memory_space<vmem>>, vector<16xi32>,
      %bitcast3A_284 = vector.bitcast %get3A_283 : vector<16xi32> to vector<32xbf16>
      %get3A_285 = arith.index_cast %squeeze3A : i32 to index
      %get3A_286 = arith.constant 48 : index
      %get3A_287 = tpu.vector_load %arg12[%get3A_285, %get3A_286] {strides = array<i32>} : memref<16x128xi32, #tpu.memory_space<vmem>>, vector<16xi32>,
      %bitcast3A_288 = vector.bitcast %get3A_287 : vector<16xi32> to vector<32xbf16>
      %add3A_289 = arith.addf %bitcast3A_280, %bitcast3A_284 : vector<32xbf16>
      %add3A_290 = arith.addf %add3A_289, %bitcast3A_288 : vector<32xbf16>
      %max3A_291 = arith.maximumf %add3A_290, %broadcast_in_dim3A_61 : vector<32xbf16>
      %mul3A_292 = arith.mulf %max3A_291, %bitcast3A_33 : vector<32xbf16>
      %unpack3A_293 = tpu.unpack_subelements %mul3A_292, 0 {pack_format = #tpu.pack_format<interleaved>} : vector<32xbf16> -> vector<16xf32>
      %unpack3A_294 = tpu.unpack_subelements %mul3A_292, 1 {pack_format = #tpu.pack_format<interleaved>} : vector<32xbf16> -> vector<16xf32>
      %add3A_295 = arith.addf %add3A_247, %unpack3A_293 : vector<16xf32>
      %add3A_296 = arith.addf %add3A_248, %unpack3A_294 : vector<16xf32>
      %get3A_297 = arith.constant 0 : i32
      %get3A_298 = arith.constant 0 : i32
      %get3A_299 = tpu.memref_slice %arg14[%scan3A_115, %get3A_297, %get3A_298] : memref<2x128x128xi32, #tpu.memory_space<vmem>> -> memref<1x128x128xi32, #tpu.memory_space<vmem>>
      %get3A_300 = tpu.memref_squeeze %get3A_299 : memref<1x128x128xi32, #tpu.memory_space<vmem>> -> memref<128x128xi32, #tpu.memory_space<vmem>>
      %get3A_301 = arith.index_cast %add3A_194 : i32 to index
      %get3A_302 = arith.constant 64 : index
      %get3A_303 = tpu.vector_load %get3A_300[%get3A_301, %get3A_302] {strides = array<i32>} : memref<128x128xi32, #tpu.memory_space<vmem>>, vector<16xi32>,
      %bitcast3A_304 = vector.bitcast %get3A_303 : vector<16xi32> to vector<32xbf16>
      %get3A_305 = arith.index_cast %squeeze3A_202 : i32 to index
      %get3A_306 = arith.constant 64 : index
      %get3A_307 = tpu.vector_load %arg13[%get3A_305, %get3A_306] {strides = array<i32>} : memref<100x128xi32, #tpu.memory_space<vmem>>, vector<16xi32>,
      %bitcast3A_308 = vector.bitcast %get3A_307 : vector<16xi32> to vector<32xbf16>
      %get3A_309 = arith.index_cast %squeeze3A : i32 to index
      %get3A_310 = arith.constant 64 : index
      %get3A_311 = tpu.vector_load %arg12[%get3A_309, %get3A_310] {strides = array<i32>} : memref<16x128xi32, #tpu.memory_space<vmem>>, vector<16xi32>,
      %bitcast3A_312 = vector.bitcast %get3A_311 : vector<16xi32> to vector<32xbf16>
      %add3A_313 = arith.addf %bitcast3A_304, %bitcast3A_308 : vector<32xbf16>
      %add3A_314 = arith.addf %add3A_313, %bitcast3A_312 : vector<32xbf16>
      %max3A_315 = arith.maximumf %add3A_314, %broadcast_in_dim3A_61 : vector<32xbf16>
      %mul3A_316 = arith.mulf %max3A_315, %bitcast3A_38 : vector<32xbf16>
      %unpack3A_317 = tpu.unpack_subelements %mul3A_316, 0 {pack_format = #tpu.pack_format<interleaved>} : vector<32xbf16> -> vector<16xf32>
      %unpack3A_318 = tpu.unpack_subelements %mul3A_316, 1 {pack_format = #tpu.pack_format<interleaved>} : vector<32xbf16> -> vector<16xf32>
      %add3A_319 = arith.addf %add3A_271, %unpack3A_317 : vector<16xf32>
      %add3A_320 = arith.addf %add3A_272, %unpack3A_318 : vector<16xf32>
      %get3A_321 = arith.constant 0 : i32
      %get3A_322 = arith.constant 0 : i32
      %get3A_323 = tpu.memref_slice %arg14[%scan3A_115, %get3A_321, %get3A_322] : memref<2x128x128xi32, #tpu.memory_space<vmem>> -> memref<1x128x128xi32, #tpu.memory_space<vmem>>
      %get3A_324 = tpu.memref_squeeze %get3A_323 : memref<1x128x128xi32, #tpu.memory_space<vmem>> -> memref<128x128xi32, #tpu.memory_space<vmem>>
      %get3A_325 = arith.index_cast %add3A_194 : i32 to index
      %get3A_326 = arith.constant 80 : index
      %get3A_327 = tpu.vector_load %get3A_324[%get3A_325, %get3A_326] {strides = array<i32>} : memref<128x128xi32, #tpu.memory_space<vmem>>, vector<16xi32>,
      %bitcast3A_328 = vector.bitcast %get3A_327 : vector<16xi32> to vector<32xbf16>
      %get3A_329 = arith.index_cast %squeeze3A_202 : i32 to index
      %get3A_330 = arith.constant 80 : index
      %get3A_331 = tpu.vector_load %arg13[%get3A_329, %get3A_330] {strides = array<i32>} : memref<100x128xi32, #tpu.memory_space<vmem>>, vector<16xi32>,
      %bitcast3A_332 = vector.bitcast %get3A_331 : vector<16xi32> to vector<32xbf16>
      %get3A_333 = arith.index_cast %squeeze3A : i32 to index
      %get3A_334 = arith.constant 80 : index
      %get3A_335 = tpu.vector_load %arg12[%get3A_333, %get3A_334] {strides = array<i32>} : memref<16x128xi32, #tpu.memory_space<vmem>>, vector<16xi32>,
      %bitcast3A_336 = vector.bitcast %get3A_335 : vector<16xi32> to vector<32xbf16>
      %add3A_337 = arith.addf %bitcast3A_328, %bitcast3A_332 : vector<32xbf16>
      %add3A_338 = arith.addf %add3A_337, %bitcast3A_336 : vector<32xbf16>
      %max3A_339 = arith.maximumf %add3A_338, %broadcast_in_dim3A_61 : vector<32xbf16>
      %mul3A_340 = arith.mulf %max3A_339, %bitcast3A_43 : vector<32xbf16>
      %unpack3A_341 = tpu.unpack_subelements %mul3A_340, 0 {pack_format = #tpu.pack_format<interleaved>} : vector<32xbf16> -> vector<16xf32>
      %unpack3A_342 = tpu.unpack_subelements %mul3A_340, 1 {pack_format = #tpu.pack_format<interleaved>} : vector<32xbf16> -> vector<16xf32>
      %add3A_343 = arith.addf %add3A_295, %unpack3A_341 : vector<16xf32>
      %add3A_344 = arith.addf %add3A_296, %unpack3A_342 : vector<16xf32>
      %get3A_345 = arith.constant 0 : i32
      %get3A_346 = arith.constant 0 : i32
      %get3A_347 = tpu.memref_slice %arg14[%scan3A_115, %get3A_345, %get3A_346] : memref<2x128x128xi32, #tpu.memory_space<vmem>> -> memref<1x128x128xi32, #tpu.memory_space<vmem>>
      %get3A_348 = tpu.memref_squeeze %get3A_347 : memref<1x128x128xi32, #tpu.memory_space<vmem>> -> memref<128x128xi32, #tpu.memory_space<vmem>>
      %get3A_349 = arith.index_cast %add3A_194 : i32 to index
      %get3A_350 = arith.constant 96 : index
      %get3A_351 = tpu.vector_load %get3A_348[%get3A_349, %get3A_350] {strides = array<i32>} : memref<128x128xi32, #tpu.memory_space<vmem>>, vector<16xi32>,
      %bitcast3A_352 = vector.bitcast %get3A_351 : vector<16xi32> to vector<32xbf16>
      %get3A_353 = arith.index_cast %squeeze3A_202 : i32 to index
      %get3A_354 = arith.constant 96 : index
      %get3A_355 = tpu.vector_load %arg13[%get3A_353, %get3A_354] {strides = array<i32>} : memref<100x128xi32, #tpu.memory_space<vmem>>, vector<16xi32>,
      %bitcast3A_356 = vector.bitcast %get3A_355 : vector<16xi32> to vector<32xbf16>
      %get3A_357 = arith.index_cast %squeeze3A : i32 to index
      %get3A_358 = arith.constant 96 : index
      %get3A_359 = tpu.vector_load %arg12[%get3A_357, %get3A_358] {strides = array<i32>} : memref<16x128xi32, #tpu.memory_space<vmem>>, vector<16xi32>,
      %bitcast3A_360 = vector.bitcast %get3A_359 : vector<16xi32> to vector<32xbf16>
      %add3A_361 = arith.addf %bitcast3A_352, %bitcast3A_356 : vector<32xbf16>
      %add3A_362 = arith.addf %add3A_361, %bitcast3A_360 : vector<32xbf16>
      %max3A_363 = arith.maximumf %add3A_362, %broadcast_in_dim3A_61 : vector<32xbf16>
      %mul3A_364 = arith.mulf %max3A_363, %bitcast3A_48 : vector<32xbf16>
      %unpack3A_365 = tpu.unpack_subelements %mul3A_364, 0 {pack_format = #tpu.pack_format<interleaved>} : vector<32xbf16> -> vector<16xf32>
      %unpack3A_366 = tpu.unpack_subelements %mul3A_364, 1 {pack_format = #tpu.pack_format<interleaved>} : vector<32xbf16> -> vector<16xf32>
      %add3A_367 = arith.addf %add3A_319, %unpack3A_365 : vector<16xf32>
      %add3A_368 = arith.addf %add3A_320, %unpack3A_366 : vector<16xf32>
      %get3A_369 = arith.constant 0 : i32
      %get3A_370 = arith.constant 0 : i32
      %get3A_371 = tpu.memref_slice %arg14[%scan3A_115, %get3A_369, %get3A_370] : memref<2x128x128xi32, #tpu.memory_space<vmem>> -> memref<1x128x128xi32, #tpu.memory_space<vmem>>
      %get3A_372 = tpu.memref_squeeze %get3A_371 : memref<1x128x128xi32, #tpu.memory_space<vmem>> -> memref<128x128xi32, #tpu.memory_space<vmem>>
      %get3A_373 = arith.index_cast %add3A_194 : i32 to index
      %get3A_374 = arith.constant 112 : index
      %get3A_375 = tpu.vector_load %get3A_372[%get3A_373, %get3A_374] {strides = array<i32>} : memref<128x128xi32, #tpu.memory_space<vmem>>, vector<16xi32>,
      %bitcast3A_376 = vector.bitcast %get3A_375 : vector<16xi32> to vector<32xbf16>
      %get3A_377 = arith.index_cast %squeeze3A_202 : i32 to index
      %get3A_378 = arith.constant 112 : index
      %get3A_379 = tpu.vector_load %arg13[%get3A_377, %get3A_378] {strides = array<i32>} : memref<100x128xi32, #tpu.memory_space<vmem>>, vector<16xi32>,
      %bitcast3A_380 = vector.bitcast %get3A_379 : vector<16xi32> to vector<32xbf16>
      %get3A_381 = arith.index_cast %squeeze3A : i32 to index
      %get3A_382 = arith.constant 112 : index
      %get3A_383 = tpu.vector_load %arg12[%get3A_381, %get3A_382] {strides = array<i32>} : memref<16x128xi32, #tpu.memory_space<vmem>>, vector<16xi32>,
      %bitcast3A_384 = vector.bitcast %get3A_383 : vector<16xi32> to vector<32xbf16>
      %add3A_385 = arith.addf %bitcast3A_376, %bitcast3A_380 : vector<32xbf16>
      %add3A_386 = arith.addf %add3A_385, %bitcast3A_384 : vector<32xbf16>
      %max3A_387 = arith.maximumf %add3A_386, %broadcast_in_dim3A_61 : vector<32xbf16>
      %mul3A_388 = arith.mulf %max3A_387, %bitcast3A_53 : vector<32xbf16>
      %unpack3A_389 = tpu.unpack_subelements %mul3A_388, 0 {pack_format = #tpu.pack_format<interleaved>} : vector<32xbf16> -> vector<16xf32>
      %unpack3A_390 = tpu.unpack_subelements %mul3A_388, 1 {pack_format = #tpu.pack_format<interleaved>} : vector<32xbf16> -> vector<16xf32>
      %add3A_391 = arith.addf %add3A_343, %unpack3A_389 : vector<16xf32>
      %add3A_392 = arith.addf %add3A_344, %unpack3A_390 : vector<16xf32>
      %add3A_393 = arith.addf %add3A_367, %add3A_391 : vector<16xf32>
      %add3A_394 = arith.addf %add3A_368, %add3A_392 : vector<16xf32>
      %add3A_395 = arith.addf %add3A_393, %add3A_394 : vector<16xf32>
      %mul3A_396 = arith.constant 16 : i32
      %mul3A_397 = arith.muli %add3A_194, %mul3A_396 : i32
      %swap3A = arith.index_cast %mul3A_397 : i32 to index
      %swap3A_398 = tpu.vector_load %arg22[%swap3A] {strides = array<i32>} : memref<2048xf32, #tpu.memory_space<vmem>>, vector<16xf32>,
      tpu.vector_store %arg22[%swap3A], %add3A_395 {strides = array<i32>} : memref<2048xf32, #tpu.memory_space<vmem>>, vector<16xf32>,
      %scan3A_399 = arith.constant 1 : i32
      %scan3A_400 = arith.addi %scan3A_190, %scan3A_399 : i32
      %mul3A_401 = arith.constant 1 : i32
      %mul3A_402 = arith.muli %scan3A_400, %mul3A_401 : i32
      %add3A_403 = arith.constant 0 : i32
      %add3A_404 = arith.addi %add3A_403, %mul3A_402 : i32
      %add3A_405 = arith.constant 128 : i32
      %add3A_406 = arith.addi %add3A_405, %add3A_404 : i32
      %get3A_407 = arith.index_cast %add3A_406 : i32 to index
      %get3A_408 = tpu.vector_load %arg23[%get3A_407] {strides = array<i32>} : memref<528xi32, #tpu.memory_space<vmem>>, vector<16xi32>,
      %slice3A_409 = vector.extract_strided_slice %get3A_408 {offsets = [0], sizes = [1], strides = [1]} : vector<16xi32> to vector<1xi32>
      %squeeze3A_410 = vector.extract %slice3A_409[0] : i32 from vector<1xi32>
      %get3A_411 = arith.index_cast %add3A_406 : i32 to index
      %get3A_412 = tpu.vector_load %arg18[%get3A_411] {strides = array<i32>} : memref<528xi32, #tpu.memory_space<vmem>>, vector<16xi32>,
      %slice3A_413 = vector.extract_strided_slice %get3A_412 {offsets = [0], sizes = [1], strides = [1]} : vector<16xi32> to vector<1xi32>
      %squeeze3A_414 = vector.extract %slice3A_413[0] : i32 from vector<1xi32>
      %get3A_415 = arith.constant 0 : i32
      %get3A_416 = arith.constant 0 : i32
      %get3A_417 = tpu.memref_slice %arg14[%scan3A_115, %get3A_415, %get3A_416] : memref<2x128x128xi32, #tpu.memory_space<vmem>> -> memref<1x128x128xi32, #tpu.memory_space<vmem>>
      %get3A_418 = tpu.memref_squeeze %get3A_417 : memref<1x128x128xi32, #tpu.memory_space<vmem>> -> memref<128x128xi32, #tpu.memory_space<vmem>>
      %get3A_419 = arith.index_cast %add3A_404 : i32 to index
      %get3A_420 = arith.constant 0 : index
      %get3A_421 = tpu.vector_load %get3A_418[%get3A_419, %get3A_420] {strides = array<i32>} : memref<128x128xi32, #tpu.memory_space<vmem>>, vector<16xi32>,
      %bitcast3A_422 = vector.bitcast %get3A_421 : vector<16xi32> to vector<32xbf16>
      %get3A_423 = arith.index_cast %squeeze3A_414 : i32 to index
      %get3A_424 = arith.constant 0 : index
      %get3A_425 = tpu.vector_load %arg13[%get3A_423, %get3A_424] {strides = array<i32>} : memref<100x128xi32, #tpu.memory_space<vmem>>, vector<16xi32>,
      %bitcast3A_426 = vector.bitcast %get3A_425 : vector<16xi32> to vector<32xbf16>
      %get3A_427 = arith.index_cast %squeeze3A_410 : i32 to index
      %get3A_428 = arith.constant 0 : index
      %get3A_429 = tpu.vector_load %arg12[%get3A_427, %get3A_428] {strides = array<i32>} : memref<16x128xi32, #tpu.memory_space<vmem>>, vector<16xi32>,
      %bitcast3A_430 = vector.bitcast %get3A_429 : vector<16xi32> to vector<32xbf16>
      %add3A_431 = arith.addf %bitcast3A_422, %bitcast3A_426 : vector<32xbf16>
      %add3A_432 = arith.addf %add3A_431, %bitcast3A_430 : vector<32xbf16>
      %max3A_433 = arith.maximumf %add3A_432, %broadcast_in_dim3A_61 : vector<32xbf16>
      %mul3A_434 = arith.mulf %max3A_433, %bitcast3A : vector<32xbf16>
      %unpack3A_435 = tpu.unpack_subelements %mul3A_434, 0 {pack_format = #tpu.pack_format<interleaved>} : vector<32xbf16> -> vector<16xf32>
      %unpack3A_436 = tpu.unpack_subelements %mul3A_434, 1 {pack_format = #tpu.pack_format<interleaved>} : vector<32xbf16> -> vector<16xf32>
      %add3A_437 = arith.addf %get3A_57, %unpack3A_435 : vector<16xf32>
      %add3A_438 = arith.addf %mul3A_60, %unpack3A_436 : vector<16xf32>
      %get3A_439 = arith.constant 0 : i32
      %get3A_440 = arith.constant 0 : i32
      %get3A_441 = tpu.memref_slice %arg14[%scan3A_115, %get3A_439, %get3A_440] : memref<2x128x128xi32, #tpu.memory_space<vmem>> -> memref<1x128x128xi32, #tpu.memory_space<vmem>>
      %get3A_442 = tpu.memref_squeeze %get3A_441 : memref<1x128x128xi32, #tpu.memory_space<vmem>> -> memref<128x128xi32, #tpu.memory_space<vmem>>
      %get3A_443 = arith.index_cast %add3A_404 : i32 to index
      %get3A_444 = arith.constant 16 : index
      %get3A_445 = tpu.vector_load %get3A_442[%get3A_443, %get3A_444] {strides = array<i32>} : memref<128x128xi32, #tpu.memory_space<vmem>>, vector<16xi32>,
      %bitcast3A_446 = vector.bitcast %get3A_445 : vector<16xi32> to vector<32xbf16>
      %get3A_447 = arith.index_cast %squeeze3A_414 : i32 to index
      %get3A_448 = arith.constant 16 : index
      %get3A_449 = tpu.vector_load %arg13[%get3A_447, %get3A_448] {strides = array<i32>} : memref<100x128xi32, #tpu.memory_space<vmem>>, vector<16xi32>,
      %bitcast3A_450 = vector.bitcast %get3A_449 : vector<16xi32> to vector<32xbf16>
      %get3A_451 = arith.index_cast %squeeze3A_410 : i32 to index
      %get3A_452 = arith.constant 16 : index
      %get3A_453 = tpu.vector_load %arg12[%get3A_451, %get3A_452] {strides = array<i32>} : memref<16x128xi32, #tpu.memory_space<vmem>>, vector<16xi32>,
      %bitcast3A_454 = vector.bitcast %get3A_453 : vector<16xi32> to vector<32xbf16>
      %add3A_455 = arith.addf %bitcast3A_446, %bitcast3A_450 : vector<32xbf16>
      %add3A_456 = arith.addf %add3A_455, %bitcast3A_454 : vector<32xbf16>
      %max3A_457 = arith.maximumf %add3A_456, %broadcast_in_dim3A_61 : vector<32xbf16>
      %mul3A_458 = arith.mulf %max3A_457, %bitcast3A_23 : vector<32xbf16>
      %unpack3A_459 = tpu.unpack_subelements %mul3A_458, 0 {pack_format = #tpu.pack_format<interleaved>} : vector<32xbf16> -> vector<16xf32>
      %unpack3A_460 = tpu.unpack_subelements %mul3A_458, 1 {pack_format = #tpu.pack_format<interleaved>} : vector<32xbf16> -> vector<16xf32>
      %add3A_461 = arith.addf %mul3A_60, %unpack3A_459 : vector<16xf32>
      %add3A_462 = arith.addf %mul3A_60, %unpack3A_460 : vector<16xf32>
      %get3A_463 = arith.constant 0 : i32
      %get3A_464 = arith.constant 0 : i32
      %get3A_465 = tpu.memref_slice %arg14[%scan3A_115, %get3A_463, %get3A_464] : memref<2x128x128xi32, #tpu.memory_space<vmem>> -> memref<1x128x128xi32, #tpu.memory_space<vmem>>
      %get3A_466 = tpu.memref_squeeze %get3A_465 : memref<1x128x128xi32, #tpu.memory_space<vmem>> -> memref<128x128xi32, #tpu.memory_space<vmem>>
      %get3A_467 = arith.index_cast %add3A_404 : i32 to index
      %get3A_468 = arith.constant 32 : index
      %get3A_469 = tpu.vector_load %get3A_466[%get3A_467, %get3A_468] {strides = array<i32>} : memref<128x128xi32, #tpu.memory_space<vmem>>, vector<16xi32>,
      %bitcast3A_470 = vector.bitcast %get3A_469 : vector<16xi32> to vector<32xbf16>
      %get3A_471 = arith.index_cast %squeeze3A_414 : i32 to index
      %get3A_472 = arith.constant 32 : index
      %get3A_473 = tpu.vector_load %arg13[%get3A_471, %get3A_472] {strides = array<i32>} : memref<100x128xi32, #tpu.memory_space<vmem>>, vector<16xi32>,
      %bitcast3A_474 = vector.bitcast %get3A_473 : vector<16xi32> to vector<32xbf16>
      %get3A_475 = arith.index_cast %squeeze3A_410 : i32 to index
      %get3A_476 = arith.constant 32 : index
      %get3A_477 = tpu.vector_load %arg12[%get3A_475, %get3A_476] {strides = array<i32>} : memref<16x128xi32, #tpu.memory_space<vmem>>, vector<16xi32>,
      %bitcast3A_478 = vector.bitcast %get3A_477 : vector<16xi32> to vector<32xbf16>
      %add3A_479 = arith.addf %bitcast3A_470, %bitcast3A_474 : vector<32xbf16>
      %add3A_480 = arith.addf %add3A_479, %bitcast3A_478 : vector<32xbf16>
      %max3A_481 = arith.maximumf %add3A_480, %broadcast_in_dim3A_61 : vector<32xbf16>
      %mul3A_482 = arith.mulf %max3A_481, %bitcast3A_28 : vector<32xbf16>
      %unpack3A_483 = tpu.unpack_subelements %mul3A_482, 0 {pack_format = #tpu.pack_format<interleaved>} : vector<32xbf16> -> vector<16xf32>
      %unpack3A_484 = tpu.unpack_subelements %mul3A_482, 1 {pack_format = #tpu.pack_format<interleaved>} : vector<32xbf16> -> vector<16xf32>
      %add3A_485 = arith.addf %add3A_437, %unpack3A_483 : vector<16xf32>
      %add3A_486 = arith.addf %add3A_438, %unpack3A_484 : vector<16xf32>
      %get3A_487 = arith.constant 0 : i32
      %get3A_488 = arith.constant 0 : i32
      %get3A_489 = tpu.memref_slice %arg14[%scan3A_115, %get3A_487, %get3A_488] : memref<2x128x128xi32, #tpu.memory_space<vmem>> -> memref<1x128x128xi32, #tpu.memory_space<vmem>>
      %get3A_490 = tpu.memref_squeeze %get3A_489 : memref<1x128x128xi32, #tpu.memory_space<vmem>> -> memref<128x128xi32, #tpu.memory_space<vmem>>
      %get3A_491 = arith.index_cast %add3A_404 : i32 to index
      %get3A_492 = arith.constant 48 : index
      %get3A_493 = tpu.vector_load %get3A_490[%get3A_491, %get3A_492] {strides = array<i32>} : memref<128x128xi32, #tpu.memory_space<vmem>>, vector<16xi32>,
      %bitcast3A_494 = vector.bitcast %get3A_493 : vector<16xi32> to vector<32xbf16>
      %get3A_495 = arith.index_cast %squeeze3A_414 : i32 to index
      %get3A_496 = arith.constant 48 : index
      %get3A_497 = tpu.vector_load %arg13[%get3A_495, %get3A_496] {strides = array<i32>} : memref<100x128xi32, #tpu.memory_space<vmem>>, vector<16xi32>,
      %bitcast3A_498 = vector.bitcast %get3A_497 : vector<16xi32> to vector<32xbf16>
      %get3A_499 = arith.index_cast %squeeze3A_410 : i32 to index
      %get3A_500 = arith.constant 48 : index
      %get3A_501 = tpu.vector_load %arg12[%get3A_499, %get3A_500] {strides = array<i32>} : memref<16x128xi32, #tpu.memory_space<vmem>>, vector<16xi32>,
      %bitcast3A_502 = vector.bitcast %get3A_501 : vector<16xi32> to vector<32xbf16>
      %add3A_503 = arith.addf %bitcast3A_494, %bitcast3A_498 : vector<32xbf16>
      %add3A_504 = arith.addf %add3A_503, %bitcast3A_502 : vector<32xbf16>
      %max3A_505 = arith.maximumf %add3A_504, %broadcast_in_dim3A_61 : vector<32xbf16>
      %mul3A_506 = arith.mulf %max3A_505, %bitcast3A_33 : vector<32xbf16>
      %unpack3A_507 = tpu.unpack_subelements %mul3A_506, 0 {pack_format = #tpu.pack_format<interleaved>} : vector<32xbf16> -> vector<16xf32>
      %unpack3A_508 = tpu.unpack_subelements %mul3A_506, 1 {pack_format = #tpu.pack_format<interleaved>} : vector<32xbf16> -> vector<16xf32>
      %add3A_509 = arith.addf %add3A_461, %unpack3A_507 : vector<16xf32>
      %add3A_510 = arith.addf %add3A_462, %unpack3A_508 : vector<16xf32>
      %get3A_511 = arith.constant 0 : i32
      %get3A_512 = arith.constant 0 : i32
      %get3A_513 = tpu.memref_slice %arg14[%scan3A_115, %get3A_511, %get3A_512] : memref<2x128x128xi32, #tpu.memory_space<vmem>> -> memref<1x128x128xi32, #tpu.memory_space<vmem>>
      %get3A_514 = tpu.memref_squeeze %get3A_513 : memref<1x128x128xi32, #tpu.memory_space<vmem>> -> memref<128x128xi32, #tpu.memory_space<vmem>>
      %get3A_515 = arith.index_cast %add3A_404 : i32 to index
      %get3A_516 = arith.constant 64 : index
      %get3A_517 = tpu.vector_load %get3A_514[%get3A_515, %get3A_516] {strides = array<i32>} : memref<128x128xi32, #tpu.memory_space<vmem>>, vector<16xi32>,
      %bitcast3A_518 = vector.bitcast %get3A_517 : vector<16xi32> to vector<32xbf16>
      %get3A_519 = arith.index_cast %squeeze3A_414 : i32 to index
      %get3A_520 = arith.constant 64 : index
      %get3A_521 = tpu.vector_load %arg13[%get3A_519, %get3A_520] {strides = array<i32>} : memref<100x128xi32, #tpu.memory_space<vmem>>, vector<16xi32>,
      %bitcast3A_522 = vector.bitcast %get3A_521 : vector<16xi32> to vector<32xbf16>
      %get3A_523 = arith.index_cast %squeeze3A_410 : i32 to index
      %get3A_524 = arith.constant 64 : index
      %get3A_525 = tpu.vector_load %arg12[%get3A_523, %get3A_524] {strides = array<i32>} : memref<16x128xi32, #tpu.memory_space<vmem>>, vector<16xi32>,
      %bitcast3A_526 = vector.bitcast %get3A_525 : vector<16xi32> to vector<32xbf16>
      %add3A_527 = arith.addf %bitcast3A_518, %bitcast3A_522 : vector<32xbf16>
      %add3A_528 = arith.addf %add3A_527, %bitcast3A_526 : vector<32xbf16>
      %max3A_529 = arith.maximumf %add3A_528, %broadcast_in_dim3A_61 : vector<32xbf16>
      %mul3A_530 = arith.mulf %max3A_529, %bitcast3A_38 : vector<32xbf16>
      %unpack3A_531 = tpu.unpack_subelements %mul3A_530, 0 {pack_format = #tpu.pack_format<interleaved>} : vector<32xbf16> -> vector<16xf32>
      %unpack3A_532 = tpu.unpack_subelements %mul3A_530, 1 {pack_format = #tpu.pack_format<interleaved>} : vector<32xbf16> -> vector<16xf32>
      %add3A_533 = arith.addf %add3A_485, %unpack3A_531 : vector<16xf32>
      %add3A_534 = arith.addf %add3A_486, %unpack3A_532 : vector<16xf32>
      %get3A_535 = arith.constant 0 : i32
      %get3A_536 = arith.constant 0 : i32
      %get3A_537 = tpu.memref_slice %arg14[%scan3A_115, %get3A_535, %get3A_536] : memref<2x128x128xi32, #tpu.memory_space<vmem>> -> memref<1x128x128xi32, #tpu.memory_space<vmem>>
      %get3A_538 = tpu.memref_squeeze %get3A_537 : memref<1x128x128xi32, #tpu.memory_space<vmem>> -> memref<128x128xi32, #tpu.memory_space<vmem>>
      %get3A_539 = arith.index_cast %add3A_404 : i32 to index
      %get3A_540 = arith.constant 80 : index
      %get3A_541 = tpu.vector_load %get3A_538[%get3A_539, %get3A_540] {strides = array<i32>} : memref<128x128xi32, #tpu.memory_space<vmem>>, vector<16xi32>,
      %bitcast3A_542 = vector.bitcast %get3A_541 : vector<16xi32> to vector<32xbf16>
      %get3A_543 = arith.index_cast %squeeze3A_414 : i32 to index
      %get3A_544 = arith.constant 80 : index
      %get3A_545 = tpu.vector_load %arg13[%get3A_543, %get3A_544] {strides = array<i32>} : memref<100x128xi32, #tpu.memory_space<vmem>>, vector<16xi32>,
      %bitcast3A_546 = vector.bitcast %get3A_545 : vector<16xi32> to vector<32xbf16>
      %get3A_547 = arith.index_cast %squeeze3A_410 : i32 to index
      %get3A_548 = arith.constant 80 : index
      %get3A_549 = tpu.vector_load %arg12[%get3A_547, %get3A_548] {strides = array<i32>} : memref<16x128xi32, #tpu.memory_space<vmem>>, vector<16xi32>,
      %bitcast3A_550 = vector.bitcast %get3A_549 : vector<16xi32> to vector<32xbf16>
      %add3A_551 = arith.addf %bitcast3A_542, %bitcast3A_546 : vector<32xbf16>
      %add3A_552 = arith.addf %add3A_551, %bitcast3A_550 : vector<32xbf16>
      %max3A_553 = arith.maximumf %add3A_552, %broadcast_in_dim3A_61 : vector<32xbf16>
      %mul3A_554 = arith.mulf %max3A_553, %bitcast3A_43 : vector<32xbf16>
      %unpack3A_555 = tpu.unpack_subelements %mul3A_554, 0 {pack_format = #tpu.pack_format<interleaved>} : vector<32xbf16> -> vector<16xf32>
      %unpack3A_556 = tpu.unpack_subelements %mul3A_554, 1 {pack_format = #tpu.pack_format<interleaved>} : vector<32xbf16> -> vector<16xf32>
      %add3A_557 = arith.addf %add3A_509, %unpack3A_555 : vector<16xf32>
      %add3A_558 = arith.addf %add3A_510, %unpack3A_556 : vector<16xf32>
      %get3A_559 = arith.constant 0 : i32
      %get3A_560 = arith.constant 0 : i32
      %get3A_561 = tpu.memref_slice %arg14[%scan3A_115, %get3A_559, %get3A_560] : memref<2x128x128xi32, #tpu.memory_space<vmem>> -> memref<1x128x128xi32, #tpu.memory_space<vmem>>
      %get3A_562 = tpu.memref_squeeze %get3A_561 : memref<1x128x128xi32, #tpu.memory_space<vmem>> -> memref<128x128xi32, #tpu.memory_space<vmem>>
      %get3A_563 = arith.index_cast %add3A_404 : i32 to index
      %get3A_564 = arith.constant 96 : index
      %get3A_565 = tpu.vector_load %get3A_562[%get3A_563, %get3A_564] {strides = array<i32>} : memref<128x128xi32, #tpu.memory_space<vmem>>, vector<16xi32>,
      %bitcast3A_566 = vector.bitcast %get3A_565 : vector<16xi32> to vector<32xbf16>
      %get3A_567 = arith.index_cast %squeeze3A_414 : i32 to index
      %get3A_568 = arith.constant 96 : index
      %get3A_569 = tpu.vector_load %arg13[%get3A_567, %get3A_568] {strides = array<i32>} : memref<100x128xi32, #tpu.memory_space<vmem>>, vector<16xi32>,
      %bitcast3A_570 = vector.bitcast %get3A_569 : vector<16xi32> to vector<32xbf16>
      %get3A_571 = arith.index_cast %squeeze3A_410 : i32 to index
      %get3A_572 = arith.constant 96 : index
      %get3A_573 = tpu.vector_load %arg12[%get3A_571, %get3A_572] {strides = array<i32>} : memref<16x128xi32, #tpu.memory_space<vmem>>, vector<16xi32>,
      %bitcast3A_574 = vector.bitcast %get3A_573 : vector<16xi32> to vector<32xbf16>
      %add3A_575 = arith.addf %bitcast3A_566, %bitcast3A_570 : vector<32xbf16>
      %add3A_576 = arith.addf %add3A_575, %bitcast3A_574 : vector<32xbf16>
      %max3A_577 = arith.maximumf %add3A_576, %broadcast_in_dim3A_61 : vector<32xbf16>
      %mul3A_578 = arith.mulf %max3A_577, %bitcast3A_48 : vector<32xbf16>
      %unpack3A_579 = tpu.unpack_subelements %mul3A_578, 0 {pack_format = #tpu.pack_format<interleaved>} : vector<32xbf16> -> vector<16xf32>
      %unpack3A_580 = tpu.unpack_subelements %mul3A_578, 1 {pack_format = #tpu.pack_format<interleaved>} : vector<32xbf16> -> vector<16xf32>
      %add3A_581 = arith.addf %add3A_533, %unpack3A_579 : vector<16xf32>
      %add3A_582 = arith.addf %add3A_534, %unpack3A_580 : vector<16xf32>
      %get3A_583 = arith.constant 0 : i32
      %get3A_584 = arith.constant 0 : i32
      %get3A_585 = tpu.memref_slice %arg14[%scan3A_115, %get3A_583, %get3A_584] : memref<2x128x128xi32, #tpu.memory_space<vmem>> -> memref<1x128x128xi32, #tpu.memory_space<vmem>>
      %get3A_586 = tpu.memref_squeeze %get3A_585 : memref<1x128x128xi32, #tpu.memory_space<vmem>> -> memref<128x128xi32, #tpu.memory_space<vmem>>
      %get3A_587 = arith.index_cast %add3A_404 : i32 to index
      %get3A_588 = arith.constant 112 : index
      %get3A_589 = tpu.vector_load %get3A_586[%get3A_587, %get3A_588] {strides = array<i32>} : memref<128x128xi32, #tpu.memory_space<vmem>>, vector<16xi32>,
      %bitcast3A_590 = vector.bitcast %get3A_589 : vector<16xi32> to vector<32xbf16>
      %get3A_591 = arith.index_cast %squeeze3A_414 : i32 to index
      %get3A_592 = arith.constant 112 : index
      %get3A_593 = tpu.vector_load %arg13[%get3A_591, %get3A_592] {strides = array<i32>} : memref<100x128xi32, #tpu.memory_space<vmem>>, vector<16xi32>,
      %bitcast3A_594 = vector.bitcast %get3A_593 : vector<16xi32> to vector<32xbf16>
      %get3A_595 = arith.index_cast %squeeze3A_410 : i32 to index
      %get3A_596 = arith.constant 112 : index
      %get3A_597 = tpu.vector_load %arg12[%get3A_595, %get3A_596] {strides = array<i32>} : memref<16x128xi32, #tpu.memory_space<vmem>>, vector<16xi32>,
      %bitcast3A_598 = vector.bitcast %get3A_597 : vector<16xi32> to vector<32xbf16>
      %add3A_599 = arith.addf %bitcast3A_590, %bitcast3A_594 : vector<32xbf16>
      %add3A_600 = arith.addf %add3A_599, %bitcast3A_598 : vector<32xbf16>
      %max3A_601 = arith.maximumf %add3A_600, %broadcast_in_dim3A_61 : vector<32xbf16>
      %mul3A_602 = arith.mulf %max3A_601, %bitcast3A_53 : vector<32xbf16>
      %unpack3A_603 = tpu.unpack_subelements %mul3A_602, 0 {pack_format = #tpu.pack_format<interleaved>} : vector<32xbf16> -> vector<16xf32>
      %unpack3A_604 = tpu.unpack_subelements %mul3A_602, 1 {pack_format = #tpu.pack_format<interleaved>} : vector<32xbf16> -> vector<16xf32>
      %add3A_605 = arith.addf %add3A_557, %unpack3A_603 : vector<16xf32>
      %add3A_606 = arith.addf %add3A_558, %unpack3A_604 : vector<16xf32>
      %add3A_607 = arith.addf %add3A_581, %add3A_605 : vector<16xf32>
      %add3A_608 = arith.addf %add3A_582, %add3A_606 : vector<16xf32>
      %add3A_609 = arith.addf %add3A_607, %add3A_608 : vector<16xf32>
      %mul3A_610 = arith.constant 16 : i32
      %mul3A_611 = arith.muli %add3A_404, %mul3A_610 : i32
      %swap3A_612 = arith.index_cast %mul3A_611 : i32 to index
      %swap3A_613 = tpu.vector_load %arg22[%swap3A_612] {strides = array<i32>} : memref<2048xf32, #tpu.memory_space<vmem>>, vector<16xf32>,
      tpu.vector_store %arg22[%swap3A_612], %add3A_609 {strides = array<i32>} : memref<2048xf32, #tpu.memory_space<vmem>>, vector<16xf32>,
    }
    %scan3A_120 = arith.constant 128 : i32
    %iota3A_121 = tpu.iota {dimensions = array<i32: 0>} : vector<16xi32>
    %mul3A_122 = arith.constant 16 : i32
    %mul3A_123 = vector.broadcast %mul3A_122 : i32 to vector<16xi32>
    %mul3A_124 = arith.muli %iota3A_121, %mul3A_123 : vector<16xi32>
    %scan3A_125 = arith.constant 0 : i32
    %scan3A_126 = arith.constant 8 : i32
    %scan3A_127 = arith.addi %scan3A_125, %scan3A_126 : i32
    %scan3A_128 = arith.constant 1 : i32
    scf.for %scan3A_190 = %scan3A_125 to %scan3A_127 step %scan3A_128  : i32 {
      %mul3A_191 = arith.constant 1 : i32
      %mul3A_192 = arith.muli %scan3A_190, %mul3A_191 : i32
      %add3A_193 = arith.constant 0 : i32
      %add3A_194 = arith.addi %add3A_193, %mul3A_192 : i32
      %mul3A_195 = arith.constant 256 : i32
      %mul3A_196 = arith.muli %add3A_194, %mul3A_195 : i32
      %add3A_197 = vector.broadcast %mul3A_196 : i32 to vector<16xi32>
      %add3A_198 = arith.addi %mul3A_124, %add3A_197 : vector<16xi32>
      %gather3A = tpu.vector_load_idx %arg22[%add3A_198] : memref<2048xf32, #tpu.memory_space<vmem>>[vector<16xi32>], vector<16xf32>,
      %add3A_199 = arith.constant 1 : i32
      %add3A_200 = arith.addi %mul3A_196, %add3A_199 : i32
      %add3A_201 = vector.broadcast %add3A_200 : i32 to vector<16xi32>
      %add3A_202 = arith.addi %mul3A_124, %add3A_201 : vector<16xi32>
      %gather3A_203 = tpu.vector_load_idx %arg22[%add3A_202] : memref<2048xf32, #tpu.memory_space<vmem>>[vector<16xi32>], vector<16xf32>,
      %add3A_204 = arith.addf %gather3A, %gather3A_203 : vector<16xf32>
      %add3A_205 = arith.constant 2 : i32
      %add3A_206 = arith.addi %mul3A_196, %add3A_205 : i32
      %add3A_207 = vector.broadcast %add3A_206 : i32 to vector<16xi32>
      %add3A_208 = arith.addi %mul3A_124, %add3A_207 : vector<16xi32>
      %gather3A_209 = tpu.vector_load_idx %arg22[%add3A_208] : memref<2048xf32, #tpu.memory_space<vmem>>[vector<16xi32>], vector<16xf32>,
      %add3A_210 = arith.addf %add3A_204, %gather3A_209 : vector<16xf32>
      %add3A_211 = arith.constant 3 : i32
      %add3A_212 = arith.addi %mul3A_196, %add3A_211 : i32
      %add3A_213 = vector.broadcast %add3A_212 : i32 to vector<16xi32>
      %add3A_214 = arith.addi %mul3A_124, %add3A_213 : vector<16xi32>
      %gather3A_215 = tpu.vector_load_idx %arg22[%add3A_214] : memref<2048xf32, #tpu.memory_space<vmem>>[vector<16xi32>], vector<16xf32>,
      %add3A_216 = arith.addf %add3A_210, %gather3A_215 : vector<16xf32>
      %add3A_217 = arith.constant 4 : i32
      %add3A_218 = arith.addi %mul3A_196, %add3A_217 : i32
      %add3A_219 = vector.broadcast %add3A_218 : i32 to vector<16xi32>
      %add3A_220 = arith.addi %mul3A_124, %add3A_219 : vector<16xi32>
      %gather3A_221 = tpu.vector_load_idx %arg22[%add3A_220] : memref<2048xf32, #tpu.memory_space<vmem>>[vector<16xi32>], vector<16xf32>,
      %add3A_222 = arith.addf %add3A_216, %gather3A_221 : vector<16xf32>
      %add3A_223 = arith.constant 5 : i32
      %add3A_224 = arith.addi %mul3A_196, %add3A_223 : i32
      %add3A_225 = vector.broadcast %add3A_224 : i32 to vector<16xi32>
      %add3A_226 = arith.addi %mul3A_124, %add3A_225 : vector<16xi32>
      %gather3A_227 = tpu.vector_load_idx %arg22[%add3A_226] : memref<2048xf32, #tpu.memory_space<vmem>>[vector<16xi32>], vector<16xf32>,
      %add3A_228 = arith.addf %add3A_222, %gather3A_227 : vector<16xf32>
      %add3A_229 = arith.constant 6 : i32
      %add3A_230 = arith.addi %mul3A_196, %add3A_229 : i32
      %add3A_231 = vector.broadcast %add3A_230 : i32 to vector<16xi32>
      %add3A_232 = arith.addi %mul3A_124, %add3A_231 : vector<16xi32>
      %gather3A_233 = tpu.vector_load_idx %arg22[%add3A_232] : memref<2048xf32, #tpu.memory_space<vmem>>[vector<16xi32>], vector<16xf32>,
      %add3A_234 = arith.addf %add3A_228, %gather3A_233 : vector<16xf32>
      %add3A_235 = arith.constant 7 : i32
      %add3A_236 = arith.addi %mul3A_196, %add3A_235 : i32
      %add3A_237 = vector.broadcast %add3A_236 : i32 to vector<16xi32>
      %add3A_238 = arith.addi %mul3A_124, %add3A_237 : vector<16xi32>
      %gather3A_239 = tpu.vector_load_idx %arg22[%add3A_238] : memref<2048xf32, #tpu.memory_space<vmem>>[vector<16xi32>], vector<16xf32>,
      %add3A_240 = arith.addf %add3A_234, %gather3A_239 : vector<16xf32>
      %add3A_241 = arith.constant 8 : i32
      %add3A_242 = arith.addi %mul3A_196, %add3A_241 : i32
      %add3A_243 = vector.broadcast %add3A_242 : i32 to vector<16xi32>
      %add3A_244 = arith.addi %mul3A_124, %add3A_243 : vector<16xi32>
      %gather3A_245 = tpu.vector_load_idx %arg22[%add3A_244] : memref<2048xf32, #tpu.memory_space<vmem>>[vector<16xi32>], vector<16xf32>,
      %add3A_246 = arith.addf %add3A_240, %gather3A_245 : vector<16xf32>
      %add3A_247 = arith.constant 9 : i32
      %add3A_248 = arith.addi %mul3A_196, %add3A_247 : i32
      %add3A_249 = vector.broadcast %add3A_248 : i32 to vector<16xi32>
      %add3A_250 = arith.addi %mul3A_124, %add3A_249 : vector<16xi32>
      %gather3A_251 = tpu.vector_load_idx %arg22[%add3A_250] : memref<2048xf32, #tpu.memory_space<vmem>>[vector<16xi32>], vector<16xf32>,
      %add3A_252 = arith.addf %add3A_246, %gather3A_251 : vector<16xf32>
      %add3A_253 = arith.constant 10 : i32
      %add3A_254 = arith.addi %mul3A_196, %add3A_253 : i32
      %add3A_255 = vector.broadcast %add3A_254 : i32 to vector<16xi32>
      %add3A_256 = arith.addi %mul3A_124, %add3A_255 : vector<16xi32>
      %gather3A_257 = tpu.vector_load_idx %arg22[%add3A_256] : memref<2048xf32, #tpu.memory_space<vmem>>[vector<16xi32>], vector<16xf32>,
      %add3A_258 = arith.addf %add3A_252, %gather3A_257 : vector<16xf32>
      %add3A_259 = arith.constant 11 : i32
      %add3A_260 = arith.addi %mul3A_196, %add3A_259 : i32
      %add3A_261 = vector.broadcast %add3A_260 : i32 to vector<16xi32>
      %add3A_262 = arith.addi %mul3A_124, %add3A_261 : vector<16xi32>
      %gather3A_263 = tpu.vector_load_idx %arg22[%add3A_262] : memref<2048xf32, #tpu.memory_space<vmem>>[vector<16xi32>], vector<16xf32>,
      %add3A_264 = arith.addf %add3A_258, %gather3A_263 : vector<16xf32>
      %add3A_265 = arith.constant 12 : i32
      %add3A_266 = arith.addi %mul3A_196, %add3A_265 : i32
      %add3A_267 = vector.broadcast %add3A_266 : i32 to vector<16xi32>
      %add3A_268 = arith.addi %mul3A_124, %add3A_267 : vector<16xi32>
      %gather3A_269 = tpu.vector_load_idx %arg22[%add3A_268] : memref<2048xf32, #tpu.memory_space<vmem>>[vector<16xi32>], vector<16xf32>,
      %add3A_270 = arith.addf %add3A_264, %gather3A_269 : vector<16xf32>
      %add3A_271 = arith.constant 13 : i32
      %add3A_272 = arith.addi %mul3A_196, %add3A_271 : i32
      %add3A_273 = vector.broadcast %add3A_272 : i32 to vector<16xi32>
      %add3A_274 = arith.addi %mul3A_124, %add3A_273 : vector<16xi32>
      %gather3A_275 = tpu.vector_load_idx %arg22[%add3A_274] : memref<2048xf32, #tpu.memory_space<vmem>>[vector<16xi32>], vector<16xf32>,
      %add3A_276 = arith.addf %add3A_270, %gather3A_275 : vector<16xf32>
      %add3A_277 = arith.constant 14 : i32
      %add3A_278 = arith.addi %mul3A_196, %add3A_277 : i32
      %add3A_279 = vector.broadcast %add3A_278 : i32 to vector<16xi32>
      %add3A_280 = arith.addi %mul3A_124, %add3A_279 : vector<16xi32>
      %gather3A_281 = tpu.vector_load_idx %arg22[%add3A_280] : memref<2048xf32, #tpu.memory_space<vmem>>[vector<16xi32>], vector<16xf32>,
      %add3A_282 = arith.addf %add3A_276, %gather3A_281 : vector<16xf32>
      %add3A_283 = arith.constant 15 : i32
      %add3A_284 = arith.addi %mul3A_196, %add3A_283 : i32
      %add3A_285 = vector.broadcast %add3A_284 : i32 to vector<16xi32>
      %add3A_286 = arith.addi %mul3A_124, %add3A_285 : vector<16xi32>
      %gather3A_287 = tpu.vector_load_idx %arg22[%add3A_286] : memref<2048xf32, #tpu.memory_space<vmem>>[vector<16xi32>], vector<16xf32>,
      %add3A_288 = arith.addf %add3A_282, %gather3A_287 : vector<16xf32>
      %mul3A_289 = arith.constant 16 : i32
      %mul3A_290 = arith.muli %add3A_194, %mul3A_289 : i32
      %add3A_291 = arith.constant 128 : i32
      %add3A_292 = arith.addi %add3A_291, %mul3A_290 : i32
      %swap3A = arith.index_cast %add3A_292 : i32 to index
      %swap3A_293 = tpu.vector_load %arg21[%swap3A] {strides = array<i32>} : memref<512xf32, #tpu.memory_space<vmem>>, vector<16xf32>,
      tpu.vector_store %arg21[%swap3A], %add3A_288 {strides = array<i32>} : memref<512xf32, #tpu.memory_space<vmem>>, vector<16xf32>,
    }
    %scan3A_129 = arith.constant 8 : i32
    %dma_start3A_130 = arith.constant 1 : i32
    %dma_start3A_131 = arith.constant 0 : i32
    %dma_start3A_132 = arith.constant 0 : i32
    %dma_start3A_133 = tpu.memref_slice %arg14[%dma_start3A_130, %dma_start3A_131, %dma_start3A_132] : memref<2x128x128xi32, #tpu.memory_space<vmem>> -> memref<1x128x128xi32, #tpu.memory_space<vmem>>
    %dma_start3A_134 = tpu.memref_squeeze %dma_start3A_133 : memref<1x128x128xi32, #tpu.memory_space<vmem>> -> memref<128x128xi32, #tpu.memory_space<vmem>>
    %dma_start3A_135 = arith.constant 384 : i32
    %dma_start3A_136 = tpu.memref_slice %arg20[%dma_start3A_135] : memref<512xi32, #tpu.memory_space<vmem>> -> memref<128xi32, #tpu.memory_space<vmem>>
    %dma_start3A_137 = arith.constant 0 : i32
    %dma_start3A_138 = arith.constant 0 : i32
    %dma_start3A_139 = tpu.memref_slice %arg4[%dma_start3A_137, %dma_start3A_138] : memref<1000x128xi32, #tpu.memory_space<hbm>> -> memref<1000x128xi32, #tpu.memory_space<hbm>>
    tpu.enqueue_indirect_dma source(%dma_start3A_139 : memref<1000x128xi32, #tpu.memory_space<hbm>>) target(%dma_start3A_134 : memref<128x128xi32, #tpu.memory_space<vmem>>) offsets(%dma_start3A_136 : memref<128xi32, #tpu.memory_space<vmem>>) semaphore(%arg25 : memref<!tpu.dma_semaphore, #tpu.memory_space<semaphore_mem>>)
    %dma_wait3A_140 = arith.constant 0 : i32
    %dma_wait3A_141 = arith.constant 0 : i32
    %dma_wait3A_142 = arith.constant 0 : i32
    %dma_wait3A_143 = tpu.memref_slice %arg14[%dma_wait3A_140, %dma_wait3A_141, %dma_wait3A_142] : memref<2x128x128xi32, #tpu.memory_space<vmem>> -> memref<1x128x128xi32, #tpu.memory_space<vmem>>
    %dma_wait3A_144 = tpu.memref_squeeze %dma_wait3A_143 : memref<1x128x128xi32, #tpu.memory_space<vmem>> -> memref<128x128xi32, #tpu.memory_space<vmem>>
    %dma_wait3A_145 = arith.constant 256 : i32
    %dma_wait3A_146 = tpu.memref_slice %arg20[%dma_wait3A_145] : memref<512xi32, #tpu.memory_space<vmem>> -> memref<128xi32, #tpu.memory_space<vmem>>
    %dma_wait3A_147 = arith.constant 0 : i32
    %dma_wait3A_148 = arith.constant 0 : i32
    %dma_wait3A_149 = tpu.memref_slice %arg4[%dma_wait3A_147, %dma_wait3A_148] : memref<1000x128xi32, #tpu.memory_space<hbm>> -> memref<1000x128xi32, #tpu.memory_space<hbm>>
    tpu.wait_indirect_dma semaphore(%arg24 : memref<!tpu.dma_semaphore, #tpu.memory_space<semaphore_mem>>) src(%dma_wait3A_149 : memref<1000x128xi32, #tpu.memory_space<hbm>>) dst(%dma_wait3A_144 : memref<128x128xi32, #tpu.memory_space<vmem>>)
    %scan3A_150 = arith.constant 0 : i32
    %scan3A_151 = arith.constant 0 : i32
    %scan3A_152 = arith.constant 128 : i32
    %scan3A_153 = arith.addi %scan3A_151, %scan3A_152 : i32
    %scan3A_154 = arith.constant 2 : i32
    scf.for %scan3A_190 = %scan3A_151 to %scan3A_153 step %scan3A_154  : i32 {
      %mul3A_191 = arith.constant 1 : i32
      %mul3A_192 = arith.muli %scan3A_190, %mul3A_191 : i32
      %add3A_193 = arith.constant 0 : i32
      %add3A_194 = arith.addi %add3A_193, %mul3A_192 : i32
      %add3A_195 = arith.constant 256 : i32
      %add3A_196 = arith.addi %add3A_195, %add3A_194 : i32
      %get3A_197 = arith.index_cast %add3A_196 : i32 to index
      %get3A_198 = tpu.vector_load %arg23[%get3A_197] {strides = array<i32>} : memref<528xi32, #tpu.memory_space<vmem>>, vector<16xi32>,
      %slice3A = vector.extract_strided_slice %get3A_198 {offsets = [0], sizes = [1], strides = [1]} : vector<16xi32> to vector<1xi32>
      %squeeze3A = vector.extract %slice3A[0] : i32 from vector<1xi32>
      %get3A_199 = arith.index_cast %add3A_196 : i32 to index
      %get3A_200 = tpu.vector_load %arg18[%get3A_199] {strides = array<i32>} : memref<528xi32, #tpu.memory_space<vmem>>, vector<16xi32>,
      %slice3A_201 = vector.extract_strided_slice %get3A_200 {offsets = [0], sizes = [1], strides = [1]} : vector<16xi32> to vector<1xi32>
      %squeeze3A_202 = vector.extract %slice3A_201[0] : i32 from vector<1xi32>
      %get3A_203 = arith.constant 0 : i32
      %get3A_204 = arith.constant 0 : i32
      %get3A_205 = tpu.memref_slice %arg14[%scan3A_150, %get3A_203, %get3A_204] : memref<2x128x128xi32, #tpu.memory_space<vmem>> -> memref<1x128x128xi32, #tpu.memory_space<vmem>>
      %get3A_206 = tpu.memref_squeeze %get3A_205 : memref<1x128x128xi32, #tpu.memory_space<vmem>> -> memref<128x128xi32, #tpu.memory_space<vmem>>
      %get3A_207 = arith.index_cast %add3A_194 : i32 to index
      %get3A_208 = arith.constant 0 : index
      %get3A_209 = tpu.vector_load %get3A_206[%get3A_207, %get3A_208] {strides = array<i32>} : memref<128x128xi32, #tpu.memory_space<vmem>>, vector<16xi32>,
      %bitcast3A_210 = vector.bitcast %get3A_209 : vector<16xi32> to vector<32xbf16>
      %get3A_211 = arith.index_cast %squeeze3A_202 : i32 to index
      %get3A_212 = arith.constant 0 : index
      %get3A_213 = tpu.vector_load %arg13[%get3A_211, %get3A_212] {strides = array<i32>} : memref<100x128xi32, #tpu.memory_space<vmem>>, vector<16xi32>,
      %bitcast3A_214 = vector.bitcast %get3A_213 : vector<16xi32> to vector<32xbf16>
      %get3A_215 = arith.index_cast %squeeze3A : i32 to index
      %get3A_216 = arith.constant 0 : index
      %get3A_217 = tpu.vector_load %arg12[%get3A_215, %get3A_216] {strides = array<i32>} : memref<16x128xi32, #tpu.memory_space<vmem>>, vector<16xi32>,
      %bitcast3A_218 = vector.bitcast %get3A_217 : vector<16xi32> to vector<32xbf16>
      %add3A_219 = arith.addf %bitcast3A_210, %bitcast3A_214 : vector<32xbf16>
      %add3A_220 = arith.addf %add3A_219, %bitcast3A_218 : vector<32xbf16>
      %max3A = arith.maximumf %add3A_220, %broadcast_in_dim3A_61 : vector<32xbf16>
      %mul3A_221 = arith.mulf %max3A, %bitcast3A : vector<32xbf16>
      %unpack3A = tpu.unpack_subelements %mul3A_221, 0 {pack_format = #tpu.pack_format<interleaved>} : vector<32xbf16> -> vector<16xf32>
      %unpack3A_222 = tpu.unpack_subelements %mul3A_221, 1 {pack_format = #tpu.pack_format<interleaved>} : vector<32xbf16> -> vector<16xf32>
      %add3A_223 = arith.addf %get3A_57, %unpack3A : vector<16xf32>
      %add3A_224 = arith.addf %mul3A_60, %unpack3A_222 : vector<16xf32>
      %get3A_225 = arith.constant 0 : i32
      %get3A_226 = arith.constant 0 : i32
      %get3A_227 = tpu.memref_slice %arg14[%scan3A_150, %get3A_225, %get3A_226] : memref<2x128x128xi32, #tpu.memory_space<vmem>> -> memref<1x128x128xi32, #tpu.memory_space<vmem>>
      %get3A_228 = tpu.memref_squeeze %get3A_227 : memref<1x128x128xi32, #tpu.memory_space<vmem>> -> memref<128x128xi32, #tpu.memory_space<vmem>>
      %get3A_229 = arith.index_cast %add3A_194 : i32 to index
      %get3A_230 = arith.constant 16 : index
      %get3A_231 = tpu.vector_load %get3A_228[%get3A_229, %get3A_230] {strides = array<i32>} : memref<128x128xi32, #tpu.memory_space<vmem>>, vector<16xi32>,
      %bitcast3A_232 = vector.bitcast %get3A_231 : vector<16xi32> to vector<32xbf16>
      %get3A_233 = arith.index_cast %squeeze3A_202 : i32 to index
      %get3A_234 = arith.constant 16 : index
      %get3A_235 = tpu.vector_load %arg13[%get3A_233, %get3A_234] {strides = array<i32>} : memref<100x128xi32, #tpu.memory_space<vmem>>, vector<16xi32>,
      %bitcast3A_236 = vector.bitcast %get3A_235 : vector<16xi32> to vector<32xbf16>
      %get3A_237 = arith.index_cast %squeeze3A : i32 to index
      %get3A_238 = arith.constant 16 : index
      %get3A_239 = tpu.vector_load %arg12[%get3A_237, %get3A_238] {strides = array<i32>} : memref<16x128xi32, #tpu.memory_space<vmem>>, vector<16xi32>,
      %bitcast3A_240 = vector.bitcast %get3A_239 : vector<16xi32> to vector<32xbf16>
      %add3A_241 = arith.addf %bitcast3A_232, %bitcast3A_236 : vector<32xbf16>
      %add3A_242 = arith.addf %add3A_241, %bitcast3A_240 : vector<32xbf16>
      %max3A_243 = arith.maximumf %add3A_242, %broadcast_in_dim3A_61 : vector<32xbf16>
      %mul3A_244 = arith.mulf %max3A_243, %bitcast3A_23 : vector<32xbf16>
      %unpack3A_245 = tpu.unpack_subelements %mul3A_244, 0 {pack_format = #tpu.pack_format<interleaved>} : vector<32xbf16> -> vector<16xf32>
      %unpack3A_246 = tpu.unpack_subelements %mul3A_244, 1 {pack_format = #tpu.pack_format<interleaved>} : vector<32xbf16> -> vector<16xf32>
      %add3A_247 = arith.addf %mul3A_60, %unpack3A_245 : vector<16xf32>
      %add3A_248 = arith.addf %mul3A_60, %unpack3A_246 : vector<16xf32>
      %get3A_249 = arith.constant 0 : i32
      %get3A_250 = arith.constant 0 : i32
      %get3A_251 = tpu.memref_slice %arg14[%scan3A_150, %get3A_249, %get3A_250] : memref<2x128x128xi32, #tpu.memory_space<vmem>> -> memref<1x128x128xi32, #tpu.memory_space<vmem>>
      %get3A_252 = tpu.memref_squeeze %get3A_251 : memref<1x128x128xi32, #tpu.memory_space<vmem>> -> memref<128x128xi32, #tpu.memory_space<vmem>>
      %get3A_253 = arith.index_cast %add3A_194 : i32 to index
      %get3A_254 = arith.constant 32 : index
      %get3A_255 = tpu.vector_load %get3A_252[%get3A_253, %get3A_254] {strides = array<i32>} : memref<128x128xi32, #tpu.memory_space<vmem>>, vector<16xi32>,
      %bitcast3A_256 = vector.bitcast %get3A_255 : vector<16xi32> to vector<32xbf16>
      %get3A_257 = arith.index_cast %squeeze3A_202 : i32 to index
      %get3A_258 = arith.constant 32 : index
      %get3A_259 = tpu.vector_load %arg13[%get3A_257, %get3A_258] {strides = array<i32>} : memref<100x128xi32, #tpu.memory_space<vmem>>, vector<16xi32>,
      %bitcast3A_260 = vector.bitcast %get3A_259 : vector<16xi32> to vector<32xbf16>
      %get3A_261 = arith.index_cast %squeeze3A : i32 to index
      %get3A_262 = arith.constant 32 : index
      %get3A_263 = tpu.vector_load %arg12[%get3A_261, %get3A_262] {strides = array<i32>} : memref<16x128xi32, #tpu.memory_space<vmem>>, vector<16xi32>,
      %bitcast3A_264 = vector.bitcast %get3A_263 : vector<16xi32> to vector<32xbf16>
      %add3A_265 = arith.addf %bitcast3A_256, %bitcast3A_260 : vector<32xbf16>
      %add3A_266 = arith.addf %add3A_265, %bitcast3A_264 : vector<32xbf16>
      %max3A_267 = arith.maximumf %add3A_266, %broadcast_in_dim3A_61 : vector<32xbf16>
      %mul3A_268 = arith.mulf %max3A_267, %bitcast3A_28 : vector<32xbf16>
      %unpack3A_269 = tpu.unpack_subelements %mul3A_268, 0 {pack_format = #tpu.pack_format<interleaved>} : vector<32xbf16> -> vector<16xf32>
      %unpack3A_270 = tpu.unpack_subelements %mul3A_268, 1 {pack_format = #tpu.pack_format<interleaved>} : vector<32xbf16> -> vector<16xf32>
      %add3A_271 = arith.addf %add3A_223, %unpack3A_269 : vector<16xf32>
      %add3A_272 = arith.addf %add3A_224, %unpack3A_270 : vector<16xf32>
      %get3A_273 = arith.constant 0 : i32
      %get3A_274 = arith.constant 0 : i32
      %get3A_275 = tpu.memref_slice %arg14[%scan3A_150, %get3A_273, %get3A_274] : memref<2x128x128xi32, #tpu.memory_space<vmem>> -> memref<1x128x128xi32, #tpu.memory_space<vmem>>
      %get3A_276 = tpu.memref_squeeze %get3A_275 : memref<1x128x128xi32, #tpu.memory_space<vmem>> -> memref<128x128xi32, #tpu.memory_space<vmem>>
      %get3A_277 = arith.index_cast %add3A_194 : i32 to index
      %get3A_278 = arith.constant 48 : index
      %get3A_279 = tpu.vector_load %get3A_276[%get3A_277, %get3A_278] {strides = array<i32>} : memref<128x128xi32, #tpu.memory_space<vmem>>, vector<16xi32>,
      %bitcast3A_280 = vector.bitcast %get3A_279 : vector<16xi32> to vector<32xbf16>
      %get3A_281 = arith.index_cast %squeeze3A_202 : i32 to index
      %get3A_282 = arith.constant 48 : index
      %get3A_283 = tpu.vector_load %arg13[%get3A_281, %get3A_282] {strides = array<i32>} : memref<100x128xi32, #tpu.memory_space<vmem>>, vector<16xi32>,
      %bitcast3A_284 = vector.bitcast %get3A_283 : vector<16xi32> to vector<32xbf16>
      %get3A_285 = arith.index_cast %squeeze3A : i32 to index
      %get3A_286 = arith.constant 48 : index
      %get3A_287 = tpu.vector_load %arg12[%get3A_285, %get3A_286] {strides = array<i32>} : memref<16x128xi32, #tpu.memory_space<vmem>>, vector<16xi32>,
      %bitcast3A_288 = vector.bitcast %get3A_287 : vector<16xi32> to vector<32xbf16>
      %add3A_289 = arith.addf %bitcast3A_280, %bitcast3A_284 : vector<32xbf16>
      %add3A_290 = arith.addf %add3A_289, %bitcast3A_288 : vector<32xbf16>
      %max3A_291 = arith.maximumf %add3A_290, %broadcast_in_dim3A_61 : vector<32xbf16>
      %mul3A_292 = arith.mulf %max3A_291, %bitcast3A_33 : vector<32xbf16>
      %unpack3A_293 = tpu.unpack_subelements %mul3A_292, 0 {pack_format = #tpu.pack_format<interleaved>} : vector<32xbf16> -> vector<16xf32>
      %unpack3A_294 = tpu.unpack_subelements %mul3A_292, 1 {pack_format = #tpu.pack_format<interleaved>} : vector<32xbf16> -> vector<16xf32>
      %add3A_295 = arith.addf %add3A_247, %unpack3A_293 : vector<16xf32>
      %add3A_296 = arith.addf %add3A_248, %unpack3A_294 : vector<16xf32>
      %get3A_297 = arith.constant 0 : i32
      %get3A_298 = arith.constant 0 : i32
      %get3A_299 = tpu.memref_slice %arg14[%scan3A_150, %get3A_297, %get3A_298] : memref<2x128x128xi32, #tpu.memory_space<vmem>> -> memref<1x128x128xi32, #tpu.memory_space<vmem>>
      %get3A_300 = tpu.memref_squeeze %get3A_299 : memref<1x128x128xi32, #tpu.memory_space<vmem>> -> memref<128x128xi32, #tpu.memory_space<vmem>>
      %get3A_301 = arith.index_cast %add3A_194 : i32 to index
      %get3A_302 = arith.constant 64 : index
      %get3A_303 = tpu.vector_load %get3A_300[%get3A_301, %get3A_302] {strides = array<i32>} : memref<128x128xi32, #tpu.memory_space<vmem>>, vector<16xi32>,
      %bitcast3A_304 = vector.bitcast %get3A_303 : vector<16xi32> to vector<32xbf16>
      %get3A_305 = arith.index_cast %squeeze3A_202 : i32 to index
      %get3A_306 = arith.constant 64 : index
      %get3A_307 = tpu.vector_load %arg13[%get3A_305, %get3A_306] {strides = array<i32>} : memref<100x128xi32, #tpu.memory_space<vmem>>, vector<16xi32>,
      %bitcast3A_308 = vector.bitcast %get3A_307 : vector<16xi32> to vector<32xbf16>
      %get3A_309 = arith.index_cast %squeeze3A : i32 to index
      %get3A_310 = arith.constant 64 : index
      %get3A_311 = tpu.vector_load %arg12[%get3A_309, %get3A_310] {strides = array<i32>} : memref<16x128xi32, #tpu.memory_space<vmem>>, vector<16xi32>,
      %bitcast3A_312 = vector.bitcast %get3A_311 : vector<16xi32> to vector<32xbf16>
      %add3A_313 = arith.addf %bitcast3A_304, %bitcast3A_308 : vector<32xbf16>
      %add3A_314 = arith.addf %add3A_313, %bitcast3A_312 : vector<32xbf16>
      %max3A_315 = arith.maximumf %add3A_314, %broadcast_in_dim3A_61 : vector<32xbf16>
      %mul3A_316 = arith.mulf %max3A_315, %bitcast3A_38 : vector<32xbf16>
      %unpack3A_317 = tpu.unpack_subelements %mul3A_316, 0 {pack_format = #tpu.pack_format<interleaved>} : vector<32xbf16> -> vector<16xf32>
      %unpack3A_318 = tpu.unpack_subelements %mul3A_316, 1 {pack_format = #tpu.pack_format<interleaved>} : vector<32xbf16> -> vector<16xf32>
      %add3A_319 = arith.addf %add3A_271, %unpack3A_317 : vector<16xf32>
      %add3A_320 = arith.addf %add3A_272, %unpack3A_318 : vector<16xf32>
      %get3A_321 = arith.constant 0 : i32
      %get3A_322 = arith.constant 0 : i32
      %get3A_323 = tpu.memref_slice %arg14[%scan3A_150, %get3A_321, %get3A_322] : memref<2x128x128xi32, #tpu.memory_space<vmem>> -> memref<1x128x128xi32, #tpu.memory_space<vmem>>
      %get3A_324 = tpu.memref_squeeze %get3A_323 : memref<1x128x128xi32, #tpu.memory_space<vmem>> -> memref<128x128xi32, #tpu.memory_space<vmem>>
      %get3A_325 = arith.index_cast %add3A_194 : i32 to index
      %get3A_326 = arith.constant 80 : index
      %get3A_327 = tpu.vector_load %get3A_324[%get3A_325, %get3A_326] {strides = array<i32>} : memref<128x128xi32, #tpu.memory_space<vmem>>, vector<16xi32>,
      %bitcast3A_328 = vector.bitcast %get3A_327 : vector<16xi32> to vector<32xbf16>
      %get3A_329 = arith.index_cast %squeeze3A_202 : i32 to index
      %get3A_330 = arith.constant 80 : index
      %get3A_331 = tpu.vector_load %arg13[%get3A_329, %get3A_330] {strides = array<i32>} : memref<100x128xi32, #tpu.memory_space<vmem>>, vector<16xi32>,
      %bitcast3A_332 = vector.bitcast %get3A_331 : vector<16xi32> to vector<32xbf16>
      %get3A_333 = arith.index_cast %squeeze3A : i32 to index
      %get3A_334 = arith.constant 80 : index
      %get3A_335 = tpu.vector_load %arg12[%get3A_333, %get3A_334] {strides = array<i32>} : memref<16x128xi32, #tpu.memory_space<vmem>>, vector<16xi32>,
      %bitcast3A_336 = vector.bitcast %get3A_335 : vector<16xi32> to vector<32xbf16>
      %add3A_337 = arith.addf %bitcast3A_328, %bitcast3A_332 : vector<32xbf16>
      %add3A_338 = arith.addf %add3A_337, %bitcast3A_336 : vector<32xbf16>
      %max3A_339 = arith.maximumf %add3A_338, %broadcast_in_dim3A_61 : vector<32xbf16>
      %mul3A_340 = arith.mulf %max3A_339, %bitcast3A_43 : vector<32xbf16>
      %unpack3A_341 = tpu.unpack_subelements %mul3A_340, 0 {pack_format = #tpu.pack_format<interleaved>} : vector<32xbf16> -> vector<16xf32>
      %unpack3A_342 = tpu.unpack_subelements %mul3A_340, 1 {pack_format = #tpu.pack_format<interleaved>} : vector<32xbf16> -> vector<16xf32>
      %add3A_343 = arith.addf %add3A_295, %unpack3A_341 : vector<16xf32>
      %add3A_344 = arith.addf %add3A_296, %unpack3A_342 : vector<16xf32>
      %get3A_345 = arith.constant 0 : i32
      %get3A_346 = arith.constant 0 : i32
      %get3A_347 = tpu.memref_slice %arg14[%scan3A_150, %get3A_345, %get3A_346] : memref<2x128x128xi32, #tpu.memory_space<vmem>> -> memref<1x128x128xi32, #tpu.memory_space<vmem>>
      %get3A_348 = tpu.memref_squeeze %get3A_347 : memref<1x128x128xi32, #tpu.memory_space<vmem>> -> memref<128x128xi32, #tpu.memory_space<vmem>>
      %get3A_349 = arith.index_cast %add3A_194 : i32 to index
      %get3A_350 = arith.constant 96 : index
      %get3A_351 = tpu.vector_load %get3A_348[%get3A_349, %get3A_350] {strides = array<i32>} : memref<128x128xi32, #tpu.memory_space<vmem>>, vector<16xi32>,
      %bitcast3A_352 = vector.bitcast %get3A_351 : vector<16xi32> to vector<32xbf16>
      %get3A_353 = arith.index_cast %squeeze3A_202 : i32 to index
      %get3A_354 = arith.constant 96 : index
      %get3A_355 = tpu.vector_load %arg13[%get3A_353, %get3A_354] {strides = array<i32>} : memref<100x128xi32, #tpu.memory_space<vmem>>, vector<16xi32>,
      %bitcast3A_356 = vector.bitcast %get3A_355 : vector<16xi32> to vector<32xbf16>
      %get3A_357 = arith.index_cast %squeeze3A : i32 to index
      %get3A_358 = arith.constant 96 : index
      %get3A_359 = tpu.vector_load %arg12[%get3A_357, %get3A_358] {strides = array<i32>} : memref<16x128xi32, #tpu.memory_space<vmem>>, vector<16xi32>,
      %bitcast3A_360 = vector.bitcast %get3A_359 : vector<16xi32> to vector<32xbf16>
      %add3A_361 = arith.addf %bitcast3A_352, %bitcast3A_356 : vector<32xbf16>
      %add3A_362 = arith.addf %add3A_361, %bitcast3A_360 : vector<32xbf16>
      %max3A_363 = arith.maximumf %add3A_362, %broadcast_in_dim3A_61 : vector<32xbf16>
      %mul3A_364 = arith.mulf %max3A_363, %bitcast3A_48 : vector<32xbf16>
      %unpack3A_365 = tpu.unpack_subelements %mul3A_364, 0 {pack_format = #tpu.pack_format<interleaved>} : vector<32xbf16> -> vector<16xf32>
      %unpack3A_366 = tpu.unpack_subelements %mul3A_364, 1 {pack_format = #tpu.pack_format<interleaved>} : vector<32xbf16> -> vector<16xf32>
      %add3A_367 = arith.addf %add3A_319, %unpack3A_365 : vector<16xf32>
      %add3A_368 = arith.addf %add3A_320, %unpack3A_366 : vector<16xf32>
      %get3A_369 = arith.constant 0 : i32
      %get3A_370 = arith.constant 0 : i32
      %get3A_371 = tpu.memref_slice %arg14[%scan3A_150, %get3A_369, %get3A_370] : memref<2x128x128xi32, #tpu.memory_space<vmem>> -> memref<1x128x128xi32, #tpu.memory_space<vmem>>
      %get3A_372 = tpu.memref_squeeze %get3A_371 : memref<1x128x128xi32, #tpu.memory_space<vmem>> -> memref<128x128xi32, #tpu.memory_space<vmem>>
      %get3A_373 = arith.index_cast %add3A_194 : i32 to index
      %get3A_374 = arith.constant 112 : index
      %get3A_375 = tpu.vector_load %get3A_372[%get3A_373, %get3A_374] {strides = array<i32>} : memref<128x128xi32, #tpu.memory_space<vmem>>, vector<16xi32>,
      %bitcast3A_376 = vector.bitcast %get3A_375 : vector<16xi32> to vector<32xbf16>
      %get3A_377 = arith.index_cast %squeeze3A_202 : i32 to index
      %get3A_378 = arith.constant 112 : index
      %get3A_379 = tpu.vector_load %arg13[%get3A_377, %get3A_378] {strides = array<i32>} : memref<100x128xi32, #tpu.memory_space<vmem>>, vector<16xi32>,
      %bitcast3A_380 = vector.bitcast %get3A_379 : vector<16xi32> to vector<32xbf16>
      %get3A_381 = arith.index_cast %squeeze3A : i32 to index
      %get3A_382 = arith.constant 112 : index
      %get3A_383 = tpu.vector_load %arg12[%get3A_381, %get3A_382] {strides = array<i32>} : memref<16x128xi32, #tpu.memory_space<vmem>>, vector<16xi32>,
      %bitcast3A_384 = vector.bitcast %get3A_383 : vector<16xi32> to vector<32xbf16>
      %add3A_385 = arith.addf %bitcast3A_376, %bitcast3A_380 : vector<32xbf16>
      %add3A_386 = arith.addf %add3A_385, %bitcast3A_384 : vector<32xbf16>
      %max3A_387 = arith.maximumf %add3A_386, %broadcast_in_dim3A_61 : vector<32xbf16>
      %mul3A_388 = arith.mulf %max3A_387, %bitcast3A_53 : vector<32xbf16>
      %unpack3A_389 = tpu.unpack_subelements %mul3A_388, 0 {pack_format = #tpu.pack_format<interleaved>} : vector<32xbf16> -> vector<16xf32>
      %unpack3A_390 = tpu.unpack_subelements %mul3A_388, 1 {pack_format = #tpu.pack_format<interleaved>} : vector<32xbf16> -> vector<16xf32>
      %add3A_391 = arith.addf %add3A_343, %unpack3A_389 : vector<16xf32>
      %add3A_392 = arith.addf %add3A_344, %unpack3A_390 : vector<16xf32>
      %add3A_393 = arith.addf %add3A_367, %add3A_391 : vector<16xf32>
      %add3A_394 = arith.addf %add3A_368, %add3A_392 : vector<16xf32>
      %add3A_395 = arith.addf %add3A_393, %add3A_394 : vector<16xf32>
      %mul3A_396 = arith.constant 16 : i32
      %mul3A_397 = arith.muli %add3A_194, %mul3A_396 : i32
      %swap3A = arith.index_cast %mul3A_397 : i32 to index
      %swap3A_398 = tpu.vector_load %arg22[%swap3A] {strides = array<i32>} : memref<2048xf32, #tpu.memory_space<vmem>>, vector<16xf32>,
      tpu.vector_store %arg22[%swap3A], %add3A_395 {strides = array<i32>} : memref<2048xf32, #tpu.memory_space<vmem>>, vector<16xf32>,
      %scan3A_399 = arith.constant 1 : i32
      %scan3A_400 = arith.addi %scan3A_190, %scan3A_399 : i32
      %mul3A_401 = arith.constant 1 : i32
      %mul3A_402 = arith.muli %scan3A_400, %mul3A_401 : i32
      %add3A_403 = arith.constant 0 : i32
      %add3A_404 = arith.addi %add3A_403, %mul3A_402 : i32
      %add3A_405 = arith.constant 256 : i32
      %add3A_406 = arith.addi %add3A_405, %add3A_404 : i32
      %get3A_407 = arith.index_cast %add3A_406 : i32 to index
      %get3A_408 = tpu.vector_load %arg23[%get3A_407] {strides = array<i32>} : memref<528xi32, #tpu.memory_space<vmem>>, vector<16xi32>,
      %slice3A_409 = vector.extract_strided_slice %get3A_408 {offsets = [0], sizes = [1], strides = [1]} : vector<16xi32> to vector<1xi32>
      %squeeze3A_410 = vector.extract %slice3A_409[0] : i32 from vector<1xi32>
      %get3A_411 = arith.index_cast %add3A_406 : i32 to index
      %get3A_412 = tpu.vector_load %arg18[%get3A_411] {strides = array<i32>} : memref<528xi32, #tpu.memory_space<vmem>>, vector<16xi32>,
      %slice3A_413 = vector.extract_strided_slice %get3A_412 {offsets = [0], sizes = [1], strides = [1]} : vector<16xi32> to vector<1xi32>
      %squeeze3A_414 = vector.extract %slice3A_413[0] : i32 from vector<1xi32>
      %get3A_415 = arith.constant 0 : i32
      %get3A_416 = arith.constant 0 : i32
      %get3A_417 = tpu.memref_slice %arg14[%scan3A_150, %get3A_415, %get3A_416] : memref<2x128x128xi32, #tpu.memory_space<vmem>> -> memref<1x128x128xi32, #tpu.memory_space<vmem>>
      %get3A_418 = tpu.memref_squeeze %get3A_417 : memref<1x128x128xi32, #tpu.memory_space<vmem>> -> memref<128x128xi32, #tpu.memory_space<vmem>>
      %get3A_419 = arith.index_cast %add3A_404 : i32 to index
      %get3A_420 = arith.constant 0 : index
      %get3A_421 = tpu.vector_load %get3A_418[%get3A_419, %get3A_420] {strides = array<i32>} : memref<128x128xi32, #tpu.memory_space<vmem>>, vector<16xi32>,
      %bitcast3A_422 = vector.bitcast %get3A_421 : vector<16xi32> to vector<32xbf16>
      %get3A_423 = arith.index_cast %squeeze3A_414 : i32 to index
      %get3A_424 = arith.constant 0 : index
      %get3A_425 = tpu.vector_load %arg13[%get3A_423, %get3A_424] {strides = array<i32>} : memref<100x128xi32, #tpu.memory_space<vmem>>, vector<16xi32>,
      %bitcast3A_426 = vector.bitcast %get3A_425 : vector<16xi32> to vector<32xbf16>
      %get3A_427 = arith.index_cast %squeeze3A_410 : i32 to index
      %get3A_428 = arith.constant 0 : index
      %get3A_429 = tpu.vector_load %arg12[%get3A_427, %get3A_428] {strides = array<i32>} : memref<16x128xi32, #tpu.memory_space<vmem>>, vector<16xi32>,
      %bitcast3A_430 = vector.bitcast %get3A_429 : vector<16xi32> to vector<32xbf16>
      %add3A_431 = arith.addf %bitcast3A_422, %bitcast3A_426 : vector<32xbf16>
      %add3A_432 = arith.addf %add3A_431, %bitcast3A_430 : vector<32xbf16>
      %max3A_433 = arith.maximumf %add3A_432, %broadcast_in_dim3A_61 : vector<32xbf16>
      %mul3A_434 = arith.mulf %max3A_433, %bitcast3A : vector<32xbf16>
      %unpack3A_435 = tpu.unpack_subelements %mul3A_434, 0 {pack_format = #tpu.pack_format<interleaved>} : vector<32xbf16> -> vector<16xf32>
      %unpack3A_436 = tpu.unpack_subelements %mul3A_434, 1 {pack_format = #tpu.pack_format<interleaved>} : vector<32xbf16> -> vector<16xf32>
      %add3A_437 = arith.addf %get3A_57, %unpack3A_435 : vector<16xf32>
      %add3A_438 = arith.addf %mul3A_60, %unpack3A_436 : vector<16xf32>
      %get3A_439 = arith.constant 0 : i32
      %get3A_440 = arith.constant 0 : i32
      %get3A_441 = tpu.memref_slice %arg14[%scan3A_150, %get3A_439, %get3A_440] : memref<2x128x128xi32, #tpu.memory_space<vmem>> -> memref<1x128x128xi32, #tpu.memory_space<vmem>>
      %get3A_442 = tpu.memref_squeeze %get3A_441 : memref<1x128x128xi32, #tpu.memory_space<vmem>> -> memref<128x128xi32, #tpu.memory_space<vmem>>
      %get3A_443 = arith.index_cast %add3A_404 : i32 to index
      %get3A_444 = arith.constant 16 : index
      %get3A_445 = tpu.vector_load %get3A_442[%get3A_443, %get3A_444] {strides = array<i32>} : memref<128x128xi32, #tpu.memory_space<vmem>>, vector<16xi32>,
      %bitcast3A_446 = vector.bitcast %get3A_445 : vector<16xi32> to vector<32xbf16>
      %get3A_447 = arith.index_cast %squeeze3A_414 : i32 to index
      %get3A_448 = arith.constant 16 : index
      %get3A_449 = tpu.vector_load %arg13[%get3A_447, %get3A_448] {strides = array<i32>} : memref<100x128xi32, #tpu.memory_space<vmem>>, vector<16xi32>,
      %bitcast3A_450 = vector.bitcast %get3A_449 : vector<16xi32> to vector<32xbf16>
      %get3A_451 = arith.index_cast %squeeze3A_410 : i32 to index
      %get3A_452 = arith.constant 16 : index
      %get3A_453 = tpu.vector_load %arg12[%get3A_451, %get3A_452] {strides = array<i32>} : memref<16x128xi32, #tpu.memory_space<vmem>>, vector<16xi32>,
      %bitcast3A_454 = vector.bitcast %get3A_453 : vector<16xi32> to vector<32xbf16>
      %add3A_455 = arith.addf %bitcast3A_446, %bitcast3A_450 : vector<32xbf16>
      %add3A_456 = arith.addf %add3A_455, %bitcast3A_454 : vector<32xbf16>
      %max3A_457 = arith.maximumf %add3A_456, %broadcast_in_dim3A_61 : vector<32xbf16>
      %mul3A_458 = arith.mulf %max3A_457, %bitcast3A_23 : vector<32xbf16>
      %unpack3A_459 = tpu.unpack_subelements %mul3A_458, 0 {pack_format = #tpu.pack_format<interleaved>} : vector<32xbf16> -> vector<16xf32>
      %unpack3A_460 = tpu.unpack_subelements %mul3A_458, 1 {pack_format = #tpu.pack_format<interleaved>} : vector<32xbf16> -> vector<16xf32>
      %add3A_461 = arith.addf %mul3A_60, %unpack3A_459 : vector<16xf32>
      %add3A_462 = arith.addf %mul3A_60, %unpack3A_460 : vector<16xf32>
      %get3A_463 = arith.constant 0 : i32
      %get3A_464 = arith.constant 0 : i32
      %get3A_465 = tpu.memref_slice %arg14[%scan3A_150, %get3A_463, %get3A_464] : memref<2x128x128xi32, #tpu.memory_space<vmem>> -> memref<1x128x128xi32, #tpu.memory_space<vmem>>
      %get3A_466 = tpu.memref_squeeze %get3A_465 : memref<1x128x128xi32, #tpu.memory_space<vmem>> -> memref<128x128xi32, #tpu.memory_space<vmem>>
      %get3A_467 = arith.index_cast %add3A_404 : i32 to index
      %get3A_468 = arith.constant 32 : index
      %get3A_469 = tpu.vector_load %get3A_466[%get3A_467, %get3A_468] {strides = array<i32>} : memref<128x128xi32, #tpu.memory_space<vmem>>, vector<16xi32>,
      %bitcast3A_470 = vector.bitcast %get3A_469 : vector<16xi32> to vector<32xbf16>
      %get3A_471 = arith.index_cast %squeeze3A_414 : i32 to index
      %get3A_472 = arith.constant 32 : index
      %get3A_473 = tpu.vector_load %arg13[%get3A_471, %get3A_472] {strides = array<i32>} : memref<100x128xi32, #tpu.memory_space<vmem>>, vector<16xi32>,
      %bitcast3A_474 = vector.bitcast %get3A_473 : vector<16xi32> to vector<32xbf16>
      %get3A_475 = arith.index_cast %squeeze3A_410 : i32 to index
      %get3A_476 = arith.constant 32 : index
      %get3A_477 = tpu.vector_load %arg12[%get3A_475, %get3A_476] {strides = array<i32>} : memref<16x128xi32, #tpu.memory_space<vmem>>, vector<16xi32>,
      %bitcast3A_478 = vector.bitcast %get3A_477 : vector<16xi32> to vector<32xbf16>
      %add3A_479 = arith.addf %bitcast3A_470, %bitcast3A_474 : vector<32xbf16>
      %add3A_480 = arith.addf %add3A_479, %bitcast3A_478 : vector<32xbf16>
      %max3A_481 = arith.maximumf %add3A_480, %broadcast_in_dim3A_61 : vector<32xbf16>
      %mul3A_482 = arith.mulf %max3A_481, %bitcast3A_28 : vector<32xbf16>
      %unpack3A_483 = tpu.unpack_subelements %mul3A_482, 0 {pack_format = #tpu.pack_format<interleaved>} : vector<32xbf16> -> vector<16xf32>
      %unpack3A_484 = tpu.unpack_subelements %mul3A_482, 1 {pack_format = #tpu.pack_format<interleaved>} : vector<32xbf16> -> vector<16xf32>
      %add3A_485 = arith.addf %add3A_437, %unpack3A_483 : vector<16xf32>
      %add3A_486 = arith.addf %add3A_438, %unpack3A_484 : vector<16xf32>
      %get3A_487 = arith.constant 0 : i32
      %get3A_488 = arith.constant 0 : i32
      %get3A_489 = tpu.memref_slice %arg14[%scan3A_150, %get3A_487, %get3A_488] : memref<2x128x128xi32, #tpu.memory_space<vmem>> -> memref<1x128x128xi32, #tpu.memory_space<vmem>>
      %get3A_490 = tpu.memref_squeeze %get3A_489 : memref<1x128x128xi32, #tpu.memory_space<vmem>> -> memref<128x128xi32, #tpu.memory_space<vmem>>
      %get3A_491 = arith.index_cast %add3A_404 : i32 to index
      %get3A_492 = arith.constant 48 : index
      %get3A_493 = tpu.vector_load %get3A_490[%get3A_491, %get3A_492] {strides = array<i32>} : memref<128x128xi32, #tpu.memory_space<vmem>>, vector<16xi32>,
      %bitcast3A_494 = vector.bitcast %get3A_493 : vector<16xi32> to vector<32xbf16>
      %get3A_495 = arith.index_cast %squeeze3A_414 : i32 to index
      %get3A_496 = arith.constant 48 : index
      %get3A_497 = tpu.vector_load %arg13[%get3A_495, %get3A_496] {strides = array<i32>} : memref<100x128xi32, #tpu.memory_space<vmem>>, vector<16xi32>,
      %bitcast3A_498 = vector.bitcast %get3A_497 : vector<16xi32> to vector<32xbf16>
      %get3A_499 = arith.index_cast %squeeze3A_410 : i32 to index
      %get3A_500 = arith.constant 48 : index
      %get3A_501 = tpu.vector_load %arg12[%get3A_499, %get3A_500] {strides = array<i32>} : memref<16x128xi32, #tpu.memory_space<vmem>>, vector<16xi32>,
      %bitcast3A_502 = vector.bitcast %get3A_501 : vector<16xi32> to vector<32xbf16>
      %add3A_503 = arith.addf %bitcast3A_494, %bitcast3A_498 : vector<32xbf16>
      %add3A_504 = arith.addf %add3A_503, %bitcast3A_502 : vector<32xbf16>
      %max3A_505 = arith.maximumf %add3A_504, %broadcast_in_dim3A_61 : vector<32xbf16>
      %mul3A_506 = arith.mulf %max3A_505, %bitcast3A_33 : vector<32xbf16>
      %unpack3A_507 = tpu.unpack_subelements %mul3A_506, 0 {pack_format = #tpu.pack_format<interleaved>} : vector<32xbf16> -> vector<16xf32>
      %unpack3A_508 = tpu.unpack_subelements %mul3A_506, 1 {pack_format = #tpu.pack_format<interleaved>} : vector<32xbf16> -> vector<16xf32>
      %add3A_509 = arith.addf %add3A_461, %unpack3A_507 : vector<16xf32>
      %add3A_510 = arith.addf %add3A_462, %unpack3A_508 : vector<16xf32>
      %get3A_511 = arith.constant 0 : i32
      %get3A_512 = arith.constant 0 : i32
      %get3A_513 = tpu.memref_slice %arg14[%scan3A_150, %get3A_511, %get3A_512] : memref<2x128x128xi32, #tpu.memory_space<vmem>> -> memref<1x128x128xi32, #tpu.memory_space<vmem>>
      %get3A_514 = tpu.memref_squeeze %get3A_513 : memref<1x128x128xi32, #tpu.memory_space<vmem>> -> memref<128x128xi32, #tpu.memory_space<vmem>>
      %get3A_515 = arith.index_cast %add3A_404 : i32 to index
      %get3A_516 = arith.constant 64 : index
      %get3A_517 = tpu.vector_load %get3A_514[%get3A_515, %get3A_516] {strides = array<i32>} : memref<128x128xi32, #tpu.memory_space<vmem>>, vector<16xi32>,
      %bitcast3A_518 = vector.bitcast %get3A_517 : vector<16xi32> to vector<32xbf16>
      %get3A_519 = arith.index_cast %squeeze3A_414 : i32 to index
      %get3A_520 = arith.constant 64 : index
      %get3A_521 = tpu.vector_load %arg13[%get3A_519, %get3A_520] {strides = array<i32>} : memref<100x128xi32, #tpu.memory_space<vmem>>, vector<16xi32>,
      %bitcast3A_522 = vector.bitcast %get3A_521 : vector<16xi32> to vector<32xbf16>
      %get3A_523 = arith.index_cast %squeeze3A_410 : i32 to index
      %get3A_524 = arith.constant 64 : index
      %get3A_525 = tpu.vector_load %arg12[%get3A_523, %get3A_524] {strides = array<i32>} : memref<16x128xi32, #tpu.memory_space<vmem>>, vector<16xi32>,
      %bitcast3A_526 = vector.bitcast %get3A_525 : vector<16xi32> to vector<32xbf16>
      %add3A_527 = arith.addf %bitcast3A_518, %bitcast3A_522 : vector<32xbf16>
      %add3A_528 = arith.addf %add3A_527, %bitcast3A_526 : vector<32xbf16>
      %max3A_529 = arith.maximumf %add3A_528, %broadcast_in_dim3A_61 : vector<32xbf16>
      %mul3A_530 = arith.mulf %max3A_529, %bitcast3A_38 : vector<32xbf16>
      %unpack3A_531 = tpu.unpack_subelements %mul3A_530, 0 {pack_format = #tpu.pack_format<interleaved>} : vector<32xbf16> -> vector<16xf32>
      %unpack3A_532 = tpu.unpack_subelements %mul3A_530, 1 {pack_format = #tpu.pack_format<interleaved>} : vector<32xbf16> -> vector<16xf32>
      %add3A_533 = arith.addf %add3A_485, %unpack3A_531 : vector<16xf32>
      %add3A_534 = arith.addf %add3A_486, %unpack3A_532 : vector<16xf32>
      %get3A_535 = arith.constant 0 : i32
      %get3A_536 = arith.constant 0 : i32
      %get3A_537 = tpu.memref_slice %arg14[%scan3A_150, %get3A_535, %get3A_536] : memref<2x128x128xi32, #tpu.memory_space<vmem>> -> memref<1x128x128xi32, #tpu.memory_space<vmem>>
      %get3A_538 = tpu.memref_squeeze %get3A_537 : memref<1x128x128xi32, #tpu.memory_space<vmem>> -> memref<128x128xi32, #tpu.memory_space<vmem>>
      %get3A_539 = arith.index_cast %add3A_404 : i32 to index
      %get3A_540 = arith.constant 80 : index
      %get3A_541 = tpu.vector_load %get3A_538[%get3A_539, %get3A_540] {strides = array<i32>} : memref<128x128xi32, #tpu.memory_space<vmem>>, vector<16xi32>,
      %bitcast3A_542 = vector.bitcast %get3A_541 : vector<16xi32> to vector<32xbf16>
      %get3A_543 = arith.index_cast %squeeze3A_414 : i32 to index
      %get3A_544 = arith.constant 80 : index
      %get3A_545 = tpu.vector_load %arg13[%get3A_543, %get3A_544] {strides = array<i32>} : memref<100x128xi32, #tpu.memory_space<vmem>>, vector<16xi32>,
      %bitcast3A_546 = vector.bitcast %get3A_545 : vector<16xi32> to vector<32xbf16>
      %get3A_547 = arith.index_cast %squeeze3A_410 : i32 to index
      %get3A_548 = arith.constant 80 : index
      %get3A_549 = tpu.vector_load %arg12[%get3A_547, %get3A_548] {strides = array<i32>} : memref<16x128xi32, #tpu.memory_space<vmem>>, vector<16xi32>,
      %bitcast3A_550 = vector.bitcast %get3A_549 : vector<16xi32> to vector<32xbf16>
      %add3A_551 = arith.addf %bitcast3A_542, %bitcast3A_546 : vector<32xbf16>
      %add3A_552 = arith.addf %add3A_551, %bitcast3A_550 : vector<32xbf16>
      %max3A_553 = arith.maximumf %add3A_552, %broadcast_in_dim3A_61 : vector<32xbf16>
      %mul3A_554 = arith.mulf %max3A_553, %bitcast3A_43 : vector<32xbf16>
      %unpack3A_555 = tpu.unpack_subelements %mul3A_554, 0 {pack_format = #tpu.pack_format<interleaved>} : vector<32xbf16> -> vector<16xf32>
      %unpack3A_556 = tpu.unpack_subelements %mul3A_554, 1 {pack_format = #tpu.pack_format<interleaved>} : vector<32xbf16> -> vector<16xf32>
      %add3A_557 = arith.addf %add3A_509, %unpack3A_555 : vector<16xf32>
      %add3A_558 = arith.addf %add3A_510, %unpack3A_556 : vector<16xf32>
      %get3A_559 = arith.constant 0 : i32
      %get3A_560 = arith.constant 0 : i32
      %get3A_561 = tpu.memref_slice %arg14[%scan3A_150, %get3A_559, %get3A_560] : memref<2x128x128xi32, #tpu.memory_space<vmem>> -> memref<1x128x128xi32, #tpu.memory_space<vmem>>
      %get3A_562 = tpu.memref_squeeze %get3A_561 : memref<1x128x128xi32, #tpu.memory_space<vmem>> -> memref<128x128xi32, #tpu.memory_space<vmem>>
      %get3A_563 = arith.index_cast %add3A_404 : i32 to index
      %get3A_564 = arith.constant 96 : index
      %get3A_565 = tpu.vector_load %get3A_562[%get3A_563, %get3A_564] {strides = array<i32>} : memref<128x128xi32, #tpu.memory_space<vmem>>, vector<16xi32>,
      %bitcast3A_566 = vector.bitcast %get3A_565 : vector<16xi32> to vector<32xbf16>
      %get3A_567 = arith.index_cast %squeeze3A_414 : i32 to index
      %get3A_568 = arith.constant 96 : index
      %get3A_569 = tpu.vector_load %arg13[%get3A_567, %get3A_568] {strides = array<i32>} : memref<100x128xi32, #tpu.memory_space<vmem>>, vector<16xi32>,
      %bitcast3A_570 = vector.bitcast %get3A_569 : vector<16xi32> to vector<32xbf16>
      %get3A_571 = arith.index_cast %squeeze3A_410 : i32 to index
      %get3A_572 = arith.constant 96 : index
      %get3A_573 = tpu.vector_load %arg12[%get3A_571, %get3A_572] {strides = array<i32>} : memref<16x128xi32, #tpu.memory_space<vmem>>, vector<16xi32>,
      %bitcast3A_574 = vector.bitcast %get3A_573 : vector<16xi32> to vector<32xbf16>
      %add3A_575 = arith.addf %bitcast3A_566, %bitcast3A_570 : vector<32xbf16>
      %add3A_576 = arith.addf %add3A_575, %bitcast3A_574 : vector<32xbf16>
      %max3A_577 = arith.maximumf %add3A_576, %broadcast_in_dim3A_61 : vector<32xbf16>
      %mul3A_578 = arith.mulf %max3A_577, %bitcast3A_48 : vector<32xbf16>
      %unpack3A_579 = tpu.unpack_subelements %mul3A_578, 0 {pack_format = #tpu.pack_format<interleaved>} : vector<32xbf16> -> vector<16xf32>
      %unpack3A_580 = tpu.unpack_subelements %mul3A_578, 1 {pack_format = #tpu.pack_format<interleaved>} : vector<32xbf16> -> vector<16xf32>
      %add3A_581 = arith.addf %add3A_533, %unpack3A_579 : vector<16xf32>
      %add3A_582 = arith.addf %add3A_534, %unpack3A_580 : vector<16xf32>
      %get3A_583 = arith.constant 0 : i32
      %get3A_584 = arith.constant 0 : i32
      %get3A_585 = tpu.memref_slice %arg14[%scan3A_150, %get3A_583, %get3A_584] : memref<2x128x128xi32, #tpu.memory_space<vmem>> -> memref<1x128x128xi32, #tpu.memory_space<vmem>>
      %get3A_586 = tpu.memref_squeeze %get3A_585 : memref<1x128x128xi32, #tpu.memory_space<vmem>> -> memref<128x128xi32, #tpu.memory_space<vmem>>
      %get3A_587 = arith.index_cast %add3A_404 : i32 to index
      %get3A_588 = arith.constant 112 : index
      %get3A_589 = tpu.vector_load %get3A_586[%get3A_587, %get3A_588] {strides = array<i32>} : memref<128x128xi32, #tpu.memory_space<vmem>>, vector<16xi32>,
      %bitcast3A_590 = vector.bitcast %get3A_589 : vector<16xi32> to vector<32xbf16>
      %get3A_591 = arith.index_cast %squeeze3A_414 : i32 to index
      %get3A_592 = arith.constant 112 : index
      %get3A_593 = tpu.vector_load %arg13[%get3A_591, %get3A_592] {strides = array<i32>} : memref<100x128xi32, #tpu.memory_space<vmem>>, vector<16xi32>,
      %bitcast3A_594 = vector.bitcast %get3A_593 : vector<16xi32> to vector<32xbf16>
      %get3A_595 = arith.index_cast %squeeze3A_410 : i32 to index
      %get3A_596 = arith.constant 112 : index
      %get3A_597 = tpu.vector_load %arg12[%get3A_595, %get3A_596] {strides = array<i32>} : memref<16x128xi32, #tpu.memory_space<vmem>>, vector<16xi32>,
      %bitcast3A_598 = vector.bitcast %get3A_597 : vector<16xi32> to vector<32xbf16>
      %add3A_599 = arith.addf %bitcast3A_590, %bitcast3A_594 : vector<32xbf16>
      %add3A_600 = arith.addf %add3A_599, %bitcast3A_598 : vector<32xbf16>
      %max3A_601 = arith.maximumf %add3A_600, %broadcast_in_dim3A_61 : vector<32xbf16>
      %mul3A_602 = arith.mulf %max3A_601, %bitcast3A_53 : vector<32xbf16>
      %unpack3A_603 = tpu.unpack_subelements %mul3A_602, 0 {pack_format = #tpu.pack_format<interleaved>} : vector<32xbf16> -> vector<16xf32>
      %unpack3A_604 = tpu.unpack_subelements %mul3A_602, 1 {pack_format = #tpu.pack_format<interleaved>} : vector<32xbf16> -> vector<16xf32>
      %add3A_605 = arith.addf %add3A_557, %unpack3A_603 : vector<16xf32>
      %add3A_606 = arith.addf %add3A_558, %unpack3A_604 : vector<16xf32>
      %add3A_607 = arith.addf %add3A_581, %add3A_605 : vector<16xf32>
      %add3A_608 = arith.addf %add3A_582, %add3A_606 : vector<16xf32>
      %add3A_609 = arith.addf %add3A_607, %add3A_608 : vector<16xf32>
      %mul3A_610 = arith.constant 16 : i32
      %mul3A_611 = arith.muli %add3A_404, %mul3A_610 : i32
      %swap3A_612 = arith.index_cast %mul3A_611 : i32 to index
      %swap3A_613 = tpu.vector_load %arg22[%swap3A_612] {strides = array<i32>} : memref<2048xf32, #tpu.memory_space<vmem>>, vector<16xf32>,
      tpu.vector_store %arg22[%swap3A_612], %add3A_609 {strides = array<i32>} : memref<2048xf32, #tpu.memory_space<vmem>>, vector<16xf32>,
    }
    %scan3A_155 = arith.constant 128 : i32
    %iota3A_156 = tpu.iota {dimensions = array<i32: 0>} : vector<16xi32>
    %mul3A_157 = arith.constant 16 : i32
    %mul3A_158 = vector.broadcast %mul3A_157 : i32 to vector<16xi32>
    %mul3A_159 = arith.muli %iota3A_156, %mul3A_158 : vector<16xi32>
    %scan3A_160 = arith.constant 0 : i32
    %scan3A_161 = arith.constant 8 : i32
    %scan3A_162 = arith.addi %scan3A_160, %scan3A_161 : i32
    %scan3A_163 = arith.constant 1 : i32
    scf.for %scan3A_190 = %scan3A_160 to %scan3A_162 step %scan3A_163  : i32 {
      %mul3A_191 = arith.constant 1 : i32
      %mul3A_192 = arith.muli %scan3A_190, %mul3A_191 : i32
      %add3A_193 = arith.constant 0 : i32
      %add3A_194 = arith.addi %add3A_193, %mul3A_192 : i32
      %mul3A_195 = arith.constant 256 : i32
      %mul3A_196 = arith.muli %add3A_194, %mul3A_195 : i32
      %add3A_197 = vector.broadcast %mul3A_196 : i32 to vector<16xi32>
      %add3A_198 = arith.addi %mul3A_159, %add3A_197 : vector<16xi32>
      %gather3A = tpu.vector_load_idx %arg22[%add3A_198] : memref<2048xf32, #tpu.memory_space<vmem>>[vector<16xi32>], vector<16xf32>,
      %add3A_199 = arith.constant 1 : i32
      %add3A_200 = arith.addi %mul3A_196, %add3A_199 : i32
      %add3A_201 = vector.broadcast %add3A_200 : i32 to vector<16xi32>
      %add3A_202 = arith.addi %mul3A_159, %add3A_201 : vector<16xi32>
      %gather3A_203 = tpu.vector_load_idx %arg22[%add3A_202] : memref<2048xf32, #tpu.memory_space<vmem>>[vector<16xi32>], vector<16xf32>,
      %add3A_204 = arith.addf %gather3A, %gather3A_203 : vector<16xf32>
      %add3A_205 = arith.constant 2 : i32
      %add3A_206 = arith.addi %mul3A_196, %add3A_205 : i32
      %add3A_207 = vector.broadcast %add3A_206 : i32 to vector<16xi32>
      %add3A_208 = arith.addi %mul3A_159, %add3A_207 : vector<16xi32>
      %gather3A_209 = tpu.vector_load_idx %arg22[%add3A_208] : memref<2048xf32, #tpu.memory_space<vmem>>[vector<16xi32>], vector<16xf32>,
      %add3A_210 = arith.addf %add3A_204, %gather3A_209 : vector<16xf32>
      %add3A_211 = arith.constant 3 : i32
      %add3A_212 = arith.addi %mul3A_196, %add3A_211 : i32
      %add3A_213 = vector.broadcast %add3A_212 : i32 to vector<16xi32>
      %add3A_214 = arith.addi %mul3A_159, %add3A_213 : vector<16xi32>
      %gather3A_215 = tpu.vector_load_idx %arg22[%add3A_214] : memref<2048xf32, #tpu.memory_space<vmem>>[vector<16xi32>], vector<16xf32>,
      %add3A_216 = arith.addf %add3A_210, %gather3A_215 : vector<16xf32>
      %add3A_217 = arith.constant 4 : i32
      %add3A_218 = arith.addi %mul3A_196, %add3A_217 : i32
      %add3A_219 = vector.broadcast %add3A_218 : i32 to vector<16xi32>
      %add3A_220 = arith.addi %mul3A_159, %add3A_219 : vector<16xi32>
      %gather3A_221 = tpu.vector_load_idx %arg22[%add3A_220] : memref<2048xf32, #tpu.memory_space<vmem>>[vector<16xi32>], vector<16xf32>,
      %add3A_222 = arith.addf %add3A_216, %gather3A_221 : vector<16xf32>
      %add3A_223 = arith.constant 5 : i32
      %add3A_224 = arith.addi %mul3A_196, %add3A_223 : i32
      %add3A_225 = vector.broadcast %add3A_224 : i32 to vector<16xi32>
      %add3A_226 = arith.addi %mul3A_159, %add3A_225 : vector<16xi32>
      %gather3A_227 = tpu.vector_load_idx %arg22[%add3A_226] : memref<2048xf32, #tpu.memory_space<vmem>>[vector<16xi32>], vector<16xf32>,
      %add3A_228 = arith.addf %add3A_222, %gather3A_227 : vector<16xf32>
      %add3A_229 = arith.constant 6 : i32
      %add3A_230 = arith.addi %mul3A_196, %add3A_229 : i32
      %add3A_231 = vector.broadcast %add3A_230 : i32 to vector<16xi32>
      %add3A_232 = arith.addi %mul3A_159, %add3A_231 : vector<16xi32>
      %gather3A_233 = tpu.vector_load_idx %arg22[%add3A_232] : memref<2048xf32, #tpu.memory_space<vmem>>[vector<16xi32>], vector<16xf32>,
      %add3A_234 = arith.addf %add3A_228, %gather3A_233 : vector<16xf32>
      %add3A_235 = arith.constant 7 : i32
      %add3A_236 = arith.addi %mul3A_196, %add3A_235 : i32
      %add3A_237 = vector.broadcast %add3A_236 : i32 to vector<16xi32>
      %add3A_238 = arith.addi %mul3A_159, %add3A_237 : vector<16xi32>
      %gather3A_239 = tpu.vector_load_idx %arg22[%add3A_238] : memref<2048xf32, #tpu.memory_space<vmem>>[vector<16xi32>], vector<16xf32>,
      %add3A_240 = arith.addf %add3A_234, %gather3A_239 : vector<16xf32>
      %add3A_241 = arith.constant 8 : i32
      %add3A_242 = arith.addi %mul3A_196, %add3A_241 : i32
      %add3A_243 = vector.broadcast %add3A_242 : i32 to vector<16xi32>
      %add3A_244 = arith.addi %mul3A_159, %add3A_243 : vector<16xi32>
      %gather3A_245 = tpu.vector_load_idx %arg22[%add3A_244] : memref<2048xf32, #tpu.memory_space<vmem>>[vector<16xi32>], vector<16xf32>,
      %add3A_246 = arith.addf %add3A_240, %gather3A_245 : vector<16xf32>
      %add3A_247 = arith.constant 9 : i32
      %add3A_248 = arith.addi %mul3A_196, %add3A_247 : i32
      %add3A_249 = vector.broadcast %add3A_248 : i32 to vector<16xi32>
      %add3A_250 = arith.addi %mul3A_159, %add3A_249 : vector<16xi32>
      %gather3A_251 = tpu.vector_load_idx %arg22[%add3A_250] : memref<2048xf32, #tpu.memory_space<vmem>>[vector<16xi32>], vector<16xf32>,
      %add3A_252 = arith.addf %add3A_246, %gather3A_251 : vector<16xf32>
      %add3A_253 = arith.constant 10 : i32
      %add3A_254 = arith.addi %mul3A_196, %add3A_253 : i32
      %add3A_255 = vector.broadcast %add3A_254 : i32 to vector<16xi32>
      %add3A_256 = arith.addi %mul3A_159, %add3A_255 : vector<16xi32>
      %gather3A_257 = tpu.vector_load_idx %arg22[%add3A_256] : memref<2048xf32, #tpu.memory_space<vmem>>[vector<16xi32>], vector<16xf32>,
      %add3A_258 = arith.addf %add3A_252, %gather3A_257 : vector<16xf32>
      %add3A_259 = arith.constant 11 : i32
      %add3A_260 = arith.addi %mul3A_196, %add3A_259 : i32
      %add3A_261 = vector.broadcast %add3A_260 : i32 to vector<16xi32>
      %add3A_262 = arith.addi %mul3A_159, %add3A_261 : vector<16xi32>
      %gather3A_263 = tpu.vector_load_idx %arg22[%add3A_262] : memref<2048xf32, #tpu.memory_space<vmem>>[vector<16xi32>], vector<16xf32>,
      %add3A_264 = arith.addf %add3A_258, %gather3A_263 : vector<16xf32>
      %add3A_265 = arith.constant 12 : i32
      %add3A_266 = arith.addi %mul3A_196, %add3A_265 : i32
      %add3A_267 = vector.broadcast %add3A_266 : i32 to vector<16xi32>
      %add3A_268 = arith.addi %mul3A_159, %add3A_267 : vector<16xi32>
      %gather3A_269 = tpu.vector_load_idx %arg22[%add3A_268] : memref<2048xf32, #tpu.memory_space<vmem>>[vector<16xi32>], vector<16xf32>,
      %add3A_270 = arith.addf %add3A_264, %gather3A_269 : vector<16xf32>
      %add3A_271 = arith.constant 13 : i32
      %add3A_272 = arith.addi %mul3A_196, %add3A_271 : i32
      %add3A_273 = vector.broadcast %add3A_272 : i32 to vector<16xi32>
      %add3A_274 = arith.addi %mul3A_159, %add3A_273 : vector<16xi32>
      %gather3A_275 = tpu.vector_load_idx %arg22[%add3A_274] : memref<2048xf32, #tpu.memory_space<vmem>>[vector<16xi32>], vector<16xf32>,
      %add3A_276 = arith.addf %add3A_270, %gather3A_275 : vector<16xf32>
      %add3A_277 = arith.constant 14 : i32
      %add3A_278 = arith.addi %mul3A_196, %add3A_277 : i32
      %add3A_279 = vector.broadcast %add3A_278 : i32 to vector<16xi32>
      %add3A_280 = arith.addi %mul3A_159, %add3A_279 : vector<16xi32>
      %gather3A_281 = tpu.vector_load_idx %arg22[%add3A_280] : memref<2048xf32, #tpu.memory_space<vmem>>[vector<16xi32>], vector<16xf32>,
      %add3A_282 = arith.addf %add3A_276, %gather3A_281 : vector<16xf32>
      %add3A_283 = arith.constant 15 : i32
      %add3A_284 = arith.addi %mul3A_196, %add3A_283 : i32
      %add3A_285 = vector.broadcast %add3A_284 : i32 to vector<16xi32>
      %add3A_286 = arith.addi %mul3A_159, %add3A_285 : vector<16xi32>
      %gather3A_287 = tpu.vector_load_idx %arg22[%add3A_286] : memref<2048xf32, #tpu.memory_space<vmem>>[vector<16xi32>], vector<16xf32>,
      %add3A_288 = arith.addf %add3A_282, %gather3A_287 : vector<16xf32>
      %mul3A_289 = arith.constant 16 : i32
      %mul3A_290 = arith.muli %add3A_194, %mul3A_289 : i32
      %add3A_291 = arith.constant 256 : i32
      %add3A_292 = arith.addi %add3A_291, %mul3A_290 : i32
      %swap3A = arith.index_cast %add3A_292 : i32 to index
      %swap3A_293 = tpu.vector_load %arg21[%swap3A] {strides = array<i32>} : memref<512xf32, #tpu.memory_space<vmem>>, vector<16xf32>,
      tpu.vector_store %arg21[%swap3A], %add3A_288 {strides = array<i32>} : memref<512xf32, #tpu.memory_space<vmem>>, vector<16xf32>,
    }
    %scan3A_164 = arith.constant 8 : i32
    %dma_wait3A_165 = arith.constant 1 : i32
    %dma_wait3A_166 = arith.constant 0 : i32
    %dma_wait3A_167 = arith.constant 0 : i32
    %dma_wait3A_168 = tpu.memref_slice %arg14[%dma_wait3A_165, %dma_wait3A_166, %dma_wait3A_167] : memref<2x128x128xi32, #tpu.memory_space<vmem>> -> memref<1x128x128xi32, #tpu.memory_space<vmem>>
    %dma_wait3A_169 = tpu.memref_squeeze %dma_wait3A_168 : memref<1x128x128xi32, #tpu.memory_space<vmem>> -> memref<128x128xi32, #tpu.memory_space<vmem>>
    %dma_wait3A_170 = arith.constant 384 : i32
    %dma_wait3A_171 = tpu.memref_slice %arg20[%dma_wait3A_170] : memref<512xi32, #tpu.memory_space<vmem>> -> memref<128xi32, #tpu.memory_space<vmem>>
    %dma_wait3A_172 = arith.constant 0 : i32
    %dma_wait3A_173 = arith.constant 0 : i32
    %dma_wait3A_174 = tpu.memref_slice %arg4[%dma_wait3A_172, %dma_wait3A_173] : memref<1000x128xi32, #tpu.memory_space<hbm>> -> memref<1000x128xi32, #tpu.memory_space<hbm>>
    tpu.wait_indirect_dma semaphore(%arg25 : memref<!tpu.dma_semaphore, #tpu.memory_space<semaphore_mem>>) src(%dma_wait3A_174 : memref<1000x128xi32, #tpu.memory_space<hbm>>) dst(%dma_wait3A_169 : memref<128x128xi32, #tpu.memory_space<vmem>>)
    %scan3A_175 = arith.constant 1 : i32
    %scan3A_176 = arith.constant 0 : i32
    %scan3A_177 = arith.constant 128 : i32
    %scan3A_178 = arith.addi %scan3A_176, %scan3A_177 : i32
    %scan3A_179 = arith.constant 2 : i32
    scf.for %scan3A_190 = %scan3A_176 to %scan3A_178 step %scan3A_179  : i32 {
      %mul3A_191 = arith.constant 1 : i32
      %mul3A_192 = arith.muli %scan3A_190, %mul3A_191 : i32
      %add3A_193 = arith.constant 0 : i32
      %add3A_194 = arith.addi %add3A_193, %mul3A_192 : i32
      %add3A_195 = arith.constant 384 : i32
      %add3A_196 = arith.addi %add3A_195, %add3A_194 : i32
      %get3A_197 = arith.index_cast %add3A_196 : i32 to index
      %get3A_198 = tpu.vector_load %arg23[%get3A_197] {strides = array<i32>} : memref<528xi32, #tpu.memory_space<vmem>>, vector<16xi32>,
      %slice3A = vector.extract_strided_slice %get3A_198 {offsets = [0], sizes = [1], strides = [1]} : vector<16xi32> to vector<1xi32>
      %squeeze3A = vector.extract %slice3A[0] : i32 from vector<1xi32>
      %get3A_199 = arith.index_cast %add3A_196 : i32 to index
      %get3A_200 = tpu.vector_load %arg18[%get3A_199] {strides = array<i32>} : memref<528xi32, #tpu.memory_space<vmem>>, vector<16xi32>,
      %slice3A_201 = vector.extract_strided_slice %get3A_200 {offsets = [0], sizes = [1], strides = [1]} : vector<16xi32> to vector<1xi32>
      %squeeze3A_202 = vector.extract %slice3A_201[0] : i32 from vector<1xi32>
      %get3A_203 = arith.constant 0 : i32
      %get3A_204 = arith.constant 0 : i32
      %get3A_205 = tpu.memref_slice %arg14[%scan3A_175, %get3A_203, %get3A_204] : memref<2x128x128xi32, #tpu.memory_space<vmem>> -> memref<1x128x128xi32, #tpu.memory_space<vmem>>
      %get3A_206 = tpu.memref_squeeze %get3A_205 : memref<1x128x128xi32, #tpu.memory_space<vmem>> -> memref<128x128xi32, #tpu.memory_space<vmem>>
      %get3A_207 = arith.index_cast %add3A_194 : i32 to index
      %get3A_208 = arith.constant 0 : index
      %get3A_209 = tpu.vector_load %get3A_206[%get3A_207, %get3A_208] {strides = array<i32>} : memref<128x128xi32, #tpu.memory_space<vmem>>, vector<16xi32>,
      %bitcast3A_210 = vector.bitcast %get3A_209 : vector<16xi32> to vector<32xbf16>
      %get3A_211 = arith.index_cast %squeeze3A_202 : i32 to index
      %get3A_212 = arith.constant 0 : index
      %get3A_213 = tpu.vector_load %arg13[%get3A_211, %get3A_212] {strides = array<i32>} : memref<100x128xi32, #tpu.memory_space<vmem>>, vector<16xi32>,
      %bitcast3A_214 = vector.bitcast %get3A_213 : vector<16xi32> to vector<32xbf16>
      %get3A_215 = arith.index_cast %squeeze3A : i32 to index
      %get3A_216 = arith.constant 0 : index
      %get3A_217 = tpu.vector_load %arg12[%get3A_215, %get3A_216] {strides = array<i32>} : memref<16x128xi32, #tpu.memory_space<vmem>>, vector<16xi32>,
      %bitcast3A_218 = vector.bitcast %get3A_217 : vector<16xi32> to vector<32xbf16>
      %add3A_219 = arith.addf %bitcast3A_210, %bitcast3A_214 : vector<32xbf16>
      %add3A_220 = arith.addf %add3A_219, %bitcast3A_218 : vector<32xbf16>
      %max3A = arith.maximumf %add3A_220, %broadcast_in_dim3A_61 : vector<32xbf16>
      %mul3A_221 = arith.mulf %max3A, %bitcast3A : vector<32xbf16>
      %unpack3A = tpu.unpack_subelements %mul3A_221, 0 {pack_format = #tpu.pack_format<interleaved>} : vector<32xbf16> -> vector<16xf32>
      %unpack3A_222 = tpu.unpack_subelements %mul3A_221, 1 {pack_format = #tpu.pack_format<interleaved>} : vector<32xbf16> -> vector<16xf32>
      %add3A_223 = arith.addf %get3A_57, %unpack3A : vector<16xf32>
      %add3A_224 = arith.addf %mul3A_60, %unpack3A_222 : vector<16xf32>
      %get3A_225 = arith.constant 0 : i32
      %get3A_226 = arith.constant 0 : i32
      %get3A_227 = tpu.memref_slice %arg14[%scan3A_175, %get3A_225, %get3A_226] : memref<2x128x128xi32, #tpu.memory_space<vmem>> -> memref<1x128x128xi32, #tpu.memory_space<vmem>>
      %get3A_228 = tpu.memref_squeeze %get3A_227 : memref<1x128x128xi32, #tpu.memory_space<vmem>> -> memref<128x128xi32, #tpu.memory_space<vmem>>
      %get3A_229 = arith.index_cast %add3A_194 : i32 to index
      %get3A_230 = arith.constant 16 : index
      %get3A_231 = tpu.vector_load %get3A_228[%get3A_229, %get3A_230] {strides = array<i32>} : memref<128x128xi32, #tpu.memory_space<vmem>>, vector<16xi32>,
      %bitcast3A_232 = vector.bitcast %get3A_231 : vector<16xi32> to vector<32xbf16>
      %get3A_233 = arith.index_cast %squeeze3A_202 : i32 to index
      %get3A_234 = arith.constant 16 : index
      %get3A_235 = tpu.vector_load %arg13[%get3A_233, %get3A_234] {strides = array<i32>} : memref<100x128xi32, #tpu.memory_space<vmem>>, vector<16xi32>,
      %bitcast3A_236 = vector.bitcast %get3A_235 : vector<16xi32> to vector<32xbf16>
      %get3A_237 = arith.index_cast %squeeze3A : i32 to index
      %get3A_238 = arith.constant 16 : index
      %get3A_239 = tpu.vector_load %arg12[%get3A_237, %get3A_238] {strides = array<i32>} : memref<16x128xi32, #tpu.memory_space<vmem>>, vector<16xi32>,
      %bitcast3A_240 = vector.bitcast %get3A_239 : vector<16xi32> to vector<32xbf16>
      %add3A_241 = arith.addf %bitcast3A_232, %bitcast3A_236 : vector<32xbf16>
      %add3A_242 = arith.addf %add3A_241, %bitcast3A_240 : vector<32xbf16>
      %max3A_243 = arith.maximumf %add3A_242, %broadcast_in_dim3A_61 : vector<32xbf16>
      %mul3A_244 = arith.mulf %max3A_243, %bitcast3A_23 : vector<32xbf16>
      %unpack3A_245 = tpu.unpack_subelements %mul3A_244, 0 {pack_format = #tpu.pack_format<interleaved>} : vector<32xbf16> -> vector<16xf32>
      %unpack3A_246 = tpu.unpack_subelements %mul3A_244, 1 {pack_format = #tpu.pack_format<interleaved>} : vector<32xbf16> -> vector<16xf32>
      %add3A_247 = arith.addf %mul3A_60, %unpack3A_245 : vector<16xf32>
      %add3A_248 = arith.addf %mul3A_60, %unpack3A_246 : vector<16xf32>
      %get3A_249 = arith.constant 0 : i32
      %get3A_250 = arith.constant 0 : i32
      %get3A_251 = tpu.memref_slice %arg14[%scan3A_175, %get3A_249, %get3A_250] : memref<2x128x128xi32, #tpu.memory_space<vmem>> -> memref<1x128x128xi32, #tpu.memory_space<vmem>>
      %get3A_252 = tpu.memref_squeeze %get3A_251 : memref<1x128x128xi32, #tpu.memory_space<vmem>> -> memref<128x128xi32, #tpu.memory_space<vmem>>
      %get3A_253 = arith.index_cast %add3A_194 : i32 to index
      %get3A_254 = arith.constant 32 : index
      %get3A_255 = tpu.vector_load %get3A_252[%get3A_253, %get3A_254] {strides = array<i32>} : memref<128x128xi32, #tpu.memory_space<vmem>>, vector<16xi32>,
      %bitcast3A_256 = vector.bitcast %get3A_255 : vector<16xi32> to vector<32xbf16>
      %get3A_257 = arith.index_cast %squeeze3A_202 : i32 to index
      %get3A_258 = arith.constant 32 : index
      %get3A_259 = tpu.vector_load %arg13[%get3A_257, %get3A_258] {strides = array<i32>} : memref<100x128xi32, #tpu.memory_space<vmem>>, vector<16xi32>,
      %bitcast3A_260 = vector.bitcast %get3A_259 : vector<16xi32> to vector<32xbf16>
      %get3A_261 = arith.index_cast %squeeze3A : i32 to index
      %get3A_262 = arith.constant 32 : index
      %get3A_263 = tpu.vector_load %arg12[%get3A_261, %get3A_262] {strides = array<i32>} : memref<16x128xi32, #tpu.memory_space<vmem>>, vector<16xi32>,
      %bitcast3A_264 = vector.bitcast %get3A_263 : vector<16xi32> to vector<32xbf16>
      %add3A_265 = arith.addf %bitcast3A_256, %bitcast3A_260 : vector<32xbf16>
      %add3A_266 = arith.addf %add3A_265, %bitcast3A_264 : vector<32xbf16>
      %max3A_267 = arith.maximumf %add3A_266, %broadcast_in_dim3A_61 : vector<32xbf16>
      %mul3A_268 = arith.mulf %max3A_267, %bitcast3A_28 : vector<32xbf16>
      %unpack3A_269 = tpu.unpack_subelements %mul3A_268, 0 {pack_format = #tpu.pack_format<interleaved>} : vector<32xbf16> -> vector<16xf32>
      %unpack3A_270 = tpu.unpack_subelements %mul3A_268, 1 {pack_format = #tpu.pack_format<interleaved>} : vector<32xbf16> -> vector<16xf32>
      %add3A_271 = arith.addf %add3A_223, %unpack3A_269 : vector<16xf32>
      %add3A_272 = arith.addf %add3A_224, %unpack3A_270 : vector<16xf32>
      %get3A_273 = arith.constant 0 : i32
      %get3A_274 = arith.constant 0 : i32
      %get3A_275 = tpu.memref_slice %arg14[%scan3A_175, %get3A_273, %get3A_274] : memref<2x128x128xi32, #tpu.memory_space<vmem>> -> memref<1x128x128xi32, #tpu.memory_space<vmem>>
      %get3A_276 = tpu.memref_squeeze %get3A_275 : memref<1x128x128xi32, #tpu.memory_space<vmem>> -> memref<128x128xi32, #tpu.memory_space<vmem>>
      %get3A_277 = arith.index_cast %add3A_194 : i32 to index
      %get3A_278 = arith.constant 48 : index
      %get3A_279 = tpu.vector_load %get3A_276[%get3A_277, %get3A_278] {strides = array<i32>} : memref<128x128xi32, #tpu.memory_space<vmem>>, vector<16xi32>,
      %bitcast3A_280 = vector.bitcast %get3A_279 : vector<16xi32> to vector<32xbf16>
      %get3A_281 = arith.index_cast %squeeze3A_202 : i32 to index
      %get3A_282 = arith.constant 48 : index
      %get3A_283 = tpu.vector_load %arg13[%get3A_281, %get3A_282] {strides = array<i32>} : memref<100x128xi32, #tpu.memory_space<vmem>>, vector<16xi32>,
      %bitcast3A_284 = vector.bitcast %get3A_283 : vector<16xi32> to vector<32xbf16>
      %get3A_285 = arith.index_cast %squeeze3A : i32 to index
      %get3A_286 = arith.constant 48 : index
      %get3A_287 = tpu.vector_load %arg12[%get3A_285, %get3A_286] {strides = array<i32>} : memref<16x128xi32, #tpu.memory_space<vmem>>, vector<16xi32>,
      %bitcast3A_288 = vector.bitcast %get3A_287 : vector<16xi32> to vector<32xbf16>
      %add3A_289 = arith.addf %bitcast3A_280, %bitcast3A_284 : vector<32xbf16>
      %add3A_290 = arith.addf %add3A_289, %bitcast3A_288 : vector<32xbf16>
      %max3A_291 = arith.maximumf %add3A_290, %broadcast_in_dim3A_61 : vector<32xbf16>
      %mul3A_292 = arith.mulf %max3A_291, %bitcast3A_33 : vector<32xbf16>
      %unpack3A_293 = tpu.unpack_subelements %mul3A_292, 0 {pack_format = #tpu.pack_format<interleaved>} : vector<32xbf16> -> vector<16xf32>
      %unpack3A_294 = tpu.unpack_subelements %mul3A_292, 1 {pack_format = #tpu.pack_format<interleaved>} : vector<32xbf16> -> vector<16xf32>
      %add3A_295 = arith.addf %add3A_247, %unpack3A_293 : vector<16xf32>
      %add3A_296 = arith.addf %add3A_248, %unpack3A_294 : vector<16xf32>
      %get3A_297 = arith.constant 0 : i32
      %get3A_298 = arith.constant 0 : i32
      %get3A_299 = tpu.memref_slice %arg14[%scan3A_175, %get3A_297, %get3A_298] : memref<2x128x128xi32, #tpu.memory_space<vmem>> -> memref<1x128x128xi32, #tpu.memory_space<vmem>>
      %get3A_300 = tpu.memref_squeeze %get3A_299 : memref<1x128x128xi32, #tpu.memory_space<vmem>> -> memref<128x128xi32, #tpu.memory_space<vmem>>
      %get3A_301 = arith.index_cast %add3A_194 : i32 to index
      %get3A_302 = arith.constant 64 : index
      %get3A_303 = tpu.vector_load %get3A_300[%get3A_301, %get3A_302] {strides = array<i32>} : memref<128x128xi32, #tpu.memory_space<vmem>>, vector<16xi32>,
      %bitcast3A_304 = vector.bitcast %get3A_303 : vector<16xi32> to vector<32xbf16>
      %get3A_305 = arith.index_cast %squeeze3A_202 : i32 to index
      %get3A_306 = arith.constant 64 : index
      %get3A_307 = tpu.vector_load %arg13[%get3A_305, %get3A_306] {strides = array<i32>} : memref<100x128xi32, #tpu.memory_space<vmem>>, vector<16xi32>,
      %bitcast3A_308 = vector.bitcast %get3A_307 : vector<16xi32> to vector<32xbf16>
      %get3A_309 = arith.index_cast %squeeze3A : i32 to index
      %get3A_310 = arith.constant 64 : index
      %get3A_311 = tpu.vector_load %arg12[%get3A_309, %get3A_310] {strides = array<i32>} : memref<16x128xi32, #tpu.memory_space<vmem>>, vector<16xi32>,
      %bitcast3A_312 = vector.bitcast %get3A_311 : vector<16xi32> to vector<32xbf16>
      %add3A_313 = arith.addf %bitcast3A_304, %bitcast3A_308 : vector<32xbf16>
      %add3A_314 = arith.addf %add3A_313, %bitcast3A_312 : vector<32xbf16>
      %max3A_315 = arith.maximumf %add3A_314, %broadcast_in_dim3A_61 : vector<32xbf16>
      %mul3A_316 = arith.mulf %max3A_315, %bitcast3A_38 : vector<32xbf16>
      %unpack3A_317 = tpu.unpack_subelements %mul3A_316, 0 {pack_format = #tpu.pack_format<interleaved>} : vector<32xbf16> -> vector<16xf32>
      %unpack3A_318 = tpu.unpack_subelements %mul3A_316, 1 {pack_format = #tpu.pack_format<interleaved>} : vector<32xbf16> -> vector<16xf32>
      %add3A_319 = arith.addf %add3A_271, %unpack3A_317 : vector<16xf32>
      %add3A_320 = arith.addf %add3A_272, %unpack3A_318 : vector<16xf32>
      %get3A_321 = arith.constant 0 : i32
      %get3A_322 = arith.constant 0 : i32
      %get3A_323 = tpu.memref_slice %arg14[%scan3A_175, %get3A_321, %get3A_322] : memref<2x128x128xi32, #tpu.memory_space<vmem>> -> memref<1x128x128xi32, #tpu.memory_space<vmem>>
      %get3A_324 = tpu.memref_squeeze %get3A_323 : memref<1x128x128xi32, #tpu.memory_space<vmem>> -> memref<128x128xi32, #tpu.memory_space<vmem>>
      %get3A_325 = arith.index_cast %add3A_194 : i32 to index
      %get3A_326 = arith.constant 80 : index
      %get3A_327 = tpu.vector_load %get3A_324[%get3A_325, %get3A_326] {strides = array<i32>} : memref<128x128xi32, #tpu.memory_space<vmem>>, vector<16xi32>,
      %bitcast3A_328 = vector.bitcast %get3A_327 : vector<16xi32> to vector<32xbf16>
      %get3A_329 = arith.index_cast %squeeze3A_202 : i32 to index
      %get3A_330 = arith.constant 80 : index
      %get3A_331 = tpu.vector_load %arg13[%get3A_329, %get3A_330] {strides = array<i32>} : memref<100x128xi32, #tpu.memory_space<vmem>>, vector<16xi32>,
      %bitcast3A_332 = vector.bitcast %get3A_331 : vector<16xi32> to vector<32xbf16>
      %get3A_333 = arith.index_cast %squeeze3A : i32 to index
      %get3A_334 = arith.constant 80 : index
      %get3A_335 = tpu.vector_load %arg12[%get3A_333, %get3A_334] {strides = array<i32>} : memref<16x128xi32, #tpu.memory_space<vmem>>, vector<16xi32>,
      %bitcast3A_336 = vector.bitcast %get3A_335 : vector<16xi32> to vector<32xbf16>
      %add3A_337 = arith.addf %bitcast3A_328, %bitcast3A_332 : vector<32xbf16>
      %add3A_338 = arith.addf %add3A_337, %bitcast3A_336 : vector<32xbf16>
      %max3A_339 = arith.maximumf %add3A_338, %broadcast_in_dim3A_61 : vector<32xbf16>
      %mul3A_340 = arith.mulf %max3A_339, %bitcast3A_43 : vector<32xbf16>
      %unpack3A_341 = tpu.unpack_subelements %mul3A_340, 0 {pack_format = #tpu.pack_format<interleaved>} : vector<32xbf16> -> vector<16xf32>
      %unpack3A_342 = tpu.unpack_subelements %mul3A_340, 1 {pack_format = #tpu.pack_format<interleaved>} : vector<32xbf16> -> vector<16xf32>
      %add3A_343 = arith.addf %add3A_295, %unpack3A_341 : vector<16xf32>
      %add3A_344 = arith.addf %add3A_296, %unpack3A_342 : vector<16xf32>
      %get3A_345 = arith.constant 0 : i32
      %get3A_346 = arith.constant 0 : i32
      %get3A_347 = tpu.memref_slice %arg14[%scan3A_175, %get3A_345, %get3A_346] : memref<2x128x128xi32, #tpu.memory_space<vmem>> -> memref<1x128x128xi32, #tpu.memory_space<vmem>>
      %get3A_348 = tpu.memref_squeeze %get3A_347 : memref<1x128x128xi32, #tpu.memory_space<vmem>> -> memref<128x128xi32, #tpu.memory_space<vmem>>
      %get3A_349 = arith.index_cast %add3A_194 : i32 to index
      %get3A_350 = arith.constant 96 : index
      %get3A_351 = tpu.vector_load %get3A_348[%get3A_349, %get3A_350] {strides = array<i32>} : memref<128x128xi32, #tpu.memory_space<vmem>>, vector<16xi32>,
      %bitcast3A_352 = vector.bitcast %get3A_351 : vector<16xi32> to vector<32xbf16>
      %get3A_353 = arith.index_cast %squeeze3A_202 : i32 to index
      %get3A_354 = arith.constant 96 : index
      %get3A_355 = tpu.vector_load %arg13[%get3A_353, %get3A_354] {strides = array<i32>} : memref<100x128xi32, #tpu.memory_space<vmem>>, vector<16xi32>,
      %bitcast3A_356 = vector.bitcast %get3A_355 : vector<16xi32> to vector<32xbf16>
      %get3A_357 = arith.index_cast %squeeze3A : i32 to index
      %get3A_358 = arith.constant 96 : index
      %get3A_359 = tpu.vector_load %arg12[%get3A_357, %get3A_358] {strides = array<i32>} : memref<16x128xi32, #tpu.memory_space<vmem>>, vector<16xi32>,
      %bitcast3A_360 = vector.bitcast %get3A_359 : vector<16xi32> to vector<32xbf16>
      %add3A_361 = arith.addf %bitcast3A_352, %bitcast3A_356 : vector<32xbf16>
      %add3A_362 = arith.addf %add3A_361, %bitcast3A_360 : vector<32xbf16>
      %max3A_363 = arith.maximumf %add3A_362, %broadcast_in_dim3A_61 : vector<32xbf16>
      %mul3A_364 = arith.mulf %max3A_363, %bitcast3A_48 : vector<32xbf16>
      %unpack3A_365 = tpu.unpack_subelements %mul3A_364, 0 {pack_format = #tpu.pack_format<interleaved>} : vector<32xbf16> -> vector<16xf32>
      %unpack3A_366 = tpu.unpack_subelements %mul3A_364, 1 {pack_format = #tpu.pack_format<interleaved>} : vector<32xbf16> -> vector<16xf32>
      %add3A_367 = arith.addf %add3A_319, %unpack3A_365 : vector<16xf32>
      %add3A_368 = arith.addf %add3A_320, %unpack3A_366 : vector<16xf32>
      %get3A_369 = arith.constant 0 : i32
      %get3A_370 = arith.constant 0 : i32
      %get3A_371 = tpu.memref_slice %arg14[%scan3A_175, %get3A_369, %get3A_370] : memref<2x128x128xi32, #tpu.memory_space<vmem>> -> memref<1x128x128xi32, #tpu.memory_space<vmem>>
      %get3A_372 = tpu.memref_squeeze %get3A_371 : memref<1x128x128xi32, #tpu.memory_space<vmem>> -> memref<128x128xi32, #tpu.memory_space<vmem>>
      %get3A_373 = arith.index_cast %add3A_194 : i32 to index
      %get3A_374 = arith.constant 112 : index
      %get3A_375 = tpu.vector_load %get3A_372[%get3A_373, %get3A_374] {strides = array<i32>} : memref<128x128xi32, #tpu.memory_space<vmem>>, vector<16xi32>,
      %bitcast3A_376 = vector.bitcast %get3A_375 : vector<16xi32> to vector<32xbf16>
      %get3A_377 = arith.index_cast %squeeze3A_202 : i32 to index
      %get3A_378 = arith.constant 112 : index
      %get3A_379 = tpu.vector_load %arg13[%get3A_377, %get3A_378] {strides = array<i32>} : memref<100x128xi32, #tpu.memory_space<vmem>>, vector<16xi32>,
      %bitcast3A_380 = vector.bitcast %get3A_379 : vector<16xi32> to vector<32xbf16>
      %get3A_381 = arith.index_cast %squeeze3A : i32 to index
      %get3A_382 = arith.constant 112 : index
      %get3A_383 = tpu.vector_load %arg12[%get3A_381, %get3A_382] {strides = array<i32>} : memref<16x128xi32, #tpu.memory_space<vmem>>, vector<16xi32>,
      %bitcast3A_384 = vector.bitcast %get3A_383 : vector<16xi32> to vector<32xbf16>
      %add3A_385 = arith.addf %bitcast3A_376, %bitcast3A_380 : vector<32xbf16>
      %add3A_386 = arith.addf %add3A_385, %bitcast3A_384 : vector<32xbf16>
      %max3A_387 = arith.maximumf %add3A_386, %broadcast_in_dim3A_61 : vector<32xbf16>
      %mul3A_388 = arith.mulf %max3A_387, %bitcast3A_53 : vector<32xbf16>
      %unpack3A_389 = tpu.unpack_subelements %mul3A_388, 0 {pack_format = #tpu.pack_format<interleaved>} : vector<32xbf16> -> vector<16xf32>
      %unpack3A_390 = tpu.unpack_subelements %mul3A_388, 1 {pack_format = #tpu.pack_format<interleaved>} : vector<32xbf16> -> vector<16xf32>
      %add3A_391 = arith.addf %add3A_343, %unpack3A_389 : vector<16xf32>
      %add3A_392 = arith.addf %add3A_344, %unpack3A_390 : vector<16xf32>
      %add3A_393 = arith.addf %add3A_367, %add3A_391 : vector<16xf32>
      %add3A_394 = arith.addf %add3A_368, %add3A_392 : vector<16xf32>
      %add3A_395 = arith.addf %add3A_393, %add3A_394 : vector<16xf32>
      %mul3A_396 = arith.constant 16 : i32
      %mul3A_397 = arith.muli %add3A_194, %mul3A_396 : i32
      %swap3A = arith.index_cast %mul3A_397 : i32 to index
      %swap3A_398 = tpu.vector_load %arg22[%swap3A] {strides = array<i32>} : memref<2048xf32, #tpu.memory_space<vmem>>, vector<16xf32>,
      tpu.vector_store %arg22[%swap3A], %add3A_395 {strides = array<i32>} : memref<2048xf32, #tpu.memory_space<vmem>>, vector<16xf32>,
      %scan3A_399 = arith.constant 1 : i32
      %scan3A_400 = arith.addi %scan3A_190, %scan3A_399 : i32
      %mul3A_401 = arith.constant 1 : i32
      %mul3A_402 = arith.muli %scan3A_400, %mul3A_401 : i32
      %add3A_403 = arith.constant 0 : i32
      %add3A_404 = arith.addi %add3A_403, %mul3A_402 : i32
      %add3A_405 = arith.constant 384 : i32
      %add3A_406 = arith.addi %add3A_405, %add3A_404 : i32
      %get3A_407 = arith.index_cast %add3A_406 : i32 to index
      %get3A_408 = tpu.vector_load %arg23[%get3A_407] {strides = array<i32>} : memref<528xi32, #tpu.memory_space<vmem>>, vector<16xi32>,
      %slice3A_409 = vector.extract_strided_slice %get3A_408 {offsets = [0], sizes = [1], strides = [1]} : vector<16xi32> to vector<1xi32>
      %squeeze3A_410 = vector.extract %slice3A_409[0] : i32 from vector<1xi32>
      %get3A_411 = arith.index_cast %add3A_406 : i32 to index
      %get3A_412 = tpu.vector_load %arg18[%get3A_411] {strides = array<i32>} : memref<528xi32, #tpu.memory_space<vmem>>, vector<16xi32>,
      %slice3A_413 = vector.extract_strided_slice %get3A_412 {offsets = [0], sizes = [1], strides = [1]} : vector<16xi32> to vector<1xi32>
      %squeeze3A_414 = vector.extract %slice3A_413[0] : i32 from vector<1xi32>
      %get3A_415 = arith.constant 0 : i32
      %get3A_416 = arith.constant 0 : i32
      %get3A_417 = tpu.memref_slice %arg14[%scan3A_175, %get3A_415, %get3A_416] : memref<2x128x128xi32, #tpu.memory_space<vmem>> -> memref<1x128x128xi32, #tpu.memory_space<vmem>>
      %get3A_418 = tpu.memref_squeeze %get3A_417 : memref<1x128x128xi32, #tpu.memory_space<vmem>> -> memref<128x128xi32, #tpu.memory_space<vmem>>
      %get3A_419 = arith.index_cast %add3A_404 : i32 to index
      %get3A_420 = arith.constant 0 : index
      %get3A_421 = tpu.vector_load %get3A_418[%get3A_419, %get3A_420] {strides = array<i32>} : memref<128x128xi32, #tpu.memory_space<vmem>>, vector<16xi32>,
      %bitcast3A_422 = vector.bitcast %get3A_421 : vector<16xi32> to vector<32xbf16>
      %get3A_423 = arith.index_cast %squeeze3A_414 : i32 to index
      %get3A_424 = arith.constant 0 : index
      %get3A_425 = tpu.vector_load %arg13[%get3A_423, %get3A_424] {strides = array<i32>} : memref<100x128xi32, #tpu.memory_space<vmem>>, vector<16xi32>,
      %bitcast3A_426 = vector.bitcast %get3A_425 : vector<16xi32> to vector<32xbf16>
      %get3A_427 = arith.index_cast %squeeze3A_410 : i32 to index
      %get3A_428 = arith.constant 0 : index
      %get3A_429 = tpu.vector_load %arg12[%get3A_427, %get3A_428] {strides = array<i32>} : memref<16x128xi32, #tpu.memory_space<vmem>>, vector<16xi32>,
      %bitcast3A_430 = vector.bitcast %get3A_429 : vector<16xi32> to vector<32xbf16>
      %add3A_431 = arith.addf %bitcast3A_422, %bitcast3A_426 : vector<32xbf16>
      %add3A_432 = arith.addf %add3A_431, %bitcast3A_430 : vector<32xbf16>
      %max3A_433 = arith.maximumf %add3A_432, %broadcast_in_dim3A_61 : vector<32xbf16>
      %mul3A_434 = arith.mulf %max3A_433, %bitcast3A : vector<32xbf16>
      %unpack3A_435 = tpu.unpack_subelements %mul3A_434, 0 {pack_format = #tpu.pack_format<interleaved>} : vector<32xbf16> -> vector<16xf32>
      %unpack3A_436 = tpu.unpack_subelements %mul3A_434, 1 {pack_format = #tpu.pack_format<interleaved>} : vector<32xbf16> -> vector<16xf32>
      %add3A_437 = arith.addf %get3A_57, %unpack3A_435 : vector<16xf32>
      %add3A_438 = arith.addf %mul3A_60, %unpack3A_436 : vector<16xf32>
      %get3A_439 = arith.constant 0 : i32
      %get3A_440 = arith.constant 0 : i32
      %get3A_441 = tpu.memref_slice %arg14[%scan3A_175, %get3A_439, %get3A_440] : memref<2x128x128xi32, #tpu.memory_space<vmem>> -> memref<1x128x128xi32, #tpu.memory_space<vmem>>
      %get3A_442 = tpu.memref_squeeze %get3A_441 : memref<1x128x128xi32, #tpu.memory_space<vmem>> -> memref<128x128xi32, #tpu.memory_space<vmem>>
      %get3A_443 = arith.index_cast %add3A_404 : i32 to index
      %get3A_444 = arith.constant 16 : index
      %get3A_445 = tpu.vector_load %get3A_442[%get3A_443, %get3A_444] {strides = array<i32>} : memref<128x128xi32, #tpu.memory_space<vmem>>, vector<16xi32>,
      %bitcast3A_446 = vector.bitcast %get3A_445 : vector<16xi32> to vector<32xbf16>
      %get3A_447 = arith.index_cast %squeeze3A_414 : i32 to index
      %get3A_448 = arith.constant 16 : index
      %get3A_449 = tpu.vector_load %arg13[%get3A_447, %get3A_448] {strides = array<i32>} : memref<100x128xi32, #tpu.memory_space<vmem>>, vector<16xi32>,
      %bitcast3A_450 = vector.bitcast %get3A_449 : vector<16xi32> to vector<32xbf16>
      %get3A_451 = arith.index_cast %squeeze3A_410 : i32 to index
      %get3A_452 = arith.constant 16 : index
      %get3A_453 = tpu.vector_load %arg12[%get3A_451, %get3A_452] {strides = array<i32>} : memref<16x128xi32, #tpu.memory_space<vmem>>, vector<16xi32>,
      %bitcast3A_454 = vector.bitcast %get3A_453 : vector<16xi32> to vector<32xbf16>
      %add3A_455 = arith.addf %bitcast3A_446, %bitcast3A_450 : vector<32xbf16>
      %add3A_456 = arith.addf %add3A_455, %bitcast3A_454 : vector<32xbf16>
      %max3A_457 = arith.maximumf %add3A_456, %broadcast_in_dim3A_61 : vector<32xbf16>
      %mul3A_458 = arith.mulf %max3A_457, %bitcast3A_23 : vector<32xbf16>
      %unpack3A_459 = tpu.unpack_subelements %mul3A_458, 0 {pack_format = #tpu.pack_format<interleaved>} : vector<32xbf16> -> vector<16xf32>
      %unpack3A_460 = tpu.unpack_subelements %mul3A_458, 1 {pack_format = #tpu.pack_format<interleaved>} : vector<32xbf16> -> vector<16xf32>
      %add3A_461 = arith.addf %mul3A_60, %unpack3A_459 : vector<16xf32>
      %add3A_462 = arith.addf %mul3A_60, %unpack3A_460 : vector<16xf32>
      %get3A_463 = arith.constant 0 : i32
      %get3A_464 = arith.constant 0 : i32
      %get3A_465 = tpu.memref_slice %arg14[%scan3A_175, %get3A_463, %get3A_464] : memref<2x128x128xi32, #tpu.memory_space<vmem>> -> memref<1x128x128xi32, #tpu.memory_space<vmem>>
      %get3A_466 = tpu.memref_squeeze %get3A_465 : memref<1x128x128xi32, #tpu.memory_space<vmem>> -> memref<128x128xi32, #tpu.memory_space<vmem>>
      %get3A_467 = arith.index_cast %add3A_404 : i32 to index
      %get3A_468 = arith.constant 32 : index
      %get3A_469 = tpu.vector_load %get3A_466[%get3A_467, %get3A_468] {strides = array<i32>} : memref<128x128xi32, #tpu.memory_space<vmem>>, vector<16xi32>,
      %bitcast3A_470 = vector.bitcast %get3A_469 : vector<16xi32> to vector<32xbf16>
      %get3A_471 = arith.index_cast %squeeze3A_414 : i32 to index
      %get3A_472 = arith.constant 32 : index
      %get3A_473 = tpu.vector_load %arg13[%get3A_471, %get3A_472] {strides = array<i32>} : memref<100x128xi32, #tpu.memory_space<vmem>>, vector<16xi32>,
      %bitcast3A_474 = vector.bitcast %get3A_473 : vector<16xi32> to vector<32xbf16>
      %get3A_475 = arith.index_cast %squeeze3A_410 : i32 to index
      %get3A_476 = arith.constant 32 : index
      %get3A_477 = tpu.vector_load %arg12[%get3A_475, %get3A_476] {strides = array<i32>} : memref<16x128xi32, #tpu.memory_space<vmem>>, vector<16xi32>,
      %bitcast3A_478 = vector.bitcast %get3A_477 : vector<16xi32> to vector<32xbf16>
      %add3A_479 = arith.addf %bitcast3A_470, %bitcast3A_474 : vector<32xbf16>
      %add3A_480 = arith.addf %add3A_479, %bitcast3A_478 : vector<32xbf16>
      %max3A_481 = arith.maximumf %add3A_480, %broadcast_in_dim3A_61 : vector<32xbf16>
      %mul3A_482 = arith.mulf %max3A_481, %bitcast3A_28 : vector<32xbf16>
      %unpack3A_483 = tpu.unpack_subelements %mul3A_482, 0 {pack_format = #tpu.pack_format<interleaved>} : vector<32xbf16> -> vector<16xf32>
      %unpack3A_484 = tpu.unpack_subelements %mul3A_482, 1 {pack_format = #tpu.pack_format<interleaved>} : vector<32xbf16> -> vector<16xf32>
      %add3A_485 = arith.addf %add3A_437, %unpack3A_483 : vector<16xf32>
      %add3A_486 = arith.addf %add3A_438, %unpack3A_484 : vector<16xf32>
      %get3A_487 = arith.constant 0 : i32
      %get3A_488 = arith.constant 0 : i32
      %get3A_489 = tpu.memref_slice %arg14[%scan3A_175, %get3A_487, %get3A_488] : memref<2x128x128xi32, #tpu.memory_space<vmem>> -> memref<1x128x128xi32, #tpu.memory_space<vmem>>
      %get3A_490 = tpu.memref_squeeze %get3A_489 : memref<1x128x128xi32, #tpu.memory_space<vmem>> -> memref<128x128xi32, #tpu.memory_space<vmem>>
      %get3A_491 = arith.index_cast %add3A_404 : i32 to index
      %get3A_492 = arith.constant 48 : index
      %get3A_493 = tpu.vector_load %get3A_490[%get3A_491, %get3A_492] {strides = array<i32>} : memref<128x128xi32, #tpu.memory_space<vmem>>, vector<16xi32>,
      %bitcast3A_494 = vector.bitcast %get3A_493 : vector<16xi32> to vector<32xbf16>
      %get3A_495 = arith.index_cast %squeeze3A_414 : i32 to index
      %get3A_496 = arith.constant 48 : index
      %get3A_497 = tpu.vector_load %arg13[%get3A_495, %get3A_496] {strides = array<i32>} : memref<100x128xi32, #tpu.memory_space<vmem>>, vector<16xi32>,
      %bitcast3A_498 = vector.bitcast %get3A_497 : vector<16xi32> to vector<32xbf16>
      %get3A_499 = arith.index_cast %squeeze3A_410 : i32 to index
      %get3A_500 = arith.constant 48 : index
      %get3A_501 = tpu.vector_load %arg12[%get3A_499, %get3A_500] {strides = array<i32>} : memref<16x128xi32, #tpu.memory_space<vmem>>, vector<16xi32>,
      %bitcast3A_502 = vector.bitcast %get3A_501 : vector<16xi32> to vector<32xbf16>
      %add3A_503 = arith.addf %bitcast3A_494, %bitcast3A_498 : vector<32xbf16>
      %add3A_504 = arith.addf %add3A_503, %bitcast3A_502 : vector<32xbf16>
      %max3A_505 = arith.maximumf %add3A_504, %broadcast_in_dim3A_61 : vector<32xbf16>
      %mul3A_506 = arith.mulf %max3A_505, %bitcast3A_33 : vector<32xbf16>
      %unpack3A_507 = tpu.unpack_subelements %mul3A_506, 0 {pack_format = #tpu.pack_format<interleaved>} : vector<32xbf16> -> vector<16xf32>
      %unpack3A_508 = tpu.unpack_subelements %mul3A_506, 1 {pack_format = #tpu.pack_format<interleaved>} : vector<32xbf16> -> vector<16xf32>
      %add3A_509 = arith.addf %add3A_461, %unpack3A_507 : vector<16xf32>
      %add3A_510 = arith.addf %add3A_462, %unpack3A_508 : vector<16xf32>
      %get3A_511 = arith.constant 0 : i32
      %get3A_512 = arith.constant 0 : i32
      %get3A_513 = tpu.memref_slice %arg14[%scan3A_175, %get3A_511, %get3A_512] : memref<2x128x128xi32, #tpu.memory_space<vmem>> -> memref<1x128x128xi32, #tpu.memory_space<vmem>>
      %get3A_514 = tpu.memref_squeeze %get3A_513 : memref<1x128x128xi32, #tpu.memory_space<vmem>> -> memref<128x128xi32, #tpu.memory_space<vmem>>
      %get3A_515 = arith.index_cast %add3A_404 : i32 to index
      %get3A_516 = arith.constant 64 : index
      %get3A_517 = tpu.vector_load %get3A_514[%get3A_515, %get3A_516] {strides = array<i32>} : memref<128x128xi32, #tpu.memory_space<vmem>>, vector<16xi32>,
      %bitcast3A_518 = vector.bitcast %get3A_517 : vector<16xi32> to vector<32xbf16>
      %get3A_519 = arith.index_cast %squeeze3A_414 : i32 to index
      %get3A_520 = arith.constant 64 : index
      %get3A_521 = tpu.vector_load %arg13[%get3A_519, %get3A_520] {strides = array<i32>} : memref<100x128xi32, #tpu.memory_space<vmem>>, vector<16xi32>,
      %bitcast3A_522 = vector.bitcast %get3A_521 : vector<16xi32> to vector<32xbf16>
      %get3A_523 = arith.index_cast %squeeze3A_410 : i32 to index
      %get3A_524 = arith.constant 64 : index
      %get3A_525 = tpu.vector_load %arg12[%get3A_523, %get3A_524] {strides = array<i32>} : memref<16x128xi32, #tpu.memory_space<vmem>>, vector<16xi32>,
      %bitcast3A_526 = vector.bitcast %get3A_525 : vector<16xi32> to vector<32xbf16>
      %add3A_527 = arith.addf %bitcast3A_518, %bitcast3A_522 : vector<32xbf16>
      %add3A_528 = arith.addf %add3A_527, %bitcast3A_526 : vector<32xbf16>
      %max3A_529 = arith.maximumf %add3A_528, %broadcast_in_dim3A_61 : vector<32xbf16>
      %mul3A_530 = arith.mulf %max3A_529, %bitcast3A_38 : vector<32xbf16>
      %unpack3A_531 = tpu.unpack_subelements %mul3A_530, 0 {pack_format = #tpu.pack_format<interleaved>} : vector<32xbf16> -> vector<16xf32>
      %unpack3A_532 = tpu.unpack_subelements %mul3A_530, 1 {pack_format = #tpu.pack_format<interleaved>} : vector<32xbf16> -> vector<16xf32>
      %add3A_533 = arith.addf %add3A_485, %unpack3A_531 : vector<16xf32>
      %add3A_534 = arith.addf %add3A_486, %unpack3A_532 : vector<16xf32>
      %get3A_535 = arith.constant 0 : i32
      %get3A_536 = arith.constant 0 : i32
      %get3A_537 = tpu.memref_slice %arg14[%scan3A_175, %get3A_535, %get3A_536] : memref<2x128x128xi32, #tpu.memory_space<vmem>> -> memref<1x128x128xi32, #tpu.memory_space<vmem>>
      %get3A_538 = tpu.memref_squeeze %get3A_537 : memref<1x128x128xi32, #tpu.memory_space<vmem>> -> memref<128x128xi32, #tpu.memory_space<vmem>>
      %get3A_539 = arith.index_cast %add3A_404 : i32 to index
      %get3A_540 = arith.constant 80 : index
      %get3A_541 = tpu.vector_load %get3A_538[%get3A_539, %get3A_540] {strides = array<i32>} : memref<128x128xi32, #tpu.memory_space<vmem>>, vector<16xi32>,
      %bitcast3A_542 = vector.bitcast %get3A_541 : vector<16xi32> to vector<32xbf16>
      %get3A_543 = arith.index_cast %squeeze3A_414 : i32 to index
      %get3A_544 = arith.constant 80 : index
      %get3A_545 = tpu.vector_load %arg13[%get3A_543, %get3A_544] {strides = array<i32>} : memref<100x128xi32, #tpu.memory_space<vmem>>, vector<16xi32>,
      %bitcast3A_546 = vector.bitcast %get3A_545 : vector<16xi32> to vector<32xbf16>
      %get3A_547 = arith.index_cast %squeeze3A_410 : i32 to index
      %get3A_548 = arith.constant 80 : index
      %get3A_549 = tpu.vector_load %arg12[%get3A_547, %get3A_548] {strides = array<i32>} : memref<16x128xi32, #tpu.memory_space<vmem>>, vector<16xi32>,
      %bitcast3A_550 = vector.bitcast %get3A_549 : vector<16xi32> to vector<32xbf16>
      %add3A_551 = arith.addf %bitcast3A_542, %bitcast3A_546 : vector<32xbf16>
      %add3A_552 = arith.addf %add3A_551, %bitcast3A_550 : vector<32xbf16>
      %max3A_553 = arith.maximumf %add3A_552, %broadcast_in_dim3A_61 : vector<32xbf16>
      %mul3A_554 = arith.mulf %max3A_553, %bitcast3A_43 : vector<32xbf16>
      %unpack3A_555 = tpu.unpack_subelements %mul3A_554, 0 {pack_format = #tpu.pack_format<interleaved>} : vector<32xbf16> -> vector<16xf32>
      %unpack3A_556 = tpu.unpack_subelements %mul3A_554, 1 {pack_format = #tpu.pack_format<interleaved>} : vector<32xbf16> -> vector<16xf32>
      %add3A_557 = arith.addf %add3A_509, %unpack3A_555 : vector<16xf32>
      %add3A_558 = arith.addf %add3A_510, %unpack3A_556 : vector<16xf32>
      %get3A_559 = arith.constant 0 : i32
      %get3A_560 = arith.constant 0 : i32
      %get3A_561 = tpu.memref_slice %arg14[%scan3A_175, %get3A_559, %get3A_560] : memref<2x128x128xi32, #tpu.memory_space<vmem>> -> memref<1x128x128xi32, #tpu.memory_space<vmem>>
      %get3A_562 = tpu.memref_squeeze %get3A_561 : memref<1x128x128xi32, #tpu.memory_space<vmem>> -> memref<128x128xi32, #tpu.memory_space<vmem>>
      %get3A_563 = arith.index_cast %add3A_404 : i32 to index
      %get3A_564 = arith.constant 96 : index
      %get3A_565 = tpu.vector_load %get3A_562[%get3A_563, %get3A_564] {strides = array<i32>} : memref<128x128xi32, #tpu.memory_space<vmem>>, vector<16xi32>,
      %bitcast3A_566 = vector.bitcast %get3A_565 : vector<16xi32> to vector<32xbf16>
      %get3A_567 = arith.index_cast %squeeze3A_414 : i32 to index
      %get3A_568 = arith.constant 96 : index
      %get3A_569 = tpu.vector_load %arg13[%get3A_567, %get3A_568] {strides = array<i32>} : memref<100x128xi32, #tpu.memory_space<vmem>>, vector<16xi32>,
      %bitcast3A_570 = vector.bitcast %get3A_569 : vector<16xi32> to vector<32xbf16>
      %get3A_571 = arith.index_cast %squeeze3A_410 : i32 to index
      %get3A_572 = arith.constant 96 : index
      %get3A_573 = tpu.vector_load %arg12[%get3A_571, %get3A_572] {strides = array<i32>} : memref<16x128xi32, #tpu.memory_space<vmem>>, vector<16xi32>,
      %bitcast3A_574 = vector.bitcast %get3A_573 : vector<16xi32> to vector<32xbf16>
      %add3A_575 = arith.addf %bitcast3A_566, %bitcast3A_570 : vector<32xbf16>
      %add3A_576 = arith.addf %add3A_575, %bitcast3A_574 : vector<32xbf16>
      %max3A_577 = arith.maximumf %add3A_576, %broadcast_in_dim3A_61 : vector<32xbf16>
      %mul3A_578 = arith.mulf %max3A_577, %bitcast3A_48 : vector<32xbf16>
      %unpack3A_579 = tpu.unpack_subelements %mul3A_578, 0 {pack_format = #tpu.pack_format<interleaved>} : vector<32xbf16> -> vector<16xf32>
      %unpack3A_580 = tpu.unpack_subelements %mul3A_578, 1 {pack_format = #tpu.pack_format<interleaved>} : vector<32xbf16> -> vector<16xf32>
      %add3A_581 = arith.addf %add3A_533, %unpack3A_579 : vector<16xf32>
      %add3A_582 = arith.addf %add3A_534, %unpack3A_580 : vector<16xf32>
      %get3A_583 = arith.constant 0 : i32
      %get3A_584 = arith.constant 0 : i32
      %get3A_585 = tpu.memref_slice %arg14[%scan3A_175, %get3A_583, %get3A_584] : memref<2x128x128xi32, #tpu.memory_space<vmem>> -> memref<1x128x128xi32, #tpu.memory_space<vmem>>
      %get3A_586 = tpu.memref_squeeze %get3A_585 : memref<1x128x128xi32, #tpu.memory_space<vmem>> -> memref<128x128xi32, #tpu.memory_space<vmem>>
      %get3A_587 = arith.index_cast %add3A_404 : i32 to index
      %get3A_588 = arith.constant 112 : index
      %get3A_589 = tpu.vector_load %get3A_586[%get3A_587, %get3A_588] {strides = array<i32>} : memref<128x128xi32, #tpu.memory_space<vmem>>, vector<16xi32>,
      %bitcast3A_590 = vector.bitcast %get3A_589 : vector<16xi32> to vector<32xbf16>
      %get3A_591 = arith.index_cast %squeeze3A_414 : i32 to index
      %get3A_592 = arith.constant 112 : index
      %get3A_593 = tpu.vector_load %arg13[%get3A_591, %get3A_592] {strides = array<i32>} : memref<100x128xi32, #tpu.memory_space<vmem>>, vector<16xi32>,
      %bitcast3A_594 = vector.bitcast %get3A_593 : vector<16xi32> to vector<32xbf16>
      %get3A_595 = arith.index_cast %squeeze3A_410 : i32 to index
      %get3A_596 = arith.constant 112 : index
      %get3A_597 = tpu.vector_load %arg12[%get3A_595, %get3A_596] {strides = array<i32>} : memref<16x128xi32, #tpu.memory_space<vmem>>, vector<16xi32>,
      %bitcast3A_598 = vector.bitcast %get3A_597 : vector<16xi32> to vector<32xbf16>
      %add3A_599 = arith.addf %bitcast3A_590, %bitcast3A_594 : vector<32xbf16>
      %add3A_600 = arith.addf %add3A_599, %bitcast3A_598 : vector<32xbf16>
      %max3A_601 = arith.maximumf %add3A_600, %broadcast_in_dim3A_61 : vector<32xbf16>
      %mul3A_602 = arith.mulf %max3A_601, %bitcast3A_53 : vector<32xbf16>
      %unpack3A_603 = tpu.unpack_subelements %mul3A_602, 0 {pack_format = #tpu.pack_format<interleaved>} : vector<32xbf16> -> vector<16xf32>
      %unpack3A_604 = tpu.unpack_subelements %mul3A_602, 1 {pack_format = #tpu.pack_format<interleaved>} : vector<32xbf16> -> vector<16xf32>
      %add3A_605 = arith.addf %add3A_557, %unpack3A_603 : vector<16xf32>
      %add3A_606 = arith.addf %add3A_558, %unpack3A_604 : vector<16xf32>
      %add3A_607 = arith.addf %add3A_581, %add3A_605 : vector<16xf32>
      %add3A_608 = arith.addf %add3A_582, %add3A_606 : vector<16xf32>
      %add3A_609 = arith.addf %add3A_607, %add3A_608 : vector<16xf32>
      %mul3A_610 = arith.constant 16 : i32
      %mul3A_611 = arith.muli %add3A_404, %mul3A_610 : i32
      %swap3A_612 = arith.index_cast %mul3A_611 : i32 to index
      %swap3A_613 = tpu.vector_load %arg22[%swap3A_612] {strides = array<i32>} : memref<2048xf32, #tpu.memory_space<vmem>>, vector<16xf32>,
      tpu.vector_store %arg22[%swap3A_612], %add3A_609 {strides = array<i32>} : memref<2048xf32, #tpu.memory_space<vmem>>, vector<16xf32>,
    }
    %scan3A_180 = arith.constant 128 : i32
    %iota3A_181 = tpu.iota {dimensions = array<i32: 0>} : vector<16xi32>
    %mul3A_182 = arith.constant 16 : i32
    %mul3A_183 = vector.broadcast %mul3A_182 : i32 to vector<16xi32>
    %mul3A_184 = arith.muli %iota3A_181, %mul3A_183 : vector<16xi32>
    %scan3A_185 = arith.constant 0 : i32
    %scan3A_186 = arith.constant 8 : i32
    %scan3A_187 = arith.addi %scan3A_185, %scan3A_186 : i32
    %scan3A_188 = arith.constant 1 : i32
    scf.for %scan3A_190 = %scan3A_185 to %scan3A_187 step %scan3A_188  : i32 {
      %mul3A_191 = arith.constant 1 : i32
      %mul3A_192 = arith.muli %scan3A_190, %mul3A_191 : i32
      %add3A_193 = arith.constant 0 : i32
      %add3A_194 = arith.addi %add3A_193, %mul3A_192 : i32
      %mul3A_195 = arith.constant 256 : i32
      %mul3A_196 = arith.muli %add3A_194, %mul3A_195 : i32
      %add3A_197 = vector.broadcast %mul3A_196 : i32 to vector<16xi32>
      %add3A_198 = arith.addi %mul3A_184, %add3A_197 : vector<16xi32>
      %gather3A = tpu.vector_load_idx %arg22[%add3A_198] : memref<2048xf32, #tpu.memory_space<vmem>>[vector<16xi32>], vector<16xf32>,
      %add3A_199 = arith.constant 1 : i32
      %add3A_200 = arith.addi %mul3A_196, %add3A_199 : i32
      %add3A_201 = vector.broadcast %add3A_200 : i32 to vector<16xi32>
      %add3A_202 = arith.addi %mul3A_184, %add3A_201 : vector<16xi32>
      %gather3A_203 = tpu.vector_load_idx %arg22[%add3A_202] : memref<2048xf32, #tpu.memory_space<vmem>>[vector<16xi32>], vector<16xf32>,
      %add3A_204 = arith.addf %gather3A, %gather3A_203 : vector<16xf32>
      %add3A_205 = arith.constant 2 : i32
      %add3A_206 = arith.addi %mul3A_196, %add3A_205 : i32
      %add3A_207 = vector.broadcast %add3A_206 : i32 to vector<16xi32>
      %add3A_208 = arith.addi %mul3A_184, %add3A_207 : vector<16xi32>
      %gather3A_209 = tpu.vector_load_idx %arg22[%add3A_208] : memref<2048xf32, #tpu.memory_space<vmem>>[vector<16xi32>], vector<16xf32>,
      %add3A_210 = arith.addf %add3A_204, %gather3A_209 : vector<16xf32>
      %add3A_211 = arith.constant 3 : i32
      %add3A_212 = arith.addi %mul3A_196, %add3A_211 : i32
      %add3A_213 = vector.broadcast %add3A_212 : i32 to vector<16xi32>
      %add3A_214 = arith.addi %mul3A_184, %add3A_213 : vector<16xi32>
      %gather3A_215 = tpu.vector_load_idx %arg22[%add3A_214] : memref<2048xf32, #tpu.memory_space<vmem>>[vector<16xi32>], vector<16xf32>,
      %add3A_216 = arith.addf %add3A_210, %gather3A_215 : vector<16xf32>
      %add3A_217 = arith.constant 4 : i32
      %add3A_218 = arith.addi %mul3A_196, %add3A_217 : i32
      %add3A_219 = vector.broadcast %add3A_218 : i32 to vector<16xi32>
      %add3A_220 = arith.addi %mul3A_184, %add3A_219 : vector<16xi32>
      %gather3A_221 = tpu.vector_load_idx %arg22[%add3A_220] : memref<2048xf32, #tpu.memory_space<vmem>>[vector<16xi32>], vector<16xf32>,
      %add3A_222 = arith.addf %add3A_216, %gather3A_221 : vector<16xf32>
      %add3A_223 = arith.constant 5 : i32
      %add3A_224 = arith.addi %mul3A_196, %add3A_223 : i32
      %add3A_225 = vector.broadcast %add3A_224 : i32 to vector<16xi32>
      %add3A_226 = arith.addi %mul3A_184, %add3A_225 : vector<16xi32>
      %gather3A_227 = tpu.vector_load_idx %arg22[%add3A_226] : memref<2048xf32, #tpu.memory_space<vmem>>[vector<16xi32>], vector<16xf32>,
      %add3A_228 = arith.addf %add3A_222, %gather3A_227 : vector<16xf32>
      %add3A_229 = arith.constant 6 : i32
      %add3A_230 = arith.addi %mul3A_196, %add3A_229 : i32
      %add3A_231 = vector.broadcast %add3A_230 : i32 to vector<16xi32>
      %add3A_232 = arith.addi %mul3A_184, %add3A_231 : vector<16xi32>
      %gather3A_233 = tpu.vector_load_idx %arg22[%add3A_232] : memref<2048xf32, #tpu.memory_space<vmem>>[vector<16xi32>], vector<16xf32>,
      %add3A_234 = arith.addf %add3A_228, %gather3A_233 : vector<16xf32>
      %add3A_235 = arith.constant 7 : i32
      %add3A_236 = arith.addi %mul3A_196, %add3A_235 : i32
      %add3A_237 = vector.broadcast %add3A_236 : i32 to vector<16xi32>
      %add3A_238 = arith.addi %mul3A_184, %add3A_237 : vector<16xi32>
      %gather3A_239 = tpu.vector_load_idx %arg22[%add3A_238] : memref<2048xf32, #tpu.memory_space<vmem>>[vector<16xi32>], vector<16xf32>,
      %add3A_240 = arith.addf %add3A_234, %gather3A_239 : vector<16xf32>
      %add3A_241 = arith.constant 8 : i32
      %add3A_242 = arith.addi %mul3A_196, %add3A_241 : i32
      %add3A_243 = vector.broadcast %add3A_242 : i32 to vector<16xi32>
      %add3A_244 = arith.addi %mul3A_184, %add3A_243 : vector<16xi32>
      %gather3A_245 = tpu.vector_load_idx %arg22[%add3A_244] : memref<2048xf32, #tpu.memory_space<vmem>>[vector<16xi32>], vector<16xf32>,
      %add3A_246 = arith.addf %add3A_240, %gather3A_245 : vector<16xf32>
      %add3A_247 = arith.constant 9 : i32
      %add3A_248 = arith.addi %mul3A_196, %add3A_247 : i32
      %add3A_249 = vector.broadcast %add3A_248 : i32 to vector<16xi32>
      %add3A_250 = arith.addi %mul3A_184, %add3A_249 : vector<16xi32>
      %gather3A_251 = tpu.vector_load_idx %arg22[%add3A_250] : memref<2048xf32, #tpu.memory_space<vmem>>[vector<16xi32>], vector<16xf32>,
      %add3A_252 = arith.addf %add3A_246, %gather3A_251 : vector<16xf32>
      %add3A_253 = arith.constant 10 : i32
      %add3A_254 = arith.addi %mul3A_196, %add3A_253 : i32
      %add3A_255 = vector.broadcast %add3A_254 : i32 to vector<16xi32>
      %add3A_256 = arith.addi %mul3A_184, %add3A_255 : vector<16xi32>
      %gather3A_257 = tpu.vector_load_idx %arg22[%add3A_256] : memref<2048xf32, #tpu.memory_space<vmem>>[vector<16xi32>], vector<16xf32>,
      %add3A_258 = arith.addf %add3A_252, %gather3A_257 : vector<16xf32>
      %add3A_259 = arith.constant 11 : i32
      %add3A_260 = arith.addi %mul3A_196, %add3A_259 : i32
      %add3A_261 = vector.broadcast %add3A_260 : i32 to vector<16xi32>
      %add3A_262 = arith.addi %mul3A_184, %add3A_261 : vector<16xi32>
      %gather3A_263 = tpu.vector_load_idx %arg22[%add3A_262] : memref<2048xf32, #tpu.memory_space<vmem>>[vector<16xi32>], vector<16xf32>,
      %add3A_264 = arith.addf %add3A_258, %gather3A_263 : vector<16xf32>
      %add3A_265 = arith.constant 12 : i32
      %add3A_266 = arith.addi %mul3A_196, %add3A_265 : i32
      %add3A_267 = vector.broadcast %add3A_266 : i32 to vector<16xi32>
      %add3A_268 = arith.addi %mul3A_184, %add3A_267 : vector<16xi32>
      %gather3A_269 = tpu.vector_load_idx %arg22[%add3A_268] : memref<2048xf32, #tpu.memory_space<vmem>>[vector<16xi32>], vector<16xf32>,
      %add3A_270 = arith.addf %add3A_264, %gather3A_269 : vector<16xf32>
      %add3A_271 = arith.constant 13 : i32
      %add3A_272 = arith.addi %mul3A_196, %add3A_271 : i32
      %add3A_273 = vector.broadcast %add3A_272 : i32 to vector<16xi32>
      %add3A_274 = arith.addi %mul3A_184, %add3A_273 : vector<16xi32>
      %gather3A_275 = tpu.vector_load_idx %arg22[%add3A_274] : memref<2048xf32, #tpu.memory_space<vmem>>[vector<16xi32>], vector<16xf32>,
      %add3A_276 = arith.addf %add3A_270, %gather3A_275 : vector<16xf32>
      %add3A_277 = arith.constant 14 : i32
      %add3A_278 = arith.addi %mul3A_196, %add3A_277 : i32
      %add3A_279 = vector.broadcast %add3A_278 : i32 to vector<16xi32>
      %add3A_280 = arith.addi %mul3A_184, %add3A_279 : vector<16xi32>
      %gather3A_281 = tpu.vector_load_idx %arg22[%add3A_280] : memref<2048xf32, #tpu.memory_space<vmem>>[vector<16xi32>], vector<16xf32>,
      %add3A_282 = arith.addf %add3A_276, %gather3A_281 : vector<16xf32>
      %add3A_283 = arith.constant 15 : i32
      %add3A_284 = arith.addi %mul3A_196, %add3A_283 : i32
      %add3A_285 = vector.broadcast %add3A_284 : i32 to vector<16xi32>
      %add3A_286 = arith.addi %mul3A_184, %add3A_285 : vector<16xi32>
      %gather3A_287 = tpu.vector_load_idx %arg22[%add3A_286] : memref<2048xf32, #tpu.memory_space<vmem>>[vector<16xi32>], vector<16xf32>,
      %add3A_288 = arith.addf %add3A_282, %gather3A_287 : vector<16xf32>
      %mul3A_289 = arith.constant 16 : i32
      %mul3A_290 = arith.muli %add3A_194, %mul3A_289 : i32
      %add3A_291 = arith.constant 384 : i32
      %add3A_292 = arith.addi %add3A_291, %mul3A_290 : i32
      %swap3A = arith.index_cast %add3A_292 : i32 to index
      %swap3A_293 = tpu.vector_load %arg21[%swap3A] {strides = array<i32>} : memref<512xf32, #tpu.memory_space<vmem>>, vector<16xf32>,
      tpu.vector_store %arg21[%swap3A], %add3A_288 {strides = array<i32>} : memref<512xf32, #tpu.memory_space<vmem>>, vector<16xf32>,
    }
    %scan3A_189 = arith.constant 8 : i32
    "tpu.region"() ({
      %run_scoped3A = tpu.sem_alloc : memref<!tpu.dma_semaphore, #tpu.memory_space<semaphore_mem>>
      %dma_start3A_190 = tpu.memref_slice %arg11[%mul3A_2] : memref<16384xf32, #tpu.memory_space<hbm>> -> memref<512xf32, #tpu.memory_space<hbm>>
      %dma_start3A_191 = tpu.memref_slice %arg11[%mul3A_2] : memref<16384xf32, #tpu.memory_space<hbm>> -> memref<512xf32, #tpu.memory_space<hbm>>
      tpu.enqueue_dma source(%arg21 : memref<512xf32, #tpu.memory_space<vmem>>) target(%dma_start3A_191 : memref<512xf32, #tpu.memory_space<hbm>>) target_semaphore(%run_scoped3A : memref<!tpu.dma_semaphore, #tpu.memory_space<semaphore_mem>>)
      %dma_wait3A_192 = tpu.memref_slice %arg11[%mul3A_2] : memref<16384xf32, #tpu.memory_space<hbm>> -> memref<512xf32, #tpu.memory_space<hbm>>
      %dma_wait3A_193 = tpu.memref_slice %arg11[%mul3A_2] : memref<16384xf32, #tpu.memory_space<hbm>> -> memref<512xf32, #tpu.memory_space<hbm>>
      tpu.wait_dma2 semaphore(%run_scoped3A : memref<!tpu.dma_semaphore, #tpu.memory_space<semaphore_mem>>) src(%arg21 : memref<512xf32, #tpu.memory_space<vmem>>) dst(%dma_wait3A_193 : memref<512xf32, #tpu.memory_space<hbm>>)
      tpu.yield
    }) : () -> ()
    return
  }
}

module attributes {stable_mosaic.version = 14 : i64} {
  func.func @_tc_project(%arg0: memref<2x64xf32, #tpu.memory_space<vmem>>, %arg1: memref<100x64xf32, #tpu.memory_space<vmem>>, %arg2: memref<1000x64xf32, #tpu.memory_space<vmem>>, %arg3: memref<8x64xf32, #tpu.memory_space<vmem>>, %arg4: memref<256x256xf32, #tpu.memory_space<vmem>>, %arg5: memref<1x256xf32, #tpu.memory_space<vmem>>, %arg6: memref<1x256xf32, #tpu.memory_space<vmem>>, %arg7: memref<1x1xf32, #tpu.memory_space<vmem>>, %arg8: memref<16x256xbf16, #tpu.memory_space<vmem>>, %arg9: memref<100x256xbf16, #tpu.memory_space<vmem>>, %arg10: memref<1000x256xbf16, #tpu.memory_space<vmem>>, %arg11: memref<1x256xbf16, #tpu.memory_space<vmem>>, %arg12: memref<1x16xf32, #tpu.memory_space<vmem>>) attributes {dimension_semantics = [], scalar_prefetch = 0 : i64, scratch_operands = 0 : i64, tpu.core_type = #tpu.core_type<tc>} {
    %get3A = arith.constant 0 : index
    %get3A_0 = arith.constant 0 : index
    %get3A_1 = vector.load %arg4[%get3A, %get3A_0] : memref<256x256xf32, #tpu.memory_space<vmem>>, vector<256x256xf32>
    %get3A_2 = arith.constant 0 : index
    %get3A_3 = arith.constant 0 : index
    %get3A_4 = vector.load %arg0[%get3A_2, %get3A_3] : memref<2x64xf32, #tpu.memory_space<vmem>>, vector<2x64xf32>
    %slice3A = vector.extract_strided_slice %get3A_1 {offsets = [0, 0], sizes = [256, 64], strides = [1, 1]} : vector<256x256xf32> to vector<256x64xf32>
    %dot_general3A = arith.constant dense<0.000000e+00> : vector<2x256xf32>
    %dot_general3A_5 = tpu.matmul %get3A_4, %slice3A, %dot_general3A {dimension_numbers = #tpu.dot_dimension_numbers<[1], [1], [0], [0], [0, 0, 1, 0], [], []>, transpose_lhs_hint = false} : vector<2x64xf32>, vector<256x64xf32>, vector<2x256xf32> -> vector<2x256xf32>
    %get3A_6 = arith.constant 0 : index
    %get3A_7 = arith.constant 0 : index
    %get3A_8 = vector.load %arg1[%get3A_6, %get3A_7] : memref<100x64xf32, #tpu.memory_space<vmem>>, vector<100x64xf32>
    %slice3A_9 = vector.extract_strided_slice %get3A_1 {offsets = [0, 64], sizes = [256, 64], strides = [1, 1]} : vector<256x256xf32> to vector<256x64xf32>
    %dot_general3A_10 = arith.constant dense<0.000000e+00> : vector<100x256xf32>
    %dot_general3A_11 = tpu.matmul %get3A_8, %slice3A_9, %dot_general3A_10 {dimension_numbers = #tpu.dot_dimension_numbers<[1], [1], [0], [0], [0, 0, 1, 0], [], []>, transpose_lhs_hint = false} : vector<100x64xf32>, vector<256x64xf32>, vector<100x256xf32> -> vector<100x256xf32>
    %get3A_12 = arith.constant 0 : index
    %get3A_13 = arith.constant 0 : index
    %get3A_14 = vector.load %arg2[%get3A_12, %get3A_13] : memref<1000x64xf32, #tpu.memory_space<vmem>>, vector<1000x64xf32>
    %slice3A_15 = vector.extract_strided_slice %get3A_1 {offsets = [0, 128], sizes = [256, 64], strides = [1, 1]} : vector<256x256xf32> to vector<256x64xf32>
    %dot_general3A_16 = arith.constant dense<0.000000e+00> : vector<1000x256xf32>
    %dot_general3A_17 = tpu.matmul %get3A_14, %slice3A_15, %dot_general3A_16 {dimension_numbers = #tpu.dot_dimension_numbers<[1], [1], [0], [0], [0, 0, 1, 0], [], []>, transpose_lhs_hint = false} : vector<1000x64xf32>, vector<256x64xf32>, vector<1000x256xf32> -> vector<1000x256xf32>
    %get3A_18 = arith.constant 0 : index
    %get3A_19 = arith.constant 0 : index
    %get3A_20 = vector.load %arg3[%get3A_18, %get3A_19] : memref<8x64xf32, #tpu.memory_space<vmem>>, vector<8x64xf32>
    %slice3A_21 = vector.extract_strided_slice %get3A_1 {offsets = [0, 192], sizes = [256, 64], strides = [1, 1]} : vector<256x256xf32> to vector<256x64xf32>
    %dot_general3A_22 = arith.constant dense<0.000000e+00> : vector<8x256xf32>
    %dot_general3A_23 = tpu.matmul %get3A_20, %slice3A_21, %dot_general3A_22 {dimension_numbers = #tpu.dot_dimension_numbers<[1], [1], [0], [0], [0, 0, 1, 0], [], []>, transpose_lhs_hint = false} : vector<8x64xf32>, vector<256x64xf32>, vector<8x256xf32> -> vector<8x256xf32>
    %get3A_24 = arith.constant 0 : index
    %get3A_25 = arith.constant 0 : index
    %get3A_26 = vector.load %arg5[%get3A_24, %get3A_25] : memref<1x256xf32, #tpu.memory_space<vmem>>, vector<1x256xf32>
    %broadcast_in_dim3A = vector.shape_cast %dot_general3A_5 : vector<2x256xf32> to vector<2x1x256xf32>
    %broadcast_in_dim3A_27 = vector.shape_cast %dot_general3A_23 : vector<8x256xf32> to vector<1x8x256xf32>
    %add3A = vector.broadcast %broadcast_in_dim3A : vector<2x1x256xf32> to vector<2x8x256xf32>
    %add3A_28 = vector.broadcast %broadcast_in_dim3A_27 : vector<1x8x256xf32> to vector<2x8x256xf32>
    %add3A_29 = arith.addf %add3A, %add3A_28 : vector<2x8x256xf32>
    %reshape3A = vector.shape_cast %add3A_29 : vector<2x8x256xf32> to vector<16x256xf32>
    %add3A_30 = vector.broadcast %get3A_26 : vector<1x256xf32> to vector<16x256xf32>
    %add3A_31 = arith.addf %reshape3A, %add3A_30 : vector<16x256xf32>
    %get3A_32 = arith.constant 0 : index
    %get3A_33 = arith.constant 0 : index
    %get3A_34 = vector.load %arg6[%get3A_32, %get3A_33] : memref<1x256xf32, #tpu.memory_space<vmem>>, vector<1x256xf32>
    %abs3A = math.absf %get3A_34 : vector<1x256xf32>
    %mul3A = vector.broadcast %abs3A : vector<1x256xf32> to vector<16x256xf32>
    %mul3A_35 = arith.mulf %add3A_31, %mul3A : vector<16x256xf32>
    %convert_element_type3A = arith.truncf %mul3A_35 : vector<16x256xf32> to vector<16x256xbf16>
    %swap3A = arith.constant 0 : index
    %swap3A_36 = arith.constant 0 : index
    %swap3A_37 = vector.load %arg8[%swap3A, %swap3A_36] : memref<16x256xbf16, #tpu.memory_space<vmem>>, vector<16x256xbf16>
    tpu.vector_store %arg8[%swap3A, %swap3A_36], %convert_element_type3A {strides = array<i32>} : memref<16x256xbf16, #tpu.memory_space<vmem>>, vector<16x256xbf16>,
    %mul3A_38 = vector.broadcast %abs3A : vector<1x256xf32> to vector<100x256xf32>
    %mul3A_39 = arith.mulf %dot_general3A_11, %mul3A_38 : vector<100x256xf32>
    %convert_element_type3A_40 = arith.truncf %mul3A_39 : vector<100x256xf32> to vector<100x256xbf16>
    %swap3A_41 = arith.constant 0 : index
    %swap3A_42 = arith.constant 0 : index
    %swap3A_43 = vector.load %arg9[%swap3A_41, %swap3A_42] : memref<100x256xbf16, #tpu.memory_space<vmem>>, vector<100x256xbf16>
    tpu.vector_store %arg9[%swap3A_41, %swap3A_42], %convert_element_type3A_40 {strides = array<i32>} : memref<100x256xbf16, #tpu.memory_space<vmem>>, vector<100x256xbf16>,
    %mul3A_44 = vector.broadcast %abs3A : vector<1x256xf32> to vector<1000x256xf32>
    %mul3A_45 = arith.mulf %dot_general3A_17, %mul3A_44 : vector<1000x256xf32>
    %convert_element_type3A_46 = arith.truncf %mul3A_45 : vector<1000x256xf32> to vector<1000x256xbf16>
    %swap3A_47 = arith.constant 0 : index
    %swap3A_48 = arith.constant 0 : index
    %swap3A_49 = vector.load %arg10[%swap3A_47, %swap3A_48] : memref<1000x256xbf16, #tpu.memory_space<vmem>>, vector<1000x256xbf16>
    tpu.vector_store %arg10[%swap3A_47, %swap3A_48], %convert_element_type3A_46 {strides = array<i32>} : memref<1000x256xbf16, #tpu.memory_space<vmem>>, vector<1000x256xbf16>,
    %sign3A = tpu.bitcast %get3A_34 : vector<1x256xf32> -> vector<1x256xi32>
    %sign3A_50 = arith.constant -2147483648 : i32
    %sign3A_51 = vector.broadcast %sign3A_50 : i32 to vector<1x256xi32>
    %sign3A_52 = arith.andi %sign3A, %sign3A_51 : vector<1x256xi32>
    %sign3A_53 = arith.constant 1065353216 : i32
    %sign3A_54 = vector.broadcast %sign3A_53 : i32 to vector<1x256xi32>
    %sign3A_55 = arith.ori %sign3A_54, %sign3A_52 : vector<1x256xi32>
    %sign3A_56 = tpu.bitcast %sign3A_55 : vector<1x256xi32> -> vector<1x256xf32>
    %sign3A_57 = math.absf %get3A_34 : vector<1x256xf32>
    %sign3A_58 = arith.constant 0.000000e+00 : f32
    %sign3A_59 = vector.broadcast %sign3A_58 : f32 to vector<1x256xf32>
    %sign3A_60 = arith.cmpf ogt, %sign3A_57, %sign3A_59 : vector<1x256xf32>
    %sign3A_61 = arith.select %sign3A_60, %sign3A_56, %get3A_34 : vector<1x256xi1>, vector<1x256xf32>
    %convert_element_type3A_62 = arith.truncf %sign3A_61 : vector<1x256xf32> to vector<1x256xbf16>
    %swap3A_63 = arith.constant 0 : index
    %swap3A_64 = arith.constant 0 : index
    %swap3A_65 = vector.load %arg11[%swap3A_63, %swap3A_64] : memref<1x256xbf16, #tpu.memory_space<vmem>>, vector<1x256xbf16>
    tpu.vector_store %arg11[%swap3A_63, %swap3A_64], %convert_element_type3A_62 {strides = array<i32>} : memref<1x256xbf16, #tpu.memory_space<vmem>>, vector<1x256xbf16>,
    %iota3A = tpu.iota {dimensions = array<i32: 1>} : vector<1x16xi32>
    %eq3A = arith.constant 0 : i32
    %eq3A_66 = vector.broadcast %eq3A : i32 to vector<1x16xi32>
    %eq3A_67 = arith.cmpi eq, %iota3A, %eq3A_66 : vector<1x16xi32>
    %jit3A = arith.constant 1.000000e+00 : f32
    %jit3A_68 = arith.constant 0.000000e+00 : f32
    %broadcast_in_dim3A_69 = vector.broadcast %jit3A : f32 to vector<1x16xf32>
    %broadcast_in_dim3A_70 = vector.broadcast %jit3A_68 : f32 to vector<1x16xf32>
    %select_n3A = arith.select %eq3A_67, %broadcast_in_dim3A_69, %broadcast_in_dim3A_70 : vector<1x16xi1>, vector<1x16xf32>
    %get3A_71 = arith.constant 0 : index
    %get3A_72 = arith.constant 0 : index
    %get3A_73 = vector.load %arg7[%get3A_71, %get3A_72] : memref<1x1xf32, #tpu.memory_space<vmem>>, vector<1x1xf32>
    %mul3A_74 = vector.broadcast %get3A_73 : vector<1x1xf32> to vector<1x16xf32>
    %mul3A_75 = arith.mulf %select_n3A, %mul3A_74 : vector<1x16xf32>
    %swap3A_76 = arith.constant 0 : index
    %swap3A_77 = arith.constant 0 : index
    %swap3A_78 = vector.load %arg12[%swap3A_76, %swap3A_77] : memref<1x16xf32, #tpu.memory_space<vmem>>, vector<1x16xf32>
    tpu.vector_store %arg12[%swap3A_76, %swap3A_77], %mul3A_75 {strides = array<i32>} : memref<1x16xf32, #tpu.memory_space<vmem>>, vector<1x16xf32>,
    return
  }
}

</mosaic_0001>

<sc_bundles>
// kernel: kernel.4.cloned.1.call-start
scs
__scs_entry_jumppad:
0x0: {  	(pc) =	sbr.rel $0x88, $3  }
0x1: {  	(tag) =	ssettag $0x0;
	lr =	simm.s32 $0x1  }
0x2: {  	[smem:$0x3F95] =	sst lr;
	_ =	strace $0xD0000000  }
0x3: {  	_ = 	snop  }
0x4: {  	_ = 	snop  }
0x5: {  	_ = 	snop  }
0x6: {  	_ = 	snop  }
0x7: {  	_ = 	snop  }
__scs_overlays_trampoline_lowered:
0x8: {  	[smem:$0x3FA4] =	sst s0  }
0x9: {  	[smem:$0x3FA5] =	sst s1  }
0xa: {  	[smem:$0x3FA6] =	sst s2  }
0xb: {  	[smem:$0x3FA7] =	sst s3  }
0xc: {  	[smem:$0x3FA8] =	sst s4  }
0xd: {  	[smem:$0x3FA9] =	sst s5  }
0xe: {  	[smem:$0x3FAA] =	sst s6  }
0xf: {  	[smem:$0x3FAB] =	sst s7  }
0x10: {  	[smem:$0x3FAC] =	sst s8  }
0x11: {  	[smem:$0x3FAD] =	sst s9;
	s0 =	simm.s32 @!p0 $0x0  }
0x12: {  	s1 =	sld [smem:$0x3F93];
	s0 =	simm.s32 @p0 $0x1  }
0x13: {  	[smem:$0x3FAE] =	sst s0;
	s0 =	simm.s32 @!p1 $0x0  }
0x14: {  	s2 =	sld [smem:$0x3F92];
	s0 =	simm.s32 @p1 $0x1  }
0x15: {  	[smem:$0x3FAF] =	sst s0;
	s0 =	simm.s32 @!p2 $0x0  }
0x16: {  	s3 =	sld [smem:$0x3FDB];
	s0 =	simm.s32 @p2 $0x1  }
0x17: {  	s4 =	simm.s32 $0x1BF5;
	[smem:$0x3FB1] =	sst s0  }
0x18: {  	s0 =	sld [smem:$0x3F94];
	_ =	swait.ge [sflag:s4], $0x0  }
0x19: {  	s7 =	sld [smem:$0x3F95]  }
0x1a: {  	s8 =	sadd.s32 $0xFFFFE003, lr  }
0x1b: {  	s9 =	sadd.s32 $0xFFFFFEF7, lr;
	s5 =	simm.s32 $0xFFFFFFFF;
	p2 =	slt.u32 s8, $0xFFFFF086  }
0x1c: {  	p1 =	slt.u32 s9, $0xF7A;
	s5 =	simm.s32 @!p2 $0x0  }
0x1d: {  	s5 =	simm.s32 @p1 $0x1;
	p0 =	seq.s32 s7, s2  }
0x1e: {  	s7 =	smul.u32 @!p0 $0xF7A, s2;
	p2 =	seq.s32 @!p0 s5, $0x0  }
0x1f: {  	s9 =	smul.u32 $0xF7A, s1;
	s8 =	simm.s32 @!p0 $0x1BF5;
	p2 =	por !p2, p0  }
0x20: {  	[sflag:s8] =	ssyncset.s32 @!p0 $0xFFFFF086;
	s6 =	sadd.s32 @!p0 s3, s7;
	s7 =	simm.s32 @!p0 $0x108  }
0x21: {  	s3 =	sadd.s32 s3, s9;
	s6 =	sadd.s32 @!p0 $0x88, s6;
	s7 =	simm.s32 @p2 $0x1082  }
0x22: {  	[simem:s7], [sflag:s8] =	dma.local @!p0 [hbm:s6], $0xF7A  }
0x23: {  	s9 =	sor.u32 $0xD0000000, s2;
	s6 =	simm.s32 $0x108;
	_ =	swait.ge @!p0 [sflag:s8], $0x0  }
0x24: {  	s3 =	sadd.s32 $0x88, s3;
	s6 =	simm.s32 @!p1 $0x1082;
	[sflag:s4] =	ssyncset.s32 $0xFFFFF086  }
0x25: {  	[simem:s6], [sflag:s4] =	dma.local [hbm:s3], $0xF7A  }
0x26: {  	[smem:$0x3F95] =	sst s1;
	(tag) =	ssettag s2;
	_ =	strace s9  }
0x27: {  	s1 =	sld [smem:$0x3FA5]  }
0x28: {  	s2 =	sld [smem:$0x3FA6]  }
0x29: {  	s4 =	sld [smem:$0x3FA8]  }
0x2a: {  	p0 =	seq.s32 s5, $0x0;
	s5 =	sld [smem:$0x3FA9]  }
0x2b: {  	s6 =	sld [smem:$0x3FAA]  }
0x2c: {  	s7 =	sld [smem:$0x3FAB]  }
0x2d: {  	s3 =	simm.s32 $0x108;
	s8 =	sld [smem:$0x3FAC]  }
0x2e: {  	s3 =	simm.s32 @!p0 $0x1082;
	s9 =	sld [smem:$0x3FAD]  }
0x2f: {  	lr =	sadd.s32 s0, s3;
	s0 =	sld [smem:$0x3FA4]  }
0x30: {  	s3 =	sld [smem:$0x3FA7]  }
0x31: {  	[smem:$0x3FB0] =	sst s10  }
0x32: {  	s10 =	sld [smem:$0x3FAE];
	_ =	sdelay $0x3  }
0x33: {  	p0 =	seq.s32 s10, $0x1;
	s10 =	sld [smem:$0x3FB0];
	_ =	sdelay $0x3  }
0x34: {  	[smem:$0x3FB0] =	sst s10  }
0x35: {  	s10 =	sld [smem:$0x3FAF];
	_ =	sdelay $0x3  }
0x36: {  	p1 =	seq.s32 s10, $0x1;
	s10 =	sld [smem:$0x3FB0];
	_ =	sdelay $0x3  }
0x37: {  	[smem:$0x3FB0] =	sst s10  }
0x38: {  	s10 =	sld [smem:$0x3FB1]  }
0x39: {  	_ = 	snop;
	(pc) =	sbr.ind lr, $3  }
0x3a: {  	_ = 	snop  }
0x3b: {  	_ = 	snop  }
0x3c: {  	p2 =	seq.s32 s10, $0x1;
	s10 =	sld [smem:$0x3FB0]  }
0x3d: {  	_ =	shalt  }
0x3e: {  	_ =	shalt  }
0x3f: {  	_ =	shalt  }
0x40: {  	_ =	shalt  }
0x41: {  	_ =	shalt  }
0x42: {  	_ =	shalt  }
0x43: {  	_ =	shalt  }
0x44: {  	_ =	shalt  }
0x45: {  	_ =	shalt  }
0x46: {  	_ =	shalt  }
0x47: {  	_ =	shalt  }
0x48: {  	_ =	shalt  }
0x49: {  	_ =	shalt  }
0x4a: {  	_ =	shalt  }
0x4b: {  	_ =	shalt  }
0x4c: {  	_ =	shalt  }
0x4d: {  	_ =	shalt  }
0x4e: {  	_ =	shalt  }
0x4f: {  	_ =	shalt  }
0x50: {  	_ =	shalt  }
0x51: {  	_ =	shalt  }
0x52: {  	_ =	shalt  }
0x53: {  	_ =	shalt  }
0x54: {  	_ =	shalt  }
0x55: {  	_ =	shalt  }
0x56: {  	_ =	shalt  }
0x57: {  	_ =	shalt  }
0x58: {  	_ =	shalt  }
0x59: {  	_ =	shalt  }
0x5a: {  	_ =	shalt  }
0x5b: {  	_ =	shalt  }
0x5c: {  	_ =	shalt  }
0x5d: {  	_ =	shalt  }
0x5e: {  	_ =	shalt  }
0x5f: {  	_ =	shalt  }
0x60: {  	_ =	shalt  }
0x61: {  	_ =	shalt  }
0x62: {  	_ =	shalt  }
0x63: {  	_ =	shalt  }
0x64: {  	_ =	shalt  }
0x65: {  	_ =	shalt  }
0x66: {  	_ =	shalt  }
0x67: {  	_ =	shalt  }
0x68: {  	_ =	shalt  }
0x69: {  	_ =	shalt  }
0x6a: {  	_ =	shalt  }
0x6b: {  	_ =	shalt  }
0x6c: {  	_ =	shalt  }
0x6d: {  	_ =	shalt  }
0x6e: {  	_ =	shalt  }
0x6f: {  	_ =	shalt  }
0x70: {  	_ =	shalt  }
0x71: {  	_ =	shalt  }
0x72: {  	_ =	shalt  }
0x73: {  	_ =	shalt  }
0x74: {  	_ =	shalt  }
0x75: {  	_ =	shalt  }
0x76: {  	_ =	shalt  }
0x77: {  	_ =	shalt  }
0x78: {  	_ =	shalt  }
0x79: {  	_ =	shalt  }
0x7a: {  	_ =	shalt  }
0x7b: {  	_ =	shalt  }
0x7c: {  	_ =	shalt  }
0x7d: {  	_ =	shalt  }
0x7e: {  	_ =	shalt  }
0x7f: {  	_ =	shalt  }
0x80: {  	_ =	shalt  }
0x81: {  	_ =	shalt  }
0x82: {  	_ =	shalt  }
0x83: {  	_ =	shalt  }
0x84: {  	_ =	shalt  }
0x85: {  	_ =	shalt  }
0x86: {  	_ =	shalt  }
0x87: {  	_ =	shalt  }
.Lfunc_end0:
.L_simem_size_0:
called_computation_lowered:
.L_overlay_start_0:
0x88: {  	s2 =	sld [smem:$0x3FD9]  }
0x89: {  	s3 =	sld [smem:$0x3FFE];
	_ =	sdelay $0x1  }
0x8a: {  	s1 =	srdreg.scid  }
0x8b: {  	s0 =	sand.u32 $0x1, s1  }
0x8c: {  	s17 =	sshll.u32 s0, $0xA;
	s2 =	sadd.s32 s3, s2  }
0x8d: {  	s2 =	sadd.s32 s2, s17  }
0x8e: {  	[smem:$0x3FBC] =	sst s2  }
0x8f: {  	_ = 	snop  }
0x90: {  	s2 =	sld [smem:$0x3FC9]  }
0x91: {  	s18 =	sld [smem:$0x3FC8]  }
0x92: {  	s4 =	sld [smem:$0x3FC7]  }
0x93: {  	s5 =	sld [smem:$0x3FC6]  }
0x94: {  	s6 =	sld [smem:$0x3FD0];
	(tm) =	ssettm $0x1  }
0x95: {  	s7 =	sld [smem:$0x3FFB];
	_ =	sdelay $0x3  }
0x96: {  	_ =	strace s7  }
0x97: {  	s7 =	sld [smem:$0x3FFC];
	_ =	sdelay $0x3  }
0x98: {  	_ =	strace s7  }
0x99: {  	s7 =	sld [smem:$0x3FFD];
	_ =	sdelay $0x3  }
0x9a: {  	_ =	strace s7  }
0x9b: {  	_ =	strace $0x8FFFFFFF  }
0x9c: {  	s19 =	sld [smem:$0x3FDB];
	_ =	sdelay $0x1  }
0x9d: {  	s8 =	simm.s32 $_scs_section_size  }
0x9e: {  	s9 =	simm.s32 $_size__tile_overlayer_lowered;
	s10 =	simm.s32 $_tile_overlayer_lowered  }
0x9f: {  	s22 =	simm.s32 $0x1BFF;
	s21 =	sshll.u32 s10, $0x1;
	s7 =	sadd.s32 s8, s19  }
0xa0: {  	s11 =	simm.s32 $0x0;
	s20 =	sshll.u32 s9, $0x1;
	s9 =	sadd.s32 s21, s7  }
0xa1: {  	[timem:s11], [sflag:s22] =	dma.local [hbm:s9], s20  }
0xa2: {  	_ =	swait.ge [sflag:s22], s20  }
0xa3: {  	s8 =	ssub.s32 $0x0, s20;
	[sflag:s22] =	ssyncset.done $0x0  }
0xa4: {  	[sflag:s22] =	ssyncadd.s32 s8;
	_ =	sdelay $0x1  }
0xa5: {  	s23 =	simm.s32 $0x1B8B  }
0xa6: {  	_ =	swait.ge [sflag:s23], $0x1  }
0xa7: {  	[sflag:s23] =	ssyncset.done $0x0  }
0xa8: {  	s25 =	simm.s32 $0x1B8E;
	s24 =	sld [smem:$0x3FFE];
	[sflag:s23] =	ssyncadd.s32 $0xFFFFFFFF  }
0xa9: {  	s26 =	simm.s32 $execute0_lowered;
	[smem:$0x3FD2] =	sst s25  }
0xaa: {  	s9 =	sshll.u32 s26, $0x1;
	_ =	strace $0x80000046;
	[dreg:$0x1] =	wrdreg $0xFFFFFFFF  }
0xab: {  	s28 =	simm.s32 $_size_execute0_lowered;
	s7 =	sadd.s32 s7, s9;
	[dreg:$0x0] =	wrdreg $0x0  }
0xac: {  	s9 =	sshll.u32 s28, $0x1;
	[dreg:$0x2] =	wrdreg s7  }
0xad: {  	[dreg:$0x3] =	wrdreg s9  }
0xae: {  	[dreg:$0x4] =	wrdreg $0xC0  }
0xaf: {  	_ =	task [dreg:s11], $0x5FFFF  }
0xb0: {  	[dreg:$0x1] =	wrdreg $0xFFFFFFFF  }
0xb1: {  	[dreg:$0x0] =	wrdreg $0x60  }
0xb2: {  	[dreg:$0x2] =	wrdreg s24  }
0xb3: {  	[dreg:$0x3] =	wrdreg s2  }
0xb4: {  	[dreg:$0x4] =	wrdreg s18  }
0xb5: {  	[dreg:$0x5] =	wrdreg s5  }
0xb6: {  	[dreg:$0x6] =	wrdreg s4  }
0xb7: {  	[dreg:$0x7] =	wrdreg s6  }
0xb8: {  	[dreg:$0x8] =	wrdreg $0x9  }
0xb9: {  	_ =	task.clear_ibuf [dreg:s11], $0x9FFFF;
	_ =	strace $0x90000046  }
0xba: {  	s29 =	simm.s32 $0x9;
	_ =	strace $0x80000048  }
0xbb: {  	_ =	swait.ge [sflag:s29], $0x1  }
0xbc: {  	[sflag:s29] =	ssyncadd.s32 $0xFFFFFFFF  }
0xbd: {  	_ =	strace $0x90000048  }
0xbe: {  	_ =	sfence  }
0xbf: {  	s30 =	sld [smem:$0x0];
	_ =	sdelay $0x2  }
0xc0: {  	s31 =	sshll.u32 s1, $0xD;
	s1 =	sshrl.u32 s1, $0x2  }
0xc1: {  	s3 =	sand.u32 $0x4000, s31;
	s1 =	sadd.s32 s1, s30  }
0xc2: {  	s0 =	sor.u32 s3, s0;
	s1 =	sshll.u32 s1, $0x11  }
0xc3: {  	s0 =	sor.u32 s1, s0  }
0xc4: {  	s0 =	sadd.s32 $0x8F2B, s0  }
0xc5: {  	[sflag:s0] =	ssyncadd.remote.s32 $0x1  }
0xc6: {  	_ =	sfence.sel $0xFFFF  }
0xc7: {  	[dreg:$0x0] =	wrdreg $0xFFFFFFFF;
	(pc) =	sbr.abs _section_cstart, $3  }
0xc8: {  	[dreg:$0x1] =	wrdreg $0xFFFFFFFF  }
0xc9: {  	_ =	task.clear_ibuf [dreg:s11], $0x2FFFF;
	_ =	strace $0x9FFFFFFF  }
0xca: {  	(tm) =	ssettm $0x7FFFFFFF  }
0xcb: {  	_ =	shalt  }
tec
execute0_lowered:
.L_overlay_start_1:
0x0: {  	(tag) =	ssettag $0x1  }
0x1: {  	s1 =	rddreg [dreg:$0x0]  }
0x2: {  	s0 =	rddreg [dreg:$0x1]  }
0x3: {  	s3 =	rddreg [dreg:$0x2]  }
0x4: {  	s10 =	rddreg [dreg:$0x3]  }
0x5: {  	s11 =	rddreg [dreg:$0x4]  }
0x6: {  	s12 =	rddreg [dreg:$0x5];
	s2 =	simm.s32 $0x0  }
0x7: {  	s6 =	srdreg.scid;
	s7 =	stileid.u32;
	s21 =	simm.s32 $0xC480  }
0x8: {  	s22 =	simm.s32 $0x80;
	s23 =	simm.s32 $0x3C00;
	s25 =	simm.s32 $0x7C00  }
0x9: {  	s26 =	simm.s32 $0x1;
	s28 =	simm.s32 $0xC880;
	s30 =	simm.s32 $0x2  }
0xa: {  	[smem:$0x7FF] =	sst s2;
	s4 =	sadd.s32 $0xC00, s1;
	s5 =	sadd.s32 $0x400, s1  }
0xb: {  	s6 =	sand.u32 $0x1, s6;
	s7 =	sshll.u32 s7, $0x7;
	_ =	strace $0x80000047  }
0xc: {  	s8 =	ssub.s32 $0x2, s6;
	s9 =	sshll.u32 s6, $0x6;
	s6 =	sadd.s32 $0xE00, s1  }
0xd: {  	s13 =	sshrl.u32 s8, $0x1;
	s14 =	sor.u32 s9, s7;
	s7 =	sadd.s32 $0x200, s1  }
0xe: {  	v1 =	vlaneseq.u32;
	s13 =	ssub.s32 s8, s13;
	s8 =	sadd.s32 s0, s14;
	s9 =	sadd.s32 s3, s14  }
0xf: {  	v1 =	vmul.u32 $0x10, v1;
	s10 =	sadd.s32 s10, s14;
	s11 =	sadd.s32 s11, s14;
	s12 =	sadd.s32 s12, s14  }
0x10: {  	v0 =	vimm.bf16 $0.0e+00;
	s14 =	simm.s32 $0x3;
	s3 =	simm.s32 $0x0;
	s13 =	smax.u32 s13, $0x1  }
.LBB2_1:
0x11: {  	[tilespmem:s2], [sflag:$0x3] =	stream.linear.gather [hbm4b:s4+s2], $0x800, $0x38;
	[tilespmem:$0xD300] =	vst v63  }
0x12: {  	_ =	swait.ge [sflag:s14], $0x800  }
0x13: {  	[sflag:s14] =	ssyncset.done $0x0  }
0x14: {  	s0 =	simm.s32 $0x800;
	[sflag:s14] =	ssyncadd.s32 $0xFFFFF800  }
0x15: {  	[tilespmem:s0], [sflag:$0x3] =	stream.linear.gather [hbm4b:s5+s2], $0x3200, $0x38;
	[tilespmem:$0xD300] =	vst v63  }
0x16: {  	_ =	swait.ge [sflag:s14], $0x3200  }
0x17: {  	[sflag:s14] =	ssyncset.done $0x0  }
0x18: {  	s19 =	simm.s32 $0xBC00;
	[sflag:s14] =	ssyncadd.s32 $0xFFFFCE00  }
0x19: {  	[tilespmem:s19], [sflag:$0x3] =	stream.linear.gather [hbm4b:s7+s2], $0x80, $0x38;
	[tilespmem:$0xD300] =	vst v63  }
0x1a: {  	_ =	swait.ge [sflag:s14], $0x80  }
0x1b: {  	[sflag:s14] =	ssyncset.done $0x0  }
0x1c: {  	s20 =	simm.s32 $0xBC80;
	[sflag:s14] =	ssyncadd.s32 $0xFFFFFF80  }
0x1d: {  	[tilespmem:s20], [sflag:$0x3] =	stream.linear.gather [hbm4b:s1+s2], $0x80, $0x38;
	[tilespmem:$0xD300] =	vst v63  }
0x1e: {  	_ =	swait.ge [sflag:s14], $0x80  }
0x1f: {  	[sflag:s14] =	ssyncset.done $0x0  }
0x20: {  	s24 =	simm.s32 $0xBD00;
	[sflag:s14] =	ssyncadd.s32 $0xFFFFFF80  }
0x21: {  	[tilespmem:s24], [sflag:$0x3] =	stream.linear.gather [hbm4b:s8+s2], $0x200, $0x38;
	[tilespmem:$0xD300] =	vst v63  }
0x22: {  	_ =	swait.ge [sflag:s14], $0x200  }
0x23: {  	[sflag:s14] =	ssyncset.done $0x0  }
0x24: {  	s29 =	simm.s32 $0xBF80;
	[sflag:s14] =	ssyncadd.s32 $0xFFFFFE00  }
0x25: {  	[tilespmem:s29], [sflag:$0x3] =	stream.linear.gather [hbm4b:s9+s2], $0x200, $0x38;
	[tilespmem:$0xD300] =	vst v63  }
0x26: {  	_ =	swait.ge [sflag:s14], $0x200  }
0x27: {  	[sflag:s14] =	ssyncset.done $0x0  }
0x28: {  	s31 =	simm.s32 $0xC200;
	[sflag:s14] =	ssyncadd.s32 $0xFFFFFE00  }
0x29: {  	[tilespmem:s31], [sflag:$0x3] =	stream.linear.gather [hbm4b:s10+s2], $0x200, $0x38;
	[tilespmem:$0xD300] =	vst v63  }
0x2a: {  	_ =	swait.ge [sflag:s14], $0x200  }
0x2b: {  	[sflag:s14] =	ssyncset.done $0x0  }
0x2c: {  	[sflag:s14] =	ssyncadd.s32 $0xFFFFFE00  }
0x2d: {  	[tilespmem:s21], [sflag:$0x3] =	stream.linear.gather [hbm4b:s11+s2], $0x200, $0x38;
	[tilespmem:$0xD300] =	vst v63  }
0x2e: {  	_ =	swait.ge [sflag:s14], $0x200  }
0x2f: {  	[sflag:s14] =	ssyncset.done $0x0  }
0x30: {  	s0 =	simm.s32 $0x0;
	[sflag:s14] =	ssyncadd.s32 $0xFFFFFE00  }
0x31: {  	[tilespmem:s23], [sflag:$0x1] =	stream.indirect.gather [hbm4b:s6+s22], $0x80, s21, s22, $0xb8;
	[tilespmem:$0xD300] =	vst v63  }
0x32: {  	v2 =	vld [tilespmem:s0+$0xBD00]  }
0x33: {  	s15 =	simm.s32 $0x40;
	v3 =	vld [tilespmem:s0+$0xC200]  }
.LBB2_2:
0x34: {  	p0 =	sne.s32 s15, $0x7C0  }
.Ltmp0:
0x35: {  	_ = 	snop;
	(pc) =	sbr.rel @p0 .LBB2_2-.Ltmp0, $4  }
0x36: {  	_ = 	snop  }
0x37: {  	s16 =	sshra.s32 s15, $0x2;
	s15 =	sadd.s32 $0x40, s15;
	v4 =	vshll.u32 v2, $0x3  }
0x38: {  	v2 =	vld [tilespmem:s16+$0xBD00];
	v4 =	vadd.s32 v3, v4  }
0x39: {  	v3 =	vld [tilespmem:s16+$0xC200];
	[tilespmem:s0+$0xD080] =	vst v4;
	s0 =	smov.u32 s16  }
0x3a: {  	_ =	sdelay $0x2  }
0x3b: {  	v2 =	vshll.u32 v2, $0x3  }
0x3c: {  	v2 =	vadd.s32 v3, v2  }
0x3d: {  	[tilespmem:s0+$0xD080] =	vst v2  }
0x3e: {  	v6 =	vld [tilespmem:$0xBC00]  }
0x3f: {  	v10 =	vld [tilespmem:$0xBC10]  }
0x40: {  	v8 =	vld [tilespmem:$0xBC20]  }
0x41: {  	v5 =	vld [tilespmem:$0xBC30]  }
0x42: {  	v3 =	vld [tilespmem:$0xBC40]  }
0x43: {  	v9 =	vld [tilespmem:$0xBC50]  }
0x44: {  	v2 =	vld [tilespmem:$0xBC60]  }
0x45: {  	s18 =	simm.s32 $0xC500;
	v4 =	vld [tilespmem:$0xBC70]  }
0x46: {  	v7 =	vld [tilespmem:$0xBC80];
	[tilespmem:s25], [sflag:$0x2] =	stream.indirect.gather [hbm4b:s6+s22], $0x80, s18, s22, $0xb8  }
0x47: {  	_ =	swait.ge [sflag:s26], $0x4000  }
0x48: {  	[sflag:s26] =	ssyncset.done $0x0  }
0x49: {  	s15 =	simm.s32 $0xBF81;
	[sflag:s26] =	ssyncadd.s32 $0xFFFFC000  }
0x4a: {  	v11 =	vld [tilespmem:s15+$0xFFFFFFFF];
	_ =	sdelay $0x3  }
0x4b: {  	s17 =	simm.s32 $0xD081  }
0x4c: {  	v12 =	vld [tilespmem:s17+$0xFFFFFFFF];
	(v2sf) =	vpush v11, $0x0;
	_ =	sdelay $0x4  }
0x4d: {  	(v2sf) =	vpush v12, $0x0;
	_ =	sdelay $0x5  }
0x4e: {  	s16 =	simm.s32 $0x3C80  }
0x4f: {  	v13 =	vld [tilespmem:s16+$0xFFFFFFC0]  }
0x50: {  	v14 =	vld [tilespmem:s16+$0xFFFFFFA0]  }
0x51: {  	v15 =	vld [tilespmem:s16+$0xFFFFFF80]  }
0x52: {  	v16 =	vld [tilespmem:s16+$0xFFFFFFB0];
	s19 =	spop (v2sf)  }
0x53: {  	v11 =	vld [tilespmem:s16+$0xFFFFFF90];
	s0 =	sshll.u32 s19, $0x9  }
0x54: {  	v12 =	vld [tilespmem:s16+$0xFFFFFFD0];
	s0 =	sshra.s32 s0, $0x2  }
0x55: {  	v17 =	vld [tilespmem:s0+$0x820]  }
0x56: {  	v18 =	vld [tilespmem:s0+$0x830]  }
0x57: {  	s18 =	spop (v2sf);
	v19 =	vld [tilespmem:s0+$0x800]  }
0x58: {  	s18 =	sshll.u32 s18, $0x9;
	v22 =	vld [tilespmem:s0+$0x810]  }
0x59: {  	s18 =	sshra.s32 s18, $0x2;
	v24 =	vld [tilespmem:s0+$0x840]  }
0x5a: {  	v20 =	vld [tilespmem:s18+$0x10]  }
0x5b: {  	v21 =	vld [tilespmem:s18+$0x0]  }
0x5c: {  	v23 =	vld [tilespmem:s18+$0x20]  }
0x5d: {  	v15 =	vadd.bf16 v19, v15;
	v19 =	vld [tilespmem:s0+$0x850]  }
0x5e: {  	v14 =	vadd.bf16 v17, v14;
	v17 =	vld [tilespmem:s16+$0xFFFFFFE0]  }
0x5f: {  	v16 =	vadd.bf16 v18, v16;
	v18 =	vld [tilespmem:s18+$0x30]  }
0x60: {  	v22 =	vadd.bf16 v22, v11;
	v15 =	vadd.bf16 v21, v15;
	v21 =	vld [tilespmem:s0+$0x860]  }
0x61: {  	v14 =	vadd.bf16 v23, v14;
	v23 =	vld [tilespmem:s18+$0x40]  }
0x62: {  	v13 =	vadd.bf16 v24, v13;
	v24 =	vld [tilespmem:s18+$0x50];
	v20 =	vadd.bf16 v20, v22;
	v15 =	vmax.bf16 v15, v0  }
0x63: {  	v11 =	vmul.f32 $0.0e+00, v7;
	v22 =	vld [tilespmem:s18+$0x60];
	v14 =	vmax.bf16 v14, v0;
	v15 =	vmul.bf16 v15, v6  }
0x64: {  	v20 =	vmax.bf16 v20, v0;
	v12 =	vadd.bf16 v19, v12;
	v14 =	vmul.bf16 v14, v8  }
0x65: {  	v20 =	vmul.bf16 v20, v10;
	v16 =	vadd.bf16 v18, v16;
	v19 =	vunpack.i.u.bf16.f32 v15  }
0x66: {  	v15 =	vunpack.i.l.bf16.f32 v15;
	v17 =	vadd.bf16 v21, v17;
	v13 =	vadd.bf16 v23, v13  }
0x67: {  	v18 =	vld [tilespmem:s16+$0xFFFFFFF0];
	v21 =	vunpack.i.l.bf16.f32 v14;
	v12 =	vadd.bf16 v24, v12;
	v19 =	vadd.f32 v19, v11  }
0x68: {  	v16 =	vmax.bf16 v16, v0;
	v15 =	vadd.f32 v15, v7;
	v17 =	vadd.bf16 v22, v17;
	v22 =	vld [tilespmem:s0+$0x870]  }
0x69: {  	v14 =	vunpack.i.u.bf16.f32 v14;
	v16 =	vmul.bf16 v16, v5;
	v13 =	vmax.bf16 v13, v0  }
0x6a: {  	v12 =	vmax.bf16 v12, v0;
	v15 =	vadd.f32 v21, v15;
	v14 =	vadd.f32 v14, v19;
	v21 =	vld [tilespmem:s18+$0x70]  }
0x6b: {  	v13 =	vmul.bf16 v13, v3;
	v19 =	vunpack.i.l.bf16.f32 v20;
	v20 =	vunpack.i.u.bf16.f32 v20  }
0x6c: {  	v12 =	vmul.bf16 v12, v9;
	v17 =	vmax.bf16 v17, v0;
	v19 =	vadd.f32 v19, v11  }
0x6d: {  	v20 =	vadd.f32 v20, v11;
	v23 =	vunpack.i.u.bf16.f32 v13;
	v18 =	vadd.bf16 v22, v18  }
0x6e: {  	v13 =	vunpack.i.l.bf16.f32 v13;
	v17 =	vmul.bf16 v17, v2;
	v14 =	vadd.f32 v23, v14  }
0x6f: {  	v22 =	vunpack.i.u.bf16.f32 v16;
	v16 =	vunpack.i.l.bf16.f32 v16;
	v18 =	vadd.bf16 v21, v18  }
0x70: {  	v13 =	vadd.f32 v13, v15;
	v15 =	vunpack.i.u.bf16.f32 v12;
	v16 =	vadd.f32 v16, v19  }
0x71: {  	v19 =	vadd.f32 v22, v20;
	v21 =	vunpack.i.l.bf16.f32 v17;
	v18 =	vmax.bf16 v18, v0  }
0x72: {  	v12 =	vunpack.i.l.bf16.f32 v12;
	v13 =	vadd.f32 v21, v13;
	v18 =	vmul.bf16 v18, v4  }
0x73: {  	v17 =	vunpack.i.u.bf16.f32 v17;
	v12 =	vadd.f32 v12, v16;
	v15 =	vadd.f32 v15, v19  }
0x74: {  	v14 =	vadd.f32 v17, v14;
	v16 =	vunpack.i.u.bf16.f32 v18;
	v17 =	vunpack.i.l.bf16.f32 v18  }
0x75: {  	v12 =	vadd.f32 v17, v12;
	v15 =	vadd.f32 v16, v15;
	_ =	sdelay $0x1  }
0x76: {  	v12 =	vadd.f32 v12, v13;
	v13 =	vadd.f32 v15, v14;
	_ =	sdelay $0x1  }
0x77: {  	v12 =	vadd.f32 v12, v13  }
0x78: {  	s18 =	simm.s32 $0xC890  }
0x79: {  	[tilespmem:s18+$0xFFFFFFF0] =	vst v12  }
0x7a: {  	v12 =	vld [tilespmem:s15+$0x0];
	_ =	sdelay $0x1  }
0x7b: {  	v13 =	vld [tilespmem:s17+$0x0];
	_ =	sdelay $0x2  }
0x7c: {  	(v2sf) =	vpush v12, $0x0;
	_ =	sdelay $0x1  }
0x7d: {  	(v2sf) =	vpush v13, $0x0;
	_ =	sdelay $0x7  }
0x7e: {  	v14 =	vld [tilespmem:s16+$0x40]  }
0x7f: {  	v15 =	vld [tilespmem:s16+$0x0]  }
0x80: {  	v16 =	vld [tilespmem:s16+$0x20]  }
0x81: {  	v19 =	vld [tilespmem:s16+$0x30]  }
0x82: {  	v18 =	vld [tilespmem:s16+$0x10]  }
0x83: {  	v20 =	vld [tilespmem:s16+$0x50];
	s20 =	spop (v2sf)  }
0x84: {  	v12 =	vld [tilespmem:s16+$0x70];
	s0 =	sshll.u32 s20, $0x9  }
0x85: {  	v13 =	vld [tilespmem:s16+$0x60];
	s24 =	spop (v2sf);
	s0 =	sshra.s32 s0, $0x2  }
0x86: {  	s29 =	sshll.u32 s24, $0x9;
	v21 =	vld [tilespmem:s0+$0x850]  }
0x87: {  	s31 =	sshra.s32 s29, $0x2;
	v23 =	vld [tilespmem:s0+$0x810]  }
0x88: {  	v24 =	vld [tilespmem:s31+$0x50]  }
0x89: {  	v25 =	vld [tilespmem:s31+$0x10]  }
0x8a: {  	v26 =	vld [tilespmem:s0+$0x830]  }
0x8b: {  	v22 =	vld [tilespmem:s0+$0x820];
	v21 =	vadd.bf16 v21, v20  }
0x8c: {  	v17 =	vld [tilespmem:s31+$0x30];
	v18 =	vadd.bf16 v23, v18  }
0x8d: {  	v20 =	vld [tilespmem:s0+$0x800];
	v27 =	vadd.bf16 v24, v21  }
0x8e: {  	s19 =	simm.s32 $0x0;
	s17 =	simm.s32 $0xC890;
	v21 =	vld [tilespmem:s31+$0x20];
	v24 =	vadd.bf16 v25, v18  }
0x8f: {  	s16 =	simm.s32 $0xF;
	s20 =	simm.s32 $0xD083;
	s24 =	simm.s32 $0x3D80;
	v23 =	vadd.bf16 v26, v19;
	v18 =	vld [tilespmem:s31+$0x0];
	v19 =	vmax.bf16 v27, v0  }
.LBB2_4:
0x90: {  	s19 =	sadd.s32 $0x2, s19;
	v24 =	vmax.bf16 v24, v0;
	v25 =	vld [tilespmem:s0+$0x840];
	s18 =	sadd.s32 $0x20, s18;
	s15 =	sadd.s32 $0x2, s15  }
0x91: {  	p0 =	slt.u32 s19, $0x7E;
	v24 =	vmul.bf16 v24, v10;
	v16 =	vadd.bf16 v22, v16;
	v17 =	vadd.bf16 v17, v23;
	v22 =	vld [tilespmem:s31+$0x40]  }
0x92: {  	v15 =	vadd.bf16 v20, v15;
	v20 =	vld [tilespmem:s0+$0x860]  }
0x93: {  	v23 =	vunpack.i.u.bf16.f32 v24;
	v24 =	vunpack.i.l.bf16.f32 v24;
	v16 =	vadd.bf16 v21, v16;
	v21 =	vld [tilespmem:s31+$0x60]  }
0x94: {  	v24 =	vadd.f32 v24, v11;
	v23 =	vadd.f32 v23, v11;
	v26 =	vld [tilespmem:s0+$0x870]  }
0x95: {  	v15 =	vadd.bf16 v18, v15;
	v18 =	vmul.bf16 v19, v9;
	v16 =	vmax.bf16 v16, v0;
	v19 =	vld [tilespmem:s31+$0x70]  }
0x96: {  	v14 =	vadd.bf16 v25, v14;
	v16 =	vmul.bf16 v16, v8  }
0x97: {  	v15 =	vmax.bf16 v15, v0;
	v25 =	vunpack.i.u.bf16.f32 v18;
	v18 =	vunpack.i.l.bf16.f32 v18  }
0x98: {  	v15 =	vmul.bf16 v15, v6;
	v14 =	vadd.bf16 v22, v14;
	v13 =	vadd.bf16 v20, v13  }
0x99: {  	v20 =	vunpack.i.l.bf16.f32 v16;
	v12 =	vadd.bf16 v26, v12  }
0x9a: {  	v22 =	vunpack.i.u.bf16.f32 v15;
	v15 =	vunpack.i.l.bf16.f32 v15;
	v13 =	vadd.bf16 v21, v13  }
0x9b: {  	v17 =	vmax.bf16 v17, v0;
	v15 =	vadd.f32 v15, v7;
	v12 =	vadd.bf16 v19, v12  }
0x9c: {  	v17 =	vmul.bf16 v17, v5;
	v16 =	vunpack.i.u.bf16.f32 v16;
	v19 =	vadd.f32 v22, v11  }
0x9d: {  	v14 =	vmax.bf16 v14, v0;
	v15 =	vadd.f32 v20, v15;
	v12 =	vmax.bf16 v12, v0  }
0x9e: {  	v14 =	vmul.bf16 v14, v3;
	v20 =	vunpack.i.u.bf16.f32 v17;
	v17 =	vunpack.i.l.bf16.f32 v17  }
0x9f: {  	v16 =	vadd.f32 v16, v19;
	v12 =	vmul.bf16 v12, v4  }
0xa0: {  	v13 =	vmax.bf16 v13, v0;
	v17 =	vadd.f32 v17, v24;
	v19 =	vadd.f32 v20, v23  }
0xa1: {  	v20 =	vunpack.i.u.bf16.f32 v14;
	v14 =	vunpack.i.l.bf16.f32 v14;
	v21 =	vunpack.i.l.bf16.f32 v12  }
0xa2: {  	v17 =	vadd.f32 v18, v17;
	v18 =	vadd.f32 v25, v19;
	v12 =	vunpack.i.u.bf16.f32 v12  }
0xa3: {  	v13 =	vmul.bf16 v13, v2;
	v14 =	vadd.f32 v14, v15;
	v15 =	vadd.f32 v20, v16  }
0xa4: {  	v16 =	vadd.f32 v21, v17;
	v12 =	vadd.f32 v12, v18  }
0xa5: {  	v17 =	vunpack.i.u.bf16.f32 v13;
	v13 =	vunpack.i.l.bf16.f32 v13  }
0xa6: {  	v13 =	vadd.f32 v13, v14;
	v14 =	vadd.f32 v17, v15;
	_ =	sdelay $0x1  }
0xa7: {  	v13 =	vadd.f32 v16, v13;
	v12 =	vadd.f32 v12, v14;
	_ =	sdelay $0x1  }
0xa8: {  	v12 =	vadd.f32 v13, v12;
	_ =	sdelay $0x1  }
0xa9: {  	[tilespmem:s17+$0x0] =	vst v12;
	s17 =	smov.u32 s18  }
0xaa: {  	v12 =	vld [tilespmem:s15+$0xFFFFFFFF];
	_ =	sdelay $0x2  }
0xab: {  	v13 =	vld [tilespmem:s20+$0xFFFFFFFF];
	_ =	sdelay $0x1  }
0xac: {  	(v2sf) =	vpush v12, $0x0;
	_ =	sdelay $0x2  }
0xad: {  	(v2sf) =	vpush v13, $0x0;
	_ =	sdelay $0x8  }
0xae: {  	v12 =	vld [tilespmem:s24+$0xFFFFFFD0]  }
0xaf: {  	v13 =	vld [tilespmem:s24+$0xFFFFFFC0]  }
0xb0: {  	v14 =	vld [tilespmem:s24+$0xFFFFFF90]  }
0xb1: {  	v15 =	vld [tilespmem:s24+$0xFFFFFFA0];
	s0 =	spop (v2sf)  }
0xb2: {  	v16 =	vld [tilespmem:s24+$0xFFFFFF80];
	s0 =	sshll.u32 s0, $0x9  }
0xb3: {  	s0 =	sshra.s32 s0, $0x2;
	v17 =	vld [tilespmem:s24+$0xFFFFFFB0]  }
0xb4: {  	v18 =	vld [tilespmem:s0+$0x820];
	s29 =	spop (v2sf)  }
0xb5: {  	s29 =	sshll.u32 s29, $0x9;
	v19 =	vld [tilespmem:s0+$0x830]  }
0xb6: {  	v20 =	vld [tilespmem:s0+$0x800];
	s29 =	sshra.s32 s29, $0x2  }
0xb7: {  	v21 =	vld [tilespmem:s29+$0x10]  }
0xb8: {  	v22 =	vld [tilespmem:s29+$0x0]  }
0xb9: {  	v23 =	vld [tilespmem:s0+$0x810]  }
0xba: {  	v24 =	vld [tilespmem:s29+$0x20];
	v17 =	vadd.bf16 v19, v17  }
0xbb: {  	v15 =	vadd.bf16 v18, v15;
	v16 =	vadd.bf16 v20, v16;
	v18 =	vld [tilespmem:s0+$0x850]  }
0xbc: {  	v19 =	vld [tilespmem:s0+$0x840]  }
0xbd: {  	v16 =	vadd.bf16 v22, v16;
	v20 =	vld [tilespmem:s24+$0xFFFFFFE0]  }
0xbe: {  	v14 =	vadd.bf16 v23, v14;
	v22 =	vld [tilespmem:s0+$0x860]  }
0xbf: {  	v16 =	vmax.bf16 v16, v0;
	v15 =	vadd.bf16 v24, v15;
	v23 =	vld [tilespmem:s29+$0x40]  }
0xc0: {  	v16 =	vmul.bf16 v16, v6;
	v14 =	vadd.bf16 v21, v14;
	v21 =	vld [tilespmem:s29+$0x30]  }
0xc1: {  	v12 =	vadd.bf16 v18, v12;
	v15 =	vmax.bf16 v15, v0;
	v13 =	vadd.bf16 v19, v13;
	v18 =	vld [tilespmem:s29+$0x60]  }
0xc2: {  	v19 =	vunpack.i.u.bf16.f32 v16;
	v16 =	vunpack.i.l.bf16.f32 v16;
	v15 =	vmul.bf16 v15, v8  }
0xc3: {  	v14 =	vmax.bf16 v14, v0;
	v24 =	vld [tilespmem:s29+$0x50];
	v20 =	vadd.bf16 v22, v20  }
0xc4: {  	v19 =	vadd.f32 v19, v11;
	v22 =	vunpack.i.l.bf16.f32 v15;
	v13 =	vadd.bf16 v23, v13  }
0xc5: {  	v16 =	vadd.f32 v16, v7;
	v14 =	vmul.bf16 v14, v10;
	v17 =	vadd.bf16 v21, v17  }
0xc6: {  	v15 =	vunpack.i.u.bf16.f32 v15;
	v13 =	vmax.bf16 v13, v0;
	v18 =	vadd.bf16 v18, v20;
	v20 =	vld [tilespmem:s24+$0xFFFFFFF0]  }
0xc7: {  	v16 =	vadd.f32 v22, v16;
	v15 =	vadd.f32 v15, v19;
	v13 =	vmul.bf16 v13, v3;
	v19 =	vld [tilespmem:s0+$0x870]  }
0xc8: {  	v21 =	vunpack.i.l.bf16.f32 v14;
	v12 =	vadd.bf16 v24, v12;
	v18 =	vmax.bf16 v18, v0  }
0xc9: {  	v21 =	vadd.f32 v21, v11;
	v22 =	vunpack.i.u.bf16.f32 v13;
	v13 =	vunpack.i.l.bf16.f32 v13;
	v23 =	vld [tilespmem:s29+$0x70]  }
0xca: {  	v14 =	vunpack.i.u.bf16.f32 v14;
	v15 =	vadd.f32 v22, v15;
	v12 =	vmax.bf16 v12, v0  }
0xcb: {  	v14 =	vadd.f32 v14, v11;
	v18 =	vmul.bf16 v18, v2;
	v12 =	vmul.bf16 v12, v9  }
0xcc: {  	v17 =	vmax.bf16 v17, v0;
	v13 =	vadd.f32 v13, v16;
	v16 =	vadd.bf16 v19, v20  }
0xcd: {  	v20 =	vunpack.i.l.bf16.f32 v18;
	v19 =	vunpack.i.u.bf16.f32 v12;
	v12 =	vunpack.i.l.bf16.f32 v12  }
0xce: {  	v17 =	vmul.bf16 v17, v5;
	v18 =	vunpack.i.u.bf16.f32 v18;
	v16 =	vadd.bf16 v23, v16  }
0xcf: {  	v13 =	vadd.f32 v20, v13;
	v15 =	vadd.f32 v18, v15  }
0xd0: {  	v18 =	vunpack.i.u.bf16.f32 v17;
	v17 =	vunpack.i.l.bf16.f32 v17;
	v16 =	vmax.bf16 v16, v0  }
0xd1: {  	v17 =	vadd.f32 v17, v21;
	v14 =	vadd.f32 v18, v14;
	v16 =	vmul.bf16 v16, v4;
	_ =	sdelay $0x1  }
0xd2: {  	v12 =	vadd.f32 v12, v17;
	v17 =	vunpack.i.u.bf16.f32 v16;
	v16 =	vunpack.i.l.bf16.f32 v16  }
0xd3: {  	v14 =	vadd.f32 v19, v14  }
0xd4: {  	v12 =	vadd.f32 v16, v12  }
0xd5: {  	v14 =	vadd.f32 v17, v14  }
0xd6: {  	v12 =	vadd.f32 v12, v13  }
0xd7: {  	v13 =	vadd.f32 v14, v15;
	_ =	sdelay $0x1  }
0xd8: {  	v12 =	vadd.f32 v12, v13;
	_ =	sdelay $0x1  }
0xd9: {  	[tilespmem:s18+$0xFFFFFFF0] =	vst v12  }
0xda: {  	v12 =	vld [tilespmem:s15+$0x0]  }
0xdb: {  	v13 =	vld [tilespmem:s20+$0x0];
	_ =	sdelay $0x3  }
0xdc: {  	(v2sf) =	vpush v12, $0x0  }
0xdd: {  	(v2sf) =	vpush v13, $0x0;
	_ =	sdelay $0x8  }
0xde: {  	v12 =	vld [tilespmem:s24+$0x70]  }
0xdf: {  	v13 =	vld [tilespmem:s24+$0x60]  }
0xe0: {  	v14 =	vld [tilespmem:s24+$0x40]  }
0xe1: {  	v15 =	vld [tilespmem:s24+$0x0]  }
0xe2: {  	v16 =	vld [tilespmem:s24+$0x20]  }
0xe3: {  	v19 =	vld [tilespmem:s24+$0x30];
	s0 =	spop (v2sf)  }
0xe4: {  	s0 =	sshll.u32 s0, $0x9;
	v18 =	vld [tilespmem:s24+$0x10];
	s29 =	spop (v2sf)  }
0xe5: {  	s0 =	sshra.s32 s0, $0x2;
	v20 =	vld [tilespmem:s24+$0x50]  }
0xe6: {  	s29 =	sshll.u32 s29, $0x9;
	v21 =	vld [tilespmem:s0+$0x850]  }
0xe7: {  	s31 =	sshra.s32 s29, $0x2;
	v22 =	vld [tilespmem:s0+$0x810]  }
0xe8: {  	v23 =	vld [tilespmem:s31+$0x50]  }
0xe9: {  	v24 =	vld [tilespmem:s31+$0x10]  }
0xea: {  	v25 =	vld [tilespmem:s0+$0x830]  }
.Ltmp1:
0xeb: {  	v17 =	vld [tilespmem:s31+$0x30];
	v21 =	vadd.bf16 v21, v20;
	(pc) =	sbr.rel @p0 .LBB2_4-.Ltmp1, $4  }
0xec: {  	v18 =	vadd.bf16 v22, v18;
	v22 =	vld [tilespmem:s0+$0x820]  }
0xed: {  	v20 =	vld [tilespmem:s0+$0x800];
	v26 =	vadd.bf16 v23, v21  }
0xee: {  	s29 =	simm.s32 $0xC680;
	v24 =	vadd.bf16 v24, v18;
	v21 =	vld [tilespmem:s31+$0x20]  }
0xef: {  	s20 =	sadd.s32 $0x2, s20;
	s24 =	sadd.s32 $0x100, s24;
	v18 =	vld [tilespmem:s31+$0x0];
	v23 =	vadd.bf16 v25, v19;
	v19 =	vmax.bf16 v26, v0  }
0xf0: {  	v25 =	vld [tilespmem:s0+$0x840]  }
0xf1: {  	v24 =	vmax.bf16 v24, v0;
	v59 =	vld [tilespmem:s0+$0x860];
	v62 =	vmul.bf16 v19, v9;
	v16 =	vadd.bf16 v22, v16  }
0xf2: {  	v61 =	vld [tilespmem:s0+$0x870];
	v57 =	vmul.bf16 v24, v10;
	v15 =	vadd.bf16 v20, v15  }
0xf3: {  	v58 =	vld [tilespmem:s31+$0x40];
	v17 =	vadd.bf16 v17, v23;
	v29 =	vunpack.i.u.bf16.f32 v62;
	v16 =	vadd.bf16 v21, v16  }
0xf4: {  	v26 =	vld [tilespmem:s31+$0x60];
	v60 =	vunpack.i.u.bf16.f32 v57;
	v22 =	vunpack.i.l.bf16.f32 v57;
	v15 =	vadd.bf16 v18, v15  }
0xf5: {  	v28 =	vld [tilespmem:s31+$0x70];
	v17 =	vmax.bf16 v17, v0;
	v63 =	vadd.f32 v22, v11;
	v21 =	vadd.f32 v60, v11  }
0xf6: {  	v18 =	vunpack.i.l.bf16.f32 v62;
	v17 =	vmul.bf16 v17, v5;
	v14 =	vadd.bf16 v25, v14  }
0xf7: {  	v16 =	vmax.bf16 v16, v0;
	v13 =	vadd.bf16 v59, v13;
	v12 =	vadd.bf16 v61, v12  }
0xf8: {  	v16 =	vmul.bf16 v16, v8;
	v15 =	vmax.bf16 v15, v0;
	v33 =	vunpack.i.u.bf16.f32 v17  }
0xf9: {  	v17 =	vunpack.i.l.bf16.f32 v17;
	v14 =	vadd.bf16 v58, v14;
	v13 =	vadd.bf16 v26, v13  }
0xfa: {  	v15 =	vmul.bf16 v15, v6;
	v12 =	vadd.bf16 v28, v12;
	v17 =	vadd.f32 v17, v63  }
0xfb: {  	v34 =	vadd.f32 v33, v21;
	v30 =	vunpack.i.l.bf16.f32 v16;
	v16 =	vunpack.i.u.bf16.f32 v16  }
0xfc: {  	v31 =	vunpack.i.u.bf16.f32 v15;
	v15 =	vunpack.i.l.bf16.f32 v15;
	v14 =	vmax.bf16 v14, v0  }
0xfd: {  	v12 =	vmax.bf16 v12, v0;
	v13 =	vmax.bf16 v13, v0;
	v17 =	vadd.f32 v18, v17  }
0xfe: {  	v15 =	vadd.f32 v15, v7;
	v32 =	vadd.f32 v31, v11;
	v14 =	vmul.bf16 v14, v3  }
0xff: {  	v37 =	vadd.f32 v29, v34;
	v12 =	vmul.bf16 v12, v4;
	v13 =	vmul.bf16 v13, v2  }
0x100: {  	v15 =	vadd.f32 v30, v15;
	v16 =	vadd.f32 v16, v32;
	v35 =	vunpack.i.u.bf16.f32 v14  }
0x101: {  	v14 =	vunpack.i.l.bf16.f32 v14;
	v36 =	vunpack.i.l.bf16.f32 v12;
	v12 =	vunpack.i.u.bf16.f32 v12  }
0x102: {  	v39 =	vunpack.i.u.bf16.f32 v13;
	v14 =	vadd.f32 v14, v15;
	v15 =	vadd.f32 v35, v16  }
0x103: {  	v13 =	vunpack.i.l.bf16.f32 v13;
	v38 =	vadd.f32 v36, v17;
	v12 =	vadd.f32 v12, v37  }
0x104: {  	v13 =	vadd.f32 v13, v14;
	v14 =	vadd.f32 v39, v15  }
0x105: {  	s24 =	simm.s32 $0x1  }
0x106: {  	s15 =	simm.s32 $0x0;
	v13 =	vadd.f32 v38, v13;
	v12 =	vadd.f32 v12, v14;
	v14 =	vor.u32 s24, v1  }
0x107: {  	v15 =	vor.u32 s15, v1  }
0x108: {  	s31 =	simm.s32 $0x2;
	v12 =	vadd.f32 v13, v12  }
0x109: {  	v13 =	vor.u32 s31, v1  }
0x10a: {  	s15 =	simm.s32 $0x3;
	[tilespmem:s17+$0x0] =	vst v12  }
0x10b: {  	v12 =	vld.idx.msk [tilespmem:v14+s28+$0x0], $0xffff;
	v14 =	vor.u32 s15, v1  }
0x10c: {  	s17 =	simm.s32 $0x4;
	v15 =	vld.idx.msk [tilespmem:v15+s28+$0x0], $0xffff  }
0x10d: {  	v40 =	vor.u32 s17, v1  }
0x10e: {  	s18 =	simm.s32 $0x5;
	v13 =	vld.idx.msk [tilespmem:v13+s28+$0x0], $0xffff  }
0x10f: {  	v41 =	vor.u32 s18, v1  }
0x110: {  	s19 =	simm.s32 $0x6;
	v14 =	vld.idx.msk [tilespmem:v14+s28+$0x0], $0xffff  }
0x111: {  	v42 =	vor.u32 s19, v1;
	v12 =	vadd.f32 v12, v15  }
0x112: {  	s20 =	simm.s32 $0x7;
	v15 =	vld.idx.msk [tilespmem:v40+s28+$0x0], $0xffff  }
0x113: {  	v43 =	vor.u32 s20, v1;
	v12 =	vadd.f32 v13, v12  }
0x114: {  	s24 =	simm.s32 $0x8;
	v13 =	vld.idx.msk [tilespmem:v41+s28+$0x0], $0xffff  }
0x115: {  	v44 =	vor.u32 s24, v1;
	v12 =	vadd.f32 v14, v12  }
0x116: {  	s31 =	simm.s32 $0x9;
	v14 =	vld.idx.msk [tilespmem:v42+s28+$0x0], $0xffff  }
0x117: {  	v45 =	vor.u32 s31, v1;
	v12 =	vadd.f32 v15, v12  }
0x118: {  	s15 =	simm.s32 $0xA;
	v15 =	vld.idx.msk [tilespmem:v43+s28+$0x0], $0xffff  }
0x119: {  	v46 =	vor.u32 s15, v1;
	v12 =	vadd.f32 v13, v12  }
0x11a: {  	s17 =	simm.s32 $0xB;
	v13 =	vld.idx.msk [tilespmem:v44+s28+$0x0], $0xffff  }
0x11b: {  	v47 =	vor.u32 s17, v1;
	v12 =	vadd.f32 v14, v12  }
0x11c: {  	s18 =	simm.s32 $0xC;
	v14 =	vld.idx.msk [tilespmem:v45+s28+$0x0], $0xffff  }
0x11d: {  	v48 =	vor.u32 s18, v1;
	v12 =	vadd.f32 v15, v12  }
0x11e: {  	s19 =	simm.s32 $0xD;
	v15 =	vld.idx.msk [tilespmem:v46+s28+$0x0], $0xffff  }
0x11f: {  	v49 =	vor.u32 s19, v1;
	v12 =	vadd.f32 v13, v12  }
0x120: {  	s20 =	simm.s32 $0xE;
	v13 =	vld.idx.msk [tilespmem:v47+s28+$0x0], $0xffff  }
0x121: {  	v50 =	vor.u32 s20, v1;
	v12 =	vadd.f32 v14, v12  }
0x122: {  	v14 =	vld.idx.msk [tilespmem:v48+s28+$0x0], $0xffff  }
0x123: {  	v51 =	vor.u32 s16, v1;
	v12 =	vadd.f32 v15, v12  }
0x124: {  	v15 =	vld.idx.msk [tilespmem:v49+s28+$0x0], $0xffff  }
0x125: {  	v12 =	vadd.f32 v13, v12  }
0x126: {  	v13 =	vld.idx.msk [tilespmem:v50+s28+$0x0], $0xffff  }
0x127: {  	v12 =	vadd.f32 v14, v12  }
0x128: {  	v14 =	vld.idx.msk [tilespmem:v51+s28+$0x0], $0xffff  }
0x129: {  	v12 =	vadd.f32 v15, v12  }
0x12a: {  	s24 =	simm.s32 $0x101  }
0x12b: {  	s31 =	simm.s32 $0x100;
	v15 =	vor.u32 s24, v1;
	v12 =	vadd.f32 v13, v12  }
0x12c: {  	v13 =	vor.u32 s31, v1  }
0x12d: {  	s16 =	simm.s32 $0x102;
	v12 =	vadd.f32 v14, v12  }
0x12e: {  	v14 =	vor.u32 s16, v1  }
0x12f: {  	s17 =	simm.s32 $0x103;
	[tilespmem:s29+$0x0] =	vst v12  }
0x130: {  	v12 =	vld.idx.msk [tilespmem:v15+s28+$0x0], $0xffff;
	v15 =	vor.u32 s17, v1  }
0x131: {  	s18 =	simm.s32 $0x104;
	v13 =	vld.idx.msk [tilespmem:v13+s28+$0x0], $0xffff  }
0x132: {  	v52 =	vor.u32 s18, v1  }
0x133: {  	s19 =	simm.s32 $0x105;
	v14 =	vld.idx.msk [tilespmem:v14+s28+$0x0], $0xffff  }
0x134: {  	v53 =	vor.u32 s19, v1  }
0x135: {  	s20 =	simm.s32 $0x106;
	v15 =	vld.idx.msk [tilespmem:v15+s28+$0x0], $0xffff  }
0x136: {  	v54 =	vor.u32 s20, v1;
	v12 =	vadd.f32 v12, v13  }
0x137: {  	s24 =	simm.s32 $0x107;
	v13 =	vld.idx.msk [tilespmem:v52+s28+$0x0], $0xffff  }
0x138: {  	v55 =	vor.u32 s24, v1;
	v12 =	vadd.f32 v14, v12  }
0x139: {  	s31 =	simm.s32 $0x108;
	v14 =	vld.idx.msk [tilespmem:v53+s28+$0x0], $0xffff  }
0x13a: {  	v56 =	vor.u32 s31, v1;
	v12 =	vadd.f32 v15, v12  }
0x13b: {  	s15 =	simm.s32 $0x109;
	v15 =	vld.idx.msk [tilespmem:v54+s28+$0x0], $0xffff  }
0x13c: {  	v57 =	vor.u32 s15, v1;
	v12 =	vadd.f32 v13, v12  }
0x13d: {  	s16 =	simm.s32 $0x10A;
	v13 =	vld.idx.msk [tilespmem:v55+s28+$0x0], $0xffff  }
0x13e: {  	v58 =	vor.u32 s16, v1;
	v12 =	vadd.f32 v14, v12  }
0x13f: {  	s17 =	simm.s32 $0x10B;
	v14 =	vld.idx.msk [tilespmem:v56+s28+$0x0], $0xffff  }
0x140: {  	v59 =	vor.u32 s17, v1;
	v12 =	vadd.f32 v15, v12  }
0x141: {  	v15 =	vld.idx.msk [tilespmem:v57+s28+$0x0], $0xffff  }
0x142: {  	s18 =	simm.s32 $0x10C;
	v12 =	vadd.f32 v13, v12  }
0x143: {  	v60 =	vor.u32 s18, v1;
	v13 =	vld.idx.msk [tilespmem:v58+s28+$0x0], $0xffff  }
0x144: {  	s19 =	simm.s32 $0x10D;
	v12 =	vadd.f32 v14, v12  }
0x145: {  	v61 =	vor.u32 s19, v1;
	v14 =	vld.idx.msk [tilespmem:v59+s28+$0x0], $0xffff  }
0x146: {  	v12 =	vadd.f32 v15, v12  }
0x147: {  	s20 =	simm.s32 $0x10E  }
0x148: {  	v62 =	vor.u32 s20, v1;
	v15 =	vld.idx.msk [tilespmem:v60+s28+$0x0], $0xffff;
	v12 =	vadd.f32 v13, v12  }
0x149: {  	s24 =	simm.s32 $0x10F  }
0x14a: {  	v13 =	vld.idx.msk [tilespmem:v61+s28+$0x0], $0xffff;
	v12 =	vadd.f32 v14, v12;
	v14 =	vor.u32 s24, v1;
	_ =	sdelay $0x2  }
0x14b: {  	v63 =	vld.idx.msk [tilespmem:v62+s28+$0x0], $0xffff;
	v12 =	vadd.f32 v15, v12;
	_ =	sdelay $0x1  }
0x14c: {  	v15 =	vadd.f32 v13, v12;
	v13 =	vld.idx.msk [tilespmem:v14+s28+$0x0], $0xffff;
	_ =	sdelay $0x1  }
0x14d: {  	s31 =	simm.s32 $0x201  }
0x14e: {  	s0 =	simm.s32 $0x200;
	s15 =	simm.s32 $0x20F;
	s16 =	simm.s32 $0x30F;
	v12 =	vor.u32 s31, v1;
	v14 =	vadd.f32 v63, v15  }
.LBB2_6:
0x14f: {  	p0 =	sne.s32 s16, $0x70F;
	v15 =	vor.u32 s0, v1  }
0x150: {  	s0 =	sadd.s32 $0xFFFFFFF3, s15;
	v13 =	vadd.f32 v13, v14  }
0x151: {  	s29 =	sadd.s32 $0x10, s29;
	v14 =	vor.u32 s0, v1  }
0x152: {  	s0 =	sadd.s32 $0xFFFFFFF4, s15;
	[tilespmem:s29+$0x0] =	vst v13  }
0x153: {  	v13 =	vor.u32 s0, v1;
	v12 =	vld.idx.msk [tilespmem:v12+s28+$0x0], $0xffff  }
0x154: {  	s0 =	sadd.s32 $0xFFFFFFF5, s15;
	v15 =	vld.idx.msk [tilespmem:v15+s28+$0x0], $0xffff  }
0x155: {  	v16 =	vor.u32 s0, v1  }
0x156: {  	s0 =	sadd.s32 $0xFFFFFFF6, s15;
	v14 =	vld.idx.msk [tilespmem:v14+s28+$0x0], $0xffff  }
0x157: {  	v17 =	vor.u32 s0, v1  }
0x158: {  	s0 =	sadd.s32 $0xFFFFFFF7, s15;
	v13 =	vld.idx.msk [tilespmem:v13+s28+$0x0], $0xffff  }
0x159: {  	v18 =	vor.u32 s0, v1  }
0x15a: {  	s0 =	sadd.s32 $0xFFFFFFF8, s15;
	v12 =	vadd.f32 v12, v15;
	v15 =	vld.idx.msk [tilespmem:v16+s28+$0x0], $0xffff  }
0x15b: {  	v16 =	vor.u32 s0, v1  }
0x15c: {  	s0 =	sadd.s32 $0xFFFFFFF9, s15;
	v12 =	vadd.f32 v14, v12;
	v14 =	vld.idx.msk [tilespmem:v17+s28+$0x0], $0xffff  }
0x15d: {  	v17 =	vor.u32 s0, v1  }
0x15e: {  	s0 =	sadd.s32 $0xFFFFFFFA, s15;
	v12 =	vadd.f32 v13, v12;
	v13 =	vld.idx.msk [tilespmem:v18+s28+$0x0], $0xffff  }
0x15f: {  	v18 =	vor.u32 s0, v1  }
0x160: {  	s0 =	sadd.s32 $0xFFFFFFFB, s15;
	v12 =	vadd.f32 v15, v12;
	v15 =	vld.idx.msk [tilespmem:v16+s28+$0x0], $0xffff  }
0x161: {  	v16 =	vor.u32 s0, v1  }
0x162: {  	s0 =	sadd.s32 $0xFFFFFFFC, s15;
	v12 =	vadd.f32 v14, v12;
	v14 =	vld.idx.msk [tilespmem:v17+s28+$0x0], $0xffff  }
0x163: {  	v17 =	vor.u32 s0, v1  }
0x164: {  	s0 =	sadd.s32 $0xFFFFFFFD, s15;
	v12 =	vadd.f32 v13, v12;
	v13 =	vld.idx.msk [tilespmem:v18+s28+$0x0], $0xffff  }
0x165: {  	v18 =	vor.u32 s0, v1  }
0x166: {  	s0 =	sadd.s32 $0xFFFFFFFE, s15;
	v12 =	vadd.f32 v15, v12;
	v15 =	vld.idx.msk [tilespmem:v16+s28+$0x0], $0xffff  }
0x167: {  	v16 =	vor.u32 s0, v1  }
0x168: {  	s0 =	sadd.s32 $0xFFFFFFFF, s15;
	v12 =	vadd.f32 v14, v12;
	v14 =	vld.idx.msk [tilespmem:v17+s28+$0x0], $0xffff  }
0x169: {  	v17 =	vor.u32 s0, v1  }
0x16a: {  	v12 =	vadd.f32 v13, v12;
	v13 =	vld.idx.msk [tilespmem:v18+s28+$0x0], $0xffff  }
0x16b: {  	v18 =	vor.u32 s15, v1;
	s15 =	smov.u32 s16  }
0x16c: {  	v12 =	vadd.f32 v15, v12;
	v15 =	vld.idx.msk [tilespmem:v16+s28+$0x0], $0xffff;
	_ =	sdelay $0x1  }
0x16d: {  	v12 =	vadd.f32 v14, v12;
	v14 =	vld.idx.msk [tilespmem:v17+s28+$0x0], $0xffff;
	_ =	sdelay $0x1  }
.Ltmp2:
0x16e: {  	v12 =	vadd.f32 v13, v12;
	v13 =	vld.idx.msk [tilespmem:v18+s28+$0x0], $0xffff;
	(pc) =	sbr.rel @p0 .LBB2_6-.Ltmp2, $4  }
0x16f: {  	_ = 	snop  }
0x170: {  	v15 =	vadd.f32 v15, v12  }
0x171: {  	s17 =	sadd.s32 $0xFFFFFFF2, s16  }
0x172: {  	s16 =	sadd.s32 $0x100, s16;
	s0 =	sadd.s32 $0xFFFFFFF1, s15;
	v12 =	vor.u32 s17, v1;
	v14 =	vadd.f32 v14, v15  }
0x173: {  	v15 =	vor.u32 s0, v1  }
0x174: {  	s18 =	sadd.s32 $0xFFFFFFF3, s15;
	v13 =	vadd.f32 v13, v14  }
0x175: {  	s0 =	sadd.s32 $0x10, s29;
	v14 =	vor.u32 s18, v1  }
0x176: {  	s16 =	sadd.s32 $0xFFFFFFF4, s15;
	[tilespmem:s0+$0x0] =	vst v13  }
0x177: {  	v13 =	vor.u32 s16, v1;
	v12 =	vld.idx.msk [tilespmem:v12+s28+$0x0], $0xffff  }
0x178: {  	s19 =	sadd.s32 $0xFFFFFFF5, s15;
	v15 =	vld.idx.msk [tilespmem:v15+s28+$0x0], $0xffff  }
0x179: {  	v16 =	vor.u32 s19, v1  }
0x17a: {  	s20 =	sadd.s32 $0xFFFFFFF6, s15;
	v14 =	vld.idx.msk [tilespmem:v14+s28+$0x0], $0xffff  }
0x17b: {  	v17 =	vor.u32 s20, v1  }
0x17c: {  	s24 =	sadd.s32 $0xFFFFFFF7, s15;
	v13 =	vld.idx.msk [tilespmem:v13+s28+$0x0], $0xffff  }
0x17d: {  	v18 =	vor.u32 s24, v1;
	v12 =	vadd.f32 v12, v15  }
0x17e: {  	s29 =	sadd.s32 $0xFFFFFFF8, s15;
	v15 =	vld.idx.msk [tilespmem:v16+s28+$0x0], $0xffff  }
0x17f: {  	v16 =	vor.u32 s29, v1;
	v12 =	vadd.f32 v14, v12  }
0x180: {  	s17 =	sadd.s32 $0xFFFFFFF9, s15;
	v14 =	vld.idx.msk [tilespmem:v17+s28+$0x0], $0xffff  }
0x181: {  	v17 =	vor.u32 s17, v1;
	v12 =	vadd.f32 v13, v12  }
0x182: {  	s18 =	sadd.s32 $0xFFFFFFFA, s15;
	v13 =	vld.idx.msk [tilespmem:v18+s28+$0x0], $0xffff  }
0x183: {  	v18 =	vor.u32 s18, v1;
	v12 =	vadd.f32 v15, v12  }
0x184: {  	s19 =	sadd.s32 $0xFFFFFFFB, s15;
	v15 =	vld.idx.msk [tilespmem:v16+s28+$0x0], $0xffff  }
0x185: {  	v16 =	vor.u32 s19, v1;
	v12 =	vadd.f32 v14, v12  }
0x186: {  	s20 =	sadd.s32 $0xFFFFFFFC, s15;
	v14 =	vld.idx.msk [tilespmem:v17+s28+$0x0], $0xffff  }
0x187: {  	v17 =	vor.u32 s20, v1;
	v12 =	vadd.f32 v13, v12  }
0x188: {  	s24 =	sadd.s32 $0xFFFFFFFD, s15;
	v13 =	vld.idx.msk [tilespmem:v18+s28+$0x0], $0xffff  }
0x189: {  	v18 =	vor.u32 s24, v1;
	v12 =	vadd.f32 v15, v12  }
0x18a: {  	s29 =	sadd.s32 $0xFFFFFFFE, s15;
	v15 =	vld.idx.msk [tilespmem:v16+s28+$0x0], $0xffff  }
0x18b: {  	v16 =	vor.u32 s29, v1;
	v12 =	vadd.f32 v14, v12  }
0x18c: {  	s17 =	sadd.s32 $0xFFFFFFFF, s15;
	v14 =	vld.idx.msk [tilespmem:v17+s28+$0x0], $0xffff  }
0x18d: {  	v17 =	vor.u32 s17, v1;
	v12 =	vadd.f32 v13, v12  }
0x18e: {  	v13 =	vld.idx.msk [tilespmem:v18+s28+$0x0], $0xffff  }
0x18f: {  	v18 =	vor.u32 s15, v1;
	v12 =	vadd.f32 v15, v12  }
0x190: {  	v15 =	vld.idx.msk [tilespmem:v16+s28+$0x0], $0xffff  }
0x191: {  	v12 =	vadd.f32 v14, v12  }
0x192: {  	v14 =	vld.idx.msk [tilespmem:v17+s28+$0x0], $0xffff  }
0x193: {  	v12 =	vadd.f32 v13, v12  }
0x194: {  	v13 =	vld.idx.msk [tilespmem:v18+s28+$0x0], $0xffff  }
0x195: {  	v12 =	vadd.f32 v15, v12;
	_ =	sdelay $0x1  }
0x196: {  	v12 =	vadd.f32 v14, v12;
	_ =	sdelay $0x1  }
0x197: {  	v12 =	vadd.f32 v13, v12  }
0x198: {  	s0 =	sadd.s32 $0x10, s0  }
0x199: {  	s18 =	simm.s32 $0xC580;
	[tilespmem:s0+$0x0] =	vst v12  }
0x19a: {  	[tilespmem:s23], [sflag:$0x1] =	stream.indirect.gather [hbm4b:s6+s22], $0x80, s18, s22, $0xb8;
	[tilespmem:$0xD300] =	vst v63  }
0x19b: {  	_ =	swait.ge [sflag:s30], $0x4000  }
0x19c: {  	[sflag:s30] =	ssyncset.done $0x0  }
0x19d: {  	s19 =	simm.s32 $0xC001;
	[sflag:s30] =	ssyncadd.s32 $0xFFFFC000  }
0x19e: {  	v12 =	vld [tilespmem:s19+$0xFFFFFFFF];
	_ =	sdelay $0x3  }
0x19f: {  	s17 =	simm.s32 $0xD101  }
0x1a0: {  	v13 =	vld [tilespmem:s17+$0xFFFFFFFF];
	(v2sf) =	vpush v12, $0x0;
	_ =	sdelay $0x4  }
0x1a1: {  	(v2sf) =	vpush v13, $0x0;
	_ =	sdelay $0x5  }
0x1a2: {  	s16 =	simm.s32 $0x7CF0  }
0x1a3: {  	v14 =	vld [tilespmem:s16+$0xFFFFFF20]  }
0x1a4: {  	v15 =	vld [tilespmem:s16+$0xFFFFFF30]  }
0x1a5: {  	v16 =	vld [tilespmem:s16+$0xFFFFFF10]  }
0x1a6: {  	v17 =	vld [tilespmem:s16+$0xFFFFFF40];
	s20 =	spop (v2sf)  }
0x1a7: {  	v12 =	vld [tilespmem:s16+$0xFFFFFF60];
	s0 =	sshll.u32 s20, $0x9  }
0x1a8: {  	v13 =	vld [tilespmem:s16+$0xFFFFFF50];
	s0 =	sshra.s32 s0, $0x2  }
0x1a9: {  	v18 =	vld [tilespmem:s0+$0x820]  }
0x1aa: {  	v19 =	vld [tilespmem:s0+$0x830]  }
0x1ab: {  	s18 =	spop (v2sf);
	v20 =	vld [tilespmem:s0+$0x800]  }
0x1ac: {  	s18 =	sshll.u32 s18, $0x9;
	v23 =	vld [tilespmem:s0+$0x810]  }
0x1ad: {  	s18 =	sshra.s32 s18, $0x2;
	v25 =	vld [tilespmem:s0+$0x840]  }
0x1ae: {  	v21 =	vld [tilespmem:s18+$0x10]  }
0x1af: {  	v22 =	vld [tilespmem:s18+$0x0]  }
0x1b0: {  	v24 =	vld [tilespmem:s18+$0x20]  }
0x1b1: {  	v16 =	vadd.bf16 v20, v16;
	v20 =	vld [tilespmem:s0+$0x850]  }
0x1b2: {  	v15 =	vadd.bf16 v18, v15;
	v18 =	vld [tilespmem:s16+$0xFFFFFF70]  }
0x1b3: {  	v14 =	vadd.bf16 v23, v14;
	v23 =	vld [tilespmem:s18+$0x40]  }
0x1b4: {  	v17 =	vadd.bf16 v19, v17;
	v19 =	vld [tilespmem:s18+$0x30];
	v16 =	vadd.bf16 v22, v16  }
0x1b5: {  	v22 =	vld [tilespmem:s0+$0x860];
	v15 =	vadd.bf16 v24, v15;
	v14 =	vadd.bf16 v21, v14  }
0x1b6: {  	v13 =	vadd.bf16 v25, v13;
	v24 =	vld [tilespmem:s18+$0x50]  }
0x1b7: {  	v21 =	vld [tilespmem:s18+$0x60];
	v16 =	vmax.bf16 v16, v0;
	v15 =	vmax.bf16 v15, v0;
	v14 =	vmax.bf16 v14, v0  }
0x1b8: {  	v16 =	vmul.bf16 v16, v6;
	v12 =	vadd.bf16 v20, v12;
	v15 =	vmul.bf16 v15, v8  }
0x1b9: {  	v13 =	vadd.bf16 v23, v13;
	v14 =	vmul.bf16 v14, v10;
	v17 =	vadd.bf16 v19, v17  }
0x1ba: {  	v20 =	vunpack.i.u.bf16.f32 v16;
	v16 =	vunpack.i.l.bf16.f32 v16;
	v18 =	vadd.bf16 v22, v18  }
0x1bb: {  	v19 =	vld [tilespmem:s16+$0xFFFFFF80];
	v22 =	vunpack.i.l.bf16.f32 v15;
	v15 =	vunpack.i.u.bf16.f32 v15;
	v12 =	vadd.bf16 v24, v12  }
0x1bc: {  	v13 =	vmax.bf16 v13, v0;
	v16 =	vadd.f32 v16, v7;
	v18 =	vadd.bf16 v21, v18;
	v21 =	vld [tilespmem:s0+$0x870]  }
0x1bd: {  	v17 =	vmax.bf16 v17, v0;
	v20 =	vadd.f32 v20, v11;
	v13 =	vmul.bf16 v13, v3  }
0x1be: {  	v17 =	vmul.bf16 v17, v5;
	v12 =	vmax.bf16 v12, v0;
	v16 =	vadd.f32 v22, v16;
	v22 =	vld [tilespmem:s18+$0x70]  }
0x1bf: {  	v15 =	vadd.f32 v15, v20;
	v20 =	vunpack.i.l.bf16.f32 v14;
	v23 =	vunpack.i.u.bf16.f32 v13  }
0x1c0: {  	v13 =	vunpack.i.l.bf16.f32 v13;
	v14 =	vunpack.i.u.bf16.f32 v14;
	v12 =	vmul.bf16 v12, v9  }
0x1c1: {  	v18 =	vmax.bf16 v18, v0;
	v20 =	vadd.f32 v20, v11;
	v19 =	vadd.bf16 v21, v19  }
0x1c2: {  	v14 =	vadd.f32 v14, v11;
	v15 =	vadd.f32 v23, v15;
	v18 =	vmul.bf16 v18, v2  }
0x1c3: {  	v13 =	vadd.f32 v13, v16;
	v16 =	vunpack.i.u.bf16.f32 v12;
	v19 =	vadd.bf16 v22, v19  }
0x1c4: {  	v21 =	vunpack.i.l.bf16.f32 v18;
	v22 =	vunpack.i.u.bf16.f32 v17;
	v17 =	vunpack.i.l.bf16.f32 v17  }
0x1c5: {  	v17 =	vadd.f32 v17, v20;
	v14 =	vadd.f32 v22, v14;
	v19 =	vmax.bf16 v19, v0  }
0x1c6: {  	v12 =	vunpack.i.l.bf16.f32 v12;
	v13 =	vadd.f32 v21, v13;
	v19 =	vmul.bf16 v19, v4  }
0x1c7: {  	v18 =	vunpack.i.u.bf16.f32 v18;
	v12 =	vadd.f32 v12, v17;
	v14 =	vadd.f32 v16, v14  }
0x1c8: {  	v15 =	vadd.f32 v18, v15;
	v16 =	vunpack.i.u.bf16.f32 v19;
	v17 =	vunpack.i.l.bf16.f32 v19  }
0x1c9: {  	v12 =	vadd.f32 v17, v12;
	v14 =	vadd.f32 v16, v14;
	_ =	sdelay $0x1  }
0x1ca: {  	v12 =	vadd.f32 v12, v13;
	v13 =	vadd.f32 v14, v15;
	_ =	sdelay $0x1  }
0x1cb: {  	v12 =	vadd.f32 v12, v13  }
0x1cc: {  	s18 =	simm.s32 $0xC890  }
0x1cd: {  	[tilespmem:s18+$0xFFFFFFF0] =	vst v12  }
0x1ce: {  	v12 =	vld [tilespmem:s19+$0x0];
	_ =	sdelay $0x1  }
0x1cf: {  	v13 =	vld [tilespmem:s17+$0x0];
	_ =	sdelay $0x2  }
0x1d0: {  	(v2sf) =	vpush v12, $0x0;
	_ =	sdelay $0x1  }
0x1d1: {  	(v2sf) =	vpush v13, $0x0;
	_ =	sdelay $0x7  }
0x1d2: {  	v14 =	vld [tilespmem:s16+$0xFFFFFFD0]  }
0x1d3: {  	v15 =	vld [tilespmem:s16+$0xFFFFFF90]  }
0x1d4: {  	v16 =	vld [tilespmem:s16+$0xFFFFFFB0]  }
0x1d5: {  	v19 =	vld [tilespmem:s16+$0xFFFFFFC0]  }
0x1d6: {  	v18 =	vld [tilespmem:s16+$0xFFFFFFA0]  }
0x1d7: {  	v20 =	vld [tilespmem:s16+$0xFFFFFFE0];
	s24 =	spop (v2sf)  }
0x1d8: {  	v12 =	vld [tilespmem:s16+$0x0];
	s0 =	sshll.u32 s24, $0x9  }
0x1d9: {  	v13 =	vld [tilespmem:s16+$0xFFFFFFF0];
	s29 =	spop (v2sf);
	s0 =	sshra.s32 s0, $0x2  }
0x1da: {  	s15 =	sshll.u32 s29, $0x9;
	v21 =	vld [tilespmem:s0+$0x850]  }
0x1db: {  	s31 =	sshra.s32 s15, $0x2;
	v23 =	vld [tilespmem:s0+$0x810]  }
0x1dc: {  	v24 =	vld [tilespmem:s31+$0x50]  }
0x1dd: {  	v25 =	vld [tilespmem:s31+$0x10]  }
0x1de: {  	v26 =	vld [tilespmem:s0+$0x830]  }
0x1df: {  	v22 =	vld [tilespmem:s0+$0x820];
	v21 =	vadd.bf16 v21, v20  }
0x1e0: {  	v17 =	vld [tilespmem:s31+$0x30];
	v18 =	vadd.bf16 v23, v18  }
0x1e1: {  	v20 =	vld [tilespmem:s0+$0x800];
	v27 =	vadd.bf16 v24, v21  }
0x1e2: {  	s20 =	simm.s32 $0xC003;
	s19 =	simm.s32 $0x0;
	v21 =	vld [tilespmem:s31+$0x20];
	v24 =	vadd.bf16 v25, v18  }
0x1e3: {  	s17 =	simm.s32 $0xC890;
	s24 =	simm.s32 $0xD103;
	s15 =	simm.s32 $0xC700;
	v23 =	vadd.bf16 v26, v19;
	v18 =	vld [tilespmem:s31+$0x0];
	v19 =	vmax.bf16 v27, v0  }
.LBB2_8:
0x1e4: {  	s19 =	sadd.s32 $0x2, s19;
	v24 =	vmax.bf16 v24, v0;
	v25 =	vld [tilespmem:s0+$0x840];
	s16 =	sadd.s32 $0x100, s16;
	s18 =	sadd.s32 $0x20, s18  }
0x1e5: {  	p0 =	slt.u32 s19, $0x7E;
	v24 =	vmul.bf16 v24, v10;
	v16 =	vadd.bf16 v22, v16;
	v17 =	vadd.bf16 v17, v23;
	v22 =	vld [tilespmem:s31+$0x40]  }
0x1e6: {  	v15 =	vadd.bf16 v20, v15;
	v20 =	vld [tilespmem:s0+$0x860]  }
0x1e7: {  	v23 =	vunpack.i.u.bf16.f32 v24;
	v24 =	vunpack.i.l.bf16.f32 v24;
	v16 =	vadd.bf16 v21, v16;
	v21 =	vld [tilespmem:s31+$0x60]  }
0x1e8: {  	v24 =	vadd.f32 v24, v11;
	v23 =	vadd.f32 v23, v11;
	v26 =	vld [tilespmem:s0+$0x870]  }
0x1e9: {  	v15 =	vadd.bf16 v18, v15;
	v18 =	vmul.bf16 v19, v9;
	v16 =	vmax.bf16 v16, v0;
	v19 =	vld [tilespmem:s31+$0x70]  }
0x1ea: {  	v14 =	vadd.bf16 v25, v14;
	v16 =	vmul.bf16 v16, v8  }
0x1eb: {  	v15 =	vmax.bf16 v15, v0;
	v25 =	vunpack.i.u.bf16.f32 v18;
	v18 =	vunpack.i.l.bf16.f32 v18  }
0x1ec: {  	v15 =	vmul.bf16 v15, v6;
	v14 =	vadd.bf16 v22, v14;
	v13 =	vadd.bf16 v20, v13  }
0x1ed: {  	v20 =	vunpack.i.l.bf16.f32 v16;
	v12 =	vadd.bf16 v26, v12  }
0x1ee: {  	v22 =	vunpack.i.u.bf16.f32 v15;
	v15 =	vunpack.i.l.bf16.f32 v15;
	v13 =	vadd.bf16 v21, v13  }
0x1ef: {  	v17 =	vmax.bf16 v17, v0;
	v15 =	vadd.f32 v15, v7;
	v12 =	vadd.bf16 v19, v12  }
0x1f0: {  	v17 =	vmul.bf16 v17, v5;
	v16 =	vunpack.i.u.bf16.f32 v16;
	v19 =	vadd.f32 v22, v11  }
0x1f1: {  	v14 =	vmax.bf16 v14, v0;
	v15 =	vadd.f32 v20, v15;
	v12 =	vmax.bf16 v12, v0  }
0x1f2: {  	v14 =	vmul.bf16 v14, v3;
	v20 =	vunpack.i.u.bf16.f32 v17;
	v17 =	vunpack.i.l.bf16.f32 v17  }
0x1f3: {  	v16 =	vadd.f32 v16, v19;
	v12 =	vmul.bf16 v12, v4  }
0x1f4: {  	v13 =	vmax.bf16 v13, v0;
	v17 =	vadd.f32 v17, v24;
	v19 =	vadd.f32 v20, v23  }
0x1f5: {  	v20 =	vunpack.i.u.bf16.f32 v14;
	v14 =	vunpack.i.l.bf16.f32 v14;
	v21 =	vunpack.i.l.bf16.f32 v12  }
0x1f6: {  	v17 =	vadd.f32 v18, v17;
	v18 =	vadd.f32 v25, v19;
	v12 =	vunpack.i.u.bf16.f32 v12  }
0x1f7: {  	v13 =	vmul.bf16 v13, v2;
	v14 =	vadd.f32 v14, v15;
	v15 =	vadd.f32 v20, v16  }
0x1f8: {  	v16 =	vadd.f32 v21, v17;
	v12 =	vadd.f32 v12, v18  }
0x1f9: {  	v17 =	vunpack.i.u.bf16.f32 v13;
	v13 =	vunpack.i.l.bf16.f32 v13  }
0x1fa: {  	v13 =	vadd.f32 v13, v14;
	v14 =	vadd.f32 v17, v15;
	_ =	sdelay $0x1  }
0x1fb: {  	v13 =	vadd.f32 v16, v13;
	v12 =	vadd.f32 v12, v14;
	_ =	sdelay $0x1  }
0x1fc: {  	v12 =	vadd.f32 v13, v12;
	_ =	sdelay $0x1  }
0x1fd: {  	[tilespmem:s17+$0x0] =	vst v12;
	s17 =	smov.u32 s18  }
0x1fe: {  	v12 =	vld [tilespmem:s20+$0xFFFFFFFF];
	_ =	sdelay $0x2  }
0x1ff: {  	v13 =	vld [tilespmem:s24+$0xFFFFFFFF];
	_ =	sdelay $0x1  }
0x200: {  	(v2sf) =	vpush v12, $0x0;
	_ =	sdelay $0x2  }
0x201: {  	(v2sf) =	vpush v13, $0x0;
	_ =	sdelay $0x8  }
0x202: {  	v12 =	vld [tilespmem:s16+$0xFFFFFF60]  }
0x203: {  	v13 =	vld [tilespmem:s16+$0xFFFFFF50]  }
0x204: {  	v14 =	vld [tilespmem:s16+$0xFFFFFF20]  }
0x205: {  	v15 =	vld [tilespmem:s16+$0xFFFFFF30];
	s0 =	spop (v2sf)  }
0x206: {  	v16 =	vld [tilespmem:s16+$0xFFFFFF10];
	s0 =	sshll.u32 s0, $0x9  }
0x207: {  	s0 =	sshra.s32 s0, $0x2;
	v17 =	vld [tilespmem:s16+$0xFFFFFF40]  }
0x208: {  	v18 =	vld [tilespmem:s0+$0x820];
	s29 =	spop (v2sf)  }
0x209: {  	s29 =	sshll.u32 s29, $0x9;
	v19 =	vld [tilespmem:s0+$0x830]  }
0x20a: {  	v20 =	vld [tilespmem:s0+$0x800];
	s29 =	sshra.s32 s29, $0x2  }
0x20b: {  	v21 =	vld [tilespmem:s29+$0x10]  }
0x20c: {  	v22 =	vld [tilespmem:s29+$0x0]  }
0x20d: {  	v23 =	vld [tilespmem:s0+$0x810]  }
0x20e: {  	v24 =	vld [tilespmem:s29+$0x20];
	v17 =	vadd.bf16 v19, v17  }
0x20f: {  	v15 =	vadd.bf16 v18, v15;
	v16 =	vadd.bf16 v20, v16;
	v18 =	vld [tilespmem:s0+$0x850]  }
0x210: {  	v19 =	vld [tilespmem:s0+$0x840]  }
0x211: {  	v16 =	vadd.bf16 v22, v16;
	v20 =	vld [tilespmem:s16+$0xFFFFFF70]  }
0x212: {  	v14 =	vadd.bf16 v23, v14;
	v22 =	vld [tilespmem:s0+$0x860]  }
0x213: {  	v16 =	vmax.bf16 v16, v0;
	v15 =	vadd.bf16 v24, v15;
	v23 =	vld [tilespmem:s29+$0x40]  }
0x214: {  	v16 =	vmul.bf16 v16, v6;
	v14 =	vadd.bf16 v21, v14;
	v21 =	vld [tilespmem:s29+$0x30]  }
0x215: {  	v12 =	vadd.bf16 v18, v12;
	v15 =	vmax.bf16 v15, v0;
	v13 =	vadd.bf16 v19, v13;
	v18 =	vld [tilespmem:s29+$0x60]  }
0x216: {  	v19 =	vunpack.i.u.bf16.f32 v16;
	v16 =	vunpack.i.l.bf16.f32 v16;
	v15 =	vmul.bf16 v15, v8  }
0x217: {  	v14 =	vmax.bf16 v14, v0;
	v24 =	vld [tilespmem:s29+$0x50];
	v20 =	vadd.bf16 v22, v20  }
0x218: {  	v19 =	vadd.f32 v19, v11;
	v22 =	vunpack.i.l.bf16.f32 v15;
	v13 =	vadd.bf16 v23, v13  }
0x219: {  	v16 =	vadd.f32 v16, v7;
	v14 =	vmul.bf16 v14, v10;
	v17 =	vadd.bf16 v21, v17  }
0x21a: {  	v15 =	vunpack.i.u.bf16.f32 v15;
	v13 =	vmax.bf16 v13, v0;
	v18 =	vadd.bf16 v18, v20;
	v20 =	vld [tilespmem:s16+$0xFFFFFF80]  }
0x21b: {  	v16 =	vadd.f32 v22, v16;
	v15 =	vadd.f32 v15, v19;
	v13 =	vmul.bf16 v13, v3;
	v19 =	vld [tilespmem:s0+$0x870]  }
0x21c: {  	v21 =	vunpack.i.l.bf16.f32 v14;
	v12 =	vadd.bf16 v24, v12;
	v18 =	vmax.bf16 v18, v0  }
0x21d: {  	v21 =	vadd.f32 v21, v11;
	v22 =	vunpack.i.u.bf16.f32 v13;
	v13 =	vunpack.i.l.bf16.f32 v13;
	v23 =	vld [tilespmem:s29+$0x70]  }
0x21e: {  	v14 =	vunpack.i.u.bf16.f32 v14;
	v15 =	vadd.f32 v22, v15;
	v12 =	vmax.bf16 v12, v0  }
0x21f: {  	v14 =	vadd.f32 v14, v11;
	v18 =	vmul.bf16 v18, v2;
	v12 =	vmul.bf16 v12, v9  }
0x220: {  	v17 =	vmax.bf16 v17, v0;
	v13 =	vadd.f32 v13, v16;
	v16 =	vadd.bf16 v19, v20  }
0x221: {  	v20 =	vunpack.i.l.bf16.f32 v18;
	v19 =	vunpack.i.u.bf16.f32 v12;
	v12 =	vunpack.i.l.bf16.f32 v12  }
0x222: {  	v17 =	vmul.bf16 v17, v5;
	v18 =	vunpack.i.u.bf16.f32 v18;
	v16 =	vadd.bf16 v23, v16  }
0x223: {  	v13 =	vadd.f32 v20, v13;
	v15 =	vadd.f32 v18, v15  }
0x224: {  	v18 =	vunpack.i.u.bf16.f32 v17;
	v17 =	vunpack.i.l.bf16.f32 v17;
	v16 =	vmax.bf16 v16, v0  }
0x225: {  	v17 =	vadd.f32 v17, v21;
	v14 =	vadd.f32 v18, v14;
	v16 =	vmul.bf16 v16, v4;
	_ =	sdelay $0x1  }
0x226: {  	v12 =	vadd.f32 v12, v17;
	v17 =	vunpack.i.u.bf16.f32 v16;
	v16 =	vunpack.i.l.bf16.f32 v16  }
0x227: {  	v14 =	vadd.f32 v19, v14  }
0x228: {  	v12 =	vadd.f32 v16, v12  }
0x229: {  	v14 =	vadd.f32 v17, v14  }
0x22a: {  	v12 =	vadd.f32 v12, v13  }
0x22b: {  	v13 =	vadd.f32 v14, v15;
	_ =	sdelay $0x1  }
0x22c: {  	v12 =	vadd.f32 v12, v13;
	_ =	sdelay $0x1  }
0x22d: {  	[tilespmem:s18+$0xFFFFFFF0] =	vst v12  }
0x22e: {  	v12 =	vld [tilespmem:s20+$0x0]  }
0x22f: {  	v13 =	vld [tilespmem:s24+$0x0];
	_ =	sdelay $0x3  }
0x230: {  	(v2sf) =	vpush v12, $0x0  }
0x231: {  	(v2sf) =	vpush v13, $0x0;
	_ =	sdelay $0x8  }
0x232: {  	v12 =	vld [tilespmem:s16+$0x0]  }
0x233: {  	v13 =	vld [tilespmem:s16+$0xFFFFFFF0]  }
0x234: {  	v14 =	vld [tilespmem:s16+$0xFFFFFFD0]  }
0x235: {  	v15 =	vld [tilespmem:s16+$0xFFFFFF90]  }
0x236: {  	v16 =	vld [tilespmem:s16+$0xFFFFFFB0]  }
0x237: {  	v19 =	vld [tilespmem:s16+$0xFFFFFFC0];
	s0 =	spop (v2sf)  }
0x238: {  	s0 =	sshll.u32 s0, $0x9;
	v18 =	vld [tilespmem:s16+$0xFFFFFFA0];
	s29 =	spop (v2sf)  }
0x239: {  	s0 =	sshra.s32 s0, $0x2;
	v20 =	vld [tilespmem:s16+$0xFFFFFFE0]  }
0x23a: {  	s29 =	sshll.u32 s29, $0x9;
	v21 =	vld [tilespmem:s0+$0x850]  }
0x23b: {  	s31 =	sshra.s32 s29, $0x2;
	v22 =	vld [tilespmem:s0+$0x810]  }
0x23c: {  	v23 =	vld [tilespmem:s31+$0x50]  }
0x23d: {  	v24 =	vld [tilespmem:s31+$0x10]  }
0x23e: {  	v25 =	vld [tilespmem:s0+$0x830]  }
.Ltmp3:
0x23f: {  	v17 =	vld [tilespmem:s31+$0x30];
	v21 =	vadd.bf16 v21, v20;
	(pc) =	sbr.rel @p0 .LBB2_8-.Ltmp3, $4  }
0x240: {  	v18 =	vadd.bf16 v22, v18;
	v22 =	vld [tilespmem:s0+$0x820]  }
0x241: {  	v20 =	vld [tilespmem:s0+$0x800];
	v26 =	vadd.bf16 v23, v21  }
0x242: {  	v24 =	vadd.bf16 v24, v18;
	v21 =	vld [tilespmem:s31+$0x20]  }
0x243: {  	s20 =	sadd.s32 $0x2, s20;
	s24 =	sadd.s32 $0x2, s24;
	s29 =	simm.s32 $0xF;
	v18 =	vld [tilespmem:s31+$0x0];
	v23 =	vadd.bf16 v25, v19;
	v19 =	vmax.bf16 v26, v0  }
0x244: {  	v25 =	vld [tilespmem:s0+$0x840]  }
0x245: {  	v24 =	vmax.bf16 v24, v0;
	v59 =	vld [tilespmem:s0+$0x860];
	v62 =	vmul.bf16 v19, v9;
	v16 =	vadd.bf16 v22, v16  }
0x246: {  	v61 =	vld [tilespmem:s0+$0x870];
	v57 =	vmul.bf16 v24, v10;
	v15 =	vadd.bf16 v20, v15  }
0x247: {  	v58 =	vld [tilespmem:s31+$0x40];
	v17 =	vadd.bf16 v17, v23;
	v29 =	vunpack.i.u.bf16.f32 v62;
	v16 =	vadd.bf16 v21, v16  }
0x248: {  	v26 =	vld [tilespmem:s31+$0x60];
	v60 =	vunpack.i.u.bf16.f32 v57;
	v22 =	vunpack.i.l.bf16.f32 v57;
	v15 =	vadd.bf16 v18, v15  }
0x249: {  	v28 =	vld [tilespmem:s31+$0x70];
	v17 =	vmax.bf16 v17, v0;
	v63 =	vadd.f32 v22, v11;
	v21 =	vadd.f32 v60, v11  }
0x24a: {  	v18 =	vunpack.i.l.bf16.f32 v62;
	v17 =	vmul.bf16 v17, v5;
	v14 =	vadd.bf16 v25, v14  }
0x24b: {  	v16 =	vmax.bf16 v16, v0;
	v13 =	vadd.bf16 v59, v13;
	v12 =	vadd.bf16 v61, v12  }
0x24c: {  	v16 =	vmul.bf16 v16, v8;
	v15 =	vmax.bf16 v15, v0;
	v33 =	vunpack.i.u.bf16.f32 v17  }
0x24d: {  	v17 =	vunpack.i.l.bf16.f32 v17;
	v14 =	vadd.bf16 v58, v14;
	v13 =	vadd.bf16 v26, v13  }
0x24e: {  	v15 =	vmul.bf16 v15, v6;
	v12 =	vadd.bf16 v28, v12;
	v17 =	vadd.f32 v17, v63  }
0x24f: {  	v34 =	vadd.f32 v33, v21;
	v30 =	vunpack.i.l.bf16.f32 v16;
	v16 =	vunpack.i.u.bf16.f32 v16  }
0x250: {  	v31 =	vunpack.i.u.bf16.f32 v15;
	v15 =	vunpack.i.l.bf16.f32 v15;
	v14 =	vmax.bf16 v14, v0  }
0x251: {  	v12 =	vmax.bf16 v12, v0;
	v13 =	vmax.bf16 v13, v0;
	v17 =	vadd.f32 v18, v17  }
0x252: {  	v15 =	vadd.f32 v15, v7;
	v32 =	vadd.f32 v31, v11;
	v14 =	vmul.bf16 v14, v3  }
0x253: {  	v37 =	vadd.f32 v29, v34;
	v12 =	vmul.bf16 v12, v4;
	v13 =	vmul.bf16 v13, v2  }
0x254: {  	v15 =	vadd.f32 v30, v15;
	v16 =	vadd.f32 v16, v32;
	v35 =	vunpack.i.u.bf16.f32 v14  }
0x255: {  	v14 =	vunpack.i.l.bf16.f32 v14;
	v36 =	vunpack.i.l.bf16.f32 v12;
	v12 =	vunpack.i.u.bf16.f32 v12  }
0x256: {  	v39 =	vunpack.i.u.bf16.f32 v13;
	v14 =	vadd.f32 v14, v15;
	v15 =	vadd.f32 v35, v16  }
0x257: {  	v13 =	vunpack.i.l.bf16.f32 v13;
	v38 =	vadd.f32 v36, v17;
	v12 =	vadd.f32 v12, v37  }
0x258: {  	v13 =	vadd.f32 v13, v14;
	v14 =	vadd.f32 v39, v15  }
0x259: {  	s31 =	simm.s32 $0x1  }
0x25a: {  	s16 =	simm.s32 $0x0;
	v13 =	vadd.f32 v38, v13;
	v12 =	vadd.f32 v12, v14;
	v14 =	vor.u32 s31, v1  }
0x25b: {  	v15 =	vor.u32 s16, v1  }
0x25c: {  	s16 =	simm.s32 $0x2;
	v12 =	vadd.f32 v13, v12  }
0x25d: {  	v13 =	vor.u32 s16, v1  }
0x25e: {  	[tilespmem:s17+$0x0] =	vst v12;
	s17 =	simm.s32 $0x3  }
0x25f: {  	v12 =	vld.idx.msk [tilespmem:v14+s28+$0x0], $0xffff;
	v14 =	vor.u32 s17, v1  }
0x260: {  	s18 =	simm.s32 $0x4;
	v15 =	vld.idx.msk [tilespmem:v15+s28+$0x0], $0xffff  }
0x261: {  	v40 =	vor.u32 s18, v1  }
0x262: {  	s19 =	simm.s32 $0x5;
	v13 =	vld.idx.msk [tilespmem:v13+s28+$0x0], $0xffff  }
0x263: {  	v41 =	vor.u32 s19, v1  }
0x264: {  	s20 =	simm.s32 $0x6;
	v14 =	vld.idx.msk [tilespmem:v14+s28+$0x0], $0xffff  }
0x265: {  	v42 =	vor.u32 s20, v1;
	v12 =	vadd.f32 v12, v15  }
0x266: {  	s24 =	simm.s32 $0x7;
	v15 =	vld.idx.msk [tilespmem:v40+s28+$0x0], $0xffff  }
0x267: {  	v43 =	vor.u32 s24, v1;
	v12 =	vadd.f32 v13, v12  }
0x268: {  	s31 =	simm.s32 $0x8;
	v13 =	vld.idx.msk [tilespmem:v41+s28+$0x0], $0xffff  }
0x269: {  	v44 =	vor.u32 s31, v1;
	v12 =	vadd.f32 v14, v12  }
0x26a: {  	s16 =	simm.s32 $0x9;
	v14 =	vld.idx.msk [tilespmem:v42+s28+$0x0], $0xffff  }
0x26b: {  	v45 =	vor.u32 s16, v1;
	v12 =	vadd.f32 v15, v12  }
0x26c: {  	s17 =	simm.s32 $0xA;
	v15 =	vld.idx.msk [tilespmem:v43+s28+$0x0], $0xffff  }
0x26d: {  	v46 =	vor.u32 s17, v1;
	v12 =	vadd.f32 v13, v12  }
0x26e: {  	s18 =	simm.s32 $0xB;
	v13 =	vld.idx.msk [tilespmem:v44+s28+$0x0], $0xffff  }
0x26f: {  	v47 =	vor.u32 s18, v1;
	v12 =	vadd.f32 v14, v12  }
0x270: {  	s19 =	simm.s32 $0xC;
	v14 =	vld.idx.msk [tilespmem:v45+s28+$0x0], $0xffff  }
0x271: {  	v48 =	vor.u32 s19, v1;
	v12 =	vadd.f32 v15, v12  }
0x272: {  	s20 =	simm.s32 $0xD;
	v15 =	vld.idx.msk [tilespmem:v46+s28+$0x0], $0xffff  }
0x273: {  	v49 =	vor.u32 s20, v1;
	v12 =	vadd.f32 v13, v12  }
0x274: {  	s24 =	simm.s32 $0xE;
	v13 =	vld.idx.msk [tilespmem:v47+s28+$0x0], $0xffff  }
0x275: {  	v50 =	vor.u32 s24, v1;
	v12 =	vadd.f32 v14, v12  }
0x276: {  	v14 =	vld.idx.msk [tilespmem:v48+s28+$0x0], $0xffff  }
0x277: {  	v51 =	vor.u32 s29, v1;
	v12 =	vadd.f32 v15, v12  }
0x278: {  	v15 =	vld.idx.msk [tilespmem:v49+s28+$0x0], $0xffff  }
0x279: {  	v12 =	vadd.f32 v13, v12  }
0x27a: {  	v13 =	vld.idx.msk [tilespmem:v50+s28+$0x0], $0xffff  }
0x27b: {  	v12 =	vadd.f32 v14, v12  }
0x27c: {  	v14 =	vld.idx.msk [tilespmem:v51+s28+$0x0], $0xffff  }
0x27d: {  	v12 =	vadd.f32 v15, v12  }
0x27e: {  	s29 =	simm.s32 $0x101  }
0x27f: {  	s31 =	simm.s32 $0x100;
	v15 =	vor.u32 s29, v1;
	v12 =	vadd.f32 v13, v12  }
0x280: {  	v13 =	vor.u32 s31, v1  }
0x281: {  	s17 =	simm.s32 $0x102;
	v12 =	vadd.f32 v14, v12  }
0x282: {  	v14 =	vor.u32 s17, v1  }
0x283: {  	s18 =	simm.s32 $0x103;
	[tilespmem:s15+$0x0] =	vst v12  }
0x284: {  	v12 =	vld.idx.msk [tilespmem:v15+s28+$0x0], $0xffff;
	v15 =	vor.u32 s18, v1  }
0x285: {  	s19 =	simm.s32 $0x104;
	v13 =	vld.idx.msk [tilespmem:v13+s28+$0x0], $0xffff  }
0x286: {  	v52 =	vor.u32 s19, v1  }
0x287: {  	s20 =	simm.s32 $0x105;
	v14 =	vld.idx.msk [tilespmem:v14+s28+$0x0], $0xffff  }
0x288: {  	v53 =	vor.u32 s20, v1  }
0x289: {  	s24 =	simm.s32 $0x106;
	v15 =	vld.idx.msk [tilespmem:v15+s28+$0x0], $0xffff  }
0x28a: {  	v54 =	vor.u32 s24, v1;
	v12 =	vadd.f32 v12, v13  }
0x28b: {  	s29 =	simm.s32 $0x107;
	v13 =	vld.idx.msk [tilespmem:v52+s28+$0x0], $0xffff  }
0x28c: {  	v55 =	vor.u32 s29, v1;
	v12 =	vadd.f32 v14, v12  }
0x28d: {  	s31 =	simm.s32 $0x108;
	v14 =	vld.idx.msk [tilespmem:v53+s28+$0x0], $0xffff  }
0x28e: {  	v56 =	vor.u32 s31, v1;
	v12 =	vadd.f32 v15, v12  }
0x28f: {  	s16 =	simm.s32 $0x109;
	v15 =	vld.idx.msk [tilespmem:v54+s28+$0x0], $0xffff  }
0x290: {  	v57 =	vor.u32 s16, v1;
	v12 =	vadd.f32 v13, v12  }
0x291: {  	s17 =	simm.s32 $0x10A;
	v13 =	vld.idx.msk [tilespmem:v55+s28+$0x0], $0xffff  }
0x292: {  	v58 =	vor.u32 s17, v1;
	v12 =	vadd.f32 v14, v12  }
0x293: {  	s18 =	simm.s32 $0x10B;
	v14 =	vld.idx.msk [tilespmem:v56+s28+$0x0], $0xffff  }
0x294: {  	v59 =	vor.u32 s18, v1;
	v12 =	vadd.f32 v15, v12  }
0x295: {  	v15 =	vld.idx.msk [tilespmem:v57+s28+$0x0], $0xffff  }
0x296: {  	s19 =	simm.s32 $0x10C;
	v12 =	vadd.f32 v13, v12  }
0x297: {  	v60 =	vor.u32 s19, v1;
	v13 =	vld.idx.msk [tilespmem:v58+s28+$0x0], $0xffff  }
0x298: {  	s20 =	simm.s32 $0x10D;
	v12 =	vadd.f32 v14, v12  }
0x299: {  	v61 =	vor.u32 s20, v1;
	v14 =	vld.idx.msk [tilespmem:v59+s28+$0x0], $0xffff  }
0x29a: {  	v12 =	vadd.f32 v15, v12  }
0x29b: {  	s24 =	simm.s32 $0x10E  }
0x29c: {  	v62 =	vor.u32 s24, v1;
	v15 =	vld.idx.msk [tilespmem:v60+s28+$0x0], $0xffff;
	v12 =	vadd.f32 v13, v12  }
0x29d: {  	s29 =	simm.s32 $0x10F  }
0x29e: {  	v13 =	vld.idx.msk [tilespmem:v61+s28+$0x0], $0xffff;
	v12 =	vadd.f32 v14, v12;
	v14 =	vor.u32 s29, v1;
	_ =	sdelay $0x2  }
0x29f: {  	v63 =	vld.idx.msk [tilespmem:v62+s28+$0x0], $0xffff;
	v12 =	vadd.f32 v15, v12;
	_ =	sdelay $0x1  }
0x2a0: {  	v15 =	vadd.f32 v13, v12;
	v13 =	vld.idx.msk [tilespmem:v14+s28+$0x0], $0xffff;
	_ =	sdelay $0x1  }
0x2a1: {  	s31 =	simm.s32 $0x201  }
0x2a2: {  	s0 =	simm.s32 $0x200;
	s16 =	simm.s32 $0x20F;
	s17 =	simm.s32 $0x30F;
	v12 =	vor.u32 s31, v1;
	v14 =	vadd.f32 v63, v15  }
.LBB2_10:
0x2a3: {  	p0 =	sne.s32 s17, $0x70F;
	v15 =	vor.u32 s0, v1  }
0x2a4: {  	s0 =	sadd.s32 $0xFFFFFFF3, s16;
	v13 =	vadd.f32 v13, v14  }
0x2a5: {  	s15 =	sadd.s32 $0x10, s15;
	v14 =	vor.u32 s0, v1  }
0x2a6: {  	s0 =	sadd.s32 $0xFFFFFFF4, s16;
	[tilespmem:s15+$0x0] =	vst v13  }
0x2a7: {  	v13 =	vor.u32 s0, v1;
	v12 =	vld.idx.msk [tilespmem:v12+s28+$0x0], $0xffff  }
0x2a8: {  	s0 =	sadd.s32 $0xFFFFFFF5, s16;
	v15 =	vld.idx.msk [tilespmem:v15+s28+$0x0], $0xffff  }
0x2a9: {  	v16 =	vor.u32 s0, v1  }
0x2aa: {  	s0 =	sadd.s32 $0xFFFFFFF6, s16;
	v14 =	vld.idx.msk [tilespmem:v14+s28+$0x0], $0xffff  }
0x2ab: {  	v17 =	vor.u32 s0, v1  }
0x2ac: {  	s0 =	sadd.s32 $0xFFFFFFF7, s16;
	v13 =	vld.idx.msk [tilespmem:v13+s28+$0x0], $0xffff  }
0x2ad: {  	v18 =	vor.u32 s0, v1  }
0x2ae: {  	s0 =	sadd.s32 $0xFFFFFFF8, s16;
	v12 =	vadd.f32 v12, v15;
	v15 =	vld.idx.msk [tilespmem:v16+s28+$0x0], $0xffff  }
0x2af: {  	v16 =	vor.u32 s0, v1  }
0x2b0: {  	s0 =	sadd.s32 $0xFFFFFFF9, s16;
	v12 =	vadd.f32 v14, v12;
	v14 =	vld.idx.msk [tilespmem:v17+s28+$0x0], $0xffff  }
0x2b1: {  	v17 =	vor.u32 s0, v1  }
0x2b2: {  	s0 =	sadd.s32 $0xFFFFFFFA, s16;
	v12 =	vadd.f32 v13, v12;
	v13 =	vld.idx.msk [tilespmem:v18+s28+$0x0], $0xffff  }
0x2b3: {  	v18 =	vor.u32 s0, v1  }
0x2b4: {  	s0 =	sadd.s32 $0xFFFFFFFB, s16;
	v12 =	vadd.f32 v15, v12;
	v15 =	vld.idx.msk [tilespmem:v16+s28+$0x0], $0xffff  }
0x2b5: {  	v16 =	vor.u32 s0, v1  }
0x2b6: {  	s0 =	sadd.s32 $0xFFFFFFFC, s16;
	v12 =	vadd.f32 v14, v12;
	v14 =	vld.idx.msk [tilespmem:v17+s28+$0x0], $0xffff  }
0x2b7: {  	v17 =	vor.u32 s0, v1  }
0x2b8: {  	s0 =	sadd.s32 $0xFFFFFFFD, s16;
	v12 =	vadd.f32 v13, v12;
	v13 =	vld.idx.msk [tilespmem:v18+s28+$0x0], $0xffff  }
0x2b9: {  	v18 =	vor.u32 s0, v1  }
0x2ba: {  	s0 =	sadd.s32 $0xFFFFFFFE, s16;
	v12 =	vadd.f32 v15, v12;
	v15 =	vld.idx.msk [tilespmem:v16+s28+$0x0], $0xffff  }
0x2bb: {  	v16 =	vor.u32 s0, v1  }
0x2bc: {  	s0 =	sadd.s32 $0xFFFFFFFF, s16;
	v12 =	vadd.f32 v14, v12;
	v14 =	vld.idx.msk [tilespmem:v17+s28+$0x0], $0xffff  }
0x2bd: {  	v17 =	vor.u32 s0, v1  }
0x2be: {  	v12 =	vadd.f32 v13, v12;
	v13 =	vld.idx.msk [tilespmem:v18+s28+$0x0], $0xffff  }
0x2bf: {  	v18 =	vor.u32 s16, v1;
	s16 =	smov.u32 s17  }
0x2c0: {  	v12 =	vadd.f32 v15, v12;
	v15 =	vld.idx.msk [tilespmem:v16+s28+$0x0], $0xffff;
	_ =	sdelay $0x1  }
0x2c1: {  	v12 =	vadd.f32 v14, v12;
	v14 =	vld.idx.msk [tilespmem:v17+s28+$0x0], $0xffff;
	_ =	sdelay $0x1  }
.Ltmp4:
0x2c2: {  	v12 =	vadd.f32 v13, v12;
	v13 =	vld.idx.msk [tilespmem:v18+s28+$0x0], $0xffff;
	(pc) =	sbr.rel @p0 .LBB2_10-.Ltmp4, $4  }
0x2c3: {  	_ = 	snop  }
0x2c4: {  	v15 =	vadd.f32 v15, v12  }
0x2c5: {  	s18 =	sadd.s32 $0xFFFFFFF2, s17  }
0x2c6: {  	s17 =	sadd.s32 $0x100, s17;
	s0 =	sadd.s32 $0xFFFFFFF1, s16;
	v12 =	vor.u32 s18, v1;
	v14 =	vadd.f32 v14, v15  }
0x2c7: {  	v15 =	vor.u32 s0, v1  }
0x2c8: {  	s20 =	sadd.s32 $0xFFFFFFF3, s16;
	v13 =	vadd.f32 v13, v14  }
0x2c9: {  	s0 =	sadd.s32 $0x10, s15;
	v14 =	vor.u32 s20, v1  }
0x2ca: {  	s24 =	sadd.s32 $0xFFFFFFF4, s16;
	[tilespmem:s0+$0x0] =	vst v13  }
0x2cb: {  	v13 =	vor.u32 s24, v1;
	v12 =	vld.idx.msk [tilespmem:v12+s28+$0x0], $0xffff  }
0x2cc: {  	s29 =	sadd.s32 $0xFFFFFFF5, s16;
	v15 =	vld.idx.msk [tilespmem:v15+s28+$0x0], $0xffff  }
0x2cd: {  	v16 =	vor.u32 s29, v1  }
0x2ce: {  	s17 =	sadd.s32 $0xFFFFFFF6, s16;
	v14 =	vld.idx.msk [tilespmem:v14+s28+$0x0], $0xffff  }
0x2cf: {  	v17 =	vor.u32 s17, v1  }
0x2d0: {  	s18 =	sadd.s32 $0xFFFFFFF7, s16;
	v13 =	vld.idx.msk [tilespmem:v13+s28+$0x0], $0xffff  }
0x2d1: {  	v18 =	vor.u32 s18, v1;
	v12 =	vadd.f32 v12, v15  }
0x2d2: {  	s19 =	sadd.s32 $0xFFFFFFF8, s16;
	v15 =	vld.idx.msk [tilespmem:v16+s28+$0x0], $0xffff  }
0x2d3: {  	v16 =	vor.u32 s19, v1;
	v12 =	vadd.f32 v14, v12  }
0x2d4: {  	s20 =	sadd.s32 $0xFFFFFFF9, s16;
	v14 =	vld.idx.msk [tilespmem:v17+s28+$0x0], $0xffff  }
0x2d5: {  	v17 =	vor.u32 s20, v1;
	v12 =	vadd.f32 v13, v12  }
0x2d6: {  	s24 =	sadd.s32 $0xFFFFFFFA, s16;
	v13 =	vld.idx.msk [tilespmem:v18+s28+$0x0], $0xffff  }
0x2d7: {  	v18 =	vor.u32 s24, v1;
	v12 =	vadd.f32 v15, v12  }
0x2d8: {  	s29 =	sadd.s32 $0xFFFFFFFB, s16;
	v15 =	vld.idx.msk [tilespmem:v16+s28+$0x0], $0xffff  }
0x2d9: {  	v16 =	vor.u32 s29, v1;
	v12 =	vadd.f32 v14, v12  }
0x2da: {  	s17 =	sadd.s32 $0xFFFFFFFC, s16;
	v14 =	vld.idx.msk [tilespmem:v17+s28+$0x0], $0xffff  }
0x2db: {  	v17 =	vor.u32 s17, v1;
	v12 =	vadd.f32 v13, v12  }
0x2dc: {  	s18 =	sadd.s32 $0xFFFFFFFD, s16;
	v13 =	vld.idx.msk [tilespmem:v18+s28+$0x0], $0xffff  }
0x2dd: {  	v18 =	vor.u32 s18, v1;
	v12 =	vadd.f32 v15, v12  }
0x2de: {  	s19 =	sadd.s32 $0xFFFFFFFE, s16;
	v15 =	vld.idx.msk [tilespmem:v16+s28+$0x0], $0xffff  }
0x2df: {  	v16 =	vor.u32 s19, v1;
	v12 =	vadd.f32 v14, v12  }
0x2e0: {  	s20 =	sadd.s32 $0xFFFFFFFF, s16;
	v14 =	vld.idx.msk [tilespmem:v17+s28+$0x0], $0xffff  }
0x2e1: {  	v17 =	vor.u32 s20, v1;
	v12 =	vadd.f32 v13, v12  }
0x2e2: {  	v13 =	vld.idx.msk [tilespmem:v18+s28+$0x0], $0xffff  }
0x2e3: {  	v18 =	vor.u32 s16, v1;
	v12 =	vadd.f32 v15, v12  }
0x2e4: {  	v15 =	vld.idx.msk [tilespmem:v16+s28+$0x0], $0xffff  }
0x2e5: {  	v12 =	vadd.f32 v14, v12  }
0x2e6: {  	v14 =	vld.idx.msk [tilespmem:v17+s28+$0x0], $0xffff  }
0x2e7: {  	v12 =	vadd.f32 v13, v12  }
0x2e8: {  	v13 =	vld.idx.msk [tilespmem:v18+s28+$0x0], $0xffff  }
0x2e9: {  	v12 =	vadd.f32 v15, v12;
	_ =	sdelay $0x1  }
0x2ea: {  	v12 =	vadd.f32 v14, v12;
	_ =	sdelay $0x1  }
0x2eb: {  	v12 =	vadd.f32 v13, v12  }
0x2ec: {  	s0 =	sadd.s32 $0x10, s0  }
0x2ed: {  	s24 =	simm.s32 $0xC600;
	[tilespmem:s0+$0x0] =	vst v12  }
0x2ee: {  	[tilespmem:s25], [sflag:$0x2] =	stream.indirect.gather [hbm4b:s6+s22], $0x80, s24, s22, $0xb8;
	[tilespmem:$0xD300] =	vst v63  }
0x2ef: {  	_ =	swait.ge [sflag:s26], $0x4000  }
0x2f0: {  	[sflag:s26] =	ssyncset.done $0x0  }
0x2f1: {  	s16 =	simm.s32 $0xC081;
	[sflag:s26] =	ssyncadd.s32 $0xFFFFC000  }
0x2f2: {  	v12 =	vld [tilespmem:s16+$0xFFFFFFFF];
	_ =	sdelay $0x3  }
0x2f3: {  	s17 =	simm.s32 $0xD181  }
0x2f4: {  	v13 =	vld [tilespmem:s17+$0xFFFFFFFF];
	(v2sf) =	vpush v12, $0x0;
	_ =	sdelay $0x4  }
0x2f5: {  	(v2sf) =	vpush v13, $0x0;
	_ =	sdelay $0x5  }
0x2f6: {  	s29 =	simm.s32 $0x3C80  }
0x2f7: {  	v14 =	vld [tilespmem:s29+$0xFFFFFF90]  }
0x2f8: {  	v15 =	vld [tilespmem:s29+$0xFFFFFFA0]  }
0x2f9: {  	v16 =	vld [tilespmem:s29+$0xFFFFFF80]  }
0x2fa: {  	v17 =	vld [tilespmem:s29+$0xFFFFFFB0];
	s20 =	spop (v2sf)  }
0x2fb: {  	v12 =	vld [tilespmem:s29+$0xFFFFFFD0];
	s0 =	sshll.u32 s20, $0x9  }
0x2fc: {  	v13 =	vld [tilespmem:s29+$0xFFFFFFC0];
	s0 =	sshra.s32 s0, $0x2  }
0x2fd: {  	v18 =	vld [tilespmem:s0+$0x820]  }
0x2fe: {  	v19 =	vld [tilespmem:s0+$0x830]  }
0x2ff: {  	s18 =	spop (v2sf);
	v20 =	vld [tilespmem:s0+$0x800]  }
0x300: {  	s18 =	sshll.u32 s18, $0x9;
	v23 =	vld [tilespmem:s0+$0x810]  }
0x301: {  	s18 =	sshra.s32 s18, $0x2;
	v25 =	vld [tilespmem:s0+$0x840]  }
0x302: {  	v21 =	vld [tilespmem:s18+$0x10]  }
0x303: {  	v22 =	vld [tilespmem:s18+$0x0]  }
0x304: {  	v24 =	vld [tilespmem:s18+$0x20]  }
0x305: {  	v16 =	vadd.bf16 v20, v16;
	v20 =	vld [tilespmem:s0+$0x850]  }
0x306: {  	v15 =	vadd.bf16 v18, v15;
	v18 =	vld [tilespmem:s29+$0xFFFFFFE0]  }
0x307: {  	v14 =	vadd.bf16 v23, v14;
	v23 =	vld [tilespmem:s18+$0x40]  }
0x308: {  	v17 =	vadd.bf16 v19, v17;
	v19 =	vld [tilespmem:s18+$0x30];
	v16 =	vadd.bf16 v22, v16  }
0x309: {  	v22 =	vld [tilespmem:s0+$0x860];
	v15 =	vadd.bf16 v24, v15;
	v14 =	vadd.bf16 v21, v14  }
0x30a: {  	v13 =	vadd.bf16 v25, v13;
	v24 =	vld [tilespmem:s18+$0x50]  }
0x30b: {  	v21 =	vld [tilespmem:s18+$0x60];
	v16 =	vmax.bf16 v16, v0;
	v15 =	vmax.bf16 v15, v0;
	v14 =	vmax.bf16 v14, v0  }
0x30c: {  	v16 =	vmul.bf16 v16, v6;
	v12 =	vadd.bf16 v20, v12;
	v15 =	vmul.bf16 v15, v8  }
0x30d: {  	v13 =	vadd.bf16 v23, v13;
	v14 =	vmul.bf16 v14, v10;
	v17 =	vadd.bf16 v19, v17  }
0x30e: {  	v20 =	vunpack.i.u.bf16.f32 v16;
	v16 =	vunpack.i.l.bf16.f32 v16;
	v18 =	vadd.bf16 v22, v18  }
0x30f: {  	v19 =	vld [tilespmem:s29+$0xFFFFFFF0];
	v22 =	vunpack.i.l.bf16.f32 v15;
	v15 =	vunpack.i.u.bf16.f32 v15;
	v12 =	vadd.bf16 v24, v12  }
0x310: {  	v13 =	vmax.bf16 v13, v0;
	v16 =	vadd.f32 v16, v7;
	v18 =	vadd.bf16 v21, v18;
	v21 =	vld [tilespmem:s0+$0x870]  }
0x311: {  	v17 =	vmax.bf16 v17, v0;
	v20 =	vadd.f32 v20, v11;
	v13 =	vmul.bf16 v13, v3  }
0x312: {  	v17 =	vmul.bf16 v17, v5;
	v12 =	vmax.bf16 v12, v0;
	v16 =	vadd.f32 v22, v16;
	v22 =	vld [tilespmem:s18+$0x70]  }
0x313: {  	v15 =	vadd.f32 v15, v20;
	v20 =	vunpack.i.l.bf16.f32 v14;
	v23 =	vunpack.i.u.bf16.f32 v13  }
0x314: {  	v13 =	vunpack.i.l.bf16.f32 v13;
	v14 =	vunpack.i.u.bf16.f32 v14;
	v12 =	vmul.bf16 v12, v9  }
0x315: {  	v18 =	vmax.bf16 v18, v0;
	v20 =	vadd.f32 v20, v11;
	v19 =	vadd.bf16 v21, v19  }
0x316: {  	v14 =	vadd.f32 v14, v11;
	v15 =	vadd.f32 v23, v15;
	v18 =	vmul.bf16 v18, v2  }
0x317: {  	v13 =	vadd.f32 v13, v16;
	v16 =	vunpack.i.u.bf16.f32 v12;
	v19 =	vadd.bf16 v22, v19  }
0x318: {  	v21 =	vunpack.i.l.bf16.f32 v18;
	v22 =	vunpack.i.u.bf16.f32 v17;
	v17 =	vunpack.i.l.bf16.f32 v17  }
0x319: {  	v17 =	vadd.f32 v17, v20;
	v14 =	vadd.f32 v22, v14;
	v19 =	vmax.bf16 v19, v0  }
0x31a: {  	v12 =	vunpack.i.l.bf16.f32 v12;
	v13 =	vadd.f32 v21, v13;
	v19 =	vmul.bf16 v19, v4  }
0x31b: {  	v18 =	vunpack.i.u.bf16.f32 v18;
	v12 =	vadd.f32 v12, v17;
	v14 =	vadd.f32 v16, v14  }
0x31c: {  	v15 =	vadd.f32 v18, v15;
	v16 =	vunpack.i.u.bf16.f32 v19;
	v17 =	vunpack.i.l.bf16.f32 v19  }
0x31d: {  	v12 =	vadd.f32 v17, v12;
	v14 =	vadd.f32 v16, v14;
	_ =	sdelay $0x1  }
0x31e: {  	v12 =	vadd.f32 v12, v13;
	v13 =	vadd.f32 v14, v15;
	_ =	sdelay $0x1  }
0x31f: {  	v12 =	vadd.f32 v12, v13  }
0x320: {  	s18 =	simm.s32 $0xC890  }
0x321: {  	[tilespmem:s18+$0xFFFFFFF0] =	vst v12  }
0x322: {  	v12 =	vld [tilespmem:s16+$0x0];
	_ =	sdelay $0x1  }
0x323: {  	v13 =	vld [tilespmem:s17+$0x0];
	_ =	sdelay $0x2  }
0x324: {  	(v2sf) =	vpush v12, $0x0;
	_ =	sdelay $0x1  }
0x325: {  	(v2sf) =	vpush v13, $0x0;
	_ =	sdelay $0x7  }
0x326: {  	v14 =	vld [tilespmem:s29+$0x40]  }
0x327: {  	v15 =	vld [tilespmem:s29+$0x0]  }
0x328: {  	v16 =	vld [tilespmem:s29+$0x20]  }
0x329: {  	v19 =	vld [tilespmem:s29+$0x30]  }
0x32a: {  	v18 =	vld [tilespmem:s29+$0x10]  }
0x32b: {  	v20 =	vld [tilespmem:s29+$0x50];
	s24 =	spop (v2sf)  }
0x32c: {  	v12 =	vld [tilespmem:s29+$0x70];
	s0 =	sshll.u32 s24, $0x9  }
0x32d: {  	v13 =	vld [tilespmem:s29+$0x60];
	s19 =	spop (v2sf);
	s0 =	sshra.s32 s0, $0x2  }
0x32e: {  	s29 =	sshll.u32 s19, $0x9;
	v21 =	vld [tilespmem:s0+$0x850]  }
0x32f: {  	s31 =	sshra.s32 s29, $0x2;
	v23 =	vld [tilespmem:s0+$0x810]  }
0x330: {  	v24 =	vld [tilespmem:s31+$0x50]  }
0x331: {  	v25 =	vld [tilespmem:s31+$0x10]  }
0x332: {  	v26 =	vld [tilespmem:s0+$0x830]  }
0x333: {  	v22 =	vld [tilespmem:s0+$0x820];
	v21 =	vadd.bf16 v21, v20  }
0x334: {  	v17 =	vld [tilespmem:s31+$0x30];
	v18 =	vadd.bf16 v23, v18  }
0x335: {  	v20 =	vld [tilespmem:s0+$0x800];
	v27 =	vadd.bf16 v24, v21  }
0x336: {  	s15 =	simm.s32 $0xC780;
	v21 =	vld [tilespmem:s31+$0x20];
	v24 =	vadd.bf16 v25, v18  }
0x337: {  	s20 =	simm.s32 $0xC8B0;
	s24 =	simm.s32 $0x3D80;
	s19 =	simm.s32 $0x0;
	v23 =	vadd.bf16 v26, v19;
	v18 =	vld [tilespmem:s31+$0x0];
	v19 =	vmax.bf16 v27, v0  }
.LBB2_12:
0x338: {  	s19 =	sadd.s32 $0x2, s19;
	v24 =	vmax.bf16 v24, v0;
	v25 =	vld [tilespmem:s0+$0x840];
	s16 =	sadd.s32 $0x2, s16;
	s17 =	sadd.s32 $0x2, s17  }
0x339: {  	p0 =	slt.u32 s19, $0x7E;
	v24 =	vmul.bf16 v24, v10;
	v16 =	vadd.bf16 v22, v16;
	v17 =	vadd.bf16 v17, v23;
	v22 =	vld [tilespmem:s31+$0x40]  }
0x33a: {  	v15 =	vadd.bf16 v20, v15;
	v20 =	vld [tilespmem:s0+$0x860]  }
0x33b: {  	v23 =	vunpack.i.u.bf16.f32 v24;
	v24 =	vunpack.i.l.bf16.f32 v24;
	v16 =	vadd.bf16 v21, v16;
	v21 =	vld [tilespmem:s31+$0x60]  }
0x33c: {  	v24 =	vadd.f32 v24, v11;
	v23 =	vadd.f32 v23, v11;
	v26 =	vld [tilespmem:s0+$0x870]  }
0x33d: {  	v15 =	vadd.bf16 v18, v15;
	v18 =	vmul.bf16 v19, v9;
	v16 =	vmax.bf16 v16, v0;
	v19 =	vld [tilespmem:s31+$0x70]  }
0x33e: {  	v14 =	vadd.bf16 v25, v14;
	v16 =	vmul.bf16 v16, v8  }
0x33f: {  	v15 =	vmax.bf16 v15, v0;
	v25 =	vunpack.i.u.bf16.f32 v18;
	v18 =	vunpack.i.l.bf16.f32 v18  }
0x340: {  	v15 =	vmul.bf16 v15, v6;
	v14 =	vadd.bf16 v22, v14;
	v13 =	vadd.bf16 v20, v13  }
0x341: {  	v20 =	vunpack.i.l.bf16.f32 v16;
	v12 =	vadd.bf16 v26, v12  }
0x342: {  	v22 =	vunpack.i.u.bf16.f32 v15;
	v15 =	vunpack.i.l.bf16.f32 v15;
	v13 =	vadd.bf16 v21, v13  }
0x343: {  	v17 =	vmax.bf16 v17, v0;
	v15 =	vadd.f32 v15, v7;
	v12 =	vadd.bf16 v19, v12  }
0x344: {  	v17 =	vmul.bf16 v17, v5;
	v16 =	vunpack.i.u.bf16.f32 v16;
	v19 =	vadd.f32 v22, v11  }
0x345: {  	v14 =	vmax.bf16 v14, v0;
	v15 =	vadd.f32 v20, v15;
	v12 =	vmax.bf16 v12, v0  }
0x346: {  	v14 =	vmul.bf16 v14, v3;
	v20 =	vunpack.i.u.bf16.f32 v17;
	v17 =	vunpack.i.l.bf16.f32 v17  }
0x347: {  	v16 =	vadd.f32 v16, v19;
	v12 =	vmul.bf16 v12, v4  }
0x348: {  	v13 =	vmax.bf16 v13, v0;
	v17 =	vadd.f32 v17, v24;
	v19 =	vadd.f32 v20, v23  }
0x349: {  	v20 =	vunpack.i.u.bf16.f32 v14;
	v14 =	vunpack.i.l.bf16.f32 v14;
	v21 =	vunpack.i.l.bf16.f32 v12  }
0x34a: {  	v17 =	vadd.f32 v18, v17;
	v18 =	vadd.f32 v25, v19;
	v12 =	vunpack.i.u.bf16.f32 v12  }
0x34b: {  	v13 =	vmul.bf16 v13, v2;
	v14 =	vadd.f32 v14, v15;
	v15 =	vadd.f32 v20, v16  }
0x34c: {  	v16 =	vadd.f32 v21, v17;
	v12 =	vadd.f32 v12, v18  }
0x34d: {  	v17 =	vunpack.i.u.bf16.f32 v13;
	v13 =	vunpack.i.l.bf16.f32 v13  }
0x34e: {  	v13 =	vadd.f32 v13, v14;
	v14 =	vadd.f32 v17, v15;
	_ =	sdelay $0x1  }
0x34f: {  	v13 =	vadd.f32 v16, v13;
	v12 =	vadd.f32 v12, v14;
	_ =	sdelay $0x1  }
0x350: {  	v12 =	vadd.f32 v13, v12;
	_ =	sdelay $0x1  }
0x351: {  	[tilespmem:s18+$0x0] =	vst v12;
	s18 =	smov.u32 s20  }
0x352: {  	v12 =	vld [tilespmem:s16+$0xFFFFFFFF];
	_ =	sdelay $0x2  }
0x353: {  	v13 =	vld [tilespmem:s17+$0xFFFFFFFF];
	_ =	sdelay $0x1  }
0x354: {  	(v2sf) =	vpush v12, $0x0;
	_ =	sdelay $0x2  }
0x355: {  	(v2sf) =	vpush v13, $0x0;
	_ =	sdelay $0x8  }
0x356: {  	v12 =	vld [tilespmem:s24+$0xFFFFFFD0]  }
0x357: {  	v13 =	vld [tilespmem:s24+$0xFFFFFFC0]  }
0x358: {  	v14 =	vld [tilespmem:s24+$0xFFFFFF90]  }
0x359: {  	v15 =	vld [tilespmem:s24+$0xFFFFFFA0];
	s0 =	spop (v2sf)  }
0x35a: {  	v16 =	vld [tilespmem:s24+$0xFFFFFF80];
	s0 =	sshll.u32 s0, $0x9  }
0x35b: {  	s0 =	sshra.s32 s0, $0x2;
	v17 =	vld [tilespmem:s24+$0xFFFFFFB0]  }
0x35c: {  	v18 =	vld [tilespmem:s0+$0x820];
	s29 =	spop (v2sf)  }
0x35d: {  	s29 =	sshll.u32 s29, $0x9;
	v19 =	vld [tilespmem:s0+$0x830]  }
0x35e: {  	v20 =	vld [tilespmem:s0+$0x800];
	s29 =	sshra.s32 s29, $0x2  }
0x35f: {  	v21 =	vld [tilespmem:s29+$0x10]  }
0x360: {  	v22 =	vld [tilespmem:s29+$0x0]  }
0x361: {  	v23 =	vld [tilespmem:s0+$0x810]  }
0x362: {  	v24 =	vld [tilespmem:s29+$0x20];
	v17 =	vadd.bf16 v19, v17  }
0x363: {  	v15 =	vadd.bf16 v18, v15;
	v16 =	vadd.bf16 v20, v16;
	v18 =	vld [tilespmem:s0+$0x850]  }
0x364: {  	v19 =	vld [tilespmem:s0+$0x840]  }
0x365: {  	v16 =	vadd.bf16 v22, v16;
	v20 =	vld [tilespmem:s24+$0xFFFFFFE0]  }
0x366: {  	v14 =	vadd.bf16 v23, v14;
	v22 =	vld [tilespmem:s0+$0x860]  }
0x367: {  	v16 =	vmax.bf16 v16, v0;
	v15 =	vadd.bf16 v24, v15;
	v23 =	vld [tilespmem:s29+$0x40]  }
0x368: {  	v16 =	vmul.bf16 v16, v6;
	v14 =	vadd.bf16 v21, v14;
	v21 =	vld [tilespmem:s29+$0x30]  }
0x369: {  	v12 =	vadd.bf16 v18, v12;
	v15 =	vmax.bf16 v15, v0;
	v13 =	vadd.bf16 v19, v13;
	v18 =	vld [tilespmem:s29+$0x60]  }
0x36a: {  	v19 =	vunpack.i.u.bf16.f32 v16;
	v16 =	vunpack.i.l.bf16.f32 v16;
	v15 =	vmul.bf16 v15, v8  }
0x36b: {  	v14 =	vmax.bf16 v14, v0;
	v24 =	vld [tilespmem:s29+$0x50];
	v20 =	vadd.bf16 v22, v20  }
0x36c: {  	v19 =	vadd.f32 v19, v11;
	v22 =	vunpack.i.l.bf16.f32 v15;
	v13 =	vadd.bf16 v23, v13  }
0x36d: {  	v16 =	vadd.f32 v16, v7;
	v14 =	vmul.bf16 v14, v10;
	v17 =	vadd.bf16 v21, v17  }
0x36e: {  	v15 =	vunpack.i.u.bf16.f32 v15;
	v13 =	vmax.bf16 v13, v0;
	v18 =	vadd.bf16 v18, v20;
	v20 =	vld [tilespmem:s24+$0xFFFFFFF0]  }
0x36f: {  	v16 =	vadd.f32 v22, v16;
	v15 =	vadd.f32 v15, v19;
	v13 =	vmul.bf16 v13, v3;
	v19 =	vld [tilespmem:s0+$0x870]  }
0x370: {  	v21 =	vunpack.i.l.bf16.f32 v14;
	v12 =	vadd.bf16 v24, v12;
	v18 =	vmax.bf16 v18, v0  }
0x371: {  	v21 =	vadd.f32 v21, v11;
	v22 =	vunpack.i.u.bf16.f32 v13;
	v13 =	vunpack.i.l.bf16.f32 v13;
	v23 =	vld [tilespmem:s29+$0x70]  }
0x372: {  	v14 =	vunpack.i.u.bf16.f32 v14;
	v15 =	vadd.f32 v22, v15;
	v12 =	vmax.bf16 v12, v0  }
0x373: {  	v14 =	vadd.f32 v14, v11;
	v18 =	vmul.bf16 v18, v2;
	v12 =	vmul.bf16 v12, v9  }
0x374: {  	v17 =	vmax.bf16 v17, v0;
	v13 =	vadd.f32 v13, v16;
	v16 =	vadd.bf16 v19, v20  }
0x375: {  	v20 =	vunpack.i.l.bf16.f32 v18;
	v19 =	vunpack.i.u.bf16.f32 v12;
	v12 =	vunpack.i.l.bf16.f32 v12  }
0x376: {  	v17 =	vmul.bf16 v17, v5;
	v18 =	vunpack.i.u.bf16.f32 v18;
	v16 =	vadd.bf16 v23, v16  }
0x377: {  	v13 =	vadd.f32 v20, v13;
	v15 =	vadd.f32 v18, v15  }
0x378: {  	v18 =	vunpack.i.u.bf16.f32 v17;
	v17 =	vunpack.i.l.bf16.f32 v17;
	v16 =	vmax.bf16 v16, v0  }
0x379: {  	v17 =	vadd.f32 v17, v21;
	v14 =	vadd.f32 v18, v14;
	v16 =	vmul.bf16 v16, v4;
	_ =	sdelay $0x1  }
0x37a: {  	v12 =	vadd.f32 v12, v17;
	v17 =	vunpack.i.u.bf16.f32 v16;
	v16 =	vunpack.i.l.bf16.f32 v16  }
0x37b: {  	v14 =	vadd.f32 v19, v14  }
0x37c: {  	v12 =	vadd.f32 v16, v12  }
0x37d: {  	v14 =	vadd.f32 v17, v14  }
0x37e: {  	v12 =	vadd.f32 v12, v13  }
0x37f: {  	v13 =	vadd.f32 v14, v15;
	_ =	sdelay $0x1  }
0x380: {  	v12 =	vadd.f32 v12, v13;
	_ =	sdelay $0x1  }
0x381: {  	[tilespmem:s20+$0xFFFFFFF0] =	vst v12  }
0x382: {  	v12 =	vld [tilespmem:s16+$0x0]  }
0x383: {  	v13 =	vld [tilespmem:s17+$0x0];
	_ =	sdelay $0x3  }
0x384: {  	(v2sf) =	vpush v12, $0x0  }
0x385: {  	(v2sf) =	vpush v13, $0x0;
	_ =	sdelay $0x8  }
0x386: {  	v12 =	vld [tilespmem:s24+$0x70]  }
0x387: {  	v13 =	vld [tilespmem:s24+$0x60]  }
0x388: {  	v14 =	vld [tilespmem:s24+$0x40]  }
0x389: {  	v15 =	vld [tilespmem:s24+$0x0]  }
0x38a: {  	v16 =	vld [tilespmem:s24+$0x20]  }
0x38b: {  	v19 =	vld [tilespmem:s24+$0x30];
	s0 =	spop (v2sf)  }
0x38c: {  	s0 =	sshll.u32 s0, $0x9;
	v18 =	vld [tilespmem:s24+$0x10];
	s29 =	spop (v2sf)  }
0x38d: {  	s0 =	sshra.s32 s0, $0x2;
	v20 =	vld [tilespmem:s24+$0x50]  }
0x38e: {  	s29 =	sshll.u32 s29, $0x9;
	v21 =	vld [tilespmem:s0+$0x850]  }
0x38f: {  	s31 =	sshra.s32 s29, $0x2;
	v22 =	vld [tilespmem:s0+$0x810]  }
0x390: {  	v23 =	vld [tilespmem:s31+$0x50]  }
0x391: {  	v24 =	vld [tilespmem:s31+$0x10]  }
0x392: {  	v25 =	vld [tilespmem:s0+$0x830]  }
.Ltmp5:
0x393: {  	v17 =	vld [tilespmem:s31+$0x30];
	v21 =	vadd.bf16 v21, v20;
	(pc) =	sbr.rel @p0 .LBB2_12-.Ltmp5, $4  }
0x394: {  	v18 =	vadd.bf16 v22, v18;
	v22 =	vld [tilespmem:s0+$0x820]  }
0x395: {  	v20 =	vld [tilespmem:s0+$0x800];
	v26 =	vadd.bf16 v23, v21  }
0x396: {  	v24 =	vadd.bf16 v24, v18;
	v21 =	vld [tilespmem:s31+$0x20]  }
0x397: {  	s20 =	sadd.s32 $0x20, s20;
	s24 =	sadd.s32 $0x100, s24;
	s29 =	simm.s32 $0xF;
	v18 =	vld [tilespmem:s31+$0x0];
	v23 =	vadd.bf16 v25, v19;
	v19 =	vmax.bf16 v26, v0  }
0x398: {  	v25 =	vld [tilespmem:s0+$0x840]  }
0x399: {  	v24 =	vmax.bf16 v24, v0;
	v59 =	vld [tilespmem:s0+$0x860];
	v62 =	vmul.bf16 v19, v9;
	v16 =	vadd.bf16 v22, v16  }
0x39a: {  	v61 =	vld [tilespmem:s0+$0x870];
	v57 =	vmul.bf16 v24, v10;
	v15 =	vadd.bf16 v20, v15  }
0x39b: {  	v58 =	vld [tilespmem:s31+$0x40];
	v17 =	vadd.bf16 v17, v23;
	v29 =	vunpack.i.u.bf16.f32 v62;
	v16 =	vadd.bf16 v21, v16  }
0x39c: {  	v26 =	vld [tilespmem:s31+$0x60];
	v60 =	vunpack.i.u.bf16.f32 v57;
	v22 =	vunpack.i.l.bf16.f32 v57;
	v15 =	vadd.bf16 v18, v15  }
0x39d: {  	v28 =	vld [tilespmem:s31+$0x70];
	v17 =	vmax.bf16 v17, v0;
	v63 =	vadd.f32 v22, v11;
	v21 =	vadd.f32 v60, v11  }
0x39e: {  	v18 =	vunpack.i.l.bf16.f32 v62;
	v17 =	vmul.bf16 v17, v5;
	v14 =	vadd.bf16 v25, v14  }
0x39f: {  	v16 =	vmax.bf16 v16, v0;
	v13 =	vadd.bf16 v59, v13;
	v12 =	vadd.bf16 v61, v12  }
0x3a0: {  	v16 =	vmul.bf16 v16, v8;
	v15 =	vmax.bf16 v15, v0;
	v33 =	vunpack.i.u.bf16.f32 v17  }
0x3a1: {  	v17 =	vunpack.i.l.bf16.f32 v17;
	v14 =	vadd.bf16 v58, v14;
	v13 =	vadd.bf16 v26, v13  }
0x3a2: {  	v15 =	vmul.bf16 v15, v6;
	v12 =	vadd.bf16 v28, v12;
	v17 =	vadd.f32 v17, v63  }
0x3a3: {  	v34 =	vadd.f32 v33, v21;
	v30 =	vunpack.i.l.bf16.f32 v16;
	v16 =	vunpack.i.u.bf16.f32 v16  }
0x3a4: {  	v31 =	vunpack.i.u.bf16.f32 v15;
	v15 =	vunpack.i.l.bf16.f32 v15;
	v14 =	vmax.bf16 v14, v0  }
0x3a5: {  	v12 =	vmax.bf16 v12, v0;
	v13 =	vmax.bf16 v13, v0;
	v17 =	vadd.f32 v18, v17  }
0x3a6: {  	v15 =	vadd.f32 v15, v7;
	v32 =	vadd.f32 v31, v11;
	v14 =	vmul.bf16 v14, v3  }
0x3a7: {  	v37 =	vadd.f32 v29, v34;
	v12 =	vmul.bf16 v12, v4;
	v13 =	vmul.bf16 v13, v2  }
0x3a8: {  	v15 =	vadd.f32 v30, v15;
	v16 =	vadd.f32 v16, v32;
	v35 =	vunpack.i.u.bf16.f32 v14  }
0x3a9: {  	v14 =	vunpack.i.l.bf16.f32 v14;
	v36 =	vunpack.i.l.bf16.f32 v12;
	v12 =	vunpack.i.u.bf16.f32 v12  }
0x3aa: {  	v39 =	vunpack.i.u.bf16.f32 v13;
	v14 =	vadd.f32 v14, v15;
	v15 =	vadd.f32 v35, v16  }
0x3ab: {  	v13 =	vunpack.i.l.bf16.f32 v13;
	v38 =	vadd.f32 v36, v17;
	v12 =	vadd.f32 v12, v37  }
0x3ac: {  	v13 =	vadd.f32 v13, v14;
	v14 =	vadd.f32 v39, v15  }
0x3ad: {  	s31 =	simm.s32 $0x1  }
0x3ae: {  	s16 =	simm.s32 $0x0;
	v13 =	vadd.f32 v38, v13;
	v12 =	vadd.f32 v12, v14;
	v14 =	vor.u32 s31, v1  }
0x3af: {  	v15 =	vor.u32 s16, v1  }
0x3b0: {  	s17 =	simm.s32 $0x2;
	v12 =	vadd.f32 v13, v12  }
0x3b1: {  	v13 =	vor.u32 s17, v1  }
0x3b2: {  	[tilespmem:s18+$0x0] =	vst v12;
	s18 =	simm.s32 $0x3  }
0x3b3: {  	v12 =	vld.idx.msk [tilespmem:v14+s28+$0x0], $0xffff;
	v14 =	vor.u32 s18, v1  }
0x3b4: {  	s19 =	simm.s32 $0x4;
	v15 =	vld.idx.msk [tilespmem:v15+s28+$0x0], $0xffff  }
0x3b5: {  	v40 =	vor.u32 s19, v1  }
0x3b6: {  	s20 =	simm.s32 $0x5;
	v13 =	vld.idx.msk [tilespmem:v13+s28+$0x0], $0xffff  }
0x3b7: {  	v41 =	vor.u32 s20, v1  }
0x3b8: {  	s24 =	simm.s32 $0x6;
	v14 =	vld.idx.msk [tilespmem:v14+s28+$0x0], $0xffff  }
0x3b9: {  	v42 =	vor.u32 s24, v1;
	v12 =	vadd.f32 v12, v15  }
0x3ba: {  	s31 =	simm.s32 $0x7;
	v15 =	vld.idx.msk [tilespmem:v40+s28+$0x0], $0xffff  }
0x3bb: {  	v43 =	vor.u32 s31, v1;
	v12 =	vadd.f32 v13, v12  }
0x3bc: {  	s16 =	simm.s32 $0x8;
	v13 =	vld.idx.msk [tilespmem:v41+s28+$0x0], $0xffff  }
0x3bd: {  	v44 =	vor.u32 s16, v1;
	v12 =	vadd.f32 v14, v12  }
0x3be: {  	s17 =	simm.s32 $0x9;
	v14 =	vld.idx.msk [tilespmem:v42+s28+$0x0], $0xffff  }
0x3bf: {  	v45 =	vor.u32 s17, v1;
	v12 =	vadd.f32 v15, v12  }
0x3c0: {  	s18 =	simm.s32 $0xA;
	v15 =	vld.idx.msk [tilespmem:v43+s28+$0x0], $0xffff  }
0x3c1: {  	v46 =	vor.u32 s18, v1;
	v12 =	vadd.f32 v13, v12  }
0x3c2: {  	s19 =	simm.s32 $0xB;
	v13 =	vld.idx.msk [tilespmem:v44+s28+$0x0], $0xffff  }
0x3c3: {  	v47 =	vor.u32 s19, v1;
	v12 =	vadd.f32 v14, v12  }
0x3c4: {  	s20 =	simm.s32 $0xC;
	v14 =	vld.idx.msk [tilespmem:v45+s28+$0x0], $0xffff  }
0x3c5: {  	v48 =	vor.u32 s20, v1;
	v12 =	vadd.f32 v15, v12  }
0x3c6: {  	s24 =	simm.s32 $0xD;
	v15 =	vld.idx.msk [tilespmem:v46+s28+$0x0], $0xffff  }
0x3c7: {  	v49 =	vor.u32 s24, v1;
	v12 =	vadd.f32 v13, v12  }
0x3c8: {  	s31 =	simm.s32 $0xE;
	v13 =	vld.idx.msk [tilespmem:v47+s28+$0x0], $0xffff  }
0x3c9: {  	v50 =	vor.u32 s31, v1;
	v12 =	vadd.f32 v14, v12  }
0x3ca: {  	v14 =	vld.idx.msk [tilespmem:v48+s28+$0x0], $0xffff  }
0x3cb: {  	v51 =	vor.u32 s29, v1;
	v12 =	vadd.f32 v15, v12  }
0x3cc: {  	v15 =	vld.idx.msk [tilespmem:v49+s28+$0x0], $0xffff  }
0x3cd: {  	v12 =	vadd.f32 v13, v12  }
0x3ce: {  	v13 =	vld.idx.msk [tilespmem:v50+s28+$0x0], $0xffff  }
0x3cf: {  	v12 =	vadd.f32 v14, v12  }
0x3d0: {  	v14 =	vld.idx.msk [tilespmem:v51+s28+$0x0], $0xffff  }
0x3d1: {  	v12 =	vadd.f32 v15, v12  }
0x3d2: {  	s16 =	simm.s32 $0x101  }
0x3d3: {  	s17 =	simm.s32 $0x100;
	v15 =	vor.u32 s16, v1;
	v12 =	vadd.f32 v13, v12  }
0x3d4: {  	v13 =	vor.u32 s17, v1  }
0x3d5: {  	s18 =	simm.s32 $0x102;
	v12 =	vadd.f32 v14, v12  }
0x3d6: {  	v14 =	vor.u32 s18, v1  }
0x3d7: {  	s19 =	simm.s32 $0x103;
	[tilespmem:s15+$0x0] =	vst v12  }
0x3d8: {  	v12 =	vld.idx.msk [tilespmem:v15+s28+$0x0], $0xffff;
	v15 =	vor.u32 s19, v1  }
0x3d9: {  	s20 =	simm.s32 $0x104;
	v13 =	vld.idx.msk [tilespmem:v13+s28+$0x0], $0xffff  }
0x3da: {  	v52 =	vor.u32 s20, v1  }
0x3db: {  	s24 =	simm.s32 $0x105;
	v14 =	vld.idx.msk [tilespmem:v14+s28+$0x0], $0xffff  }
0x3dc: {  	v53 =	vor.u32 s24, v1  }
0x3dd: {  	s29 =	simm.s32 $0x106;
	v15 =	vld.idx.msk [tilespmem:v15+s28+$0x0], $0xffff  }
0x3de: {  	v54 =	vor.u32 s29, v1;
	v12 =	vadd.f32 v12, v13  }
0x3df: {  	s31 =	simm.s32 $0x107;
	v13 =	vld.idx.msk [tilespmem:v52+s28+$0x0], $0xffff  }
0x3e0: {  	v55 =	vor.u32 s31, v1;
	v12 =	vadd.f32 v14, v12  }
0x3e1: {  	s16 =	simm.s32 $0x108;
	v14 =	vld.idx.msk [tilespmem:v53+s28+$0x0], $0xffff  }
0x3e2: {  	v56 =	vor.u32 s16, v1;
	v12 =	vadd.f32 v15, v12  }
0x3e3: {  	s17 =	simm.s32 $0x109;
	v15 =	vld.idx.msk [tilespmem:v54+s28+$0x0], $0xffff  }
0x3e4: {  	v57 =	vor.u32 s17, v1;
	v12 =	vadd.f32 v13, v12  }
0x3e5: {  	s18 =	simm.s32 $0x10A;
	v13 =	vld.idx.msk [tilespmem:v55+s28+$0x0], $0xffff  }
0x3e6: {  	v58 =	vor.u32 s18, v1;
	v12 =	vadd.f32 v14, v12  }
0x3e7: {  	s19 =	simm.s32 $0x10B;
	v14 =	vld.idx.msk [tilespmem:v56+s28+$0x0], $0xffff  }
0x3e8: {  	v59 =	vor.u32 s19, v1;
	v12 =	vadd.f32 v15, v12  }
0x3e9: {  	v15 =	vld.idx.msk [tilespmem:v57+s28+$0x0], $0xffff  }
0x3ea: {  	s20 =	simm.s32 $0x10C;
	v12 =	vadd.f32 v13, v12  }
0x3eb: {  	v60 =	vor.u32 s20, v1;
	v13 =	vld.idx.msk [tilespmem:v58+s28+$0x0], $0xffff  }
0x3ec: {  	s24 =	simm.s32 $0x10D;
	v12 =	vadd.f32 v14, v12  }
0x3ed: {  	v61 =	vor.u32 s24, v1;
	v14 =	vld.idx.msk [tilespmem:v59+s28+$0x0], $0xffff  }
0x3ee: {  	v12 =	vadd.f32 v15, v12  }
0x3ef: {  	s29 =	simm.s32 $0x10E  }
0x3f0: {  	v62 =	vor.u32 s29, v1;
	v15 =	vld.idx.msk [tilespmem:v60+s28+$0x0], $0xffff;
	v12 =	vadd.f32 v13, v12  }
0x3f1: {  	s31 =	simm.s32 $0x10F  }
0x3f2: {  	v13 =	vld.idx.msk [tilespmem:v61+s28+$0x0], $0xffff;
	v12 =	vadd.f32 v14, v12;
	v14 =	vor.u32 s31, v1;
	_ =	sdelay $0x2  }
0x3f3: {  	v63 =	vld.idx.msk [tilespmem:v62+s28+$0x0], $0xffff;
	v12 =	vadd.f32 v15, v12;
	_ =	sdelay $0x1  }
0x3f4: {  	v15 =	vadd.f32 v13, v12;
	v13 =	vld.idx.msk [tilespmem:v14+s28+$0x0], $0xffff;
	_ =	sdelay $0x1  }
0x3f5: {  	s17 =	simm.s32 $0x201  }
0x3f6: {  	s0 =	simm.s32 $0x200;
	s16 =	simm.s32 $0x20F;
	v12 =	vor.u32 s17, v1;
	s17 =	simm.s32 $0x30F;
	v14 =	vadd.f32 v63, v15  }
.LBB2_14:
0x3f7: {  	p0 =	sne.s32 s17, $0x70F;
	v15 =	vor.u32 s0, v1  }
0x3f8: {  	s0 =	sadd.s32 $0xFFFFFFF3, s16;
	v13 =	vadd.f32 v13, v14  }
0x3f9: {  	s15 =	sadd.s32 $0x10, s15;
	v14 =	vor.u32 s0, v1  }
0x3fa: {  	s0 =	sadd.s32 $0xFFFFFFF4, s16;
	[tilespmem:s15+$0x0] =	vst v13  }
0x3fb: {  	v13 =	vor.u32 s0, v1;
	v12 =	vld.idx.msk [tilespmem:v12+s28+$0x0], $0xffff  }
0x3fc: {  	s0 =	sadd.s32 $0xFFFFFFF5, s16;
	v15 =	vld.idx.msk [tilespmem:v15+s28+$0x0], $0xffff  }
0x3fd: {  	v16 =	vor.u32 s0, v1  }
0x3fe: {  	s0 =	sadd.s32 $0xFFFFFFF6, s16;
	v14 =	vld.idx.msk [tilespmem:v14+s28+$0x0], $0xffff  }
0x3ff: {  	v17 =	vor.u32 s0, v1  }
0x400: {  	s0 =	sadd.s32 $0xFFFFFFF7, s16;
	v13 =	vld.idx.msk [tilespmem:v13+s28+$0x0], $0xffff  }
0x401: {  	v18 =	vor.u32 s0, v1  }
0x402: {  	s0 =	sadd.s32 $0xFFFFFFF8, s16;
	v12 =	vadd.f32 v12, v15;
	v15 =	vld.idx.msk [tilespmem:v16+s28+$0x0], $0xffff  }
0x403: {  	v16 =	vor.u32 s0, v1  }
0x404: {  	s0 =	sadd.s32 $0xFFFFFFF9, s16;
	v12 =	vadd.f32 v14, v12;
	v14 =	vld.idx.msk [tilespmem:v17+s28+$0x0], $0xffff  }
0x405: {  	v17 =	vor.u32 s0, v1  }
0x406: {  	s0 =	sadd.s32 $0xFFFFFFFA, s16;
	v12 =	vadd.f32 v13, v12;
	v13 =	vld.idx.msk [tilespmem:v18+s28+$0x0], $0xffff  }
0x407: {  	v18 =	vor.u32 s0, v1  }
0x408: {  	s0 =	sadd.s32 $0xFFFFFFFB, s16;
	v12 =	vadd.f32 v15, v12;
	v15 =	vld.idx.msk [tilespmem:v16+s28+$0x0], $0xffff  }
0x409: {  	v16 =	vor.u32 s0, v1  }
0x40a: {  	s0 =	sadd.s32 $0xFFFFFFFC, s16;
	v12 =	vadd.f32 v14, v12;
	v14 =	vld.idx.msk [tilespmem:v17+s28+$0x0], $0xffff  }
0x40b: {  	v17 =	vor.u32 s0, v1  }
0x40c: {  	s0 =	sadd.s32 $0xFFFFFFFD, s16;
	v12 =	vadd.f32 v13, v12;
	v13 =	vld.idx.msk [tilespmem:v18+s28+$0x0], $0xffff  }
0x40d: {  	v18 =	vor.u32 s0, v1  }
0x40e: {  	s0 =	sadd.s32 $0xFFFFFFFE, s16;
	v12 =	vadd.f32 v15, v12;
	v15 =	vld.idx.msk [tilespmem:v16+s28+$0x0], $0xffff  }
0x40f: {  	v16 =	vor.u32 s0, v1  }
0x410: {  	s0 =	sadd.s32 $0xFFFFFFFF, s16;
	v12 =	vadd.f32 v14, v12;
	v14 =	vld.idx.msk [tilespmem:v17+s28+$0x0], $0xffff  }
0x411: {  	v17 =	vor.u32 s0, v1  }
0x412: {  	v12 =	vadd.f32 v13, v12;
	v13 =	vld.idx.msk [tilespmem:v18+s28+$0x0], $0xffff  }
0x413: {  	v18 =	vor.u32 s16, v1;
	s16 =	smov.u32 s17  }
0x414: {  	v12 =	vadd.f32 v15, v12;
	v15 =	vld.idx.msk [tilespmem:v16+s28+$0x0], $0xffff;
	_ =	sdelay $0x1  }
0x415: {  	v12 =	vadd.f32 v14, v12;
	v14 =	vld.idx.msk [tilespmem:v17+s28+$0x0], $0xffff;
	_ =	sdelay $0x1  }
.Ltmp6:
0x416: {  	v12 =	vadd.f32 v13, v12;
	v13 =	vld.idx.msk [tilespmem:v18+s28+$0x0], $0xffff;
	(pc) =	sbr.rel @p0 .LBB2_14-.Ltmp6, $4  }
0x417: {  	_ = 	snop  }
0x418: {  	v15 =	vadd.f32 v15, v12  }
0x419: {  	s18 =	sadd.s32 $0xFFFFFFF2, s17  }
0x41a: {  	s17 =	sadd.s32 $0x100, s17;
	s0 =	sadd.s32 $0xFFFFFFF1, s16;
	v12 =	vor.u32 s18, v1;
	v14 =	vadd.f32 v14, v15  }
0x41b: {  	v15 =	vor.u32 s0, v1  }
0x41c: {  	s18 =	sadd.s32 $0xFFFFFFF3, s16;
	v13 =	vadd.f32 v13, v14  }
0x41d: {  	s0 =	sadd.s32 $0x10, s15;
	v14 =	vor.u32 s18, v1  }
0x41e: {  	s19 =	sadd.s32 $0xFFFFFFF4, s16;
	[tilespmem:s0+$0x0] =	vst v13  }
0x41f: {  	v13 =	vor.u32 s19, v1;
	v12 =	vld.idx.msk [tilespmem:v12+s28+$0x0], $0xffff  }
0x420: {  	s20 =	sadd.s32 $0xFFFFFFF5, s16;
	v15 =	vld.idx.msk [tilespmem:v15+s28+$0x0], $0xffff  }
0x421: {  	v16 =	vor.u32 s20, v1  }
0x422: {  	s24 =	sadd.s32 $0xFFFFFFF6, s16;
	v14 =	vld.idx.msk [tilespmem:v14+s28+$0x0], $0xffff  }
0x423: {  	v17 =	vor.u32 s24, v1  }
0x424: {  	s29 =	sadd.s32 $0xFFFFFFF7, s16;
	v13 =	vld.idx.msk [tilespmem:v13+s28+$0x0], $0xffff  }
0x425: {  	v18 =	vor.u32 s29, v1;
	v12 =	vadd.f32 v12, v15  }
0x426: {  	s17 =	sadd.s32 $0xFFFFFFF8, s16;
	v15 =	vld.idx.msk [tilespmem:v16+s28+$0x0], $0xffff  }
0x427: {  	v16 =	vor.u32 s17, v1;
	v12 =	vadd.f32 v14, v12  }
0x428: {  	s18 =	sadd.s32 $0xFFFFFFF9, s16;
	v14 =	vld.idx.msk [tilespmem:v17+s28+$0x0], $0xffff  }
0x429: {  	v17 =	vor.u32 s18, v1;
	v12 =	vadd.f32 v13, v12  }
0x42a: {  	s19 =	sadd.s32 $0xFFFFFFFA, s16;
	v13 =	vld.idx.msk [tilespmem:v18+s28+$0x0], $0xffff  }
0x42b: {  	v18 =	vor.u32 s19, v1;
	v12 =	vadd.f32 v15, v12  }
0x42c: {  	s20 =	sadd.s32 $0xFFFFFFFB, s16;
	v15 =	vld.idx.msk [tilespmem:v16+s28+$0x0], $0xffff  }
0x42d: {  	v16 =	vor.u32 s20, v1;
	v12 =	vadd.f32 v14, v12  }
0x42e: {  	s24 =	sadd.s32 $0xFFFFFFFC, s16;
	v14 =	vld.idx.msk [tilespmem:v17+s28+$0x0], $0xffff  }
0x42f: {  	v17 =	vor.u32 s24, v1;
	v12 =	vadd.f32 v13, v12  }
0x430: {  	s29 =	sadd.s32 $0xFFFFFFFD, s16;
	v13 =	vld.idx.msk [tilespmem:v18+s28+$0x0], $0xffff  }
0x431: {  	v18 =	vor.u32 s29, v1;
	v12 =	vadd.f32 v15, v12  }
0x432: {  	s17 =	sadd.s32 $0xFFFFFFFE, s16;
	v15 =	vld.idx.msk [tilespmem:v16+s28+$0x0], $0xffff  }
0x433: {  	v16 =	vor.u32 s17, v1;
	v12 =	vadd.f32 v14, v12  }
0x434: {  	s18 =	sadd.s32 $0xFFFFFFFF, s16;
	v14 =	vld.idx.msk [tilespmem:v17+s28+$0x0], $0xffff  }
0x435: {  	v17 =	vor.u32 s18, v1;
	v12 =	vadd.f32 v13, v12  }
0x436: {  	v13 =	vld.idx.msk [tilespmem:v18+s28+$0x0], $0xffff  }
0x437: {  	v18 =	vor.u32 s16, v1;
	v12 =	vadd.f32 v15, v12  }
0x438: {  	v15 =	vld.idx.msk [tilespmem:v16+s28+$0x0], $0xffff  }
0x439: {  	v12 =	vadd.f32 v14, v12  }
0x43a: {  	v14 =	vld.idx.msk [tilespmem:v17+s28+$0x0], $0xffff  }
0x43b: {  	v12 =	vadd.f32 v13, v12  }
0x43c: {  	v13 =	vld.idx.msk [tilespmem:v18+s28+$0x0], $0xffff  }
0x43d: {  	v12 =	vadd.f32 v15, v12;
	_ =	sdelay $0x1  }
0x43e: {  	v12 =	vadd.f32 v14, v12;
	_ =	sdelay $0x1  }
0x43f: {  	v12 =	vadd.f32 v13, v12  }
0x440: {  	s0 =	sadd.s32 $0x10, s0  }
0x441: {  	[tilespmem:s0+$0x0] =	vst v12  }
0x442: {  	_ =	swait.ge [sflag:s30], $0x4000  }
0x443: {  	[sflag:s30] =	ssyncset.done $0x0  }
0x444: {  	s19 =	simm.s32 $0xC101;
	[sflag:s30] =	ssyncadd.s32 $0xFFFFC000  }
0x445: {  	v12 =	vld [tilespmem:s19+$0xFFFFFFFF];
	_ =	sdelay $0x3  }
0x446: {  	s17 =	simm.s32 $0xD201  }
0x447: {  	v13 =	vld [tilespmem:s17+$0xFFFFFFFF];
	(v2sf) =	vpush v12, $0x0;
	_ =	sdelay $0x4  }
0x448: {  	(v2sf) =	vpush v13, $0x0;
	_ =	sdelay $0x5  }
0x449: {  	s16 =	simm.s32 $0x7CF0  }
0x44a: {  	v14 =	vld [tilespmem:s16+$0xFFFFFF20]  }
0x44b: {  	v15 =	vld [tilespmem:s16+$0xFFFFFF30]  }
0x44c: {  	v16 =	vld [tilespmem:s16+$0xFFFFFF10]  }
0x44d: {  	v17 =	vld [tilespmem:s16+$0xFFFFFF40];
	s20 =	spop (v2sf)  }
0x44e: {  	v12 =	vld [tilespmem:s16+$0xFFFFFF60];
	s0 =	sshll.u32 s20, $0x9  }
0x44f: {  	v13 =	vld [tilespmem:s16+$0xFFFFFF50];
	s0 =	sshra.s32 s0, $0x2  }
0x450: {  	v18 =	vld [tilespmem:s0+$0x820]  }
0x451: {  	v19 =	vld [tilespmem:s0+$0x830]  }
0x452: {  	s18 =	spop (v2sf);
	v20 =	vld [tilespmem:s0+$0x800]  }
0x453: {  	s18 =	sshll.u32 s18, $0x9;
	v23 =	vld [tilespmem:s0+$0x810]  }
0x454: {  	s18 =	sshra.s32 s18, $0x2;
	v25 =	vld [tilespmem:s0+$0x840]  }
0x455: {  	v21 =	vld [tilespmem:s18+$0x10]  }
0x456: {  	v22 =	vld [tilespmem:s18+$0x0]  }
0x457: {  	v24 =	vld [tilespmem:s18+$0x20]  }
0x458: {  	v16 =	vadd.bf16 v20, v16;
	v20 =	vld [tilespmem:s0+$0x850]  }
0x459: {  	v15 =	vadd.bf16 v18, v15;
	v18 =	vld [tilespmem:s16+$0xFFFFFF70]  }
0x45a: {  	v14 =	vadd.bf16 v23, v14;
	v23 =	vld [tilespmem:s18+$0x40]  }
0x45b: {  	v17 =	vadd.bf16 v19, v17;
	v19 =	vld [tilespmem:s18+$0x30];
	v16 =	vadd.bf16 v22, v16  }
0x45c: {  	v22 =	vld [tilespmem:s0+$0x860];
	v15 =	vadd.bf16 v24, v15;
	v14 =	vadd.bf16 v21, v14  }
0x45d: {  	v13 =	vadd.bf16 v25, v13;
	v24 =	vld [tilespmem:s18+$0x50]  }
0x45e: {  	v21 =	vld [tilespmem:s18+$0x60];
	v16 =	vmax.bf16 v16, v0;
	v15 =	vmax.bf16 v15, v0;
	v14 =	vmax.bf16 v14, v0  }
0x45f: {  	v16 =	vmul.bf16 v16, v6;
	v12 =	vadd.bf16 v20, v12;
	v15 =	vmul.bf16 v15, v8  }
0x460: {  	v13 =	vadd.bf16 v23, v13;
	v14 =	vmul.bf16 v14, v10;
	v17 =	vadd.bf16 v19, v17  }
0x461: {  	v20 =	vunpack.i.u.bf16.f32 v16;
	v16 =	vunpack.i.l.bf16.f32 v16;
	v18 =	vadd.bf16 v22, v18  }
0x462: {  	v19 =	vld [tilespmem:s16+$0xFFFFFF80];
	v22 =	vunpack.i.l.bf16.f32 v15;
	v15 =	vunpack.i.u.bf16.f32 v15;
	v12 =	vadd.bf16 v24, v12  }
0x463: {  	v13 =	vmax.bf16 v13, v0;
	v16 =	vadd.f32 v16, v7;
	v18 =	vadd.bf16 v21, v18;
	v21 =	vld [tilespmem:s0+$0x870]  }
0x464: {  	v17 =	vmax.bf16 v17, v0;
	v20 =	vadd.f32 v20, v11;
	v13 =	vmul.bf16 v13, v3  }
0x465: {  	v17 =	vmul.bf16 v17, v5;
	v12 =	vmax.bf16 v12, v0;
	v16 =	vadd.f32 v22, v16;
	v22 =	vld [tilespmem:s18+$0x70]  }
0x466: {  	v15 =	vadd.f32 v15, v20;
	v20 =	vunpack.i.l.bf16.f32 v14;
	v23 =	vunpack.i.u.bf16.f32 v13  }
0x467: {  	v13 =	vunpack.i.l.bf16.f32 v13;
	v14 =	vunpack.i.u.bf16.f32 v14;
	v12 =	vmul.bf16 v12, v9  }
0x468: {  	v18 =	vmax.bf16 v18, v0;
	v20 =	vadd.f32 v20, v11;
	v19 =	vadd.bf16 v21, v19  }
0x469: {  	v14 =	vadd.f32 v14, v11;
	v15 =	vadd.f32 v23, v15;
	v18 =	vmul.bf16 v18, v2  }
0x46a: {  	v13 =	vadd.f32 v13, v16;
	v16 =	vunpack.i.u.bf16.f32 v12;
	v19 =	vadd.bf16 v22, v19  }
0x46b: {  	v21 =	vunpack.i.l.bf16.f32 v18;
	v22 =	vunpack.i.u.bf16.f32 v17;
	v17 =	vunpack.i.l.bf16.f32 v17  }
0x46c: {  	v17 =	vadd.f32 v17, v20;
	v14 =	vadd.f32 v22, v14;
	v19 =	vmax.bf16 v19, v0  }
0x46d: {  	v12 =	vunpack.i.l.bf16.f32 v12;
	v13 =	vadd.f32 v21, v13;
	v19 =	vmul.bf16 v19, v4  }
0x46e: {  	v18 =	vunpack.i.u.bf16.f32 v18;
	v12 =	vadd.f32 v12, v17;
	v14 =	vadd.f32 v16, v14  }
0x46f: {  	v15 =	vadd.f32 v18, v15;
	v16 =	vunpack.i.u.bf16.f32 v19;
	v17 =	vunpack.i.l.bf16.f32 v19  }
0x470: {  	v12 =	vadd.f32 v17, v12;
	v14 =	vadd.f32 v16, v14;
	_ =	sdelay $0x1  }
0x471: {  	v12 =	vadd.f32 v12, v13;
	v13 =	vadd.f32 v14, v15;
	_ =	sdelay $0x1  }
0x472: {  	v12 =	vadd.f32 v12, v13  }
0x473: {  	s18 =	simm.s32 $0xC890  }
0x474: {  	[tilespmem:s18+$0xFFFFFFF0] =	vst v12  }
0x475: {  	v12 =	vld [tilespmem:s19+$0x0];
	_ =	sdelay $0x1  }
0x476: {  	v13 =	vld [tilespmem:s17+$0x0];
	_ =	sdelay $0x2  }
0x477: {  	(v2sf) =	vpush v12, $0x0;
	_ =	sdelay $0x1  }
0x478: {  	(v2sf) =	vpush v13, $0x0;
	_ =	sdelay $0x7  }
0x479: {  	v14 =	vld [tilespmem:s16+$0xFFFFFFD0]  }
0x47a: {  	v15 =	vld [tilespmem:s16+$0xFFFFFF90]  }
0x47b: {  	v16 =	vld [tilespmem:s16+$0xFFFFFFB0]  }
0x47c: {  	v19 =	vld [tilespmem:s16+$0xFFFFFFC0]  }
0x47d: {  	v18 =	vld [tilespmem:s16+$0xFFFFFFA0]  }
0x47e: {  	v20 =	vld [tilespmem:s16+$0xFFFFFFE0];
	s24 =	spop (v2sf)  }
0x47f: {  	v12 =	vld [tilespmem:s16+$0x0];
	s0 =	sshll.u32 s24, $0x9  }
0x480: {  	v13 =	vld [tilespmem:s16+$0xFFFFFFF0];
	s29 =	spop (v2sf);
	s0 =	sshra.s32 s0, $0x2  }
0x481: {  	s15 =	sshll.u32 s29, $0x9;
	v21 =	vld [tilespmem:s0+$0x850]  }
0x482: {  	s31 =	sshra.s32 s15, $0x2;
	v23 =	vld [tilespmem:s0+$0x810]  }
0x483: {  	v24 =	vld [tilespmem:s31+$0x50]  }
0x484: {  	v25 =	vld [tilespmem:s31+$0x10]  }
0x485: {  	v26 =	vld [tilespmem:s0+$0x830]  }
0x486: {  	v22 =	vld [tilespmem:s0+$0x820];
	v21 =	vadd.bf16 v21, v20  }
0x487: {  	v17 =	vld [tilespmem:s31+$0x30];
	v18 =	vadd.bf16 v23, v18  }
0x488: {  	v20 =	vld [tilespmem:s0+$0x800];
	v27 =	vadd.bf16 v24, v21  }
0x489: {  	s20 =	simm.s32 $0xC103;
	s19 =	simm.s32 $0x0;
	v21 =	vld [tilespmem:s31+$0x20];
	v24 =	vadd.bf16 v25, v18  }
0x48a: {  	s17 =	simm.s32 $0xC890;
	s24 =	simm.s32 $0xD203;
	s15 =	simm.s32 $0xC800;
	v23 =	vadd.bf16 v26, v19;
	v18 =	vld [tilespmem:s31+$0x0];
	v19 =	vmax.bf16 v27, v0  }
.LBB2_16:
0x48b: {  	s19 =	sadd.s32 $0x2, s19;
	v24 =	vmax.bf16 v24, v0;
	v25 =	vld [tilespmem:s0+$0x840];
	s16 =	sadd.s32 $0x100, s16;
	s18 =	sadd.s32 $0x20, s18  }
0x48c: {  	p0 =	slt.u32 s19, $0x7E;
	v24 =	vmul.bf16 v24, v10;
	v16 =	vadd.bf16 v22, v16;
	v17 =	vadd.bf16 v17, v23;
	v22 =	vld [tilespmem:s31+$0x40]  }
0x48d: {  	v15 =	vadd.bf16 v20, v15;
	v20 =	vld [tilespmem:s0+$0x860]  }
0x48e: {  	v23 =	vunpack.i.u.bf16.f32 v24;
	v24 =	vunpack.i.l.bf16.f32 v24;
	v16 =	vadd.bf16 v21, v16;
	v21 =	vld [tilespmem:s31+$0x60]  }
0x48f: {  	v24 =	vadd.f32 v24, v11;
	v23 =	vadd.f32 v23, v11;
	v26 =	vld [tilespmem:s0+$0x870]  }
0x490: {  	v15 =	vadd.bf16 v18, v15;
	v18 =	vmul.bf16 v19, v9;
	v16 =	vmax.bf16 v16, v0;
	v19 =	vld [tilespmem:s31+$0x70]  }
0x491: {  	v14 =	vadd.bf16 v25, v14;
	v16 =	vmul.bf16 v16, v8  }
0x492: {  	v15 =	vmax.bf16 v15, v0;
	v25 =	vunpack.i.u.bf16.f32 v18;
	v18 =	vunpack.i.l.bf16.f32 v18  }
0x493: {  	v15 =	vmul.bf16 v15, v6;
	v14 =	vadd.bf16 v22, v14;
	v13 =	vadd.bf16 v20, v13  }
0x494: {  	v20 =	vunpack.i.l.bf16.f32 v16;
	v12 =	vadd.bf16 v26, v12  }
0x495: {  	v22 =	vunpack.i.u.bf16.f32 v15;
	v15 =	vunpack.i.l.bf16.f32 v15;
	v13 =	vadd.bf16 v21, v13  }
0x496: {  	v17 =	vmax.bf16 v17, v0;
	v15 =	vadd.f32 v15, v7;
	v12 =	vadd.bf16 v19, v12  }
0x497: {  	v17 =	vmul.bf16 v17, v5;
	v16 =	vunpack.i.u.bf16.f32 v16;
	v19 =	vadd.f32 v22, v11  }
0x498: {  	v14 =	vmax.bf16 v14, v0;
	v15 =	vadd.f32 v20, v15;
	v12 =	vmax.bf16 v12, v0  }
0x499: {  	v14 =	vmul.bf16 v14, v3;
	v20 =	vunpack.i.u.bf16.f32 v17;
	v17 =	vunpack.i.l.bf16.f32 v17  }
0x49a: {  	v16 =	vadd.f32 v16, v19;
	v12 =	vmul.bf16 v12, v4  }
0x49b: {  	v13 =	vmax.bf16 v13, v0;
	v17 =	vadd.f32 v17, v24;
	v19 =	vadd.f32 v20, v23  }
0x49c: {  	v20 =	vunpack.i.u.bf16.f32 v14;
	v14 =	vunpack.i.l.bf16.f32 v14;
	v21 =	vunpack.i.l.bf16.f32 v12  }
0x49d: {  	v17 =	vadd.f32 v18, v17;
	v18 =	vadd.f32 v25, v19;
	v12 =	vunpack.i.u.bf16.f32 v12  }
0x49e: {  	v13 =	vmul.bf16 v13, v2;
	v14 =	vadd.f32 v14, v15;
	v15 =	vadd.f32 v20, v16  }
0x49f: {  	v16 =	vadd.f32 v21, v17;
	v12 =	vadd.f32 v12, v18  }
0x4a0: {  	v17 =	vunpack.i.u.bf16.f32 v13;
	v13 =	vunpack.i.l.bf16.f32 v13  }
0x4a1: {  	v13 =	vadd.f32 v13, v14;
	v14 =	vadd.f32 v17, v15;
	_ =	sdelay $0x1  }
0x4a2: {  	v13 =	vadd.f32 v16, v13;
	v12 =	vadd.f32 v12, v14;
	_ =	sdelay $0x1  }
0x4a3: {  	v12 =	vadd.f32 v13, v12;
	_ =	sdelay $0x1  }
0x4a4: {  	[tilespmem:s17+$0x0] =	vst v12;
	s17 =	smov.u32 s18  }
0x4a5: {  	v12 =	vld [tilespmem:s20+$0xFFFFFFFF];
	_ =	sdelay $0x2  }
0x4a6: {  	v13 =	vld [tilespmem:s24+$0xFFFFFFFF];
	_ =	sdelay $0x1  }
0x4a7: {  	(v2sf) =	vpush v12, $0x0;
	_ =	sdelay $0x2  }
0x4a8: {  	(v2sf) =	vpush v13, $0x0;
	_ =	sdelay $0x8  }
0x4a9: {  	v12 =	vld [tilespmem:s16+$0xFFFFFF60]  }
0x4aa: {  	v13 =	vld [tilespmem:s16+$0xFFFFFF50]  }
0x4ab: {  	v14 =	vld [tilespmem:s16+$0xFFFFFF20]  }
0x4ac: {  	v15 =	vld [tilespmem:s16+$0xFFFFFF30];
	s0 =	spop (v2sf)  }
0x4ad: {  	v16 =	vld [tilespmem:s16+$0xFFFFFF10];
	s0 =	sshll.u32 s0, $0x9  }
0x4ae: {  	s0 =	sshra.s32 s0, $0x2;
	v17 =	vld [tilespmem:s16+$0xFFFFFF40]  }
0x4af: {  	v18 =	vld [tilespmem:s0+$0x820];
	s29 =	spop (v2sf)  }
0x4b0: {  	s29 =	sshll.u32 s29, $0x9;
	v19 =	vld [tilespmem:s0+$0x830]  }
0x4b1: {  	v20 =	vld [tilespmem:s0+$0x800];
	s29 =	sshra.s32 s29, $0x2  }
0x4b2: {  	v21 =	vld [tilespmem:s29+$0x10]  }
0x4b3: {  	v22 =	vld [tilespmem:s29+$0x0]  }
0x4b4: {  	v23 =	vld [tilespmem:s0+$0x810]  }
0x4b5: {  	v24 =	vld [tilespmem:s29+$0x20];
	v17 =	vadd.bf16 v19, v17  }
0x4b6: {  	v15 =	vadd.bf16 v18, v15;
	v16 =	vadd.bf16 v20, v16;
	v18 =	vld [tilespmem:s0+$0x850]  }
0x4b7: {  	v19 =	vld [tilespmem:s0+$0x840]  }
0x4b8: {  	v16 =	vadd.bf16 v22, v16;
	v20 =	vld [tilespmem:s16+$0xFFFFFF70]  }
0x4b9: {  	v14 =	vadd.bf16 v23, v14;
	v22 =	vld [tilespmem:s0+$0x860]  }
0x4ba: {  	v16 =	vmax.bf16 v16, v0;
	v15 =	vadd.bf16 v24, v15;
	v23 =	vld [tilespmem:s29+$0x40]  }
0x4bb: {  	v16 =	vmul.bf16 v16, v6;
	v14 =	vadd.bf16 v21, v14;
	v21 =	vld [tilespmem:s29+$0x30]  }
0x4bc: {  	v12 =	vadd.bf16 v18, v12;
	v15 =	vmax.bf16 v15, v0;
	v13 =	vadd.bf16 v19, v13;
	v18 =	vld [tilespmem:s29+$0x60]  }
0x4bd: {  	v19 =	vunpack.i.u.bf16.f32 v16;
	v16 =	vunpack.i.l.bf16.f32 v16;
	v15 =	vmul.bf16 v15, v8  }
0x4be: {  	v14 =	vmax.bf16 v14, v0;
	v24 =	vld [tilespmem:s29+$0x50];
	v20 =	vadd.bf16 v22, v20  }
0x4bf: {  	v19 =	vadd.f32 v19, v11;
	v22 =	vunpack.i.l.bf16.f32 v15;
	v13 =	vadd.bf16 v23, v13  }
0x4c0: {  	v16 =	vadd.f32 v16, v7;
	v14 =	vmul.bf16 v14, v10;
	v17 =	vadd.bf16 v21, v17  }
0x4c1: {  	v15 =	vunpack.i.u.bf16.f32 v15;
	v13 =	vmax.bf16 v13, v0;
	v18 =	vadd.bf16 v18, v20;
	v20 =	vld [tilespmem:s16+$0xFFFFFF80]  }
0x4c2: {  	v16 =	vadd.f32 v22, v16;
	v15 =	vadd.f32 v15, v19;
	v13 =	vmul.bf16 v13, v3;
	v19 =	vld [tilespmem:s0+$0x870]  }
0x4c3: {  	v21 =	vunpack.i.l.bf16.f32 v14;
	v12 =	vadd.bf16 v24, v12;
	v18 =	vmax.bf16 v18, v0  }
0x4c4: {  	v21 =	vadd.f32 v21, v11;
	v22 =	vunpack.i.u.bf16.f32 v13;
	v13 =	vunpack.i.l.bf16.f32 v13;
	v23 =	vld [tilespmem:s29+$0x70]  }
0x4c5: {  	v14 =	vunpack.i.u.bf16.f32 v14;
	v15 =	vadd.f32 v22, v15;
	v12 =	vmax.bf16 v12, v0  }
0x4c6: {  	v14 =	vadd.f32 v14, v11;
	v18 =	vmul.bf16 v18, v2;
	v12 =	vmul.bf16 v12, v9  }
0x4c7: {  	v17 =	vmax.bf16 v17, v0;
	v13 =	vadd.f32 v13, v16;
	v16 =	vadd.bf16 v19, v20  }
0x4c8: {  	v20 =	vunpack.i.l.bf16.f32 v18;
	v19 =	vunpack.i.u.bf16.f32 v12;
	v12 =	vunpack.i.l.bf16.f32 v12  }
0x4c9: {  	v17 =	vmul.bf16 v17, v5;
	v18 =	vunpack.i.u.bf16.f32 v18;
	v16 =	vadd.bf16 v23, v16  }
0x4ca: {  	v13 =	vadd.f32 v20, v13;
	v15 =	vadd.f32 v18, v15  }
0x4cb: {  	v18 =	vunpack.i.u.bf16.f32 v17;
	v17 =	vunpack.i.l.bf16.f32 v17;
	v16 =	vmax.bf16 v16, v0  }
0x4cc: {  	v17 =	vadd.f32 v17, v21;
	v14 =	vadd.f32 v18, v14;
	v16 =	vmul.bf16 v16, v4;
	_ =	sdelay $0x1  }
0x4cd: {  	v12 =	vadd.f32 v12, v17;
	v17 =	vunpack.i.u.bf16.f32 v16;
	v16 =	vunpack.i.l.bf16.f32 v16  }
0x4ce: {  	v14 =	vadd.f32 v19, v14  }
0x4cf: {  	v12 =	vadd.f32 v16, v12  }
0x4d0: {  	v14 =	vadd.f32 v17, v14  }
0x4d1: {  	v12 =	vadd.f32 v12, v13  }
0x4d2: {  	v13 =	vadd.f32 v14, v15;
	_ =	sdelay $0x1  }
0x4d3: {  	v12 =	vadd.f32 v12, v13;
	_ =	sdelay $0x1  }
0x4d4: {  	[tilespmem:s18+$0xFFFFFFF0] =	vst v12  }
0x4d5: {  	v12 =	vld [tilespmem:s20+$0x0]  }
0x4d6: {  	v13 =	vld [tilespmem:s24+$0x0];
	_ =	sdelay $0x3  }
0x4d7: {  	(v2sf) =	vpush v12, $0x0  }
0x4d8: {  	(v2sf) =	vpush v13, $0x0;
	_ =	sdelay $0x8  }
0x4d9: {  	v12 =	vld [tilespmem:s16+$0x0]  }
0x4da: {  	v13 =	vld [tilespmem:s16+$0xFFFFFFF0]  }
0x4db: {  	v14 =	vld [tilespmem:s16+$0xFFFFFFD0]  }
0x4dc: {  	v15 =	vld [tilespmem:s16+$0xFFFFFF90]  }
0x4dd: {  	v16 =	vld [tilespmem:s16+$0xFFFFFFB0]  }
0x4de: {  	v19 =	vld [tilespmem:s16+$0xFFFFFFC0];
	s0 =	spop (v2sf)  }
0x4df: {  	s0 =	sshll.u32 s0, $0x9;
	v18 =	vld [tilespmem:s16+$0xFFFFFFA0];
	s29 =	spop (v2sf)  }
0x4e0: {  	s0 =	sshra.s32 s0, $0x2;
	v20 =	vld [tilespmem:s16+$0xFFFFFFE0]  }
0x4e1: {  	s29 =	sshll.u32 s29, $0x9;
	v21 =	vld [tilespmem:s0+$0x850]  }
0x4e2: {  	s31 =	sshra.s32 s29, $0x2;
	v22 =	vld [tilespmem:s0+$0x810]  }
0x4e3: {  	v23 =	vld [tilespmem:s31+$0x50]  }
0x4e4: {  	v24 =	vld [tilespmem:s31+$0x10]  }
0x4e5: {  	v25 =	vld [tilespmem:s0+$0x830]  }
.Ltmp7:
0x4e6: {  	v17 =	vld [tilespmem:s31+$0x30];
	v21 =	vadd.bf16 v21, v20;
	(pc) =	sbr.rel @p0 .LBB2_16-.Ltmp7, $4  }
0x4e7: {  	v18 =	vadd.bf16 v22, v18;
	v22 =	vld [tilespmem:s0+$0x820]  }
0x4e8: {  	v20 =	vld [tilespmem:s0+$0x800];
	v26 =	vadd.bf16 v23, v21  }
0x4e9: {  	v24 =	vadd.bf16 v24, v18;
	v21 =	vld [tilespmem:s31+$0x20]  }
0x4ea: {  	s20 =	sadd.s32 $0x2, s20;
	s24 =	sadd.s32 $0x2, s24;
	s29 =	simm.s32 $0xF;
	v18 =	vld [tilespmem:s31+$0x0];
	v23 =	vadd.bf16 v25, v19;
	v19 =	vmax.bf16 v26, v0  }
0x4eb: {  	v25 =	vld [tilespmem:s0+$0x840]  }
0x4ec: {  	v42 =	vld [tilespmem:s31+$0x40]  }
0x4ed: {  	v24 =	vmax.bf16 v24, v0;
	v45 =	vld [tilespmem:s0+$0x870];
	v9 =	vmul.bf16 v19, v9;
	v16 =	vadd.bf16 v22, v16  }
0x4ee: {  	v43 =	vld [tilespmem:s0+$0x860];
	v10 =	vmul.bf16 v24, v10;
	v15 =	vadd.bf16 v20, v15  }
0x4ef: {  	v48 =	vld [tilespmem:s31+$0x70];
	v17 =	vadd.bf16 v17, v23;
	v49 =	vunpack.i.u.bf16.f32 v9;
	v16 =	vadd.bf16 v21, v16  }
0x4f0: {  	v46 =	vld [tilespmem:s31+$0x60];
	v44 =	vunpack.i.u.bf16.f32 v10;
	v10 =	vunpack.i.l.bf16.f32 v10;
	v15 =	vadd.bf16 v18, v15  }
0x4f1: {  	v9 =	vunpack.i.l.bf16.f32 v9;
	v10 =	vadd.f32 v10, v11;
	v47 =	vadd.f32 v44, v11  }
0x4f2: {  	v16 =	vmax.bf16 v16, v0;
	v14 =	vadd.bf16 v25, v14;
	v12 =	vadd.bf16 v45, v12  }
0x4f3: {  	v13 =	vadd.bf16 v43, v13;
	v8 =	vmul.bf16 v16, v8;
	v15 =	vmax.bf16 v15, v0  }
0x4f4: {  	v6 =	vmul.bf16 v15, v6;
	v14 =	vadd.bf16 v42, v14;
	v12 =	vadd.bf16 v48, v12  }
0x4f5: {  	v13 =	vadd.bf16 v46, v13;
	v50 =	vunpack.i.l.bf16.f32 v8;
	v8 =	vunpack.i.u.bf16.f32 v8  }
0x4f6: {  	v51 =	vunpack.i.u.bf16.f32 v6;
	v6 =	vunpack.i.l.bf16.f32 v6;
	v12 =	vmax.bf16 v12, v0  }
0x4f7: {  	v55 =	vmax.bf16 v13, v0;
	v6 =	vadd.f32 v6, v7;
	v7 =	vmax.bf16 v17, v0  }
0x4f8: {  	v52 =	vadd.f32 v51, v11;
	v4 =	vmul.bf16 v12, v4;
	v5 =	vmul.bf16 v7, v5  }
0x4f9: {  	v2 =	vmul.bf16 v55, v2;
	v7 =	vmax.bf16 v14, v0;
	v6 =	vadd.f32 v50, v6  }
0x4fa: {  	v3 =	vmul.bf16 v7, v3;
	v53 =	vunpack.i.u.bf16.f32 v5;
	v5 =	vunpack.i.l.bf16.f32 v5  }
0x4fb: {  	v7 =	vadd.f32 v8, v52;
	v12 =	vunpack.i.l.bf16.f32 v4;
	v5 =	vadd.f32 v5, v10  }
0x4fc: {  	v54 =	vadd.f32 v53, v47;
	v56 =	vunpack.i.u.bf16.f32 v3;
	v3 =	vunpack.i.l.bf16.f32 v3  }
0x4fd: {  	v3 =	vadd.f32 v3, v6;
	v6 =	vadd.f32 v56, v7;
	v7 =	vunpack.i.u.bf16.f32 v2  }
0x4fe: {  	v2 =	vunpack.i.l.bf16.f32 v2;
	v5 =	vadd.f32 v9, v5;
	v8 =	vadd.f32 v49, v54  }
0x4ff: {  	v4 =	vunpack.i.u.bf16.f32 v4;
	v2 =	vadd.f32 v2, v3;
	v3 =	vadd.f32 v7, v6  }
0x500: {  	v5 =	vadd.f32 v12, v5;
	v4 =	vadd.f32 v4, v8  }
0x501: {  	s31 =	simm.s32 $0x1  }
0x502: {  	s16 =	simm.s32 $0x0;
	v2 =	vadd.f32 v5, v2;
	v3 =	vadd.f32 v4, v3;
	v4 =	vor.u32 s31, v1  }
0x503: {  	v5 =	vor.u32 s16, v1  }
0x504: {  	s16 =	simm.s32 $0x2;
	v2 =	vadd.f32 v2, v3  }
0x505: {  	v3 =	vor.u32 s16, v1  }
0x506: {  	[tilespmem:s17+$0x0] =	vst v2;
	s17 =	simm.s32 $0x3  }
0x507: {  	v2 =	vld.idx.msk [tilespmem:v4+s28+$0x0], $0xffff;
	v4 =	vor.u32 s17, v1  }
0x508: {  	s18 =	simm.s32 $0x4;
	v5 =	vld.idx.msk [tilespmem:v5+s28+$0x0], $0xffff  }
0x509: {  	v6 =	vor.u32 s18, v1  }
0x50a: {  	s19 =	simm.s32 $0x5;
	v3 =	vld.idx.msk [tilespmem:v3+s28+$0x0], $0xffff  }
0x50b: {  	v7 =	vor.u32 s19, v1  }
0x50c: {  	s20 =	simm.s32 $0x6;
	v4 =	vld.idx.msk [tilespmem:v4+s28+$0x0], $0xffff  }
0x50d: {  	v57 =	vor.u32 s20, v1;
	v2 =	vadd.f32 v2, v5  }
0x50e: {  	s24 =	simm.s32 $0x7;
	v5 =	vld.idx.msk [tilespmem:v6+s28+$0x0], $0xffff  }
0x50f: {  	v6 =	vor.u32 s24, v1;
	v2 =	vadd.f32 v3, v2  }
0x510: {  	s31 =	simm.s32 $0x8;
	v3 =	vld.idx.msk [tilespmem:v7+s28+$0x0], $0xffff  }
0x511: {  	v7 =	vor.u32 s31, v1;
	v2 =	vadd.f32 v4, v2  }
0x512: {  	s16 =	simm.s32 $0x9;
	v4 =	vld.idx.msk [tilespmem:v57+s28+$0x0], $0xffff  }
0x513: {  	v58 =	vor.u32 s16, v1;
	v2 =	vadd.f32 v5, v2  }
0x514: {  	s17 =	simm.s32 $0xA;
	v5 =	vld.idx.msk [tilespmem:v6+s28+$0x0], $0xffff  }
0x515: {  	v6 =	vor.u32 s17, v1;
	v2 =	vadd.f32 v3, v2  }
0x516: {  	s18 =	simm.s32 $0xB;
	v3 =	vld.idx.msk [tilespmem:v7+s28+$0x0], $0xffff  }
0x517: {  	v7 =	vor.u32 s18, v1;
	v2 =	vadd.f32 v4, v2  }
0x518: {  	s19 =	simm.s32 $0xC;
	v4 =	vld.idx.msk [tilespmem:v58+s28+$0x0], $0xffff  }
0x519: {  	v59 =	vor.u32 s19, v1;
	v2 =	vadd.f32 v5, v2  }
0x51a: {  	s20 =	simm.s32 $0xD;
	v5 =	vld.idx.msk [tilespmem:v6+s28+$0x0], $0xffff  }
0x51b: {  	v6 =	vor.u32 s20, v1;
	v2 =	vadd.f32 v3, v2  }
0x51c: {  	s24 =	simm.s32 $0xE;
	v3 =	vld.idx.msk [tilespmem:v7+s28+$0x0], $0xffff  }
0x51d: {  	v7 =	vor.u32 s24, v1;
	v2 =	vadd.f32 v4, v2  }
0x51e: {  	v4 =	vld.idx.msk [tilespmem:v59+s28+$0x0], $0xffff  }
0x51f: {  	v60 =	vor.u32 s29, v1;
	v2 =	vadd.f32 v5, v2  }
0x520: {  	v5 =	vld.idx.msk [tilespmem:v6+s28+$0x0], $0xffff  }
0x521: {  	v2 =	vadd.f32 v3, v2  }
0x522: {  	v3 =	vld.idx.msk [tilespmem:v7+s28+$0x0], $0xffff  }
0x523: {  	v2 =	vadd.f32 v4, v2  }
0x524: {  	v4 =	vld.idx.msk [tilespmem:v60+s28+$0x0], $0xffff  }
0x525: {  	v2 =	vadd.f32 v5, v2  }
0x526: {  	s29 =	simm.s32 $0x101  }
0x527: {  	s31 =	simm.s32 $0x100;
	v5 =	vor.u32 s29, v1;
	v2 =	vadd.f32 v3, v2  }
0x528: {  	v3 =	vor.u32 s31, v1  }
0x529: {  	s17 =	simm.s32 $0x102;
	v2 =	vadd.f32 v4, v2  }
0x52a: {  	v4 =	vor.u32 s17, v1  }
0x52b: {  	s18 =	simm.s32 $0x103;
	[tilespmem:s15+$0x0] =	vst v2  }
0x52c: {  	v2 =	vld.idx.msk [tilespmem:v5+s28+$0x0], $0xffff;
	v5 =	vor.u32 s18, v1  }
0x52d: {  	s19 =	simm.s32 $0x104;
	v3 =	vld.idx.msk [tilespmem:v3+s28+$0x0], $0xffff  }
0x52e: {  	v6 =	vor.u32 s19, v1  }
0x52f: {  	s20 =	simm.s32 $0x105;
	v4 =	vld.idx.msk [tilespmem:v4+s28+$0x0], $0xffff  }
0x530: {  	v7 =	vor.u32 s20, v1  }
0x531: {  	s24 =	simm.s32 $0x106;
	v5 =	vld.idx.msk [tilespmem:v5+s28+$0x0], $0xffff  }
0x532: {  	v61 =	vor.u32 s24, v1;
	v2 =	vadd.f32 v2, v3  }
0x533: {  	s29 =	simm.s32 $0x107;
	v3 =	vld.idx.msk [tilespmem:v6+s28+$0x0], $0xffff  }
0x534: {  	v6 =	vor.u32 s29, v1;
	v2 =	vadd.f32 v4, v2  }
0x535: {  	s31 =	simm.s32 $0x108;
	v4 =	vld.idx.msk [tilespmem:v7+s28+$0x0], $0xffff  }
0x536: {  	v7 =	vor.u32 s31, v1;
	v2 =	vadd.f32 v5, v2  }
0x537: {  	s16 =	simm.s32 $0x109;
	v5 =	vld.idx.msk [tilespmem:v61+s28+$0x0], $0xffff  }
0x538: {  	v62 =	vor.u32 s16, v1;
	v2 =	vadd.f32 v3, v2  }
0x539: {  	s17 =	simm.s32 $0x10A;
	v3 =	vld.idx.msk [tilespmem:v6+s28+$0x0], $0xffff  }
0x53a: {  	v6 =	vor.u32 s17, v1;
	v2 =	vadd.f32 v4, v2  }
0x53b: {  	s18 =	simm.s32 $0x10B;
	v4 =	vld.idx.msk [tilespmem:v7+s28+$0x0], $0xffff  }
0x53c: {  	v7 =	vor.u32 s18, v1;
	v2 =	vadd.f32 v5, v2  }
0x53d: {  	v5 =	vld.idx.msk [tilespmem:v62+s28+$0x0], $0xffff  }
0x53e: {  	s19 =	simm.s32 $0x10C;
	v2 =	vadd.f32 v3, v2  }
0x53f: {  	v63 =	vor.u32 s19, v1;
	v3 =	vld.idx.msk [tilespmem:v6+s28+$0x0], $0xffff  }
0x540: {  	s20 =	simm.s32 $0x10D;
	v2 =	vadd.f32 v4, v2  }
0x541: {  	v6 =	vor.u32 s20, v1;
	v4 =	vld.idx.msk [tilespmem:v7+s28+$0x0], $0xffff  }
0x542: {  	v2 =	vadd.f32 v5, v2  }
0x543: {  	s24 =	simm.s32 $0x10E  }
0x544: {  	v7 =	vor.u32 s24, v1;
	v5 =	vld.idx.msk [tilespmem:v63+s28+$0x0], $0xffff;
	v2 =	vadd.f32 v3, v2  }
0x545: {  	s29 =	simm.s32 $0x10F  }
0x546: {  	v3 =	vld.idx.msk [tilespmem:v6+s28+$0x0], $0xffff;
	v2 =	vadd.f32 v4, v2;
	v4 =	vor.u32 s29, v1;
	_ =	sdelay $0x2  }
0x547: {  	v6 =	vld.idx.msk [tilespmem:v7+s28+$0x0], $0xffff;
	v2 =	vadd.f32 v5, v2;
	_ =	sdelay $0x1  }
0x548: {  	v5 =	vadd.f32 v3, v2;
	v3 =	vld.idx.msk [tilespmem:v4+s28+$0x0], $0xffff;
	_ =	sdelay $0x1  }
0x549: {  	s31 =	simm.s32 $0x201  }
0x54a: {  	s0 =	simm.s32 $0x200;
	s16 =	simm.s32 $0x20F;
	s17 =	simm.s32 $0x30F;
	v2 =	vor.u32 s31, v1;
	v4 =	vadd.f32 v6, v5  }
.LBB2_18:
0x54b: {  	p0 =	sne.s32 s17, $0x70F;
	v5 =	vor.u32 s0, v1  }
0x54c: {  	s0 =	sadd.s32 $0xFFFFFFF3, s16;
	v3 =	vadd.f32 v3, v4  }
0x54d: {  	s15 =	sadd.s32 $0x10, s15;
	v4 =	vor.u32 s0, v1  }
0x54e: {  	s0 =	sadd.s32 $0xFFFFFFF4, s16;
	[tilespmem:s15+$0x0] =	vst v3  }
0x54f: {  	v3 =	vor.u32 s0, v1;
	v2 =	vld.idx.msk [tilespmem:v2+s28+$0x0], $0xffff  }
0x550: {  	s0 =	sadd.s32 $0xFFFFFFF5, s16;
	v5 =	vld.idx.msk [tilespmem:v5+s28+$0x0], $0xffff  }
0x551: {  	v6 =	vor.u32 s0, v1  }
0x552: {  	s0 =	sadd.s32 $0xFFFFFFF6, s16;
	v4 =	vld.idx.msk [tilespmem:v4+s28+$0x0], $0xffff  }
0x553: {  	v7 =	vor.u32 s0, v1  }
0x554: {  	s0 =	sadd.s32 $0xFFFFFFF7, s16;
	v3 =	vld.idx.msk [tilespmem:v3+s28+$0x0], $0xffff  }
0x555: {  	v8 =	vor.u32 s0, v1  }
0x556: {  	s0 =	sadd.s32 $0xFFFFFFF8, s16;
	v2 =	vadd.f32 v2, v5;
	v5 =	vld.idx.msk [tilespmem:v6+s28+$0x0], $0xffff  }
0x557: {  	v6 =	vor.u32 s0, v1  }
0x558: {  	s0 =	sadd.s32 $0xFFFFFFF9, s16;
	v2 =	vadd.f32 v4, v2;
	v4 =	vld.idx.msk [tilespmem:v7+s28+$0x0], $0xffff  }
0x559: {  	v7 =	vor.u32 s0, v1  }
0x55a: {  	s0 =	sadd.s32 $0xFFFFFFFA, s16;
	v2 =	vadd.f32 v3, v2;
	v3 =	vld.idx.msk [tilespmem:v8+s28+$0x0], $0xffff  }
0x55b: {  	v8 =	vor.u32 s0, v1  }
0x55c: {  	s0 =	sadd.s32 $0xFFFFFFFB, s16;
	v2 =	vadd.f32 v5, v2;
	v5 =	vld.idx.msk [tilespmem:v6+s28+$0x0], $0xffff  }
0x55d: {  	v6 =	vor.u32 s0, v1  }
0x55e: {  	s0 =	sadd.s32 $0xFFFFFFFC, s16;
	v2 =	vadd.f32 v4, v2;
	v4 =	vld.idx.msk [tilespmem:v7+s28+$0x0], $0xffff  }
0x55f: {  	v7 =	vor.u32 s0, v1  }
0x560: {  	s0 =	sadd.s32 $0xFFFFFFFD, s16;
	v2 =	vadd.f32 v3, v2;
	v3 =	vld.idx.msk [tilespmem:v8+s28+$0x0], $0xffff  }
0x561: {  	v8 =	vor.u32 s0, v1  }
0x562: {  	s0 =	sadd.s32 $0xFFFFFFFE, s16;
	v2 =	vadd.f32 v5, v2;
	v5 =	vld.idx.msk [tilespmem:v6+s28+$0x0], $0xffff  }
0x563: {  	v6 =	vor.u32 s0, v1  }
0x564: {  	s0 =	sadd.s32 $0xFFFFFFFF, s16;
	v2 =	vadd.f32 v4, v2;
	v4 =	vld.idx.msk [tilespmem:v7+s28+$0x0], $0xffff  }
0x565: {  	v7 =	vor.u32 s0, v1  }
0x566: {  	v2 =	vadd.f32 v3, v2;
	v3 =	vld.idx.msk [tilespmem:v8+s28+$0x0], $0xffff  }
0x567: {  	v8 =	vor.u32 s16, v1;
	s16 =	smov.u32 s17  }
0x568: {  	v2 =	vadd.f32 v5, v2;
	v5 =	vld.idx.msk [tilespmem:v6+s28+$0x0], $0xffff;
	_ =	sdelay $0x1  }
0x569: {  	v2 =	vadd.f32 v4, v2;
	v4 =	vld.idx.msk [tilespmem:v7+s28+$0x0], $0xffff;
	_ =	sdelay $0x1  }
.Ltmp8:
0x56a: {  	v2 =	vadd.f32 v3, v2;
	v3 =	vld.idx.msk [tilespmem:v8+s28+$0x0], $0xffff;
	(pc) =	sbr.rel @p0 .LBB2_18-.Ltmp8, $4  }
0x56b: {  	_ = 	snop  }
0x56c: {  	v5 =	vadd.f32 v5, v2  }
0x56d: {  	s18 =	sadd.s32 $0xFFFFFFF2, s17  }
0x56e: {  	s17 =	sadd.s32 $0x100, s17;
	s0 =	sadd.s32 $0xFFFFFFF1, s16;
	v2 =	vor.u32 s18, v1;
	v4 =	vadd.f32 v4, v5  }
0x56f: {  	v5 =	vor.u32 s0, v1  }
0x570: {  	s17 =	sadd.s32 $0xFFFFFFF3, s16;
	v3 =	vadd.f32 v3, v4  }
0x571: {  	s0 =	sadd.s32 $0x10, s15;
	v46 =	vor.u32 s17, v1  }
0x572: {  	s18 =	sadd.s32 $0xFFFFFFF4, s16;
	[tilespmem:s0+$0x0] =	vst v3  }
0x573: {  	v3 =	vor.u32 s18, v1;
	v2 =	vld.idx.msk [tilespmem:v2+s28+$0x0], $0xffff  }
0x574: {  	s19 =	sadd.s32 $0xFFFFFFF5, s16;
	v5 =	vld.idx.msk [tilespmem:v5+s28+$0x0], $0xffff  }
0x575: {  	v6 =	vor.u32 s19, v1  }
0x576: {  	s20 =	sadd.s32 $0xFFFFFFF6, s16;
	v4 =	vld.idx.msk [tilespmem:v46+s28+$0x0], $0xffff  }
0x577: {  	v7 =	vor.u32 s20, v1  }
0x578: {  	s24 =	sadd.s32 $0xFFFFFFF7, s16;
	v3 =	vld.idx.msk [tilespmem:v3+s28+$0x0], $0xffff  }
0x579: {  	v8 =	vor.u32 s24, v1;
	v2 =	vadd.f32 v2, v5  }
0x57a: {  	s29 =	sadd.s32 $0xFFFFFFF8, s16;
	v47 =	vld.idx.msk [tilespmem:v6+s28+$0x0], $0xffff  }
0x57b: {  	v48 =	vor.u32 s29, v1;
	v2 =	vadd.f32 v4, v2  }
0x57c: {  	s31 =	sadd.s32 $0xFFFFFFF9, s16;
	v49 =	vld.idx.msk [tilespmem:v7+s28+$0x0], $0xffff  }
0x57d: {  	v50 =	vor.u32 s31, v1;
	v2 =	vadd.f32 v3, v2  }
0x57e: {  	s17 =	sadd.s32 $0xFFFFFFFA, s16;
	v3 =	vld.idx.msk [tilespmem:v8+s28+$0x0], $0xffff  }
0x57f: {  	v51 =	vor.u32 s17, v1;
	v2 =	vadd.f32 v47, v2  }
0x580: {  	s18 =	sadd.s32 $0xFFFFFFFB, s16;
	v52 =	vld.idx.msk [tilespmem:v48+s28+$0x0], $0xffff  }
0x581: {  	v53 =	vor.u32 s18, v1;
	v2 =	vadd.f32 v49, v2  }
0x582: {  	s19 =	sadd.s32 $0xFFFFFFFC, s16;
	v54 =	vld.idx.msk [tilespmem:v50+s28+$0x0], $0xffff  }
0x583: {  	v55 =	vor.u32 s19, v1;
	v2 =	vadd.f32 v3, v2  }
0x584: {  	s20 =	sadd.s32 $0xFFFFFFFD, s16;
	v3 =	vld.idx.msk [tilespmem:v51+s28+$0x0], $0xffff  }
0x585: {  	v56 =	vor.u32 s20, v1;
	v2 =	vadd.f32 v52, v2  }
0x586: {  	s24 =	sadd.s32 $0xFFFFFFFE, s16;
	v57 =	vld.idx.msk [tilespmem:v53+s28+$0x0], $0xffff  }
0x587: {  	v58 =	vor.u32 s24, v1;
	v2 =	vadd.f32 v54, v2  }
0x588: {  	s29 =	sadd.s32 $0xFFFFFFFF, s16;
	v59 =	vld.idx.msk [tilespmem:v55+s28+$0x0], $0xffff  }
0x589: {  	v60 =	vor.u32 s29, v1;
	v2 =	vadd.f32 v3, v2  }
0x58a: {  	v3 =	vld.idx.msk [tilespmem:v56+s28+$0x0], $0xffff  }
0x58b: {  	v61 =	vor.u32 s16, v1;
	v2 =	vadd.f32 v57, v2  }
0x58c: {  	v62 =	vld.idx.msk [tilespmem:v58+s28+$0x0], $0xffff  }
0x58d: {  	v2 =	vadd.f32 v59, v2  }
0x58e: {  	v63 =	vld.idx.msk [tilespmem:v60+s28+$0x0], $0xffff  }
0x58f: {  	v2 =	vadd.f32 v3, v2  }
0x590: {  	v3 =	vld.idx.msk [tilespmem:v61+s28+$0x0], $0xffff  }
0x591: {  	v2 =	vadd.f32 v62, v2;
	_ =	sdelay $0x1  }
0x592: {  	v2 =	vadd.f32 v63, v2;
	_ =	sdelay $0x1  }
0x593: {  	s3 =	sadd.s32 $0x1, s3;
	v2 =	vadd.f32 v3, v2  }
0x594: {  	p0 =	sne.s32 s3, s13;
	s0 =	sadd.s32 $0x10, s0  }
.Ltmp9:
0x595: {  	s31 =	simm.s32 $0xC680;
	[tilespmem:s0+$0x0] =	vst v2;
	(pc) =	sbr.rel @p0 .LBB2_1-.Ltmp9, $4  }
0x596: {  	[hbm4b:s12+s2] =	stream.linear.scatter [tilespmem:s31], [sflag:$0x3], $0x200, $0x38;
	[tilespmem:$0xD300] =	vst v63  }
0x597: {  	_ =	swait.ge [sflag:s14], $0x200  }
0x598: {  	[sflag:s14] =	ssyncset.done $0x0  }
0x599: {  	[sflag:s14] =	ssyncadd.s32 $0xFFFFFE00  }
0x59a: {  	_ =	sfence.sel $0x180000  }
0x59b: {  	[bflag:$0x0] =	sbarrier.arrive $0xFFFF  }
0x59c: {  	_ =	strace $0x90000047  }
0x59d: {  	s0 =	stileid.u32;
	[bflag:$0x2] =	sbarrier.arrive $0xFFFF  }
0x59e: {  	p0 =	sne.s32 s0, $0x0;
	s0 =	rddreg [dreg:$0x6]  }
0x59f: {  	s0 =	sadd.s32 @!p0 $0x100000, s0  }
0x5a0: {  	[sflag:s0] =	ssyncadd.tile.s32 @!p0 $0x1;
	_ =	shalt  }
.Lfunc_end2:
_tile_overlayer_lowered:
.L_overlay_start_2:
0x5a1: {  	(tag) =	ssettag $0x2  }
0x5a2: {  	s0 =	rddreg [dreg:$0x0];
	s2 =	stileid.u32  }
0x5a3: {  	s1 =	rddreg [dreg:$0x1];
	p0 =	sne.s32 s2, $0x0  }
0x5a4: {  	s3 =	rddreg [dreg:$0x2];
	[bflag:$0x3] =	sbarrier.arrive $0xFFFF;
	s2 =	simm.s32 @!p0 $0x1C03  }
0x5a5: {  	[timem:s3], [sflag:s2] =	dma.local @!p0 [hbm:s0], s1  }
0x5a6: {  	s0 =	simm.s32 @!p0 $0x3  }
0x5a7: {  	_ =	swait.ge @!p0 [sflag:s0], s1  }
0x5a8: {  	s1 =	ssub.s32 @!p0 $0x0, s1;
	[sflag:s0] =	ssyncset.done @!p0 $0x0  }
0x5a9: {  	[sflag:s0] =	ssyncadd.s32 @!p0 s1  }
0x5aa: {  	[bflag:$0x3] =	sbarrier.arrive $0xFFFF  }
0x5ab: {  	_ =	shalt  }

</sc_bundles>
